<compile_context>
chip_gen: v7x
topology: tpu7x:2x2x1
jax: 0.10.2.dev20260603
libtpu: 0.0.44.dev20260713+nightly
codegen_flags: <defaults>
</compile_context>

<pallas_src>
import functools

import jax
import jax.numpy as jnp
from jax import lax
from jax.experimental import pallas as pl
from jax.experimental.pallas import tpu as pltpu
from jax.experimental.pallas import tpu_sc as plsc

N, E, D, H, C = 10000, 320000, 128, 4, 128
HC = H * C
E_TRUE = E + N
SL1 = 10752
E_PAD = 32 * SL1
BL = 256
NB1 = SL1 // BL
SL2 = E_PAD // 16
CH = 2560
RPT = CH // 16
SEG = 1024
NSEG2 = E_PAD // SEG
SEGC = SEG + 32
GB = 16
RT = 160
PR = 32 * RT

_mesh = lambda: plsc.VectorSubcoreMesh(core_axis_name="c", subcore_axis_name="s")


def _p0_body(x_ref, w_ref, am_ref, h_ref, a_ref):
    hb = jnp.dot(x_ref[...], w_ref[...], preferred_element_type=jnp.float32)
    h_ref[...] = hb
    a_ref[...] = jnp.dot(hb, am_ref[...], preferred_element_type=jnp.float32)


def _p0(x, W, A_mat):
    BLK = 400
    return pl.pallas_call(
        _p0_body,
        grid=(N // BLK,),
        in_specs=[
            pl.BlockSpec((BLK, D), lambda i: (i, 0)),
            pl.BlockSpec((D, HC), lambda i: (0, 0)),
            pl.BlockSpec((HC, 2 * H), lambda i: (0, 0)),
        ],
        out_specs=[
            pl.BlockSpec((BLK, HC), lambda i: (i, 0)),
            pl.BlockSpec((BLK, 2 * H), lambda i: (i, 0)),
        ],
        out_shape=[
            jax.ShapeDtypeStruct((N, HC), jnp.float32),
            jax.ShapeDtypeStruct((N, 2 * H), jnp.float32),
        ],
    )(x, W, A_mat)


def _p1_body(a_hbm, src_hbm, dst_hbm, alpha_hbm, a_v, src_v, dst_v, al_v):
    c = lax.axis_index("c")
    s = lax.axis_index("s")
    w = c * 16 + s
    base = w * SL1
    iota = lax.iota(jnp.int32, 16)
    pltpu.sync_copy(a_hbm, a_v)

    def _mx(i, m):
        return jnp.maximum(m, a_v[pl.ds(i * 16, 16)])

    m = lax.fori_loop(0, (N * 8) // 16, _mx, jnp.full((16,), -3e38, jnp.float32))
    mh = []
    for hd in range(H):
        msrc = jnp.maximum(m[hd], m[hd + 8])
        mdst = jnp.maximum(m[4 + hd], m[12 + hd])
        mh.append(jnp.maximum(msrc + mdst, 0.0))
    col = jnp.bitwise_and(iota, 3)
    mvec = jnp.where(col == 0, mh[0],
                     jnp.where(col == 1, mh[1],
                               jnp.where(col == 2, mh[2], mh[3])))

    def _batch(b, _):
        off = base + b * BL
        pltpu.sync_copy(src_hbm.at[pl.ds(off, BL)], src_v)
        pltpu.sync_copy(dst_hbm.at[pl.ds(off, BL)], dst_v)

        def _grp(g, _):
            eid = g * 4 + jnp.right_shift(iota, 2)
            sidx = plsc.load_gather(src_v, [eid])
            didx = plsc.load_gather(dst_v, [eid])
            asv = plsc.load_gather(a_v, [sidx * 8 + col])
            adv = plsc.load_gather(a_v, [didx * 8 + 4 + col])
            al = asv + adv
            al = jnp.where(al > 0, al, 0.2 * al)
            ev = jnp.exp(al - mvec)
            ev = jnp.where(off + eid < E_TRUE, ev, 0.0)
            al_v[pl.ds(g * 16, 16)] = ev
            return 0

        lax.fori_loop(0, BL // 4, _grp, 0)
        pltpu.sync_copy(al_v, alpha_hbm.at[pl.ds(off * 4, BL * 4)])
        return 0

    lax.fori_loop(0, NB1, _batch, 0)


def _p1(a_flat, src_pad, dst_pad):
    return pl.kernel(
        _p1_body,
        out_type=jax.ShapeDtypeStruct((E_PAD * H,), jnp.float32),
        mesh=_mesh(),
        compiler_params=pltpu.CompilerParams(needs_layout_passes=False),
        scratch_types=[
            pltpu.VMEM((N * 8,), jnp.float32),
            pltpu.VMEM((BL,), jnp.int32),
            pltpu.VMEM((BL,), jnp.int32),
            pltpu.VMEM((BL * H,), jnp.float32),
        ],
    )(a_flat, src_pad, dst_pad)


def _p2_body(h_hbm, src_hbm, dst_hbm, alpha_hbm, acc_hbm, dsum_hbm,
             acc_v, ds_v, src_v, dst_v, srcc, dstc, eidc, rows_v, alb_v):
    c = lax.axis_index("c")
    s = lax.axis_index("s")
    w = c * 16 + s
    iota = lax.iota(jnp.int32, 16)
    zf = jnp.zeros((16,), jnp.float32)
    zi = jnp.zeros((16,), jnp.int32)

    for p in range(2):
        lo = p * PR + w * RT

        def _z(i, _):
            acc_v[i // 32, pl.ds((i % 32) * 16, 16)] = zf
            return 0

        lax.fori_loop(0, RT * 32, _z, 0)

        def _zd(i, _):
            ds_v[i, pl.ds(0, 16)] = zf
            return 0

        lax.fori_loop(0, RT, _zd, 0)

        def _seg(si, _):
            seg_base = si * SEG
            pltpu.sync_copy(src_hbm.at[pl.ds(seg_base, SEG)], src_v)
            pltpu.sync_copy(dst_hbm.at[pl.ds(seg_base, SEG)], dst_v)

            def _ga(g, cnt):
                dv = dst_v[pl.ds(g * 16, 16)]
                dl = dv - lo
                msk = jnp.logical_and(dl >= 0, dl < RT)
                sv = src_v[pl.ds(g * 16, 16)]
                plsc.store_compressed(srcc.at[pl.ds(cnt, 16)], sv, mask=msk)
                plsc.store_compressed(dstc.at[pl.ds(cnt, 16)], dl, mask=msk)
                plsc.store_compressed(eidc.at[pl.ds(cnt, 16)],
                                      seg_base + g * 16 + iota, mask=msk)
                return cnt + jnp.max(plsc.all_reduce_population_count(msk))

            cnt = lax.fori_loop(0, SEG // 16, _ga, jnp.int32(0))

            srcc[pl.ds(cnt, 16)] = zi
            dstc[pl.ds(cnt, 16)] = zi
            eidc[pl.ds(cnt, 16)] = zi + (E_PAD - 1)
            nb = (cnt + GB - 1) // GB

            def _gbatch(j, _):
                b16 = j * GB
                sidx = srcc[pl.ds(b16, 16)]
                eix = eidc[pl.ds(b16, 16)]
                pltpu.sync_copy(h_hbm.at[sidx], rows_v)
                pltpu.sync_copy(alpha_hbm.at[jnp.right_shift(eix, 5)], alb_v)

                def _edge(e, _):
                    ebc = jnp.full((16,), e, jnp.int32)
                    dl = jnp.max(plsc.load_gather(dstc, [b16 + ebc]))
                    eb = jnp.max(plsc.load_gather(eidc, [b16 + ebc]))
                    va = plsc.load_gather(
                        alb_v,
                        [ebc, jnp.bitwise_and(eb, 31) * 4 + jnp.minimum(iota, 3)])
                    for hd in range(H):
                        ah = va[hd]
                        for v in range(8):
                            o = hd * C + v * 16
                            plsc.addupdate(acc_v.at[dl, pl.ds(o, 16)],
                                           rows_v[e, pl.ds(o, 16)] * ah)
                    plsc.addupdate(ds_v.at[dl, pl.ds(0, 16)],
                                   jnp.where(iota < 4, va, 0.0))
                    return 0

                lax.fori_loop(0, GB, _edge, 0)
                return 0

            lax.fori_loop(0, nb, _gbatch, 0)
            return 0

        lax.fori_loop(0, NSEG2, _seg, 0)

        pltpu.sync_copy(acc_v, acc_hbm.at[pl.ds(lo, RT)])
        pltpu.sync_copy(ds_v, dsum_hbm.at[pl.ds(lo, RT)])


def _p2(h, src_pad, dst_pad, alpha2d):
    return pl.kernel(
        _p2_body,
        out_type=(jax.ShapeDtypeStruct((2 * PR, HC), jnp.float32),
                  jax.ShapeDtypeStruct((2 * PR, 16), jnp.float32)),
        mesh=_mesh(),
        compiler_params=pltpu.CompilerParams(needs_layout_passes=False),
        scratch_types=[
            pltpu.VMEM((RT, HC), jnp.float32),
            pltpu.VMEM((RT, 16), jnp.float32),
            pltpu.VMEM((SEG,), jnp.int32),
            pltpu.VMEM((SEG,), jnp.int32),
            pltpu.VMEM((SEGC,), jnp.int32),
            pltpu.VMEM((SEGC,), jnp.int32),
            pltpu.VMEM((SEGC,), jnp.int32),
            pltpu.VMEM((GB, HC), jnp.float32),
            pltpu.VMEM((GB, 128), jnp.float32),
        ],
    )(h, src_pad, dst_pad, alpha2d)


def _p3_body(acc_ref, ds_ref, bias_ref, out_ref):
    acc = acc_ref[...].reshape(acc_ref.shape[0], H, C)
    dsum = ds_ref[...][:, :H]
    out = acc / (dsum[:, :, None] + 1e-16)
    out_ref[...] = out.reshape(acc_ref.shape[0], HC) + bias_ref[...]


def _p3(acc, dsum, bias):
    BLK = 400
    return pl.pallas_call(
        _p3_body,
        grid=(N // BLK,),
        in_specs=[
            pl.BlockSpec((BLK, HC), lambda i: (i, 0)),
            pl.BlockSpec((BLK, 16), lambda i: (i, 0)),
            pl.BlockSpec((1, HC), lambda i: (0, 0)),
        ],
        out_specs=pl.BlockSpec((BLK, HC), lambda i: (i, 0)),
        out_shape=jax.ShapeDtypeStruct((N, HC), jnp.float32),
    )(acc, dsum, bias.reshape(1, HC))


def kernel(x, edge_index, W, att_src, att_dst, bias):
    eye = jnp.eye(H, dtype=jnp.float32)
    a_src_m = (att_src[:, :, None] * eye[:, None, :]).reshape(HC, H)
    a_dst_m = (att_dst[:, :, None] * eye[:, None, :]).reshape(HC, H)
    A_mat = jnp.concatenate([a_src_m, a_dst_m], axis=1)

    loop = jnp.arange(N, dtype=jnp.int32)
    padz = jnp.zeros((E_PAD - E_TRUE,), jnp.int32)
    src_pad = jnp.concatenate([edge_index[0], loop, padz])
    dst_pad = jnp.concatenate([edge_index[1], loop, padz])

    h, a = _p0(x, W, A_mat)
    alpha_flat = _p1(a.reshape(N * 8), src_pad, dst_pad)
    acc, dsum = _p2(h, src_pad, dst_pad, alpha_flat.reshape(E_PAD // 32, 128))
    return _p3(acc[:N], dsum[:N], bias)

# --- scband reference (transcript-rebuilt; emitter-appended) ---
"""Pipeline reference for scband-res-gatlayer-13864154432005 (READ-ONLY COPY).

The authoritative reference and input builder live on the scoring server;
editing this copy changes nothing except your own understanding.
"""

import jax, jax.numpy as jnp
import numpy as np

N, E, D, H, C = 10000, 320000, 128, 4, 128


def setup_inputs(seed: int = 0) -> dict:
    key = jax.random.key(seed)
    ks = jax.random.split(key, 6)
    x = jax.random.normal(ks[0], (N, D), dtype=jnp.float32)
    edge_index = jax.random.randint(ks[1], (2, E), 0, N, dtype=jnp.int32)
    W = jax.random.normal(ks[2], (D, H * C), dtype=jnp.float32) * (1.0 / np.sqrt(D))
    att_src = jax.random.normal(ks[3], (H, C), dtype=jnp.float32) * (1.0 / np.sqrt(C))
    att_dst = jax.random.normal(ks[4], (H, C), dtype=jnp.float32) * (1.0 / np.sqrt(C))
    bias = jnp.zeros((H * C,), dtype=jnp.float32)
    return {"x": x, "edge_index": edge_index, "W": W, "att_src": att_src, "att_dst": att_dst, "bias": bias}


def _gat_forward(x, edge_index, W, att_src, att_dst, bias):
    n = x.shape[0]
    h = (x @ W).reshape(n, H, C)
    # PyG GATConv default add_self_loops=True
    loop = jnp.arange(n, dtype=edge_index.dtype)
    src = jnp.concatenate([edge_index[0], loop])
    dst = jnp.concatenate([edge_index[1], loop])
    a_src = (h * att_src[None, :, :]).sum(-1)  # [N, H]
    a_dst = (h * att_dst[None, :, :]).sum(-1)  # [N, H]
    alpha = a_src[src] + a_dst[dst]            # [E', H]
    alpha = jax.nn.leaky_relu(alpha, negative_slope=0.2)
    # segment softmax grouped by destination node
    amax = jax.ops.segment_max(alpha, dst, num_segments=n)
    alpha = jnp.exp(alpha - amax[dst])
    denom = jax.ops.segment_sum(alpha, dst, num_segments=n)
    alpha = alpha / (denom[dst] + 1e-16)
    # dropout(p=0.2) on alpha is identity in eval mode
    msg = h[src] * alpha[:, :, None]           # [E', H, C]
    out = jax.ops.segment_sum(msg, dst, num_segments=n)  # [N, H, C]
    out = out.reshape(n, H * C) + bias
    return out


def reference(x, edge_index, W, att_src, att_dst, bias):
    h = _gat_forward(x, edge_index, W, att_src, att_dst, bias)
    # concat=True output is 2-D [N, H*C], so ResGATLayer returns it unchanged
    return h

if __name__ == "__main__":
    import jax
    _d = setup_inputs()
    print(jax.jit(kernel)(*tuple(_d.values())))

</pallas_src>

<mosaic_0001>
#map = affine_map<(d0, d1) -> (0, 0)>
#map1 = affine_map<(d0, d1) -> (0)>
module attributes {stable_mosaic.version = 14 : i64} {
  func.func @_p2_body(%arg0: i32, %arg1: i32, %arg2: memref<10000x512xf32, #tpu.memory_space<hbm>>, %arg3: memref<344064xi32, #tpu.memory_space<hbm>>, %arg4: memref<344064xi32, #tpu.memory_space<hbm>>, %arg5: memref<10752x128xf32, #tpu.memory_space<hbm>>, %arg6: memref<10240x512xf32, #tpu.memory_space<hbm>>, %arg7: memref<10240x16xf32, #tpu.memory_space<hbm>>, %arg8: memref<160x512xf32, #tpu.memory_space<vmem>>, %arg9: memref<160x16xf32, #tpu.memory_space<vmem>>, %arg10: memref<1024xi32, #tpu.memory_space<vmem>>, %arg11: memref<1024xi32, #tpu.memory_space<vmem>>, %arg12: memref<1056xi32, #tpu.memory_space<vmem>>, %arg13: memref<1056xi32, #tpu.memory_space<vmem>>, %arg14: memref<1056xi32, #tpu.memory_space<vmem>>, %arg15: memref<16x512xf32, #tpu.memory_space<vmem>>, %arg16: memref<16x128xf32, #tpu.memory_space<vmem>>) attributes {dimension_semantics = [#tpu.dimension_semantics<core_parallel>, #tpu.dimension_semantics<subcore_parallel>], iteration_bounds = array<i64: 2, 16>, scalar_prefetch = 0 : i64, scratch_operands = 9 : i64, tpu.core_type = #tpu.core_type<sc_vector_subcore>, window_params = [{transform_indices = #map}, {transform_indices = #map1}, {transform_indices = #map1}, {transform_indices = #map}, {transform_indices = #map}, {transform_indices = #map}]} {
    %mul3A = arith.constant 16 : i32
    %mul3A_0 = arith.muli %arg0, %mul3A : i32
    %add3A = arith.addi %mul3A_0, %arg1 : i32
    %iota3A = tpu.iota {dimensions = array<i32: 0>} : vector<16xi32>
    %broadcast_in_dim3A = arith.constant 0.000000e+00 : f32
    %broadcast_in_dim3A_1 = vector.broadcast %broadcast_in_dim3A : f32 to vector<16xf32>
    %broadcast_in_dim3A_2 = arith.constant 0 : i32
    %broadcast_in_dim3A_3 = vector.broadcast %broadcast_in_dim3A_2 : i32 to vector<16xi32>
    %mul3A_4 = arith.constant 160 : i32
    %mul3A_5 = arith.muli %add3A, %mul3A_4 : i32
    %add3A_6 = arith.constant 0 : i32
    %add3A_7 = arith.addi %add3A_6, %mul3A_5 : i32
    %scan3A = arith.constant 0 : i32
    %scan3A_8 = arith.constant 0 : i32
    %scan3A_9 = arith.constant 5120 : i32
    %scan3A_10 = arith.addi %scan3A_8, %scan3A_9 : i32
    %scan3A_11 = arith.constant 1 : i32
    %scan3A_12 = scf.for %scan3A_53 = %scan3A_8 to %scan3A_10 step %scan3A_11 iter_args(%scan3A_54 = %scan3A) -> (i32)  : i32 {
      %jit3A = arith.constant 32 : i32
      %div3A = arith.divsi %scan3A_53, %jit3A : i32
      %sign3A = arith.constant 0 : i32
      %sign3A_55 = arith.cmpi sgt, %scan3A_53, %sign3A : i32
      %sign3A_56 = arith.extui %sign3A_55 : i1 to i32
      %sign3A_57 = arith.constant 0 : i32
      %sign3A_58 = arith.cmpi slt, %scan3A_53, %sign3A_57 : i32
      %sign3A_59 = arith.extui %sign3A_58 : i1 to i32
      %sign3A_60 = arith.subi %sign3A_56, %sign3A_59 : i32
      %sign3A_61 = arith.constant 0 : i32
      %sign3A_62 = arith.cmpi sgt, %jit3A, %sign3A_61 : i32
      %sign3A_63 = arith.extui %sign3A_62 : i1 to i32
      %sign3A_64 = arith.constant 0 : i32
      %sign3A_65 = arith.cmpi slt, %jit3A, %sign3A_64 : i32
      %sign3A_66 = arith.extui %sign3A_65 : i1 to i32
      %sign3A_67 = arith.subi %sign3A_63, %sign3A_66 : i32
      %ne3A = arith.cmpi ne, %sign3A_60, %sign3A_67 : i32
      %rem3A = arith.remsi %scan3A_53, %jit3A : i32
      %ne3A_68 = arith.constant 0 : i32
      %ne3A_69 = arith.cmpi ne, %rem3A, %ne3A_68 : i32
      %and3A = arith.andi %ne3A, %ne3A_69 : i1
      %sub3A = arith.constant 1 : i32
      %sub3A_70 = arith.subi %div3A, %sub3A : i32
      %select_n3A = arith.select %and3A, %sub3A_70, %div3A : i32
      %jit3A_71 = arith.constant 32 : i32
      %eq3A = arith.constant 0 : i32
      %eq3A_72 = arith.cmpi eq, %jit3A_71, %eq3A : i32
      %jit3A_73 = arith.constant 1 : i32
      %select_n3A_74 = arith.select %eq3A_72, %jit3A_73, %jit3A_71 : i32
      %rem3A_75 = arith.remsi %scan3A_53, %select_n3A_74 : i32
      %ne3A_76 = arith.constant 0 : i32
      %ne3A_77 = arith.cmpi ne, %rem3A_75, %ne3A_76 : i32
      %lt3A = arith.constant 0 : i32
      %lt3A_78 = arith.cmpi slt, %rem3A_75, %lt3A : i32
      %lt3A_79 = arith.constant 0 : i32
      %lt3A_80 = arith.cmpi slt, %select_n3A_74, %lt3A_79 : i32
      %ne3A_81 = arith.xori %lt3A_78, %lt3A_80 : i1
      %and3A_82 = arith.andi %ne3A_81, %ne3A_77 : i1
      %add3A_83 = arith.addi %rem3A_75, %select_n3A_74 : i32
      %select_n3A_84 = arith.select %and3A_82, %add3A_83, %rem3A_75 : i32
      %mul3A_85 = arith.constant 16 : i32
      %mul3A_86 = arith.muli %select_n3A_84, %mul3A_85 : i32
      %swap3A = arith.index_cast %select_n3A : i32 to index
      %swap3A_87 = arith.index_cast %mul3A_86 : i32 to index
      %swap3A_88 = tpu.vector_load %arg8[%swap3A, %swap3A_87] {strides = array<i32>} : memref<160x512xf32, #tpu.memory_space<vmem>>, vector<16xf32>,
      tpu.vector_store %arg8[%swap3A, %swap3A_87], %broadcast_in_dim3A_1 {strides = array<i32>} : memref<160x512xf32, #tpu.memory_space<vmem>>, vector<16xf32>,
      %scan3A_89 = arith.constant 0 : i32
      scf.yield %scan3A_89 : i32
    }
    %scan3A_13 = arith.constant 5120 : i32
    %scan3A_14 = arith.constant 0 : i32
    %scan3A_15 = arith.constant 0 : i32
    %scan3A_16 = arith.constant 160 : i32
    %scan3A_17 = arith.addi %scan3A_15, %scan3A_16 : i32
    %scan3A_18 = arith.constant 1 : i32
    %scan3A_19 = scf.for %scan3A_53 = %scan3A_15 to %scan3A_17 step %scan3A_18 iter_args(%scan3A_54 = %scan3A_14) -> (i32)  : i32 {
      %swap3A = arith.index_cast %scan3A_53 : i32 to index
      %swap3A_55 = arith.constant 0 : index
      %swap3A_56 = tpu.vector_load %arg9[%swap3A, %swap3A_55] {strides = array<i32>} : memref<160x16xf32, #tpu.memory_space<vmem>>, vector<16xf32>,
      tpu.vector_store %arg9[%swap3A, %swap3A_55], %broadcast_in_dim3A_1 {strides = array<i32>} : memref<160x16xf32, #tpu.memory_space<vmem>>, vector<16xf32>,
      %scan3A_57 = arith.constant 0 : i32
      scf.yield %scan3A_57 : i32
    }
    %scan3A_20 = arith.constant 160 : i32
    %scan3A_21 = arith.constant 0 : i32
    %scan3A_22 = arith.constant 0 : i32
    %scan3A_23 = arith.constant 336 : i32
    %scan3A_24 = arith.addi %scan3A_22, %scan3A_23 : i32
    %scan3A_25 = arith.constant 1 : i32
    %scan3A_26 = scf.for %scan3A_53 = %scan3A_22 to %scan3A_24 step %scan3A_25 iter_args(%scan3A_54 = %scan3A_21) -> (i32)  : i32 {
      %mul3A_55 = arith.constant 1024 : i32
      %mul3A_56 = arith.muli %scan3A_53, %mul3A_55 : i32
      "tpu.region"() ({
        %run_scoped3A = tpu.sem_alloc : memref<!tpu.dma_semaphore, #tpu.memory_space<semaphore_mem>>
        %dma_start3A = tpu.memref_slice %arg3[%mul3A_56] : memref<344064xi32, #tpu.memory_space<hbm>> -> memref<1024xi32, #tpu.memory_space<hbm>>
        %dma_start3A_104 = tpu.memref_slice %arg3[%mul3A_56] : memref<344064xi32, #tpu.memory_space<hbm>> -> memref<1024xi32, #tpu.memory_space<hbm>>
        tpu.enqueue_dma source(%dma_start3A_104 : memref<1024xi32, #tpu.memory_space<hbm>>) target(%arg10 : memref<1024xi32, #tpu.memory_space<vmem>>) target_semaphore(%run_scoped3A : memref<!tpu.dma_semaphore, #tpu.memory_space<semaphore_mem>>)
        %dma_wait3A = tpu.memref_slice %arg3[%mul3A_56] : memref<344064xi32, #tpu.memory_space<hbm>> -> memref<1024xi32, #tpu.memory_space<hbm>>
        %dma_wait3A_105 = tpu.memref_slice %arg3[%mul3A_56] : memref<344064xi32, #tpu.memory_space<hbm>> -> memref<1024xi32, #tpu.memory_space<hbm>>
        tpu.wait_dma2 semaphore(%run_scoped3A : memref<!tpu.dma_semaphore, #tpu.memory_space<semaphore_mem>>) src(%dma_wait3A_105 : memref<1024xi32, #tpu.memory_space<hbm>>) dst(%arg10 : memref<1024xi32, #tpu.memory_space<vmem>>)
        tpu.yield
      }) : () -> ()
      "tpu.region"() ({
        %run_scoped3A = tpu.sem_alloc : memref<!tpu.dma_semaphore, #tpu.memory_space<semaphore_mem>>
        %dma_start3A = tpu.memref_slice %arg4[%mul3A_56] : memref<344064xi32, #tpu.memory_space<hbm>> -> memref<1024xi32, #tpu.memory_space<hbm>>
        %dma_start3A_104 = tpu.memref_slice %arg4[%mul3A_56] : memref<344064xi32, #tpu.memory_space<hbm>> -> memref<1024xi32, #tpu.memory_space<hbm>>
        tpu.enqueue_dma source(%dma_start3A_104 : memref<1024xi32, #tpu.memory_space<hbm>>) target(%arg11 : memref<1024xi32, #tpu.memory_space<vmem>>) target_semaphore(%run_scoped3A : memref<!tpu.dma_semaphore, #tpu.memory_space<semaphore_mem>>)
        %dma_wait3A = tpu.memref_slice %arg4[%mul3A_56] : memref<344064xi32, #tpu.memory_space<hbm>> -> memref<1024xi32, #tpu.memory_space<hbm>>
        %dma_wait3A_105 = tpu.memref_slice %arg4[%mul3A_56] : memref<344064xi32, #tpu.memory_space<hbm>> -> memref<1024xi32, #tpu.memory_space<hbm>>
        tpu.wait_dma2 semaphore(%run_scoped3A : memref<!tpu.dma_semaphore, #tpu.memory_space<semaphore_mem>>) src(%dma_wait3A_105 : memref<1024xi32, #tpu.memory_space<hbm>>) dst(%arg11 : memref<1024xi32, #tpu.memory_space<vmem>>)
        tpu.yield
      }) : () -> ()
      %scan3A_57 = arith.constant 0 : i32
      %scan3A_58 = arith.constant 0 : i32
      %scan3A_59 = arith.constant 64 : i32
      %scan3A_60 = arith.addi %scan3A_58, %scan3A_59 : i32
      %scan3A_61 = arith.constant 1 : i32
      %scan3A_62 = scf.for %scan3A_104 = %scan3A_58 to %scan3A_60 step %scan3A_61 iter_args(%scan3A_105 = %scan3A_57) -> (i32)  : i32 {
        %mul3A_106 = arith.constant 16 : i32
        %mul3A_107 = arith.muli %scan3A_104, %mul3A_106 : i32
        %get3A = arith.index_cast %mul3A_107 : i32 to index
        %get3A_108 = tpu.vector_load %arg11[%get3A] {strides = array<i32>} : memref<1024xi32, #tpu.memory_space<vmem>>, vector<16xi32>,
        %sub3A_109 = vector.broadcast %add3A_7 : i32 to vector<16xi32>
        %sub3A_110 = arith.subi %get3A_108, %sub3A_109 : vector<16xi32>
        %ge3A = arith.constant 0 : i32
        %ge3A_111 = vector.broadcast %ge3A : i32 to vector<16xi32>
        %ge3A_112 = arith.cmpi sge, %sub3A_110, %ge3A_111 : vector<16xi32>
        %lt3A = arith.constant 160 : i32
        %lt3A_113 = vector.broadcast %lt3A : i32 to vector<16xi32>
        %lt3A_114 = arith.cmpi slt, %sub3A_110, %lt3A_113 : vector<16xi32>
        %and3A_115 = arith.andi %ge3A_112, %lt3A_114 : vector<16xi1>
        %mul3A_116 = arith.constant 16 : i32
        %mul3A_117 = arith.muli %scan3A_104, %mul3A_116 : i32
        %get3A_118 = arith.index_cast %mul3A_117 : i32 to index
        %get3A_119 = tpu.vector_load %arg10[%get3A_118] {strides = array<i32>} : memref<1024xi32, #tpu.memory_space<vmem>>, vector<16xi32>,
        %swap3A_120 = arith.index_cast %scan3A_105 : i32 to index
        %swap3A_121 = tpu.vector_load %arg12[%swap3A_120] masked %and3A_115 {strides = array<i32>} : memref<1056xi32, #tpu.memory_space<vmem>>, vector<16xi32>, vector<16xi1>
        tpu.vector_store %arg12[%swap3A_120], %get3A_119 masked %and3A_115 {strides = array<i32>} : memref<1056xi32, #tpu.memory_space<vmem>>, vector<16xi32>, vector<16xi1>
        %swap3A_122 = arith.index_cast %scan3A_105 : i32 to index
        %swap3A_123 = tpu.vector_load %arg13[%swap3A_122] masked %and3A_115 {strides = array<i32>} : memref<1056xi32, #tpu.memory_space<vmem>>, vector<16xi32>, vector<16xi1>
        tpu.vector_store %arg13[%swap3A_122], %sub3A_110 masked %and3A_115 {strides = array<i32>} : memref<1056xi32, #tpu.memory_space<vmem>>, vector<16xi32>, vector<16xi1>
        %mul3A_124 = arith.constant 16 : i32
        %mul3A_125 = arith.muli %scan3A_104, %mul3A_124 : i32
        %add3A_126 = arith.addi %mul3A_56, %mul3A_125 : i32
        %add3A_127 = vector.broadcast %add3A_126 : i32 to vector<16xi32>
        %add3A_128 = arith.addi %add3A_127, %iota3A : vector<16xi32>
        %swap3A_129 = arith.index_cast %scan3A_105 : i32 to index
        %swap3A_130 = tpu.vector_load %arg14[%swap3A_129] masked %and3A_115 {strides = array<i32>} : memref<1056xi32, #tpu.memory_space<vmem>>, vector<16xi32>, vector<16xi1>
        tpu.vector_store %arg14[%swap3A_129], %add3A_128 masked %and3A_115 {strides = array<i32>} : memref<1056xi32, #tpu.memory_space<vmem>>, vector<16xi32>, vector<16xi1>
        %all_reduce_population_count3A = tpu.all_reduce %and3A_115 {dim = 0 : i64, kind = #tpu.reduction_kind<sum>} : vector<16xi1> -> vector<16xi32>
        %reduce_max3A = arith.constant true
        %reduce_max3A_131 = vector.broadcast %reduce_max3A : i1 to vector<16xi1>
        %reduce_max3A_132 = arith.constant -2147483648 : i32
        %reduce_max3A_133 = vector.broadcast %reduce_max3A_132 : i32 to vector<16xi32>
        %reduce_max3A_134 = arith.xori %all_reduce_population_count3A, %reduce_max3A_133 : vector<16xi32>
        %reduce_max3A_135 = tpu.scan <max>, %reduce_max3A_134 masked %reduce_max3A_131 : vector<16xi32>, vector<16xi1> -> vector<16xi32>
        %reduce_max3A_136 = arith.xori %reduce_max3A_135, %reduce_max3A_133 : vector<16xi32>
        %reduce_max3A_137 = vector.extract %reduce_max3A_136[15] : i32 from vector<16xi32>
        %add3A_138 = arith.addi %scan3A_105, %reduce_max3A_137 : i32
        scf.yield %add3A_138 : i32
      }
      %scan3A_63 = arith.constant 64 : i32
      %swap3A = arith.index_cast %scan3A_62 : i32 to index
      %swap3A_64 = tpu.vector_load %arg12[%swap3A] {strides = array<i32>} : memref<1056xi32, #tpu.memory_space<vmem>>, vector<16xi32>,
      tpu.vector_store %arg12[%swap3A], %broadcast_in_dim3A_3 {strides = array<i32>} : memref<1056xi32, #tpu.memory_space<vmem>>, vector<16xi32>,
      %swap3A_65 = arith.index_cast %scan3A_62 : i32 to index
      %swap3A_66 = tpu.vector_load %arg13[%swap3A_65] {strides = array<i32>} : memref<1056xi32, #tpu.memory_space<vmem>>, vector<16xi32>,
      tpu.vector_store %arg13[%swap3A_65], %broadcast_in_dim3A_3 {strides = array<i32>} : memref<1056xi32, #tpu.memory_space<vmem>>, vector<16xi32>,
      %add3A_67 = arith.constant 344063 : i32
      %add3A_68 = vector.broadcast %add3A_67 : i32 to vector<16xi32>
      %add3A_69 = arith.addi %broadcast_in_dim3A_3, %add3A_68 : vector<16xi32>
      %swap3A_70 = arith.index_cast %scan3A_62 : i32 to index
      %swap3A_71 = tpu.vector_load %arg14[%swap3A_70] {strides = array<i32>} : memref<1056xi32, #tpu.memory_space<vmem>>, vector<16xi32>,
      tpu.vector_store %arg14[%swap3A_70], %add3A_69 {strides = array<i32>} : memref<1056xi32, #tpu.memory_space<vmem>>, vector<16xi32>,
      %add3A_72 = arith.constant 16 : i32
      %add3A_73 = arith.addi %scan3A_62, %add3A_72 : i32
      %sub3A = arith.constant 1 : i32
      %sub3A_74 = arith.subi %add3A_73, %sub3A : i32
      %jit3A = arith.constant 16 : i32
      %div3A = arith.divsi %sub3A_74, %jit3A : i32
      %sign3A = arith.constant 0 : i32
      %sign3A_75 = arith.cmpi sgt, %sub3A_74, %sign3A : i32
      %sign3A_76 = arith.extui %sign3A_75 : i1 to i32
      %sign3A_77 = arith.constant 0 : i32
      %sign3A_78 = arith.cmpi slt, %sub3A_74, %sign3A_77 : i32
      %sign3A_79 = arith.extui %sign3A_78 : i1 to i32
      %sign3A_80 = arith.subi %sign3A_76, %sign3A_79 : i32
      %sign3A_81 = arith.constant 0 : i32
      %sign3A_82 = arith.cmpi sgt, %jit3A, %sign3A_81 : i32
      %sign3A_83 = arith.extui %sign3A_82 : i1 to i32
      %sign3A_84 = arith.constant 0 : i32
      %sign3A_85 = arith.cmpi slt, %jit3A, %sign3A_84 : i32
      %sign3A_86 = arith.extui %sign3A_85 : i1 to i32
      %sign3A_87 = arith.subi %sign3A_83, %sign3A_86 : i32
      %ne3A = arith.cmpi ne, %sign3A_80, %sign3A_87 : i32
      %rem3A = arith.remsi %sub3A_74, %jit3A : i32
      %ne3A_88 = arith.constant 0 : i32
      %ne3A_89 = arith.cmpi ne, %rem3A, %ne3A_88 : i32
      %and3A = arith.andi %ne3A, %ne3A_89 : i1
      %sub3A_90 = arith.constant 1 : i32
      %sub3A_91 = arith.subi %div3A, %sub3A_90 : i32
      %select_n3A = arith.select %and3A, %sub3A_91, %div3A : i32
      %while3A = arith.constant 0 : i32
      %while3A_92 = arith.constant 0 : i32
      %while3A_93 = arith.subi %select_n3A, %while3A : i32
      %while3A_94 = arith.addi %while3A, %while3A_93 : i32
      %while3A_95 = arith.constant 1 : i32
      %while3A_96 = arith.divsi %while3A_93, %while3A_95 : i32
      %while3A_97 = arith.muli %while3A_96, %while3A_95 : i32
      %while3A_98 = arith.addi %while3A, %while3A_97 : i32
      %while3A_99 = arith.constant 1 : i32
      %while3A_100 = scf.for %while3A_104 = %while3A to %while3A_98 step %while3A_99 iter_args(%while3A_105 = %while3A_92) -> (i32)  : i32 {
        %mul3A_106 = arith.constant 16 : i32
        %mul3A_107 = arith.muli %while3A_104, %mul3A_106 : i32
        %get3A = arith.index_cast %mul3A_107 : i32 to index
        %get3A_108 = tpu.vector_load %arg12[%get3A] {strides = array<i32>} : memref<1056xi32, #tpu.memory_space<vmem>>, vector<16xi32>,
        %get3A_109 = arith.index_cast %mul3A_107 : i32 to index
        %get3A_110 = tpu.vector_load %arg14[%get3A_109] {strides = array<i32>} : memref<1056xi32, #tpu.memory_space<vmem>>, vector<16xi32>,
        "tpu.region"() ({
          %run_scoped3A = tpu.sem_alloc : memref<!tpu.dma_semaphore, #tpu.memory_space<semaphore_mem>>
          %dma_start3A = arith.constant 0 : i32
          %dma_start3A_121 = arith.constant 0 : i32
          %dma_start3A_122 = tpu.memref_slice %arg2[%dma_start3A, %dma_start3A_121] : memref<10000x512xf32, #tpu.memory_space<hbm>> -> memref<10000x512xf32, #tpu.memory_space<hbm>>
          tpu.enqueue_indirect_dma source(%dma_start3A_122 : memref<10000x512xf32, #tpu.memory_space<hbm>>) target(%arg15 : memref<16x512xf32, #tpu.memory_space<vmem>>) offsets(%get3A_108 : vector<16xi32>) semaphore(%run_scoped3A : memref<!tpu.dma_semaphore, #tpu.memory_space<semaphore_mem>>)
          %dma_wait3A = arith.constant 0 : i32
          %dma_wait3A_123 = arith.constant 0 : i32
          %dma_wait3A_124 = tpu.memref_slice %arg2[%dma_wait3A, %dma_wait3A_123] : memref<10000x512xf32, #tpu.memory_space<hbm>> -> memref<10000x512xf32, #tpu.memory_space<hbm>>
          tpu.wait_indirect_dma semaphore(%run_scoped3A : memref<!tpu.dma_semaphore, #tpu.memory_space<semaphore_mem>>) src(%dma_wait3A_124 : memref<10000x512xf32, #tpu.memory_space<hbm>>) dst(%arg15 : memref<16x512xf32, #tpu.memory_space<vmem>>)
          tpu.yield
        }) : () -> ()
        %shift_right_arithmetic3A = arith.constant 5 : i32
        %shift_right_arithmetic3A_111 = vector.broadcast %shift_right_arithmetic3A : i32 to vector<16xi32>
        %shift_right_arithmetic3A_112 = arith.shrsi %get3A_110, %shift_right_arithmetic3A_111 : vector<16xi32>
        "tpu.region"() ({
          %run_scoped3A = tpu.sem_alloc : memref<!tpu.dma_semaphore, #tpu.memory_space<semaphore_mem>>
          %dma_start3A = arith.constant 0 : i32
          %dma_start3A_121 = arith.constant 0 : i32
          %dma_start3A_122 = tpu.memref_slice %arg5[%dma_start3A, %dma_start3A_121] : memref<10752x128xf32, #tpu.memory_space<hbm>> -> memref<10752x128xf32, #tpu.memory_space<hbm>>
          tpu.enqueue_indirect_dma source(%dma_start3A_122 : memref<10752x128xf32, #tpu.memory_space<hbm>>) target(%arg16 : memref<16x128xf32, #tpu.memory_space<vmem>>) offsets(%shift_right_arithmetic3A_112 : vector<16xi32>) semaphore(%run_scoped3A : memref<!tpu.dma_semaphore, #tpu.memory_space<semaphore_mem>>)
          %dma_wait3A = arith.constant 0 : i32
          %dma_wait3A_123 = arith.constant 0 : i32
          %dma_wait3A_124 = tpu.memref_slice %arg5[%dma_wait3A, %dma_wait3A_123] : memref<10752x128xf32, #tpu.memory_space<hbm>> -> memref<10752x128xf32, #tpu.memory_space<hbm>>
          tpu.wait_indirect_dma semaphore(%run_scoped3A : memref<!tpu.dma_semaphore, #tpu.memory_space<semaphore_mem>>) src(%dma_wait3A_124 : memref<10752x128xf32, #tpu.memory_space<hbm>>) dst(%arg16 : memref<16x128xf32, #tpu.memory_space<vmem>>)
          tpu.yield
        }) : () -> ()
        %scan3A_113 = arith.constant 0 : i32
        %scan3A_114 = arith.constant 0 : i32
        %scan3A_115 = arith.constant 16 : i32
        %scan3A_116 = arith.addi %scan3A_114, %scan3A_115 : i32
        %scan3A_117 = arith.constant 1 : i32
        %scan3A_118 = scf.for %scan3A_121 = %scan3A_114 to %scan3A_116 step %scan3A_117 iter_args(%scan3A_122 = %scan3A_113) -> (i32)  : i32 {
          %broadcast_in_dim3A_123 = vector.broadcast %scan3A_121 : i32 to vector<16xi32>
          %add3A_124 = vector.broadcast %mul3A_107 : i32 to vector<16xi32>
          %add3A_125 = arith.addi %add3A_124, %broadcast_in_dim3A_123 : vector<16xi32>
          %gather3A = tpu.vector_load_idx %arg13[%add3A_125] : memref<1056xi32, #tpu.memory_space<vmem>>[vector<16xi32>], vector<16xi32>,
          %reduce_max3A = arith.constant true
          %reduce_max3A_126 = vector.broadcast %reduce_max3A : i1 to vector<16xi1>
          %reduce_max3A_127 = arith.constant -2147483648 : i32
          %reduce_max3A_128 = vector.broadcast %reduce_max3A_127 : i32 to vector<16xi32>
          %reduce_max3A_129 = arith.xori %gather3A, %reduce_max3A_128 : vector<16xi32>
          %reduce_max3A_130 = tpu.scan <max>, %reduce_max3A_129 masked %reduce_max3A_126 : vector<16xi32>, vector<16xi1> -> vector<16xi32>
          %reduce_max3A_131 = arith.xori %reduce_max3A_130, %reduce_max3A_128 : vector<16xi32>
          %reduce_max3A_132 = vector.extract %reduce_max3A_131[15] : i32 from vector<16xi32>
          %add3A_133 = vector.broadcast %mul3A_107 : i32 to vector<16xi32>
          %add3A_134 = arith.addi %add3A_133, %broadcast_in_dim3A_123 : vector<16xi32>
          %gather3A_135 = tpu.vector_load_idx %arg14[%add3A_134] : memref<1056xi32, #tpu.memory_space<vmem>>[vector<16xi32>], vector<16xi32>,
          %reduce_max3A_136 = arith.constant true
          %reduce_max3A_137 = vector.broadcast %reduce_max3A_136 : i1 to vector<16xi1>
          %reduce_max3A_138 = arith.constant -2147483648 : i32
          %reduce_max3A_139 = vector.broadcast %reduce_max3A_138 : i32 to vector<16xi32>
          %reduce_max3A_140 = arith.xori %gather3A_135, %reduce_max3A_139 : vector<16xi32>
          %reduce_max3A_141 = tpu.scan <max>, %reduce_max3A_140 masked %reduce_max3A_137 : vector<16xi32>, vector<16xi1> -> vector<16xi32>
          %reduce_max3A_142 = arith.xori %reduce_max3A_141, %reduce_max3A_139 : vector<16xi32>
          %reduce_max3A_143 = vector.extract %reduce_max3A_142[15] : i32 from vector<16xi32>
          %and3A_144 = arith.constant 31 : i32
          %and3A_145 = arith.andi %reduce_max3A_143, %and3A_144 : i32
          %mul3A_146 = arith.constant 4 : i32
          %mul3A_147 = arith.muli %and3A_145, %mul3A_146 : i32
          %min3A = arith.constant 3 : i32
          %min3A_148 = vector.broadcast %min3A : i32 to vector<16xi32>
          %min3A_149 = arith.minsi %iota3A, %min3A_148 : vector<16xi32>
          %add3A_150 = vector.broadcast %mul3A_147 : i32 to vector<16xi32>
          %add3A_151 = arith.addi %add3A_150, %min3A_149 : vector<16xi32>
          %gather3A_152 = tpu.vector_load_idx %arg16[%broadcast_in_dim3A_123, %add3A_151] : memref<16x128xf32, #tpu.memory_space<vmem>>[vector<16xi32>, vector<16xi32>], vector<16xf32>,
          %slice3A = vector.extract_strided_slice %gather3A_152 {offsets = [0], sizes = [1], strides = [1]} : vector<16xf32> to vector<1xf32>
          %squeeze3A = vector.extract %slice3A[0] : f32 from vector<1xf32>
          %get3A_153 = arith.index_cast %scan3A_121 : i32 to index
          %get3A_154 = arith.constant 0 : index
          %get3A_155 = tpu.vector_load %arg15[%get3A_153, %get3A_154] {strides = array<i32>} : memref<16x512xf32, #tpu.memory_space<vmem>>, vector<16xf32>,
          %mul3A_156 = vector.broadcast %squeeze3A : f32 to vector<16xf32>
          %mul3A_157 = arith.mulf %get3A_155, %mul3A_156 : vector<16xf32>
          %swap3A_158 = arith.index_cast %reduce_max3A_132 : i32 to index
          %swap3A_159 = arith.constant 0 : index
          %swap3A_160 = tpu.vector_load %arg8[%swap3A_158, %swap3A_159] {strides = array<i32>} : memref<160x512xf32, #tpu.memory_space<vmem>>, vector<16xf32>,
          tpu.vector_store %arg8[%swap3A_158, %swap3A_159], %mul3A_157 {add = true, strides = array<i32>} : memref<160x512xf32, #tpu.memory_space<vmem>>, vector<16xf32>,
          %get3A_161 = arith.index_cast %scan3A_121 : i32 to index
          %get3A_162 = arith.constant 16 : index
          %get3A_163 = tpu.vector_load %arg15[%get3A_161, %get3A_162] {strides = array<i32>} : memref<16x512xf32, #tpu.memory_space<vmem>>, vector<16xf32>,
          %mul3A_164 = vector.broadcast %squeeze3A : f32 to vector<16xf32>
          %mul3A_165 = arith.mulf %get3A_163, %mul3A_164 : vector<16xf32>
          %swap3A_166 = arith.index_cast %reduce_max3A_132 : i32 to index
          %swap3A_167 = arith.constant 16 : index
          %swap3A_168 = tpu.vector_load %arg8[%swap3A_166, %swap3A_167] {strides = array<i32>} : memref<160x512xf32, #tpu.memory_space<vmem>>, vector<16xf32>,
          tpu.vector_store %arg8[%swap3A_166, %swap3A_167], %mul3A_165 {add = true, strides = array<i32>} : memref<160x512xf32, #tpu.memory_space<vmem>>, vector<16xf32>,
          %get3A_169 = arith.index_cast %scan3A_121 : i32 to index
          %get3A_170 = arith.constant 32 : index
          %get3A_171 = tpu.vector_load %arg15[%get3A_169, %get3A_170] {strides = array<i32>} : memref<16x512xf32, #tpu.memory_space<vmem>>, vector<16xf32>,
          %mul3A_172 = vector.broadcast %squeeze3A : f32 to vector<16xf32>
          %mul3A_173 = arith.mulf %get3A_171, %mul3A_172 : vector<16xf32>
          %swap3A_174 = arith.index_cast %reduce_max3A_132 : i32 to index
          %swap3A_175 = arith.constant 32 : index
          %swap3A_176 = tpu.vector_load %arg8[%swap3A_174, %swap3A_175] {strides = array<i32>} : memref<160x512xf32, #tpu.memory_space<vmem>>, vector<16xf32>,
          tpu.vector_store %arg8[%swap3A_174, %swap3A_175], %mul3A_173 {add = true, strides = array<i32>} : memref<160x512xf32, #tpu.memory_space<vmem>>, vector<16xf32>,
          %get3A_177 = arith.index_cast %scan3A_121 : i32 to index
          %get3A_178 = arith.constant 48 : index
          %get3A_179 = tpu.vector_load %arg15[%get3A_177, %get3A_178] {strides = array<i32>} : memref<16x512xf32, #tpu.memory_space<vmem>>, vector<16xf32>,
          %mul3A_180 = vector.broadcast %squeeze3A : f32 to vector<16xf32>
          %mul3A_181 = arith.mulf %get3A_179, %mul3A_180 : vector<16xf32>
          %swap3A_182 = arith.index_cast %reduce_max3A_132 : i32 to index
          %swap3A_183 = arith.constant 48 : index
          %swap3A_184 = tpu.vector_load %arg8[%swap3A_182, %swap3A_183] {strides = array<i32>} : memref<160x512xf32, #tpu.memory_space<vmem>>, vector<16xf32>,
          tpu.vector_store %arg8[%swap3A_182, %swap3A_183], %mul3A_181 {add = true, strides = array<i32>} : memref<160x512xf32, #tpu.memory_space<vmem>>, vector<16xf32>,
          %get3A_185 = arith.index_cast %scan3A_121 : i32 to index
          %get3A_186 = arith.constant 64 : index
          %get3A_187 = tpu.vector_load %arg15[%get3A_185, %get3A_186] {strides = array<i32>} : memref<16x512xf32, #tpu.memory_space<vmem>>, vector<16xf32>,
          %mul3A_188 = vector.broadcast %squeeze3A : f32 to vector<16xf32>
          %mul3A_189 = arith.mulf %get3A_187, %mul3A_188 : vector<16xf32>
          %swap3A_190 = arith.index_cast %reduce_max3A_132 : i32 to index
          %swap3A_191 = arith.constant 64 : index
          %swap3A_192 = tpu.vector_load %arg8[%swap3A_190, %swap3A_191] {strides = array<i32>} : memref<160x512xf32, #tpu.memory_space<vmem>>, vector<16xf32>,
          tpu.vector_store %arg8[%swap3A_190, %swap3A_191], %mul3A_189 {add = true, strides = array<i32>} : memref<160x512xf32, #tpu.memory_space<vmem>>, vector<16xf32>,
          %get3A_193 = arith.index_cast %scan3A_121 : i32 to index
          %get3A_194 = arith.constant 80 : index
          %get3A_195 = tpu.vector_load %arg15[%get3A_193, %get3A_194] {strides = array<i32>} : memref<16x512xf32, #tpu.memory_space<vmem>>, vector<16xf32>,
          %mul3A_196 = vector.broadcast %squeeze3A : f32 to vector<16xf32>
          %mul3A_197 = arith.mulf %get3A_195, %mul3A_196 : vector<16xf32>
          %swap3A_198 = arith.index_cast %reduce_max3A_132 : i32 to index
          %swap3A_199 = arith.constant 80 : index
          %swap3A_200 = tpu.vector_load %arg8[%swap3A_198, %swap3A_199] {strides = array<i32>} : memref<160x512xf32, #tpu.memory_space<vmem>>, vector<16xf32>,
          tpu.vector_store %arg8[%swap3A_198, %swap3A_199], %mul3A_197 {add = true, strides = array<i32>} : memref<160x512xf32, #tpu.memory_space<vmem>>, vector<16xf32>,
          %get3A_201 = arith.index_cast %scan3A_121 : i32 to index
          %get3A_202 = arith.constant 96 : index
          %get3A_203 = tpu.vector_load %arg15[%get3A_201, %get3A_202] {strides = array<i32>} : memref<16x512xf32, #tpu.memory_space<vmem>>, vector<16xf32>,
          %mul3A_204 = vector.broadcast %squeeze3A : f32 to vector<16xf32>
          %mul3A_205 = arith.mulf %get3A_203, %mul3A_204 : vector<16xf32>
          %swap3A_206 = arith.index_cast %reduce_max3A_132 : i32 to index
          %swap3A_207 = arith.constant 96 : index
          %swap3A_208 = tpu.vector_load %arg8[%swap3A_206, %swap3A_207] {strides = array<i32>} : memref<160x512xf32, #tpu.memory_space<vmem>>, vector<16xf32>,
          tpu.vector_store %arg8[%swap3A_206, %swap3A_207], %mul3A_205 {add = true, strides = array<i32>} : memref<160x512xf32, #tpu.memory_space<vmem>>, vector<16xf32>,
          %get3A_209 = arith.index_cast %scan3A_121 : i32 to index
          %get3A_210 = arith.constant 112 : index
          %get3A_211 = tpu.vector_load %arg15[%get3A_209, %get3A_210] {strides = array<i32>} : memref<16x512xf32, #tpu.memory_space<vmem>>, vector<16xf32>,
          %mul3A_212 = vector.broadcast %squeeze3A : f32 to vector<16xf32>
          %mul3A_213 = arith.mulf %get3A_211, %mul3A_212 : vector<16xf32>
          %swap3A_214 = arith.index_cast %reduce_max3A_132 : i32 to index
          %swap3A_215 = arith.constant 112 : index
          %swap3A_216 = tpu.vector_load %arg8[%swap3A_214, %swap3A_215] {strides = array<i32>} : memref<160x512xf32, #tpu.memory_space<vmem>>, vector<16xf32>,
          tpu.vector_store %arg8[%swap3A_214, %swap3A_215], %mul3A_213 {add = true, strides = array<i32>} : memref<160x512xf32, #tpu.memory_space<vmem>>, vector<16xf32>,
          %slice3A_217 = vector.extract_strided_slice %gather3A_152 {offsets = [1], sizes = [1], strides = [1]} : vector<16xf32> to vector<1xf32>
          %squeeze3A_218 = vector.extract %slice3A_217[0] : f32 from vector<1xf32>
          %get3A_219 = arith.index_cast %scan3A_121 : i32 to index
          %get3A_220 = arith.constant 128 : index
          %get3A_221 = tpu.vector_load %arg15[%get3A_219, %get3A_220] {strides = array<i32>} : memref<16x512xf32, #tpu.memory_space<vmem>>, vector<16xf32>,
          %mul3A_222 = vector.broadcast %squeeze3A_218 : f32 to vector<16xf32>
          %mul3A_223 = arith.mulf %get3A_221, %mul3A_222 : vector<16xf32>
          %swap3A_224 = arith.index_cast %reduce_max3A_132 : i32 to index
          %swap3A_225 = arith.constant 128 : index
          %swap3A_226 = tpu.vector_load %arg8[%swap3A_224, %swap3A_225] {strides = array<i32>} : memref<160x512xf32, #tpu.memory_space<vmem>>, vector<16xf32>,
          tpu.vector_store %arg8[%swap3A_224, %swap3A_225], %mul3A_223 {add = true, strides = array<i32>} : memref<160x512xf32, #tpu.memory_space<vmem>>, vector<16xf32>,
          %get3A_227 = arith.index_cast %scan3A_121 : i32 to index
          %get3A_228 = arith.constant 144 : index
          %get3A_229 = tpu.vector_load %arg15[%get3A_227, %get3A_228] {strides = array<i32>} : memref<16x512xf32, #tpu.memory_space<vmem>>, vector<16xf32>,
          %mul3A_230 = vector.broadcast %squeeze3A_218 : f32 to vector<16xf32>
          %mul3A_231 = arith.mulf %get3A_229, %mul3A_230 : vector<16xf32>
          %swap3A_232 = arith.index_cast %reduce_max3A_132 : i32 to index
          %swap3A_233 = arith.constant 144 : index
          %swap3A_234 = tpu.vector_load %arg8[%swap3A_232, %swap3A_233] {strides = array<i32>} : memref<160x512xf32, #tpu.memory_space<vmem>>, vector<16xf32>,
          tpu.vector_store %arg8[%swap3A_232, %swap3A_233], %mul3A_231 {add = true, strides = array<i32>} : memref<160x512xf32, #tpu.memory_space<vmem>>, vector<16xf32>,
          %get3A_235 = arith.index_cast %scan3A_121 : i32 to index
          %get3A_236 = arith.constant 160 : index
          %get3A_237 = tpu.vector_load %arg15[%get3A_235, %get3A_236] {strides = array<i32>} : memref<16x512xf32, #tpu.memory_space<vmem>>, vector<16xf32>,
          %mul3A_238 = vector.broadcast %squeeze3A_218 : f32 to vector<16xf32>
          %mul3A_239 = arith.mulf %get3A_237, %mul3A_238 : vector<16xf32>
          %swap3A_240 = arith.index_cast %reduce_max3A_132 : i32 to index
          %swap3A_241 = arith.constant 160 : index
          %swap3A_242 = tpu.vector_load %arg8[%swap3A_240, %swap3A_241] {strides = array<i32>} : memref<160x512xf32, #tpu.memory_space<vmem>>, vector<16xf32>,
          tpu.vector_store %arg8[%swap3A_240, %swap3A_241], %mul3A_239 {add = true, strides = array<i32>} : memref<160x512xf32, #tpu.memory_space<vmem>>, vector<16xf32>,
          %get3A_243 = arith.index_cast %scan3A_121 : i32 to index
          %get3A_244 = arith.constant 176 : index
          %get3A_245 = tpu.vector_load %arg15[%get3A_243, %get3A_244] {strides = array<i32>} : memref<16x512xf32, #tpu.memory_space<vmem>>, vector<16xf32>,
          %mul3A_246 = vector.broadcast %squeeze3A_218 : f32 to vector<16xf32>
          %mul3A_247 = arith.mulf %get3A_245, %mul3A_246 : vector<16xf32>
          %swap3A_248 = arith.index_cast %reduce_max3A_132 : i32 to index
          %swap3A_249 = arith.constant 176 : index
          %swap3A_250 = tpu.vector_load %arg8[%swap3A_248, %swap3A_249] {strides = array<i32>} : memref<160x512xf32, #tpu.memory_space<vmem>>, vector<16xf32>,
          tpu.vector_store %arg8[%swap3A_248, %swap3A_249], %mul3A_247 {add = true, strides = array<i32>} : memref<160x512xf32, #tpu.memory_space<vmem>>, vector<16xf32>,
          %get3A_251 = arith.index_cast %scan3A_121 : i32 to index
          %get3A_252 = arith.constant 192 : index
          %get3A_253 = tpu.vector_load %arg15[%get3A_251, %get3A_252] {strides = array<i32>} : memref<16x512xf32, #tpu.memory_space<vmem>>, vector<16xf32>,
          %mul3A_254 = vector.broadcast %squeeze3A_218 : f32 to vector<16xf32>
          %mul3A_255 = arith.mulf %get3A_253, %mul3A_254 : vector<16xf32>
          %swap3A_256 = arith.index_cast %reduce_max3A_132 : i32 to index
          %swap3A_257 = arith.constant 192 : index
          %swap3A_258 = tpu.vector_load %arg8[%swap3A_256, %swap3A_257] {strides = array<i32>} : memref<160x512xf32, #tpu.memory_space<vmem>>, vector<16xf32>,
          tpu.vector_store %arg8[%swap3A_256, %swap3A_257], %mul3A_255 {add = true, strides = array<i32>} : memref<160x512xf32, #tpu.memory_space<vmem>>, vector<16xf32>,
          %get3A_259 = arith.index_cast %scan3A_121 : i32 to index
          %get3A_260 = arith.constant 208 : index
          %get3A_261 = tpu.vector_load %arg15[%get3A_259, %get3A_260] {strides = array<i32>} : memref<16x512xf32, #tpu.memory_space<vmem>>, vector<16xf32>,
          %mul3A_262 = vector.broadcast %squeeze3A_218 : f32 to vector<16xf32>
          %mul3A_263 = arith.mulf %get3A_261, %mul3A_262 : vector<16xf32>
          %swap3A_264 = arith.index_cast %reduce_max3A_132 : i32 to index
          %swap3A_265 = arith.constant 208 : index
          %swap3A_266 = tpu.vector_load %arg8[%swap3A_264, %swap3A_265] {strides = array<i32>} : memref<160x512xf32, #tpu.memory_space<vmem>>, vector<16xf32>,
          tpu.vector_store %arg8[%swap3A_264, %swap3A_265], %mul3A_263 {add = true, strides = array<i32>} : memref<160x512xf32, #tpu.memory_space<vmem>>, vector<16xf32>,
          %get3A_267 = arith.index_cast %scan3A_121 : i32 to index
          %get3A_268 = arith.constant 224 : index
          %get3A_269 = tpu.vector_load %arg15[%get3A_267, %get3A_268] {strides = array<i32>} : memref<16x512xf32, #tpu.memory_space<vmem>>, vector<16xf32>,
          %mul3A_270 = vector.broadcast %squeeze3A_218 : f32 to vector<16xf32>
          %mul3A_271 = arith.mulf %get3A_269, %mul3A_270 : vector<16xf32>
          %swap3A_272 = arith.index_cast %reduce_max3A_132 : i32 to index
          %swap3A_273 = arith.constant 224 : index
          %swap3A_274 = tpu.vector_load %arg8[%swap3A_272, %swap3A_273] {strides = array<i32>} : memref<160x512xf32, #tpu.memory_space<vmem>>, vector<16xf32>,
          tpu.vector_store %arg8[%swap3A_272, %swap3A_273], %mul3A_271 {add = true, strides = array<i32>} : memref<160x512xf32, #tpu.memory_space<vmem>>, vector<16xf32>,
          %get3A_275 = arith.index_cast %scan3A_121 : i32 to index
          %get3A_276 = arith.constant 240 : index
          %get3A_277 = tpu.vector_load %arg15[%get3A_275, %get3A_276] {strides = array<i32>} : memref<16x512xf32, #tpu.memory_space<vmem>>, vector<16xf32>,
          %mul3A_278 = vector.broadcast %squeeze3A_218 : f32 to vector<16xf32>
          %mul3A_279 = arith.mulf %get3A_277, %mul3A_278 : vector<16xf32>
          %swap3A_280 = arith.index_cast %reduce_max3A_132 : i32 to index
          %swap3A_281 = arith.constant 240 : index
          %swap3A_282 = tpu.vector_load %arg8[%swap3A_280, %swap3A_281] {strides = array<i32>} : memref<160x512xf32, #tpu.memory_space<vmem>>, vector<16xf32>,
          tpu.vector_store %arg8[%swap3A_280, %swap3A_281], %mul3A_279 {add = true, strides = array<i32>} : memref<160x512xf32, #tpu.memory_space<vmem>>, vector<16xf32>,
          %slice3A_283 = vector.extract_strided_slice %gather3A_152 {offsets = [2], sizes = [1], strides = [1]} : vector<16xf32> to vector<1xf32>
          %squeeze3A_284 = vector.extract %slice3A_283[0] : f32 from vector<1xf32>
          %get3A_285 = arith.index_cast %scan3A_121 : i32 to index
          %get3A_286 = arith.constant 256 : index
          %get3A_287 = tpu.vector_load %arg15[%get3A_285, %get3A_286] {strides = array<i32>} : memref<16x512xf32, #tpu.memory_space<vmem>>, vector<16xf32>,
          %mul3A_288 = vector.broadcast %squeeze3A_284 : f32 to vector<16xf32>
          %mul3A_289 = arith.mulf %get3A_287, %mul3A_288 : vector<16xf32>
          %swap3A_290 = arith.index_cast %reduce_max3A_132 : i32 to index
          %swap3A_291 = arith.constant 256 : index
          %swap3A_292 = tpu.vector_load %arg8[%swap3A_290, %swap3A_291] {strides = array<i32>} : memref<160x512xf32, #tpu.memory_space<vmem>>, vector<16xf32>,
          tpu.vector_store %arg8[%swap3A_290, %swap3A_291], %mul3A_289 {add = true, strides = array<i32>} : memref<160x512xf32, #tpu.memory_space<vmem>>, vector<16xf32>,
          %get3A_293 = arith.index_cast %scan3A_121 : i32 to index
          %get3A_294 = arith.constant 272 : index
          %get3A_295 = tpu.vector_load %arg15[%get3A_293, %get3A_294] {strides = array<i32>} : memref<16x512xf32, #tpu.memory_space<vmem>>, vector<16xf32>,
          %mul3A_296 = vector.broadcast %squeeze3A_284 : f32 to vector<16xf32>
          %mul3A_297 = arith.mulf %get3A_295, %mul3A_296 : vector<16xf32>
          %swap3A_298 = arith.index_cast %reduce_max3A_132 : i32 to index
          %swap3A_299 = arith.constant 272 : index
          %swap3A_300 = tpu.vector_load %arg8[%swap3A_298, %swap3A_299] {strides = array<i32>} : memref<160x512xf32, #tpu.memory_space<vmem>>, vector<16xf32>,
          tpu.vector_store %arg8[%swap3A_298, %swap3A_299], %mul3A_297 {add = true, strides = array<i32>} : memref<160x512xf32, #tpu.memory_space<vmem>>, vector<16xf32>,
          %get3A_301 = arith.index_cast %scan3A_121 : i32 to index
          %get3A_302 = arith.constant 288 : index
          %get3A_303 = tpu.vector_load %arg15[%get3A_301, %get3A_302] {strides = array<i32>} : memref<16x512xf32, #tpu.memory_space<vmem>>, vector<16xf32>,
          %mul3A_304 = vector.broadcast %squeeze3A_284 : f32 to vector<16xf32>
          %mul3A_305 = arith.mulf %get3A_303, %mul3A_304 : vector<16xf32>
          %swap3A_306 = arith.index_cast %reduce_max3A_132 : i32 to index
          %swap3A_307 = arith.constant 288 : index
          %swap3A_308 = tpu.vector_load %arg8[%swap3A_306, %swap3A_307] {strides = array<i32>} : memref<160x512xf32, #tpu.memory_space<vmem>>, vector<16xf32>,
          tpu.vector_store %arg8[%swap3A_306, %swap3A_307], %mul3A_305 {add = true, strides = array<i32>} : memref<160x512xf32, #tpu.memory_space<vmem>>, vector<16xf32>,
          %get3A_309 = arith.index_cast %scan3A_121 : i32 to index
          %get3A_310 = arith.constant 304 : index
          %get3A_311 = tpu.vector_load %arg15[%get3A_309, %get3A_310] {strides = array<i32>} : memref<16x512xf32, #tpu.memory_space<vmem>>, vector<16xf32>,
          %mul3A_312 = vector.broadcast %squeeze3A_284 : f32 to vector<16xf32>
          %mul3A_313 = arith.mulf %get3A_311, %mul3A_312 : vector<16xf32>
          %swap3A_314 = arith.index_cast %reduce_max3A_132 : i32 to index
          %swap3A_315 = arith.constant 304 : index
          %swap3A_316 = tpu.vector_load %arg8[%swap3A_314, %swap3A_315] {strides = array<i32>} : memref<160x512xf32, #tpu.memory_space<vmem>>, vector<16xf32>,
          tpu.vector_store %arg8[%swap3A_314, %swap3A_315], %mul3A_313 {add = true, strides = array<i32>} : memref<160x512xf32, #tpu.memory_space<vmem>>, vector<16xf32>,
          %get3A_317 = arith.index_cast %scan3A_121 : i32 to index
          %get3A_318 = arith.constant 320 : index
          %get3A_319 = tpu.vector_load %arg15[%get3A_317, %get3A_318] {strides = array<i32>} : memref<16x512xf32, #tpu.memory_space<vmem>>, vector<16xf32>,
          %mul3A_320 = vector.broadcast %squeeze3A_284 : f32 to vector<16xf32>
          %mul3A_321 = arith.mulf %get3A_319, %mul3A_320 : vector<16xf32>
          %swap3A_322 = arith.index_cast %reduce_max3A_132 : i32 to index
          %swap3A_323 = arith.constant 320 : index
          %swap3A_324 = tpu.vector_load %arg8[%swap3A_322, %swap3A_323] {strides = array<i32>} : memref<160x512xf32, #tpu.memory_space<vmem>>, vector<16xf32>,
          tpu.vector_store %arg8[%swap3A_322, %swap3A_323], %mul3A_321 {add = true, strides = array<i32>} : memref<160x512xf32, #tpu.memory_space<vmem>>, vector<16xf32>,
          %get3A_325 = arith.index_cast %scan3A_121 : i32 to index
          %get3A_326 = arith.constant 336 : index
          %get3A_327 = tpu.vector_load %arg15[%get3A_325, %get3A_326] {strides = array<i32>} : memref<16x512xf32, #tpu.memory_space<vmem>>, vector<16xf32>,
          %mul3A_328 = vector.broadcast %squeeze3A_284 : f32 to vector<16xf32>
          %mul3A_329 = arith.mulf %get3A_327, %mul3A_328 : vector<16xf32>
          %swap3A_330 = arith.index_cast %reduce_max3A_132 : i32 to index
          %swap3A_331 = arith.constant 336 : index
          %swap3A_332 = tpu.vector_load %arg8[%swap3A_330, %swap3A_331] {strides = array<i32>} : memref<160x512xf32, #tpu.memory_space<vmem>>, vector<16xf32>,
          tpu.vector_store %arg8[%swap3A_330, %swap3A_331], %mul3A_329 {add = true, strides = array<i32>} : memref<160x512xf32, #tpu.memory_space<vmem>>, vector<16xf32>,
          %get3A_333 = arith.index_cast %scan3A_121 : i32 to index
          %get3A_334 = arith.constant 352 : index
          %get3A_335 = tpu.vector_load %arg15[%get3A_333, %get3A_334] {strides = array<i32>} : memref<16x512xf32, #tpu.memory_space<vmem>>, vector<16xf32>,
          %mul3A_336 = vector.broadcast %squeeze3A_284 : f32 to vector<16xf32>
          %mul3A_337 = arith.mulf %get3A_335, %mul3A_336 : vector<16xf32>
          %swap3A_338 = arith.index_cast %reduce_max3A_132 : i32 to index
          %swap3A_339 = arith.constant 352 : index
          %swap3A_340 = tpu.vector_load %arg8[%swap3A_338, %swap3A_339] {strides = array<i32>} : memref<160x512xf32, #tpu.memory_space<vmem>>, vector<16xf32>,
          tpu.vector_store %arg8[%swap3A_338, %swap3A_339], %mul3A_337 {add = true, strides = array<i32>} : memref<160x512xf32, #tpu.memory_space<vmem>>, vector<16xf32>,
          %get3A_341 = arith.index_cast %scan3A_121 : i32 to index
          %get3A_342 = arith.constant 368 : index
          %get3A_343 = tpu.vector_load %arg15[%get3A_341, %get3A_342] {strides = array<i32>} : memref<16x512xf32, #tpu.memory_space<vmem>>, vector<16xf32>,
          %mul3A_344 = vector.broadcast %squeeze3A_284 : f32 to vector<16xf32>
          %mul3A_345 = arith.mulf %get3A_343, %mul3A_344 : vector<16xf32>
          %swap3A_346 = arith.index_cast %reduce_max3A_132 : i32 to index
          %swap3A_347 = arith.constant 368 : index
          %swap3A_348 = tpu.vector_load %arg8[%swap3A_346, %swap3A_347] {strides = array<i32>} : memref<160x512xf32, #tpu.memory_space<vmem>>, vector<16xf32>,
          tpu.vector_store %arg8[%swap3A_346, %swap3A_347], %mul3A_345 {add = true, strides = array<i32>} : memref<160x512xf32, #tpu.memory_space<vmem>>, vector<16xf32>,
          %slice3A_349 = vector.extract_strided_slice %gather3A_152 {offsets = [3], sizes = [1], strides = [1]} : vector<16xf32> to vector<1xf32>
          %squeeze3A_350 = vector.extract %slice3A_349[0] : f32 from vector<1xf32>
          %get3A_351 = arith.index_cast %scan3A_121 : i32 to index
          %get3A_352 = arith.constant 384 : index
          %get3A_353 = tpu.vector_load %arg15[%get3A_351, %get3A_352] {strides = array<i32>} : memref<16x512xf32, #tpu.memory_space<vmem>>, vector<16xf32>,
          %mul3A_354 = vector.broadcast %squeeze3A_350 : f32 to vector<16xf32>
          %mul3A_355 = arith.mulf %get3A_353, %mul3A_354 : vector<16xf32>
          %swap3A_356 = arith.index_cast %reduce_max3A_132 : i32 to index
          %swap3A_357 = arith.constant 384 : index
          %swap3A_358 = tpu.vector_load %arg8[%swap3A_356, %swap3A_357] {strides = array<i32>} : memref<160x512xf32, #tpu.memory_space<vmem>>, vector<16xf32>,
          tpu.vector_store %arg8[%swap3A_356, %swap3A_357], %mul3A_355 {add = true, strides = array<i32>} : memref<160x512xf32, #tpu.memory_space<vmem>>, vector<16xf32>,
          %get3A_359 = arith.index_cast %scan3A_121 : i32 to index
          %get3A_360 = arith.constant 400 : index
          %get3A_361 = tpu.vector_load %arg15[%get3A_359, %get3A_360] {strides = array<i32>} : memref<16x512xf32, #tpu.memory_space<vmem>>, vector<16xf32>,
          %mul3A_362 = vector.broadcast %squeeze3A_350 : f32 to vector<16xf32>
          %mul3A_363 = arith.mulf %get3A_361, %mul3A_362 : vector<16xf32>
          %swap3A_364 = arith.index_cast %reduce_max3A_132 : i32 to index
          %swap3A_365 = arith.constant 400 : index
          %swap3A_366 = tpu.vector_load %arg8[%swap3A_364, %swap3A_365] {strides = array<i32>} : memref<160x512xf32, #tpu.memory_space<vmem>>, vector<16xf32>,
          tpu.vector_store %arg8[%swap3A_364, %swap3A_365], %mul3A_363 {add = true, strides = array<i32>} : memref<160x512xf32, #tpu.memory_space<vmem>>, vector<16xf32>,
          %get3A_367 = arith.index_cast %scan3A_121 : i32 to index
          %get3A_368 = arith.constant 416 : index
          %get3A_369 = tpu.vector_load %arg15[%get3A_367, %get3A_368] {strides = array<i32>} : memref<16x512xf32, #tpu.memory_space<vmem>>, vector<16xf32>,
          %mul3A_370 = vector.broadcast %squeeze3A_350 : f32 to vector<16xf32>
          %mul3A_371 = arith.mulf %get3A_369, %mul3A_370 : vector<16xf32>
          %swap3A_372 = arith.index_cast %reduce_max3A_132 : i32 to index
          %swap3A_373 = arith.constant 416 : index
          %swap3A_374 = tpu.vector_load %arg8[%swap3A_372, %swap3A_373] {strides = array<i32>} : memref<160x512xf32, #tpu.memory_space<vmem>>, vector<16xf32>,
          tpu.vector_store %arg8[%swap3A_372, %swap3A_373], %mul3A_371 {add = true, strides = array<i32>} : memref<160x512xf32, #tpu.memory_space<vmem>>, vector<16xf32>,
          %get3A_375 = arith.index_cast %scan3A_121 : i32 to index
          %get3A_376 = arith.constant 432 : index
          %get3A_377 = tpu.vector_load %arg15[%get3A_375, %get3A_376] {strides = array<i32>} : memref<16x512xf32, #tpu.memory_space<vmem>>, vector<16xf32>,
          %mul3A_378 = vector.broadcast %squeeze3A_350 : f32 to vector<16xf32>
          %mul3A_379 = arith.mulf %get3A_377, %mul3A_378 : vector<16xf32>
          %swap3A_380 = arith.index_cast %reduce_max3A_132 : i32 to index
          %swap3A_381 = arith.constant 432 : index
          %swap3A_382 = tpu.vector_load %arg8[%swap3A_380, %swap3A_381] {strides = array<i32>} : memref<160x512xf32, #tpu.memory_space<vmem>>, vector<16xf32>,
          tpu.vector_store %arg8[%swap3A_380, %swap3A_381], %mul3A_379 {add = true, strides = array<i32>} : memref<160x512xf32, #tpu.memory_space<vmem>>, vector<16xf32>,
          %get3A_383 = arith.index_cast %scan3A_121 : i32 to index
          %get3A_384 = arith.constant 448 : index
          %get3A_385 = tpu.vector_load %arg15[%get3A_383, %get3A_384] {strides = array<i32>} : memref<16x512xf32, #tpu.memory_space<vmem>>, vector<16xf32>,
          %mul3A_386 = vector.broadcast %squeeze3A_350 : f32 to vector<16xf32>
          %mul3A_387 = arith.mulf %get3A_385, %mul3A_386 : vector<16xf32>
          %swap3A_388 = arith.index_cast %reduce_max3A_132 : i32 to index
          %swap3A_389 = arith.constant 448 : index
          %swap3A_390 = tpu.vector_load %arg8[%swap3A_388, %swap3A_389] {strides = array<i32>} : memref<160x512xf32, #tpu.memory_space<vmem>>, vector<16xf32>,
          tpu.vector_store %arg8[%swap3A_388, %swap3A_389], %mul3A_387 {add = true, strides = array<i32>} : memref<160x512xf32, #tpu.memory_space<vmem>>, vector<16xf32>,
          %get3A_391 = arith.index_cast %scan3A_121 : i32 to index
          %get3A_392 = arith.constant 464 : index
          %get3A_393 = tpu.vector_load %arg15[%get3A_391, %get3A_392] {strides = array<i32>} : memref<16x512xf32, #tpu.memory_space<vmem>>, vector<16xf32>,
          %mul3A_394 = vector.broadcast %squeeze3A_350 : f32 to vector<16xf32>
          %mul3A_395 = arith.mulf %get3A_393, %mul3A_394 : vector<16xf32>
          %swap3A_396 = arith.index_cast %reduce_max3A_132 : i32 to index
          %swap3A_397 = arith.constant 464 : index
          %swap3A_398 = tpu.vector_load %arg8[%swap3A_396, %swap3A_397] {strides = array<i32>} : memref<160x512xf32, #tpu.memory_space<vmem>>, vector<16xf32>,
          tpu.vector_store %arg8[%swap3A_396, %swap3A_397], %mul3A_395 {add = true, strides = array<i32>} : memref<160x512xf32, #tpu.memory_space<vmem>>, vector<16xf32>,
          %get3A_399 = arith.index_cast %scan3A_121 : i32 to index
          %get3A_400 = arith.constant 480 : index
          %get3A_401 = tpu.vector_load %arg15[%get3A_399, %get3A_400] {strides = array<i32>} : memref<16x512xf32, #tpu.memory_space<vmem>>, vector<16xf32>,
          %mul3A_402 = vector.broadcast %squeeze3A_350 : f32 to vector<16xf32>
          %mul3A_403 = arith.mulf %get3A_401, %mul3A_402 : vector<16xf32>
          %swap3A_404 = arith.index_cast %reduce_max3A_132 : i32 to index
          %swap3A_405 = arith.constant 480 : index
          %swap3A_406 = tpu.vector_load %arg8[%swap3A_404, %swap3A_405] {strides = array<i32>} : memref<160x512xf32, #tpu.memory_space<vmem>>, vector<16xf32>,
          tpu.vector_store %arg8[%swap3A_404, %swap3A_405], %mul3A_403 {add = true, strides = array<i32>} : memref<160x512xf32, #tpu.memory_space<vmem>>, vector<16xf32>,
          %get3A_407 = arith.index_cast %scan3A_121 : i32 to index
          %get3A_408 = arith.constant 496 : index
          %get3A_409 = tpu.vector_load %arg15[%get3A_407, %get3A_408] {strides = array<i32>} : memref<16x512xf32, #tpu.memory_space<vmem>>, vector<16xf32>,
          %mul3A_410 = vector.broadcast %squeeze3A_350 : f32 to vector<16xf32>
          %mul3A_411 = arith.mulf %get3A_409, %mul3A_410 : vector<16xf32>
          %swap3A_412 = arith.index_cast %reduce_max3A_132 : i32 to index
          %swap3A_413 = arith.constant 496 : index
          %swap3A_414 = tpu.vector_load %arg8[%swap3A_412, %swap3A_413] {strides = array<i32>} : memref<160x512xf32, #tpu.memory_space<vmem>>, vector<16xf32>,
          tpu.vector_store %arg8[%swap3A_412, %swap3A_413], %mul3A_411 {add = true, strides = array<i32>} : memref<160x512xf32, #tpu.memory_space<vmem>>, vector<16xf32>,
          %lt3A = arith.constant 4 : i32
          %lt3A_415 = vector.broadcast %lt3A : i32 to vector<16xi32>
          %lt3A_416 = arith.cmpi slt, %iota3A, %lt3A_415 : vector<16xi32>
          %jit3A_417 = arith.constant 0.000000e+00 : f32
          %broadcast_in_dim3A_418 = vector.broadcast %jit3A_417 : f32 to vector<16xf32>
          %select_n3A_419 = arith.select %lt3A_416, %gather3A_152, %broadcast_in_dim3A_418 : vector<16xi1>, vector<16xf32>
          %swap3A_420 = arith.index_cast %reduce_max3A_132 : i32 to index
          %swap3A_421 = arith.constant 0 : index
          %swap3A_422 = tpu.vector_load %arg9[%swap3A_420, %swap3A_421] {strides = array<i32>} : memref<160x16xf32, #tpu.memory_space<vmem>>, vector<16xf32>,
          tpu.vector_store %arg9[%swap3A_420, %swap3A_421], %select_n3A_419 {add = true, strides = array<i32>} : memref<160x16xf32, #tpu.memory_space<vmem>>, vector<16xf32>,
          %scan3A_423 = arith.constant 0 : i32
          scf.yield %scan3A_423 : i32
        }
        %scan3A_119 = arith.constant 16 : i32
        %while3A_120 = arith.constant 0 : i32
        scf.yield %while3A_120 : i32
      }
      %while3A_101 = arith.constant 1 : i32
      %while3A_102 = scf.for %while3A_104 = %while3A_98 to %while3A_94 step %while3A_101 iter_args(%while3A_105 = %while3A_100) -> (i32)  : i32 {
        %mul3A_106 = arith.constant 16 : i32
        %mul3A_107 = arith.muli %while3A_104, %mul3A_106 : i32
        %get3A = arith.index_cast %mul3A_107 : i32 to index
        %get3A_108 = tpu.vector_load %arg12[%get3A] {strides = array<i32>} : memref<1056xi32, #tpu.memory_space<vmem>>, vector<16xi32>,
        %get3A_109 = arith.index_cast %mul3A_107 : i32 to index
        %get3A_110 = tpu.vector_load %arg14[%get3A_109] {strides = array<i32>} : memref<1056xi32, #tpu.memory_space<vmem>>, vector<16xi32>,
        "tpu.region"() ({
          %run_scoped3A = tpu.sem_alloc : memref<!tpu.dma_semaphore, #tpu.memory_space<semaphore_mem>>
          %dma_start3A = arith.constant 0 : i32
          %dma_start3A_121 = arith.constant 0 : i32
          %dma_start3A_122 = tpu.memref_slice %arg2[%dma_start3A, %dma_start3A_121] : memref<10000x512xf32, #tpu.memory_space<hbm>> -> memref<10000x512xf32, #tpu.memory_space<hbm>>
          tpu.enqueue_indirect_dma source(%dma_start3A_122 : memref<10000x512xf32, #tpu.memory_space<hbm>>) target(%arg15 : memref<16x512xf32, #tpu.memory_space<vmem>>) offsets(%get3A_108 : vector<16xi32>) semaphore(%run_scoped3A : memref<!tpu.dma_semaphore, #tpu.memory_space<semaphore_mem>>)
          %dma_wait3A = arith.constant 0 : i32
          %dma_wait3A_123 = arith.constant 0 : i32
          %dma_wait3A_124 = tpu.memref_slice %arg2[%dma_wait3A, %dma_wait3A_123] : memref<10000x512xf32, #tpu.memory_space<hbm>> -> memref<10000x512xf32, #tpu.memory_space<hbm>>
          tpu.wait_indirect_dma semaphore(%run_scoped3A : memref<!tpu.dma_semaphore, #tpu.memory_space<semaphore_mem>>) src(%dma_wait3A_124 : memref<10000x512xf32, #tpu.memory_space<hbm>>) dst(%arg15 : memref<16x512xf32, #tpu.memory_space<vmem>>)
          tpu.yield
        }) : () -> ()
        %shift_right_arithmetic3A = arith.constant 5 : i32
        %shift_right_arithmetic3A_111 = vector.broadcast %shift_right_arithmetic3A : i32 to vector<16xi32>
        %shift_right_arithmetic3A_112 = arith.shrsi %get3A_110, %shift_right_arithmetic3A_111 : vector<16xi32>
        "tpu.region"() ({
          %run_scoped3A = tpu.sem_alloc : memref<!tpu.dma_semaphore, #tpu.memory_space<semaphore_mem>>
          %dma_start3A = arith.constant 0 : i32
          %dma_start3A_121 = arith.constant 0 : i32
          %dma_start3A_122 = tpu.memref_slice %arg5[%dma_start3A, %dma_start3A_121] : memref<10752x128xf32, #tpu.memory_space<hbm>> -> memref<10752x128xf32, #tpu.memory_space<hbm>>
          tpu.enqueue_indirect_dma source(%dma_start3A_122 : memref<10752x128xf32, #tpu.memory_space<hbm>>) target(%arg16 : memref<16x128xf32, #tpu.memory_space<vmem>>) offsets(%shift_right_arithmetic3A_112 : vector<16xi32>) semaphore(%run_scoped3A : memref<!tpu.dma_semaphore, #tpu.memory_space<semaphore_mem>>)
          %dma_wait3A = arith.constant 0 : i32
          %dma_wait3A_123 = arith.constant 0 : i32
          %dma_wait3A_124 = tpu.memref_slice %arg5[%dma_wait3A, %dma_wait3A_123] : memref<10752x128xf32, #tpu.memory_space<hbm>> -> memref<10752x128xf32, #tpu.memory_space<hbm>>
          tpu.wait_indirect_dma semaphore(%run_scoped3A : memref<!tpu.dma_semaphore, #tpu.memory_space<semaphore_mem>>) src(%dma_wait3A_124 : memref<10752x128xf32, #tpu.memory_space<hbm>>) dst(%arg16 : memref<16x128xf32, #tpu.memory_space<vmem>>)
          tpu.yield
        }) : () -> ()
        %scan3A_113 = arith.constant 0 : i32
        %scan3A_114 = arith.constant 0 : i32
        %scan3A_115 = arith.constant 16 : i32
        %scan3A_116 = arith.addi %scan3A_114, %scan3A_115 : i32
        %scan3A_117 = arith.constant 1 : i32
        %scan3A_118 = scf.for %scan3A_121 = %scan3A_114 to %scan3A_116 step %scan3A_117 iter_args(%scan3A_122 = %scan3A_113) -> (i32)  : i32 {
          %broadcast_in_dim3A_123 = vector.broadcast %scan3A_121 : i32 to vector<16xi32>
          %add3A_124 = vector.broadcast %mul3A_107 : i32 to vector<16xi32>
          %add3A_125 = arith.addi %add3A_124, %broadcast_in_dim3A_123 : vector<16xi32>
          %gather3A = tpu.vector_load_idx %arg13[%add3A_125] : memref<1056xi32, #tpu.memory_space<vmem>>[vector<16xi32>], vector<16xi32>,
          %reduce_max3A = arith.constant true
          %reduce_max3A_126 = vector.broadcast %reduce_max3A : i1 to vector<16xi1>
          %reduce_max3A_127 = arith.constant -2147483648 : i32
          %reduce_max3A_128 = vector.broadcast %reduce_max3A_127 : i32 to vector<16xi32>
          %reduce_max3A_129 = arith.xori %gather3A, %reduce_max3A_128 : vector<16xi32>
          %reduce_max3A_130 = tpu.scan <max>, %reduce_max3A_129 masked %reduce_max3A_126 : vector<16xi32>, vector<16xi1> -> vector<16xi32>
          %reduce_max3A_131 = arith.xori %reduce_max3A_130, %reduce_max3A_128 : vector<16xi32>
          %reduce_max3A_132 = vector.extract %reduce_max3A_131[15] : i32 from vector<16xi32>
          %add3A_133 = vector.broadcast %mul3A_107 : i32 to vector<16xi32>
          %add3A_134 = arith.addi %add3A_133, %broadcast_in_dim3A_123 : vector<16xi32>
          %gather3A_135 = tpu.vector_load_idx %arg14[%add3A_134] : memref<1056xi32, #tpu.memory_space<vmem>>[vector<16xi32>], vector<16xi32>,
          %reduce_max3A_136 = arith.constant true
          %reduce_max3A_137 = vector.broadcast %reduce_max3A_136 : i1 to vector<16xi1>
          %reduce_max3A_138 = arith.constant -2147483648 : i32
          %reduce_max3A_139 = vector.broadcast %reduce_max3A_138 : i32 to vector<16xi32>
          %reduce_max3A_140 = arith.xori %gather3A_135, %reduce_max3A_139 : vector<16xi32>
          %reduce_max3A_141 = tpu.scan <max>, %reduce_max3A_140 masked %reduce_max3A_137 : vector<16xi32>, vector<16xi1> -> vector<16xi32>
          %reduce_max3A_142 = arith.xori %reduce_max3A_141, %reduce_max3A_139 : vector<16xi32>
          %reduce_max3A_143 = vector.extract %reduce_max3A_142[15] : i32 from vector<16xi32>
          %and3A_144 = arith.constant 31 : i32
          %and3A_145 = arith.andi %reduce_max3A_143, %and3A_144 : i32
          %mul3A_146 = arith.constant 4 : i32
          %mul3A_147 = arith.muli %and3A_145, %mul3A_146 : i32
          %min3A = arith.constant 3 : i32
          %min3A_148 = vector.broadcast %min3A : i32 to vector<16xi32>
          %min3A_149 = arith.minsi %iota3A, %min3A_148 : vector<16xi32>
          %add3A_150 = vector.broadcast %mul3A_147 : i32 to vector<16xi32>
          %add3A_151 = arith.addi %add3A_150, %min3A_149 : vector<16xi32>
          %gather3A_152 = tpu.vector_load_idx %arg16[%broadcast_in_dim3A_123, %add3A_151] : memref<16x128xf32, #tpu.memory_space<vmem>>[vector<16xi32>, vector<16xi32>], vector<16xf32>,
          %slice3A = vector.extract_strided_slice %gather3A_152 {offsets = [0], sizes = [1], strides = [1]} : vector<16xf32> to vector<1xf32>
          %squeeze3A = vector.extract %slice3A[0] : f32 from vector<1xf32>
          %get3A_153 = arith.index_cast %scan3A_121 : i32 to index
          %get3A_154 = arith.constant 0 : index
          %get3A_155 = tpu.vector_load %arg15[%get3A_153, %get3A_154] {strides = array<i32>} : memref<16x512xf32, #tpu.memory_space<vmem>>, vector<16xf32>,
          %mul3A_156 = vector.broadcast %squeeze3A : f32 to vector<16xf32>
          %mul3A_157 = arith.mulf %get3A_155, %mul3A_156 : vector<16xf32>
          %swap3A_158 = arith.index_cast %reduce_max3A_132 : i32 to index
          %swap3A_159 = arith.constant 0 : index
          %swap3A_160 = tpu.vector_load %arg8[%swap3A_158, %swap3A_159] {strides = array<i32>} : memref<160x512xf32, #tpu.memory_space<vmem>>, vector<16xf32>,
          tpu.vector_store %arg8[%swap3A_158, %swap3A_159], %mul3A_157 {add = true, strides = array<i32>} : memref<160x512xf32, #tpu.memory_space<vmem>>, vector<16xf32>,
          %get3A_161 = arith.index_cast %scan3A_121 : i32 to index
          %get3A_162 = arith.constant 16 : index
          %get3A_163 = tpu.vector_load %arg15[%get3A_161, %get3A_162] {strides = array<i32>} : memref<16x512xf32, #tpu.memory_space<vmem>>, vector<16xf32>,
          %mul3A_164 = vector.broadcast %squeeze3A : f32 to vector<16xf32>
          %mul3A_165 = arith.mulf %get3A_163, %mul3A_164 : vector<16xf32>
          %swap3A_166 = arith.index_cast %reduce_max3A_132 : i32 to index
          %swap3A_167 = arith.constant 16 : index
          %swap3A_168 = tpu.vector_load %arg8[%swap3A_166, %swap3A_167] {strides = array<i32>} : memref<160x512xf32, #tpu.memory_space<vmem>>, vector<16xf32>,
          tpu.vector_store %arg8[%swap3A_166, %swap3A_167], %mul3A_165 {add = true, strides = array<i32>} : memref<160x512xf32, #tpu.memory_space<vmem>>, vector<16xf32>,
          %get3A_169 = arith.index_cast %scan3A_121 : i32 to index
          %get3A_170 = arith.constant 32 : index
          %get3A_171 = tpu.vector_load %arg15[%get3A_169, %get3A_170] {strides = array<i32>} : memref<16x512xf32, #tpu.memory_space<vmem>>, vector<16xf32>,
          %mul3A_172 = vector.broadcast %squeeze3A : f32 to vector<16xf32>
          %mul3A_173 = arith.mulf %get3A_171, %mul3A_172 : vector<16xf32>
          %swap3A_174 = arith.index_cast %reduce_max3A_132 : i32 to index
          %swap3A_175 = arith.constant 32 : index
          %swap3A_176 = tpu.vector_load %arg8[%swap3A_174, %swap3A_175] {strides = array<i32>} : memref<160x512xf32, #tpu.memory_space<vmem>>, vector<16xf32>,
          tpu.vector_store %arg8[%swap3A_174, %swap3A_175], %mul3A_173 {add = true, strides = array<i32>} : memref<160x512xf32, #tpu.memory_space<vmem>>, vector<16xf32>,
          %get3A_177 = arith.index_cast %scan3A_121 : i32 to index
          %get3A_178 = arith.constant 48 : index
          %get3A_179 = tpu.vector_load %arg15[%get3A_177, %get3A_178] {strides = array<i32>} : memref<16x512xf32, #tpu.memory_space<vmem>>, vector<16xf32>,
          %mul3A_180 = vector.broadcast %squeeze3A : f32 to vector<16xf32>
          %mul3A_181 = arith.mulf %get3A_179, %mul3A_180 : vector<16xf32>
          %swap3A_182 = arith.index_cast %reduce_max3A_132 : i32 to index
          %swap3A_183 = arith.constant 48 : index
          %swap3A_184 = tpu.vector_load %arg8[%swap3A_182, %swap3A_183] {strides = array<i32>} : memref<160x512xf32, #tpu.memory_space<vmem>>, vector<16xf32>,
          tpu.vector_store %arg8[%swap3A_182, %swap3A_183], %mul3A_181 {add = true, strides = array<i32>} : memref<160x512xf32, #tpu.memory_space<vmem>>, vector<16xf32>,
          %get3A_185 = arith.index_cast %scan3A_121 : i32 to index
          %get3A_186 = arith.constant 64 : index
          %get3A_187 = tpu.vector_load %arg15[%get3A_185, %get3A_186] {strides = array<i32>} : memref<16x512xf32, #tpu.memory_space<vmem>>, vector<16xf32>,
          %mul3A_188 = vector.broadcast %squeeze3A : f32 to vector<16xf32>
          %mul3A_189 = arith.mulf %get3A_187, %mul3A_188 : vector<16xf32>
          %swap3A_190 = arith.index_cast %reduce_max3A_132 : i32 to index
          %swap3A_191 = arith.constant 64 : index
          %swap3A_192 = tpu.vector_load %arg8[%swap3A_190, %swap3A_191] {strides = array<i32>} : memref<160x512xf32, #tpu.memory_space<vmem>>, vector<16xf32>,
          tpu.vector_store %arg8[%swap3A_190, %swap3A_191], %mul3A_189 {add = true, strides = array<i32>} : memref<160x512xf32, #tpu.memory_space<vmem>>, vector<16xf32>,
          %get3A_193 = arith.index_cast %scan3A_121 : i32 to index
          %get3A_194 = arith.constant 80 : index
          %get3A_195 = tpu.vector_load %arg15[%get3A_193, %get3A_194] {strides = array<i32>} : memref<16x512xf32, #tpu.memory_space<vmem>>, vector<16xf32>,
          %mul3A_196 = vector.broadcast %squeeze3A : f32 to vector<16xf32>
          %mul3A_197 = arith.mulf %get3A_195, %mul3A_196 : vector<16xf32>
          %swap3A_198 = arith.index_cast %reduce_max3A_132 : i32 to index
          %swap3A_199 = arith.constant 80 : index
          %swap3A_200 = tpu.vector_load %arg8[%swap3A_198, %swap3A_199] {strides = array<i32>} : memref<160x512xf32, #tpu.memory_space<vmem>>, vector<16xf32>,
          tpu.vector_store %arg8[%swap3A_198, %swap3A_199], %mul3A_197 {add = true, strides = array<i32>} : memref<160x512xf32, #tpu.memory_space<vmem>>, vector<16xf32>,
          %get3A_201 = arith.index_cast %scan3A_121 : i32 to index
          %get3A_202 = arith.constant 96 : index
          %get3A_203 = tpu.vector_load %arg15[%get3A_201, %get3A_202] {strides = array<i32>} : memref<16x512xf32, #tpu.memory_space<vmem>>, vector<16xf32>,
          %mul3A_204 = vector.broadcast %squeeze3A : f32 to vector<16xf32>
          %mul3A_205 = arith.mulf %get3A_203, %mul3A_204 : vector<16xf32>
          %swap3A_206 = arith.index_cast %reduce_max3A_132 : i32 to index
          %swap3A_207 = arith.constant 96 : index
          %swap3A_208 = tpu.vector_load %arg8[%swap3A_206, %swap3A_207] {strides = array<i32>} : memref<160x512xf32, #tpu.memory_space<vmem>>, vector<16xf32>,
          tpu.vector_store %arg8[%swap3A_206, %swap3A_207], %mul3A_205 {add = true, strides = array<i32>} : memref<160x512xf32, #tpu.memory_space<vmem>>, vector<16xf32>,
          %get3A_209 = arith.index_cast %scan3A_121 : i32 to index
          %get3A_210 = arith.constant 112 : index
          %get3A_211 = tpu.vector_load %arg15[%get3A_209, %get3A_210] {strides = array<i32>} : memref<16x512xf32, #tpu.memory_space<vmem>>, vector<16xf32>,
          %mul3A_212 = vector.broadcast %squeeze3A : f32 to vector<16xf32>
          %mul3A_213 = arith.mulf %get3A_211, %mul3A_212 : vector<16xf32>
          %swap3A_214 = arith.index_cast %reduce_max3A_132 : i32 to index
          %swap3A_215 = arith.constant 112 : index
          %swap3A_216 = tpu.vector_load %arg8[%swap3A_214, %swap3A_215] {strides = array<i32>} : memref<160x512xf32, #tpu.memory_space<vmem>>, vector<16xf32>,
          tpu.vector_store %arg8[%swap3A_214, %swap3A_215], %mul3A_213 {add = true, strides = array<i32>} : memref<160x512xf32, #tpu.memory_space<vmem>>, vector<16xf32>,
          %slice3A_217 = vector.extract_strided_slice %gather3A_152 {offsets = [1], sizes = [1], strides = [1]} : vector<16xf32> to vector<1xf32>
          %squeeze3A_218 = vector.extract %slice3A_217[0] : f32 from vector<1xf32>
          %get3A_219 = arith.index_cast %scan3A_121 : i32 to index
          %get3A_220 = arith.constant 128 : index
          %get3A_221 = tpu.vector_load %arg15[%get3A_219, %get3A_220] {strides = array<i32>} : memref<16x512xf32, #tpu.memory_space<vmem>>, vector<16xf32>,
          %mul3A_222 = vector.broadcast %squeeze3A_218 : f32 to vector<16xf32>
          %mul3A_223 = arith.mulf %get3A_221, %mul3A_222 : vector<16xf32>
          %swap3A_224 = arith.index_cast %reduce_max3A_132 : i32 to index
          %swap3A_225 = arith.constant 128 : index
          %swap3A_226 = tpu.vector_load %arg8[%swap3A_224, %swap3A_225] {strides = array<i32>} : memref<160x512xf32, #tpu.memory_space<vmem>>, vector<16xf32>,
          tpu.vector_store %arg8[%swap3A_224, %swap3A_225], %mul3A_223 {add = true, strides = array<i32>} : memref<160x512xf32, #tpu.memory_space<vmem>>, vector<16xf32>,
          %get3A_227 = arith.index_cast %scan3A_121 : i32 to index
          %get3A_228 = arith.constant 144 : index
          %get3A_229 = tpu.vector_load %arg15[%get3A_227, %get3A_228] {strides = array<i32>} : memref<16x512xf32, #tpu.memory_space<vmem>>, vector<16xf32>,
          %mul3A_230 = vector.broadcast %squeeze3A_218 : f32 to vector<16xf32>
          %mul3A_231 = arith.mulf %get3A_229, %mul3A_230 : vector<16xf32>
          %swap3A_232 = arith.index_cast %reduce_max3A_132 : i32 to index
          %swap3A_233 = arith.constant 144 : index
          %swap3A_234 = tpu.vector_load %arg8[%swap3A_232, %swap3A_233] {strides = array<i32>} : memref<160x512xf32, #tpu.memory_space<vmem>>, vector<16xf32>,
          tpu.vector_store %arg8[%swap3A_232, %swap3A_233], %mul3A_231 {add = true, strides = array<i32>} : memref<160x512xf32, #tpu.memory_space<vmem>>, vector<16xf32>,
          %get3A_235 = arith.index_cast %scan3A_121 : i32 to index
          %get3A_236 = arith.constant 160 : index
          %get3A_237 = tpu.vector_load %arg15[%get3A_235, %get3A_236] {strides = array<i32>} : memref<16x512xf32, #tpu.memory_space<vmem>>, vector<16xf32>,
          %mul3A_238 = vector.broadcast %squeeze3A_218 : f32 to vector<16xf32>
          %mul3A_239 = arith.mulf %get3A_237, %mul3A_238 : vector<16xf32>
          %swap3A_240 = arith.index_cast %reduce_max3A_132 : i32 to index
          %swap3A_241 = arith.constant 160 : index
          %swap3A_242 = tpu.vector_load %arg8[%swap3A_240, %swap3A_241] {strides = array<i32>} : memref<160x512xf32, #tpu.memory_space<vmem>>, vector<16xf32>,
          tpu.vector_store %arg8[%swap3A_240, %swap3A_241], %mul3A_239 {add = true, strides = array<i32>} : memref<160x512xf32, #tpu.memory_space<vmem>>, vector<16xf32>,
          %get3A_243 = arith.index_cast %scan3A_121 : i32 to index
          %get3A_244 = arith.constant 176 : index
          %get3A_245 = tpu.vector_load %arg15[%get3A_243, %get3A_244] {strides = array<i32>} : memref<16x512xf32, #tpu.memory_space<vmem>>, vector<16xf32>,
          %mul3A_246 = vector.broadcast %squeeze3A_218 : f32 to vector<16xf32>
          %mul3A_247 = arith.mulf %get3A_245, %mul3A_246 : vector<16xf32>
          %swap3A_248 = arith.index_cast %reduce_max3A_132 : i32 to index
          %swap3A_249 = arith.constant 176 : index
          %swap3A_250 = tpu.vector_load %arg8[%swap3A_248, %swap3A_249] {strides = array<i32>} : memref<160x512xf32, #tpu.memory_space<vmem>>, vector<16xf32>,
          tpu.vector_store %arg8[%swap3A_248, %swap3A_249], %mul3A_247 {add = true, strides = array<i32>} : memref<160x512xf32, #tpu.memory_space<vmem>>, vector<16xf32>,
          %get3A_251 = arith.index_cast %scan3A_121 : i32 to index
          %get3A_252 = arith.constant 192 : index
          %get3A_253 = tpu.vector_load %arg15[%get3A_251, %get3A_252] {strides = array<i32>} : memref<16x512xf32, #tpu.memory_space<vmem>>, vector<16xf32>,
          %mul3A_254 = vector.broadcast %squeeze3A_218 : f32 to vector<16xf32>
          %mul3A_255 = arith.mulf %get3A_253, %mul3A_254 : vector<16xf32>
          %swap3A_256 = arith.index_cast %reduce_max3A_132 : i32 to index
          %swap3A_257 = arith.constant 192 : index
          %swap3A_258 = tpu.vector_load %arg8[%swap3A_256, %swap3A_257] {strides = array<i32>} : memref<160x512xf32, #tpu.memory_space<vmem>>, vector<16xf32>,
          tpu.vector_store %arg8[%swap3A_256, %swap3A_257], %mul3A_255 {add = true, strides = array<i32>} : memref<160x512xf32, #tpu.memory_space<vmem>>, vector<16xf32>,
          %get3A_259 = arith.index_cast %scan3A_121 : i32 to index
          %get3A_260 = arith.constant 208 : index
          %get3A_261 = tpu.vector_load %arg15[%get3A_259, %get3A_260] {strides = array<i32>} : memref<16x512xf32, #tpu.memory_space<vmem>>, vector<16xf32>,
          %mul3A_262 = vector.broadcast %squeeze3A_218 : f32 to vector<16xf32>
          %mul3A_263 = arith.mulf %get3A_261, %mul3A_262 : vector<16xf32>
          %swap3A_264 = arith.index_cast %reduce_max3A_132 : i32 to index
          %swap3A_265 = arith.constant 208 : index
          %swap3A_266 = tpu.vector_load %arg8[%swap3A_264, %swap3A_265] {strides = array<i32>} : memref<160x512xf32, #tpu.memory_space<vmem>>, vector<16xf32>,
          tpu.vector_store %arg8[%swap3A_264, %swap3A_265], %mul3A_263 {add = true, strides = array<i32>} : memref<160x512xf32, #tpu.memory_space<vmem>>, vector<16xf32>,
          %get3A_267 = arith.index_cast %scan3A_121 : i32 to index
          %get3A_268 = arith.constant 224 : index
          %get3A_269 = tpu.vector_load %arg15[%get3A_267, %get3A_268] {strides = array<i32>} : memref<16x512xf32, #tpu.memory_space<vmem>>, vector<16xf32>,
          %mul3A_270 = vector.broadcast %squeeze3A_218 : f32 to vector<16xf32>
          %mul3A_271 = arith.mulf %get3A_269, %mul3A_270 : vector<16xf32>
          %swap3A_272 = arith.index_cast %reduce_max3A_132 : i32 to index
          %swap3A_273 = arith.constant 224 : index
          %swap3A_274 = tpu.vector_load %arg8[%swap3A_272, %swap3A_273] {strides = array<i32>} : memref<160x512xf32, #tpu.memory_space<vmem>>, vector<16xf32>,
          tpu.vector_store %arg8[%swap3A_272, %swap3A_273], %mul3A_271 {add = true, strides = array<i32>} : memref<160x512xf32, #tpu.memory_space<vmem>>, vector<16xf32>,
          %get3A_275 = arith.index_cast %scan3A_121 : i32 to index
          %get3A_276 = arith.constant 240 : index
          %get3A_277 = tpu.vector_load %arg15[%get3A_275, %get3A_276] {strides = array<i32>} : memref<16x512xf32, #tpu.memory_space<vmem>>, vector<16xf32>,
          %mul3A_278 = vector.broadcast %squeeze3A_218 : f32 to vector<16xf32>
          %mul3A_279 = arith.mulf %get3A_277, %mul3A_278 : vector<16xf32>
          %swap3A_280 = arith.index_cast %reduce_max3A_132 : i32 to index
          %swap3A_281 = arith.constant 240 : index
          %swap3A_282 = tpu.vector_load %arg8[%swap3A_280, %swap3A_281] {strides = array<i32>} : memref<160x512xf32, #tpu.memory_space<vmem>>, vector<16xf32>,
          tpu.vector_store %arg8[%swap3A_280, %swap3A_281], %mul3A_279 {add = true, strides = array<i32>} : memref<160x512xf32, #tpu.memory_space<vmem>>, vector<16xf32>,
          %slice3A_283 = vector.extract_strided_slice %gather3A_152 {offsets = [2], sizes = [1], strides = [1]} : vector<16xf32> to vector<1xf32>
          %squeeze3A_284 = vector.extract %slice3A_283[0] : f32 from vector<1xf32>
          %get3A_285 = arith.index_cast %scan3A_121 : i32 to index
          %get3A_286 = arith.constant 256 : index
          %get3A_287 = tpu.vector_load %arg15[%get3A_285, %get3A_286] {strides = array<i32>} : memref<16x512xf32, #tpu.memory_space<vmem>>, vector<16xf32>,
          %mul3A_288 = vector.broadcast %squeeze3A_284 : f32 to vector<16xf32>
          %mul3A_289 = arith.mulf %get3A_287, %mul3A_288 : vector<16xf32>
          %swap3A_290 = arith.index_cast %reduce_max3A_132 : i32 to index
          %swap3A_291 = arith.constant 256 : index
          %swap3A_292 = tpu.vector_load %arg8[%swap3A_290, %swap3A_291] {strides = array<i32>} : memref<160x512xf32, #tpu.memory_space<vmem>>, vector<16xf32>,
          tpu.vector_store %arg8[%swap3A_290, %swap3A_291], %mul3A_289 {add = true, strides = array<i32>} : memref<160x512xf32, #tpu.memory_space<vmem>>, vector<16xf32>,
          %get3A_293 = arith.index_cast %scan3A_121 : i32 to index
          %get3A_294 = arith.constant 272 : index
          %get3A_295 = tpu.vector_load %arg15[%get3A_293, %get3A_294] {strides = array<i32>} : memref<16x512xf32, #tpu.memory_space<vmem>>, vector<16xf32>,
          %mul3A_296 = vector.broadcast %squeeze3A_284 : f32 to vector<16xf32>
          %mul3A_297 = arith.mulf %get3A_295, %mul3A_296 : vector<16xf32>
          %swap3A_298 = arith.index_cast %reduce_max3A_132 : i32 to index
          %swap3A_299 = arith.constant 272 : index
          %swap3A_300 = tpu.vector_load %arg8[%swap3A_298, %swap3A_299] {strides = array<i32>} : memref<160x512xf32, #tpu.memory_space<vmem>>, vector<16xf32>,
          tpu.vector_store %arg8[%swap3A_298, %swap3A_299], %mul3A_297 {add = true, strides = array<i32>} : memref<160x512xf32, #tpu.memory_space<vmem>>, vector<16xf32>,
          %get3A_301 = arith.index_cast %scan3A_121 : i32 to index
          %get3A_302 = arith.constant 288 : index
          %get3A_303 = tpu.vector_load %arg15[%get3A_301, %get3A_302] {strides = array<i32>} : memref<16x512xf32, #tpu.memory_space<vmem>>, vector<16xf32>,
          %mul3A_304 = vector.broadcast %squeeze3A_284 : f32 to vector<16xf32>
          %mul3A_305 = arith.mulf %get3A_303, %mul3A_304 : vector<16xf32>
          %swap3A_306 = arith.index_cast %reduce_max3A_132 : i32 to index
          %swap3A_307 = arith.constant 288 : index
          %swap3A_308 = tpu.vector_load %arg8[%swap3A_306, %swap3A_307] {strides = array<i32>} : memref<160x512xf32, #tpu.memory_space<vmem>>, vector<16xf32>,
          tpu.vector_store %arg8[%swap3A_306, %swap3A_307], %mul3A_305 {add = true, strides = array<i32>} : memref<160x512xf32, #tpu.memory_space<vmem>>, vector<16xf32>,
          %get3A_309 = arith.index_cast %scan3A_121 : i32 to index
          %get3A_310 = arith.constant 304 : index
          %get3A_311 = tpu.vector_load %arg15[%get3A_309, %get3A_310] {strides = array<i32>} : memref<16x512xf32, #tpu.memory_space<vmem>>, vector<16xf32>,
          %mul3A_312 = vector.broadcast %squeeze3A_284 : f32 to vector<16xf32>
          %mul3A_313 = arith.mulf %get3A_311, %mul3A_312 : vector<16xf32>
          %swap3A_314 = arith.index_cast %reduce_max3A_132 : i32 to index
          %swap3A_315 = arith.constant 304 : index
          %swap3A_316 = tpu.vector_load %arg8[%swap3A_314, %swap3A_315] {strides = array<i32>} : memref<160x512xf32, #tpu.memory_space<vmem>>, vector<16xf32>,
          tpu.vector_store %arg8[%swap3A_314, %swap3A_315], %mul3A_313 {add = true, strides = array<i32>} : memref<160x512xf32, #tpu.memory_space<vmem>>, vector<16xf32>,
          %get3A_317 = arith.index_cast %scan3A_121 : i32 to index
          %get3A_318 = arith.constant 320 : index
          %get3A_319 = tpu.vector_load %arg15[%get3A_317, %get3A_318] {strides = array<i32>} : memref<16x512xf32, #tpu.memory_space<vmem>>, vector<16xf32>,
          %mul3A_320 = vector.broadcast %squeeze3A_284 : f32 to vector<16xf32>
          %mul3A_321 = arith.mulf %get3A_319, %mul3A_320 : vector<16xf32>
          %swap3A_322 = arith.index_cast %reduce_max3A_132 : i32 to index
          %swap3A_323 = arith.constant 320 : index
          %swap3A_324 = tpu.vector_load %arg8[%swap3A_322, %swap3A_323] {strides = array<i32>} : memref<160x512xf32, #tpu.memory_space<vmem>>, vector<16xf32>,
          tpu.vector_store %arg8[%swap3A_322, %swap3A_323], %mul3A_321 {add = true, strides = array<i32>} : memref<160x512xf32, #tpu.memory_space<vmem>>, vector<16xf32>,
          %get3A_325 = arith.index_cast %scan3A_121 : i32 to index
          %get3A_326 = arith.constant 336 : index
          %get3A_327 = tpu.vector_load %arg15[%get3A_325, %get3A_326] {strides = array<i32>} : memref<16x512xf32, #tpu.memory_space<vmem>>, vector<16xf32>,
          %mul3A_328 = vector.broadcast %squeeze3A_284 : f32 to vector<16xf32>
          %mul3A_329 = arith.mulf %get3A_327, %mul3A_328 : vector<16xf32>
          %swap3A_330 = arith.index_cast %reduce_max3A_132 : i32 to index
          %swap3A_331 = arith.constant 336 : index
          %swap3A_332 = tpu.vector_load %arg8[%swap3A_330, %swap3A_331] {strides = array<i32>} : memref<160x512xf32, #tpu.memory_space<vmem>>, vector<16xf32>,
          tpu.vector_store %arg8[%swap3A_330, %swap3A_331], %mul3A_329 {add = true, strides = array<i32>} : memref<160x512xf32, #tpu.memory_space<vmem>>, vector<16xf32>,
          %get3A_333 = arith.index_cast %scan3A_121 : i32 to index
          %get3A_334 = arith.constant 352 : index
          %get3A_335 = tpu.vector_load %arg15[%get3A_333, %get3A_334] {strides = array<i32>} : memref<16x512xf32, #tpu.memory_space<vmem>>, vector<16xf32>,
          %mul3A_336 = vector.broadcast %squeeze3A_284 : f32 to vector<16xf32>
          %mul3A_337 = arith.mulf %get3A_335, %mul3A_336 : vector<16xf32>
          %swap3A_338 = arith.index_cast %reduce_max3A_132 : i32 to index
          %swap3A_339 = arith.constant 352 : index
          %swap3A_340 = tpu.vector_load %arg8[%swap3A_338, %swap3A_339] {strides = array<i32>} : memref<160x512xf32, #tpu.memory_space<vmem>>, vector<16xf32>,
          tpu.vector_store %arg8[%swap3A_338, %swap3A_339], %mul3A_337 {add = true, strides = array<i32>} : memref<160x512xf32, #tpu.memory_space<vmem>>, vector<16xf32>,
          %get3A_341 = arith.index_cast %scan3A_121 : i32 to index
          %get3A_342 = arith.constant 368 : index
          %get3A_343 = tpu.vector_load %arg15[%get3A_341, %get3A_342] {strides = array<i32>} : memref<16x512xf32, #tpu.memory_space<vmem>>, vector<16xf32>,
          %mul3A_344 = vector.broadcast %squeeze3A_284 : f32 to vector<16xf32>
          %mul3A_345 = arith.mulf %get3A_343, %mul3A_344 : vector<16xf32>
          %swap3A_346 = arith.index_cast %reduce_max3A_132 : i32 to index
          %swap3A_347 = arith.constant 368 : index
          %swap3A_348 = tpu.vector_load %arg8[%swap3A_346, %swap3A_347] {strides = array<i32>} : memref<160x512xf32, #tpu.memory_space<vmem>>, vector<16xf32>,
          tpu.vector_store %arg8[%swap3A_346, %swap3A_347], %mul3A_345 {add = true, strides = array<i32>} : memref<160x512xf32, #tpu.memory_space<vmem>>, vector<16xf32>,
          %slice3A_349 = vector.extract_strided_slice %gather3A_152 {offsets = [3], sizes = [1], strides = [1]} : vector<16xf32> to vector<1xf32>
          %squeeze3A_350 = vector.extract %slice3A_349[0] : f32 from vector<1xf32>
          %get3A_351 = arith.index_cast %scan3A_121 : i32 to index
          %get3A_352 = arith.constant 384 : index
          %get3A_353 = tpu.vector_load %arg15[%get3A_351, %get3A_352] {strides = array<i32>} : memref<16x512xf32, #tpu.memory_space<vmem>>, vector<16xf32>,
          %mul3A_354 = vector.broadcast %squeeze3A_350 : f32 to vector<16xf32>
          %mul3A_355 = arith.mulf %get3A_353, %mul3A_354 : vector<16xf32>
          %swap3A_356 = arith.index_cast %reduce_max3A_132 : i32 to index
          %swap3A_357 = arith.constant 384 : index
          %swap3A_358 = tpu.vector_load %arg8[%swap3A_356, %swap3A_357] {strides = array<i32>} : memref<160x512xf32, #tpu.memory_space<vmem>>, vector<16xf32>,
          tpu.vector_store %arg8[%swap3A_356, %swap3A_357], %mul3A_355 {add = true, strides = array<i32>} : memref<160x512xf32, #tpu.memory_space<vmem>>, vector<16xf32>,
          %get3A_359 = arith.index_cast %scan3A_121 : i32 to index
          %get3A_360 = arith.constant 400 : index
          %get3A_361 = tpu.vector_load %arg15[%get3A_359, %get3A_360] {strides = array<i32>} : memref<16x512xf32, #tpu.memory_space<vmem>>, vector<16xf32>,
          %mul3A_362 = vector.broadcast %squeeze3A_350 : f32 to vector<16xf32>
          %mul3A_363 = arith.mulf %get3A_361, %mul3A_362 : vector<16xf32>
          %swap3A_364 = arith.index_cast %reduce_max3A_132 : i32 to index
          %swap3A_365 = arith.constant 400 : index
          %swap3A_366 = tpu.vector_load %arg8[%swap3A_364, %swap3A_365] {strides = array<i32>} : memref<160x512xf32, #tpu.memory_space<vmem>>, vector<16xf32>,
          tpu.vector_store %arg8[%swap3A_364, %swap3A_365], %mul3A_363 {add = true, strides = array<i32>} : memref<160x512xf32, #tpu.memory_space<vmem>>, vector<16xf32>,
          %get3A_367 = arith.index_cast %scan3A_121 : i32 to index
          %get3A_368 = arith.constant 416 : index
          %get3A_369 = tpu.vector_load %arg15[%get3A_367, %get3A_368] {strides = array<i32>} : memref<16x512xf32, #tpu.memory_space<vmem>>, vector<16xf32>,
          %mul3A_370 = vector.broadcast %squeeze3A_350 : f32 to vector<16xf32>
          %mul3A_371 = arith.mulf %get3A_369, %mul3A_370 : vector<16xf32>
          %swap3A_372 = arith.index_cast %reduce_max3A_132 : i32 to index
          %swap3A_373 = arith.constant 416 : index
          %swap3A_374 = tpu.vector_load %arg8[%swap3A_372, %swap3A_373] {strides = array<i32>} : memref<160x512xf32, #tpu.memory_space<vmem>>, vector<16xf32>,
          tpu.vector_store %arg8[%swap3A_372, %swap3A_373], %mul3A_371 {add = true, strides = array<i32>} : memref<160x512xf32, #tpu.memory_space<vmem>>, vector<16xf32>,
          %get3A_375 = arith.index_cast %scan3A_121 : i32 to index
          %get3A_376 = arith.constant 432 : index
          %get3A_377 = tpu.vector_load %arg15[%get3A_375, %get3A_376] {strides = array<i32>} : memref<16x512xf32, #tpu.memory_space<vmem>>, vector<16xf32>,
          %mul3A_378 = vector.broadcast %squeeze3A_350 : f32 to vector<16xf32>
          %mul3A_379 = arith.mulf %get3A_377, %mul3A_378 : vector<16xf32>
          %swap3A_380 = arith.index_cast %reduce_max3A_132 : i32 to index
          %swap3A_381 = arith.constant 432 : index
          %swap3A_382 = tpu.vector_load %arg8[%swap3A_380, %swap3A_381] {strides = array<i32>} : memref<160x512xf32, #tpu.memory_space<vmem>>, vector<16xf32>,
          tpu.vector_store %arg8[%swap3A_380, %swap3A_381], %mul3A_379 {add = true, strides = array<i32>} : memref<160x512xf32, #tpu.memory_space<vmem>>, vector<16xf32>,
          %get3A_383 = arith.index_cast %scan3A_121 : i32 to index
          %get3A_384 = arith.constant 448 : index
          %get3A_385 = tpu.vector_load %arg15[%get3A_383, %get3A_384] {strides = array<i32>} : memref<16x512xf32, #tpu.memory_space<vmem>>, vector<16xf32>,
          %mul3A_386 = vector.broadcast %squeeze3A_350 : f32 to vector<16xf32>
          %mul3A_387 = arith.mulf %get3A_385, %mul3A_386 : vector<16xf32>
          %swap3A_388 = arith.index_cast %reduce_max3A_132 : i32 to index
          %swap3A_389 = arith.constant 448 : index
          %swap3A_390 = tpu.vector_load %arg8[%swap3A_388, %swap3A_389] {strides = array<i32>} : memref<160x512xf32, #tpu.memory_space<vmem>>, vector<16xf32>,
          tpu.vector_store %arg8[%swap3A_388, %swap3A_389], %mul3A_387 {add = true, strides = array<i32>} : memref<160x512xf32, #tpu.memory_space<vmem>>, vector<16xf32>,
          %get3A_391 = arith.index_cast %scan3A_121 : i32 to index
          %get3A_392 = arith.constant 464 : index
          %get3A_393 = tpu.vector_load %arg15[%get3A_391, %get3A_392] {strides = array<i32>} : memref<16x512xf32, #tpu.memory_space<vmem>>, vector<16xf32>,
          %mul3A_394 = vector.broadcast %squeeze3A_350 : f32 to vector<16xf32>
          %mul3A_395 = arith.mulf %get3A_393, %mul3A_394 : vector<16xf32>
          %swap3A_396 = arith.index_cast %reduce_max3A_132 : i32 to index
          %swap3A_397 = arith.constant 464 : index
          %swap3A_398 = tpu.vector_load %arg8[%swap3A_396, %swap3A_397] {strides = array<i32>} : memref<160x512xf32, #tpu.memory_space<vmem>>, vector<16xf32>,
          tpu.vector_store %arg8[%swap3A_396, %swap3A_397], %mul3A_395 {add = true, strides = array<i32>} : memref<160x512xf32, #tpu.memory_space<vmem>>, vector<16xf32>,
          %get3A_399 = arith.index_cast %scan3A_121 : i32 to index
          %get3A_400 = arith.constant 480 : index
          %get3A_401 = tpu.vector_load %arg15[%get3A_399, %get3A_400] {strides = array<i32>} : memref<16x512xf32, #tpu.memory_space<vmem>>, vector<16xf32>,
          %mul3A_402 = vector.broadcast %squeeze3A_350 : f32 to vector<16xf32>
          %mul3A_403 = arith.mulf %get3A_401, %mul3A_402 : vector<16xf32>
          %swap3A_404 = arith.index_cast %reduce_max3A_132 : i32 to index
          %swap3A_405 = arith.constant 480 : index
          %swap3A_406 = tpu.vector_load %arg8[%swap3A_404, %swap3A_405] {strides = array<i32>} : memref<160x512xf32, #tpu.memory_space<vmem>>, vector<16xf32>,
          tpu.vector_store %arg8[%swap3A_404, %swap3A_405], %mul3A_403 {add = true, strides = array<i32>} : memref<160x512xf32, #tpu.memory_space<vmem>>, vector<16xf32>,
          %get3A_407 = arith.index_cast %scan3A_121 : i32 to index
          %get3A_408 = arith.constant 496 : index
          %get3A_409 = tpu.vector_load %arg15[%get3A_407, %get3A_408] {strides = array<i32>} : memref<16x512xf32, #tpu.memory_space<vmem>>, vector<16xf32>,
          %mul3A_410 = vector.broadcast %squeeze3A_350 : f32 to vector<16xf32>
          %mul3A_411 = arith.mulf %get3A_409, %mul3A_410 : vector<16xf32>
          %swap3A_412 = arith.index_cast %reduce_max3A_132 : i32 to index
          %swap3A_413 = arith.constant 496 : index
          %swap3A_414 = tpu.vector_load %arg8[%swap3A_412, %swap3A_413] {strides = array<i32>} : memref<160x512xf32, #tpu.memory_space<vmem>>, vector<16xf32>,
          tpu.vector_store %arg8[%swap3A_412, %swap3A_413], %mul3A_411 {add = true, strides = array<i32>} : memref<160x512xf32, #tpu.memory_space<vmem>>, vector<16xf32>,
          %lt3A = arith.constant 4 : i32
          %lt3A_415 = vector.broadcast %lt3A : i32 to vector<16xi32>
          %lt3A_416 = arith.cmpi slt, %iota3A, %lt3A_415 : vector<16xi32>
          %jit3A_417 = arith.constant 0.000000e+00 : f32
          %broadcast_in_dim3A_418 = vector.broadcast %jit3A_417 : f32 to vector<16xf32>
          %select_n3A_419 = arith.select %lt3A_416, %gather3A_152, %broadcast_in_dim3A_418 : vector<16xi1>, vector<16xf32>
          %swap3A_420 = arith.index_cast %reduce_max3A_132 : i32 to index
          %swap3A_421 = arith.constant 0 : index
          %swap3A_422 = tpu.vector_load %arg9[%swap3A_420, %swap3A_421] {strides = array<i32>} : memref<160x16xf32, #tpu.memory_space<vmem>>, vector<16xf32>,
          tpu.vector_store %arg9[%swap3A_420, %swap3A_421], %select_n3A_419 {add = true, strides = array<i32>} : memref<160x16xf32, #tpu.memory_space<vmem>>, vector<16xf32>,
          %scan3A_423 = arith.constant 0 : i32
          scf.yield %scan3A_423 : i32
        }
        %scan3A_119 = arith.constant 16 : i32
        %while3A_120 = arith.constant 0 : i32
        scf.yield %while3A_120 : i32
      }
      %scan3A_103 = arith.constant 0 : i32
      scf.yield %scan3A_103 : i32
    }
    %scan3A_27 = arith.constant 336 : i32
    "tpu.region"() ({
      %run_scoped3A = tpu.sem_alloc : memref<!tpu.dma_semaphore, #tpu.memory_space<semaphore_mem>>
      %dma_start3A = arith.constant 0 : i32
      %dma_start3A_53 = tpu.memref_slice %arg6[%add3A_7, %dma_start3A] : memref<10240x512xf32, #tpu.memory_space<hbm>> -> memref<160x512xf32, #tpu.memory_space<hbm>>
      %dma_start3A_54 = arith.constant 0 : i32
      %dma_start3A_55 = tpu.memref_slice %arg6[%add3A_7, %dma_start3A_54] : memref<10240x512xf32, #tpu.memory_space<hbm>> -> memref<160x512xf32, #tpu.memory_space<hbm>>
      tpu.enqueue_dma source(%arg8 : memref<160x512xf32, #tpu.memory_space<vmem>>) target(%dma_start3A_55 : memref<160x512xf32, #tpu.memory_space<hbm>>) target_semaphore(%run_scoped3A : memref<!tpu.dma_semaphore, #tpu.memory_space<semaphore_mem>>)
      %dma_wait3A = arith.constant 0 : i32
      %dma_wait3A_56 = tpu.memref_slice %arg6[%add3A_7, %dma_wait3A] : memref<10240x512xf32, #tpu.memory_space<hbm>> -> memref<160x512xf32, #tpu.memory_space<hbm>>
      %dma_wait3A_57 = arith.constant 0 : i32
      %dma_wait3A_58 = tpu.memref_slice %arg6[%add3A_7, %dma_wait3A_57] : memref<10240x512xf32, #tpu.memory_space<hbm>> -> memref<160x512xf32, #tpu.memory_space<hbm>>
      tpu.wait_dma2 semaphore(%run_scoped3A : memref<!tpu.dma_semaphore, #tpu.memory_space<semaphore_mem>>) src(%arg8 : memref<160x512xf32, #tpu.memory_space<vmem>>) dst(%dma_wait3A_58 : memref<160x512xf32, #tpu.memory_space<hbm>>)
      tpu.yield
    }) : () -> ()
    "tpu.region"() ({
      %run_scoped3A = tpu.sem_alloc : memref<!tpu.dma_semaphore, #tpu.memory_space<semaphore_mem>>
      %dma_start3A = arith.constant 0 : i32
      %dma_start3A_53 = tpu.memref_slice %arg7[%add3A_7, %dma_start3A] : memref<10240x16xf32, #tpu.memory_space<hbm>> -> memref<160x16xf32, #tpu.memory_space<hbm>>
      %dma_start3A_54 = arith.constant 0 : i32
      %dma_start3A_55 = tpu.memref_slice %arg7[%add3A_7, %dma_start3A_54] : memref<10240x16xf32, #tpu.memory_space<hbm>> -> memref<160x16xf32, #tpu.memory_space<hbm>>
      tpu.enqueue_dma source(%arg9 : memref<160x16xf32, #tpu.memory_space<vmem>>) target(%dma_start3A_55 : memref<160x16xf32, #tpu.memory_space<hbm>>) target_semaphore(%run_scoped3A : memref<!tpu.dma_semaphore, #tpu.memory_space<semaphore_mem>>)
      %dma_wait3A = arith.constant 0 : i32
      %dma_wait3A_56 = tpu.memref_slice %arg7[%add3A_7, %dma_wait3A] : memref<10240x16xf32, #tpu.memory_space<hbm>> -> memref<160x16xf32, #tpu.memory_space<hbm>>
      %dma_wait3A_57 = arith.constant 0 : i32
      %dma_wait3A_58 = tpu.memref_slice %arg7[%add3A_7, %dma_wait3A_57] : memref<10240x16xf32, #tpu.memory_space<hbm>> -> memref<160x16xf32, #tpu.memory_space<hbm>>
      tpu.wait_dma2 semaphore(%run_scoped3A : memref<!tpu.dma_semaphore, #tpu.memory_space<semaphore_mem>>) src(%arg9 : memref<160x16xf32, #tpu.memory_space<vmem>>) dst(%dma_wait3A_58 : memref<160x16xf32, #tpu.memory_space<hbm>>)
      tpu.yield
    }) : () -> ()
    %mul3A_28 = arith.constant 160 : i32
    %mul3A_29 = arith.muli %add3A, %mul3A_28 : i32
    %add3A_30 = arith.constant 5120 : i32
    %add3A_31 = arith.addi %add3A_30, %mul3A_29 : i32
    %scan3A_32 = arith.constant 0 : i32
    %scan3A_33 = arith.constant 0 : i32
    %scan3A_34 = arith.constant 5120 : i32
    %scan3A_35 = arith.addi %scan3A_33, %scan3A_34 : i32
    %scan3A_36 = arith.constant 1 : i32
    %scan3A_37 = scf.for %scan3A_53 = %scan3A_33 to %scan3A_35 step %scan3A_36 iter_args(%scan3A_54 = %scan3A_32) -> (i32)  : i32 {
      %jit3A = arith.constant 32 : i32
      %div3A = arith.divsi %scan3A_53, %jit3A : i32
      %sign3A = arith.constant 0 : i32
      %sign3A_55 = arith.cmpi sgt, %scan3A_53, %sign3A : i32
      %sign3A_56 = arith.extui %sign3A_55 : i1 to i32
      %sign3A_57 = arith.constant 0 : i32
      %sign3A_58 = arith.cmpi slt, %scan3A_53, %sign3A_57 : i32
      %sign3A_59 = arith.extui %sign3A_58 : i1 to i32
      %sign3A_60 = arith.subi %sign3A_56, %sign3A_59 : i32
      %sign3A_61 = arith.constant 0 : i32
      %sign3A_62 = arith.cmpi sgt, %jit3A, %sign3A_61 : i32
      %sign3A_63 = arith.extui %sign3A_62 : i1 to i32
      %sign3A_64 = arith.constant 0 : i32
      %sign3A_65 = arith.cmpi slt, %jit3A, %sign3A_64 : i32
      %sign3A_66 = arith.extui %sign3A_65 : i1 to i32
      %sign3A_67 = arith.subi %sign3A_63, %sign3A_66 : i32
      %ne3A = arith.cmpi ne, %sign3A_60, %sign3A_67 : i32
      %rem3A = arith.remsi %scan3A_53, %jit3A : i32
      %ne3A_68 = arith.constant 0 : i32
      %ne3A_69 = arith.cmpi ne, %rem3A, %ne3A_68 : i32
      %and3A = arith.andi %ne3A, %ne3A_69 : i1
      %sub3A = arith.constant 1 : i32
      %sub3A_70 = arith.subi %div3A, %sub3A : i32
      %select_n3A = arith.select %and3A, %sub3A_70, %div3A : i32
      %jit3A_71 = arith.constant 32 : i32
      %eq3A = arith.constant 0 : i32
      %eq3A_72 = arith.cmpi eq, %jit3A_71, %eq3A : i32
      %jit3A_73 = arith.constant 1 : i32
      %select_n3A_74 = arith.select %eq3A_72, %jit3A_73, %jit3A_71 : i32
      %rem3A_75 = arith.remsi %scan3A_53, %select_n3A_74 : i32
      %ne3A_76 = arith.constant 0 : i32
      %ne3A_77 = arith.cmpi ne, %rem3A_75, %ne3A_76 : i32
      %lt3A = arith.constant 0 : i32
      %lt3A_78 = arith.cmpi slt, %rem3A_75, %lt3A : i32
      %lt3A_79 = arith.constant 0 : i32
      %lt3A_80 = arith.cmpi slt, %select_n3A_74, %lt3A_79 : i32
      %ne3A_81 = arith.xori %lt3A_78, %lt3A_80 : i1
      %and3A_82 = arith.andi %ne3A_81, %ne3A_77 : i1
      %add3A_83 = arith.addi %rem3A_75, %select_n3A_74 : i32
      %select_n3A_84 = arith.select %and3A_82, %add3A_83, %rem3A_75 : i32
      %mul3A_85 = arith.constant 16 : i32
      %mul3A_86 = arith.muli %select_n3A_84, %mul3A_85 : i32
      %swap3A = arith.index_cast %select_n3A : i32 to index
      %swap3A_87 = arith.index_cast %mul3A_86 : i32 to index
      %swap3A_88 = tpu.vector_load %arg8[%swap3A, %swap3A_87] {strides = array<i32>} : memref<160x512xf32, #tpu.memory_space<vmem>>, vector<16xf32>,
      tpu.vector_store %arg8[%swap3A, %swap3A_87], %broadcast_in_dim3A_1 {strides = array<i32>} : memref<160x512xf32, #tpu.memory_space<vmem>>, vector<16xf32>,
      %scan3A_89 = arith.constant 0 : i32
      scf.yield %scan3A_89 : i32
    }
    %scan3A_38 = arith.constant 5120 : i32
    %scan3A_39 = arith.constant 0 : i32
    %scan3A_40 = arith.constant 0 : i32
    %scan3A_41 = arith.constant 160 : i32
    %scan3A_42 = arith.addi %scan3A_40, %scan3A_41 : i32
    %scan3A_43 = arith.constant 1 : i32
    %scan3A_44 = scf.for %scan3A_53 = %scan3A_40 to %scan3A_42 step %scan3A_43 iter_args(%scan3A_54 = %scan3A_39) -> (i32)  : i32 {
      %swap3A = arith.index_cast %scan3A_53 : i32 to index
      %swap3A_55 = arith.constant 0 : index
      %swap3A_56 = tpu.vector_load %arg9[%swap3A, %swap3A_55] {strides = array<i32>} : memref<160x16xf32, #tpu.memory_space<vmem>>, vector<16xf32>,
      tpu.vector_store %arg9[%swap3A, %swap3A_55], %broadcast_in_dim3A_1 {strides = array<i32>} : memref<160x16xf32, #tpu.memory_space<vmem>>, vector<16xf32>,
      %scan3A_57 = arith.constant 0 : i32
      scf.yield %scan3A_57 : i32
    }
    %scan3A_45 = arith.constant 160 : i32
    %scan3A_46 = arith.constant 0 : i32
    %scan3A_47 = arith.constant 0 : i32
    %scan3A_48 = arith.constant 336 : i32
    %scan3A_49 = arith.addi %scan3A_47, %scan3A_48 : i32
    %scan3A_50 = arith.constant 1 : i32
    %scan3A_51 = scf.for %scan3A_53 = %scan3A_47 to %scan3A_49 step %scan3A_50 iter_args(%scan3A_54 = %scan3A_46) -> (i32)  : i32 {
      %mul3A_55 = arith.constant 1024 : i32
      %mul3A_56 = arith.muli %scan3A_53, %mul3A_55 : i32
      "tpu.region"() ({
        %run_scoped3A = tpu.sem_alloc : memref<!tpu.dma_semaphore, #tpu.memory_space<semaphore_mem>>
        %dma_start3A = tpu.memref_slice %arg3[%mul3A_56] : memref<344064xi32, #tpu.memory_space<hbm>> -> memref<1024xi32, #tpu.memory_space<hbm>>
        %dma_start3A_104 = tpu.memref_slice %arg3[%mul3A_56] : memref<344064xi32, #tpu.memory_space<hbm>> -> memref<1024xi32, #tpu.memory_space<hbm>>
        tpu.enqueue_dma source(%dma_start3A_104 : memref<1024xi32, #tpu.memory_space<hbm>>) target(%arg10 : memref<1024xi32, #tpu.memory_space<vmem>>) target_semaphore(%run_scoped3A : memref<!tpu.dma_semaphore, #tpu.memory_space<semaphore_mem>>)
        %dma_wait3A = tpu.memref_slice %arg3[%mul3A_56] : memref<344064xi32, #tpu.memory_space<hbm>> -> memref<1024xi32, #tpu.memory_space<hbm>>
        %dma_wait3A_105 = tpu.memref_slice %arg3[%mul3A_56] : memref<344064xi32, #tpu.memory_space<hbm>> -> memref<1024xi32, #tpu.memory_space<hbm>>
        tpu.wait_dma2 semaphore(%run_scoped3A : memref<!tpu.dma_semaphore, #tpu.memory_space<semaphore_mem>>) src(%dma_wait3A_105 : memref<1024xi32, #tpu.memory_space<hbm>>) dst(%arg10 : memref<1024xi32, #tpu.memory_space<vmem>>)
        tpu.yield
      }) : () -> ()
      "tpu.region"() ({
        %run_scoped3A = tpu.sem_alloc : memref<!tpu.dma_semaphore, #tpu.memory_space<semaphore_mem>>
        %dma_start3A = tpu.memref_slice %arg4[%mul3A_56] : memref<344064xi32, #tpu.memory_space<hbm>> -> memref<1024xi32, #tpu.memory_space<hbm>>
        %dma_start3A_104 = tpu.memref_slice %arg4[%mul3A_56] : memref<344064xi32, #tpu.memory_space<hbm>> -> memref<1024xi32, #tpu.memory_space<hbm>>
        tpu.enqueue_dma source(%dma_start3A_104 : memref<1024xi32, #tpu.memory_space<hbm>>) target(%arg11 : memref<1024xi32, #tpu.memory_space<vmem>>) target_semaphore(%run_scoped3A : memref<!tpu.dma_semaphore, #tpu.memory_space<semaphore_mem>>)
        %dma_wait3A = tpu.memref_slice %arg4[%mul3A_56] : memref<344064xi32, #tpu.memory_space<hbm>> -> memref<1024xi32, #tpu.memory_space<hbm>>
        %dma_wait3A_105 = tpu.memref_slice %arg4[%mul3A_56] : memref<344064xi32, #tpu.memory_space<hbm>> -> memref<1024xi32, #tpu.memory_space<hbm>>
        tpu.wait_dma2 semaphore(%run_scoped3A : memref<!tpu.dma_semaphore, #tpu.memory_space<semaphore_mem>>) src(%dma_wait3A_105 : memref<1024xi32, #tpu.memory_space<hbm>>) dst(%arg11 : memref<1024xi32, #tpu.memory_space<vmem>>)
        tpu.yield
      }) : () -> ()
      %scan3A_57 = arith.constant 0 : i32
      %scan3A_58 = arith.constant 0 : i32
      %scan3A_59 = arith.constant 64 : i32
      %scan3A_60 = arith.addi %scan3A_58, %scan3A_59 : i32
      %scan3A_61 = arith.constant 1 : i32
      %scan3A_62 = scf.for %scan3A_104 = %scan3A_58 to %scan3A_60 step %scan3A_61 iter_args(%scan3A_105 = %scan3A_57) -> (i32)  : i32 {
        %mul3A_106 = arith.constant 16 : i32
        %mul3A_107 = arith.muli %scan3A_104, %mul3A_106 : i32
        %get3A = arith.index_cast %mul3A_107 : i32 to index
        %get3A_108 = tpu.vector_load %arg11[%get3A] {strides = array<i32>} : memref<1024xi32, #tpu.memory_space<vmem>>, vector<16xi32>,
        %sub3A_109 = vector.broadcast %add3A_31 : i32 to vector<16xi32>
        %sub3A_110 = arith.subi %get3A_108, %sub3A_109 : vector<16xi32>
        %ge3A = arith.constant 0 : i32
        %ge3A_111 = vector.broadcast %ge3A : i32 to vector<16xi32>
        %ge3A_112 = arith.cmpi sge, %sub3A_110, %ge3A_111 : vector<16xi32>
        %lt3A = arith.constant 160 : i32
        %lt3A_113 = vector.broadcast %lt3A : i32 to vector<16xi32>
        %lt3A_114 = arith.cmpi slt, %sub3A_110, %lt3A_113 : vector<16xi32>
        %and3A_115 = arith.andi %ge3A_112, %lt3A_114 : vector<16xi1>
        %mul3A_116 = arith.constant 16 : i32
        %mul3A_117 = arith.muli %scan3A_104, %mul3A_116 : i32
        %get3A_118 = arith.index_cast %mul3A_117 : i32 to index
        %get3A_119 = tpu.vector_load %arg10[%get3A_118] {strides = array<i32>} : memref<1024xi32, #tpu.memory_space<vmem>>, vector<16xi32>,
        %swap3A_120 = arith.index_cast %scan3A_105 : i32 to index
        %swap3A_121 = tpu.vector_load %arg12[%swap3A_120] masked %and3A_115 {strides = array<i32>} : memref<1056xi32, #tpu.memory_space<vmem>>, vector<16xi32>, vector<16xi1>
        tpu.vector_store %arg12[%swap3A_120], %get3A_119 masked %and3A_115 {strides = array<i32>} : memref<1056xi32, #tpu.memory_space<vmem>>, vector<16xi32>, vector<16xi1>
        %swap3A_122 = arith.index_cast %scan3A_105 : i32 to index
        %swap3A_123 = tpu.vector_load %arg13[%swap3A_122] masked %and3A_115 {strides = array<i32>} : memref<1056xi32, #tpu.memory_space<vmem>>, vector<16xi32>, vector<16xi1>
        tpu.vector_store %arg13[%swap3A_122], %sub3A_110 masked %and3A_115 {strides = array<i32>} : memref<1056xi32, #tpu.memory_space<vmem>>, vector<16xi32>, vector<16xi1>
        %mul3A_124 = arith.constant 16 : i32
        %mul3A_125 = arith.muli %scan3A_104, %mul3A_124 : i32
        %add3A_126 = arith.addi %mul3A_56, %mul3A_125 : i32
        %add3A_127 = vector.broadcast %add3A_126 : i32 to vector<16xi32>
        %add3A_128 = arith.addi %add3A_127, %iota3A : vector<16xi32>
        %swap3A_129 = arith.index_cast %scan3A_105 : i32 to index
        %swap3A_130 = tpu.vector_load %arg14[%swap3A_129] masked %and3A_115 {strides = array<i32>} : memref<1056xi32, #tpu.memory_space<vmem>>, vector<16xi32>, vector<16xi1>
        tpu.vector_store %arg14[%swap3A_129], %add3A_128 masked %and3A_115 {strides = array<i32>} : memref<1056xi32, #tpu.memory_space<vmem>>, vector<16xi32>, vector<16xi1>
        %all_reduce_population_count3A = tpu.all_reduce %and3A_115 {dim = 0 : i64, kind = #tpu.reduction_kind<sum>} : vector<16xi1> -> vector<16xi32>
        %reduce_max3A = arith.constant true
        %reduce_max3A_131 = vector.broadcast %reduce_max3A : i1 to vector<16xi1>
        %reduce_max3A_132 = arith.constant -2147483648 : i32
        %reduce_max3A_133 = vector.broadcast %reduce_max3A_132 : i32 to vector<16xi32>
        %reduce_max3A_134 = arith.xori %all_reduce_population_count3A, %reduce_max3A_133 : vector<16xi32>
        %reduce_max3A_135 = tpu.scan <max>, %reduce_max3A_134 masked %reduce_max3A_131 : vector<16xi32>, vector<16xi1> -> vector<16xi32>
        %reduce_max3A_136 = arith.xori %reduce_max3A_135, %reduce_max3A_133 : vector<16xi32>
        %reduce_max3A_137 = vector.extract %reduce_max3A_136[15] : i32 from vector<16xi32>
        %add3A_138 = arith.addi %scan3A_105, %reduce_max3A_137 : i32
        scf.yield %add3A_138 : i32
      }
      %scan3A_63 = arith.constant 64 : i32
      %swap3A = arith.index_cast %scan3A_62 : i32 to index
      %swap3A_64 = tpu.vector_load %arg12[%swap3A] {strides = array<i32>} : memref<1056xi32, #tpu.memory_space<vmem>>, vector<16xi32>,
      tpu.vector_store %arg12[%swap3A], %broadcast_in_dim3A_3 {strides = array<i32>} : memref<1056xi32, #tpu.memory_space<vmem>>, vector<16xi32>,
      %swap3A_65 = arith.index_cast %scan3A_62 : i32 to index
      %swap3A_66 = tpu.vector_load %arg13[%swap3A_65] {strides = array<i32>} : memref<1056xi32, #tpu.memory_space<vmem>>, vector<16xi32>,
      tpu.vector_store %arg13[%swap3A_65], %broadcast_in_dim3A_3 {strides = array<i32>} : memref<1056xi32, #tpu.memory_space<vmem>>, vector<16xi32>,
      %add3A_67 = arith.constant 344063 : i32
      %add3A_68 = vector.broadcast %add3A_67 : i32 to vector<16xi32>
      %add3A_69 = arith.addi %broadcast_in_dim3A_3, %add3A_68 : vector<16xi32>
      %swap3A_70 = arith.index_cast %scan3A_62 : i32 to index
      %swap3A_71 = tpu.vector_load %arg14[%swap3A_70] {strides = array<i32>} : memref<1056xi32, #tpu.memory_space<vmem>>, vector<16xi32>,
      tpu.vector_store %arg14[%swap3A_70], %add3A_69 {strides = array<i32>} : memref<1056xi32, #tpu.memory_space<vmem>>, vector<16xi32>,
      %add3A_72 = arith.constant 16 : i32
      %add3A_73 = arith.addi %scan3A_62, %add3A_72 : i32
      %sub3A = arith.constant 1 : i32
      %sub3A_74 = arith.subi %add3A_73, %sub3A : i32
      %jit3A = arith.constant 16 : i32
      %div3A = arith.divsi %sub3A_74, %jit3A : i32
      %sign3A = arith.constant 0 : i32
      %sign3A_75 = arith.cmpi sgt, %sub3A_74, %sign3A : i32
      %sign3A_76 = arith.extui %sign3A_75 : i1 to i32
      %sign3A_77 = arith.constant 0 : i32
      %sign3A_78 = arith.cmpi slt, %sub3A_74, %sign3A_77 : i32
      %sign3A_79 = arith.extui %sign3A_78 : i1 to i32
      %sign3A_80 = arith.subi %sign3A_76, %sign3A_79 : i32
      %sign3A_81 = arith.constant 0 : i32
      %sign3A_82 = arith.cmpi sgt, %jit3A, %sign3A_81 : i32
      %sign3A_83 = arith.extui %sign3A_82 : i1 to i32
      %sign3A_84 = arith.constant 0 : i32
      %sign3A_85 = arith.cmpi slt, %jit3A, %sign3A_84 : i32
      %sign3A_86 = arith.extui %sign3A_85 : i1 to i32
      %sign3A_87 = arith.subi %sign3A_83, %sign3A_86 : i32
      %ne3A = arith.cmpi ne, %sign3A_80, %sign3A_87 : i32
      %rem3A = arith.remsi %sub3A_74, %jit3A : i32
      %ne3A_88 = arith.constant 0 : i32
      %ne3A_89 = arith.cmpi ne, %rem3A, %ne3A_88 : i32
      %and3A = arith.andi %ne3A, %ne3A_89 : i1
      %sub3A_90 = arith.constant 1 : i32
      %sub3A_91 = arith.subi %div3A, %sub3A_90 : i32
      %select_n3A = arith.select %and3A, %sub3A_91, %div3A : i32
      %while3A = arith.constant 0 : i32
      %while3A_92 = arith.constant 0 : i32
      %while3A_93 = arith.subi %select_n3A, %while3A : i32
      %while3A_94 = arith.addi %while3A, %while3A_93 : i32
      %while3A_95 = arith.constant 1 : i32
      %while3A_96 = arith.divsi %while3A_93, %while3A_95 : i32
      %while3A_97 = arith.muli %while3A_96, %while3A_95 : i32
      %while3A_98 = arith.addi %while3A, %while3A_97 : i32
      %while3A_99 = arith.constant 1 : i32
      %while3A_100 = scf.for %while3A_104 = %while3A to %while3A_98 step %while3A_99 iter_args(%while3A_105 = %while3A_92) -> (i32)  : i32 {
        %mul3A_106 = arith.constant 16 : i32
        %mul3A_107 = arith.muli %while3A_104, %mul3A_106 : i32
        %get3A = arith.index_cast %mul3A_107 : i32 to index
        %get3A_108 = tpu.vector_load %arg12[%get3A] {strides = array<i32>} : memref<1056xi32, #tpu.memory_space<vmem>>, vector<16xi32>,
        %get3A_109 = arith.index_cast %mul3A_107 : i32 to index
        %get3A_110 = tpu.vector_load %arg14[%get3A_109] {strides = array<i32>} : memref<1056xi32, #tpu.memory_space<vmem>>, vector<16xi32>,
        "tpu.region"() ({
          %run_scoped3A = tpu.sem_alloc : memref<!tpu.dma_semaphore, #tpu.memory_space<semaphore_mem>>
          %dma_start3A = arith.constant 0 : i32
          %dma_start3A_121 = arith.constant 0 : i32
          %dma_start3A_122 = tpu.memref_slice %arg2[%dma_start3A, %dma_start3A_121] : memref<10000x512xf32, #tpu.memory_space<hbm>> -> memref<10000x512xf32, #tpu.memory_space<hbm>>
          tpu.enqueue_indirect_dma source(%dma_start3A_122 : memref<10000x512xf32, #tpu.memory_space<hbm>>) target(%arg15 : memref<16x512xf32, #tpu.memory_space<vmem>>) offsets(%get3A_108 : vector<16xi32>) semaphore(%run_scoped3A : memref<!tpu.dma_semaphore, #tpu.memory_space<semaphore_mem>>)
          %dma_wait3A = arith.constant 0 : i32
          %dma_wait3A_123 = arith.constant 0 : i32
          %dma_wait3A_124 = tpu.memref_slice %arg2[%dma_wait3A, %dma_wait3A_123] : memref<10000x512xf32, #tpu.memory_space<hbm>> -> memref<10000x512xf32, #tpu.memory_space<hbm>>
          tpu.wait_indirect_dma semaphore(%run_scoped3A : memref<!tpu.dma_semaphore, #tpu.memory_space<semaphore_mem>>) src(%dma_wait3A_124 : memref<10000x512xf32, #tpu.memory_space<hbm>>) dst(%arg15 : memref<16x512xf32, #tpu.memory_space<vmem>>)
          tpu.yield
        }) : () -> ()
        %shift_right_arithmetic3A = arith.constant 5 : i32
        %shift_right_arithmetic3A_111 = vector.broadcast %shift_right_arithmetic3A : i32 to vector<16xi32>
        %shift_right_arithmetic3A_112 = arith.shrsi %get3A_110, %shift_right_arithmetic3A_111 : vector<16xi32>
        "tpu.region"() ({
          %run_scoped3A = tpu.sem_alloc : memref<!tpu.dma_semaphore, #tpu.memory_space<semaphore_mem>>
          %dma_start3A = arith.constant 0 : i32
          %dma_start3A_121 = arith.constant 0 : i32
          %dma_start3A_122 = tpu.memref_slice %arg5[%dma_start3A, %dma_start3A_121] : memref<10752x128xf32, #tpu.memory_space<hbm>> -> memref<10752x128xf32, #tpu.memory_space<hbm>>
          tpu.enqueue_indirect_dma source(%dma_start3A_122 : memref<10752x128xf32, #tpu.memory_space<hbm>>) target(%arg16 : memref<16x128xf32, #tpu.memory_space<vmem>>) offsets(%shift_right_arithmetic3A_112 : vector<16xi32>) semaphore(%run_scoped3A : memref<!tpu.dma_semaphore, #tpu.memory_space<semaphore_mem>>)
          %dma_wait3A = arith.constant 0 : i32
          %dma_wait3A_123 = arith.constant 0 : i32
          %dma_wait3A_124 = tpu.memref_slice %arg5[%dma_wait3A, %dma_wait3A_123] : memref<10752x128xf32, #tpu.memory_space<hbm>> -> memref<10752x128xf32, #tpu.memory_space<hbm>>
          tpu.wait_indirect_dma semaphore(%run_scoped3A : memref<!tpu.dma_semaphore, #tpu.memory_space<semaphore_mem>>) src(%dma_wait3A_124 : memref<10752x128xf32, #tpu.memory_space<hbm>>) dst(%arg16 : memref<16x128xf32, #tpu.memory_space<vmem>>)
          tpu.yield
        }) : () -> ()
        %scan3A_113 = arith.constant 0 : i32
        %scan3A_114 = arith.constant 0 : i32
        %scan3A_115 = arith.constant 16 : i32
        %scan3A_116 = arith.addi %scan3A_114, %scan3A_115 : i32
        %scan3A_117 = arith.constant 1 : i32
        %scan3A_118 = scf.for %scan3A_121 = %scan3A_114 to %scan3A_116 step %scan3A_117 iter_args(%scan3A_122 = %scan3A_113) -> (i32)  : i32 {
          %broadcast_in_dim3A_123 = vector.broadcast %scan3A_121 : i32 to vector<16xi32>
          %add3A_124 = vector.broadcast %mul3A_107 : i32 to vector<16xi32>
          %add3A_125 = arith.addi %add3A_124, %broadcast_in_dim3A_123 : vector<16xi32>
          %gather3A = tpu.vector_load_idx %arg13[%add3A_125] : memref<1056xi32, #tpu.memory_space<vmem>>[vector<16xi32>], vector<16xi32>,
          %reduce_max3A = arith.constant true
          %reduce_max3A_126 = vector.broadcast %reduce_max3A : i1 to vector<16xi1>
          %reduce_max3A_127 = arith.constant -2147483648 : i32
          %reduce_max3A_128 = vector.broadcast %reduce_max3A_127 : i32 to vector<16xi32>
          %reduce_max3A_129 = arith.xori %gather3A, %reduce_max3A_128 : vector<16xi32>
          %reduce_max3A_130 = tpu.scan <max>, %reduce_max3A_129 masked %reduce_max3A_126 : vector<16xi32>, vector<16xi1> -> vector<16xi32>
          %reduce_max3A_131 = arith.xori %reduce_max3A_130, %reduce_max3A_128 : vector<16xi32>
          %reduce_max3A_132 = vector.extract %reduce_max3A_131[15] : i32 from vector<16xi32>
          %add3A_133 = vector.broadcast %mul3A_107 : i32 to vector<16xi32>
          %add3A_134 = arith.addi %add3A_133, %broadcast_in_dim3A_123 : vector<16xi32>
          %gather3A_135 = tpu.vector_load_idx %arg14[%add3A_134] : memref<1056xi32, #tpu.memory_space<vmem>>[vector<16xi32>], vector<16xi32>,
          %reduce_max3A_136 = arith.constant true
          %reduce_max3A_137 = vector.broadcast %reduce_max3A_136 : i1 to vector<16xi1>
          %reduce_max3A_138 = arith.constant -2147483648 : i32
          %reduce_max3A_139 = vector.broadcast %reduce_max3A_138 : i32 to vector<16xi32>
          %reduce_max3A_140 = arith.xori %gather3A_135, %reduce_max3A_139 : vector<16xi32>
          %reduce_max3A_141 = tpu.scan <max>, %reduce_max3A_140 masked %reduce_max3A_137 : vector<16xi32>, vector<16xi1> -> vector<16xi32>
          %reduce_max3A_142 = arith.xori %reduce_max3A_141, %reduce_max3A_139 : vector<16xi32>
          %reduce_max3A_143 = vector.extract %reduce_max3A_142[15] : i32 from vector<16xi32>
          %and3A_144 = arith.constant 31 : i32
          %and3A_145 = arith.andi %reduce_max3A_143, %and3A_144 : i32
          %mul3A_146 = arith.constant 4 : i32
          %mul3A_147 = arith.muli %and3A_145, %mul3A_146 : i32
          %min3A = arith.constant 3 : i32
          %min3A_148 = vector.broadcast %min3A : i32 to vector<16xi32>
          %min3A_149 = arith.minsi %iota3A, %min3A_148 : vector<16xi32>
          %add3A_150 = vector.broadcast %mul3A_147 : i32 to vector<16xi32>
          %add3A_151 = arith.addi %add3A_150, %min3A_149 : vector<16xi32>
          %gather3A_152 = tpu.vector_load_idx %arg16[%broadcast_in_dim3A_123, %add3A_151] : memref<16x128xf32, #tpu.memory_space<vmem>>[vector<16xi32>, vector<16xi32>], vector<16xf32>,
          %slice3A = vector.extract_strided_slice %gather3A_152 {offsets = [0], sizes = [1], strides = [1]} : vector<16xf32> to vector<1xf32>
          %squeeze3A = vector.extract %slice3A[0] : f32 from vector<1xf32>
          %get3A_153 = arith.index_cast %scan3A_121 : i32 to index
          %get3A_154 = arith.constant 0 : index
          %get3A_155 = tpu.vector_load %arg15[%get3A_153, %get3A_154] {strides = array<i32>} : memref<16x512xf32, #tpu.memory_space<vmem>>, vector<16xf32>,
          %mul3A_156 = vector.broadcast %squeeze3A : f32 to vector<16xf32>
          %mul3A_157 = arith.mulf %get3A_155, %mul3A_156 : vector<16xf32>
          %swap3A_158 = arith.index_cast %reduce_max3A_132 : i32 to index
          %swap3A_159 = arith.constant 0 : index
          %swap3A_160 = tpu.vector_load %arg8[%swap3A_158, %swap3A_159] {strides = array<i32>} : memref<160x512xf32, #tpu.memory_space<vmem>>, vector<16xf32>,
          tpu.vector_store %arg8[%swap3A_158, %swap3A_159], %mul3A_157 {add = true, strides = array<i32>} : memref<160x512xf32, #tpu.memory_space<vmem>>, vector<16xf32>,
          %get3A_161 = arith.index_cast %scan3A_121 : i32 to index
          %get3A_162 = arith.constant 16 : index
          %get3A_163 = tpu.vector_load %arg15[%get3A_161, %get3A_162] {strides = array<i32>} : memref<16x512xf32, #tpu.memory_space<vmem>>, vector<16xf32>,
          %mul3A_164 = vector.broadcast %squeeze3A : f32 to vector<16xf32>
          %mul3A_165 = arith.mulf %get3A_163, %mul3A_164 : vector<16xf32>
          %swap3A_166 = arith.index_cast %reduce_max3A_132 : i32 to index
          %swap3A_167 = arith.constant 16 : index
          %swap3A_168 = tpu.vector_load %arg8[%swap3A_166, %swap3A_167] {strides = array<i32>} : memref<160x512xf32, #tpu.memory_space<vmem>>, vector<16xf32>,
          tpu.vector_store %arg8[%swap3A_166, %swap3A_167], %mul3A_165 {add = true, strides = array<i32>} : memref<160x512xf32, #tpu.memory_space<vmem>>, vector<16xf32>,
          %get3A_169 = arith.index_cast %scan3A_121 : i32 to index
          %get3A_170 = arith.constant 32 : index
          %get3A_171 = tpu.vector_load %arg15[%get3A_169, %get3A_170] {strides = array<i32>} : memref<16x512xf32, #tpu.memory_space<vmem>>, vector<16xf32>,
          %mul3A_172 = vector.broadcast %squeeze3A : f32 to vector<16xf32>
          %mul3A_173 = arith.mulf %get3A_171, %mul3A_172 : vector<16xf32>
          %swap3A_174 = arith.index_cast %reduce_max3A_132 : i32 to index
          %swap3A_175 = arith.constant 32 : index
          %swap3A_176 = tpu.vector_load %arg8[%swap3A_174, %swap3A_175] {strides = array<i32>} : memref<160x512xf32, #tpu.memory_space<vmem>>, vector<16xf32>,
          tpu.vector_store %arg8[%swap3A_174, %swap3A_175], %mul3A_173 {add = true, strides = array<i32>} : memref<160x512xf32, #tpu.memory_space<vmem>>, vector<16xf32>,
          %get3A_177 = arith.index_cast %scan3A_121 : i32 to index
          %get3A_178 = arith.constant 48 : index
          %get3A_179 = tpu.vector_load %arg15[%get3A_177, %get3A_178] {strides = array<i32>} : memref<16x512xf32, #tpu.memory_space<vmem>>, vector<16xf32>,
          %mul3A_180 = vector.broadcast %squeeze3A : f32 to vector<16xf32>
          %mul3A_181 = arith.mulf %get3A_179, %mul3A_180 : vector<16xf32>
          %swap3A_182 = arith.index_cast %reduce_max3A_132 : i32 to index
          %swap3A_183 = arith.constant 48 : index
          %swap3A_184 = tpu.vector_load %arg8[%swap3A_182, %swap3A_183] {strides = array<i32>} : memref<160x512xf32, #tpu.memory_space<vmem>>, vector<16xf32>,
          tpu.vector_store %arg8[%swap3A_182, %swap3A_183], %mul3A_181 {add = true, strides = array<i32>} : memref<160x512xf32, #tpu.memory_space<vmem>>, vector<16xf32>,
          %get3A_185 = arith.index_cast %scan3A_121 : i32 to index
          %get3A_186 = arith.constant 64 : index
          %get3A_187 = tpu.vector_load %arg15[%get3A_185, %get3A_186] {strides = array<i32>} : memref<16x512xf32, #tpu.memory_space<vmem>>, vector<16xf32>,
          %mul3A_188 = vector.broadcast %squeeze3A : f32 to vector<16xf32>
          %mul3A_189 = arith.mulf %get3A_187, %mul3A_188 : vector<16xf32>
          %swap3A_190 = arith.index_cast %reduce_max3A_132 : i32 to index
          %swap3A_191 = arith.constant 64 : index
          %swap3A_192 = tpu.vector_load %arg8[%swap3A_190, %swap3A_191] {strides = array<i32>} : memref<160x512xf32, #tpu.memory_space<vmem>>, vector<16xf32>,
          tpu.vector_store %arg8[%swap3A_190, %swap3A_191], %mul3A_189 {add = true, strides = array<i32>} : memref<160x512xf32, #tpu.memory_space<vmem>>, vector<16xf32>,
          %get3A_193 = arith.index_cast %scan3A_121 : i32 to index
          %get3A_194 = arith.constant 80 : index
          %get3A_195 = tpu.vector_load %arg15[%get3A_193, %get3A_194] {strides = array<i32>} : memref<16x512xf32, #tpu.memory_space<vmem>>, vector<16xf32>,
          %mul3A_196 = vector.broadcast %squeeze3A : f32 to vector<16xf32>
          %mul3A_197 = arith.mulf %get3A_195, %mul3A_196 : vector<16xf32>
          %swap3A_198 = arith.index_cast %reduce_max3A_132 : i32 to index
          %swap3A_199 = arith.constant 80 : index
          %swap3A_200 = tpu.vector_load %arg8[%swap3A_198, %swap3A_199] {strides = array<i32>} : memref<160x512xf32, #tpu.memory_space<vmem>>, vector<16xf32>,
          tpu.vector_store %arg8[%swap3A_198, %swap3A_199], %mul3A_197 {add = true, strides = array<i32>} : memref<160x512xf32, #tpu.memory_space<vmem>>, vector<16xf32>,
          %get3A_201 = arith.index_cast %scan3A_121 : i32 to index
          %get3A_202 = arith.constant 96 : index
          %get3A_203 = tpu.vector_load %arg15[%get3A_201, %get3A_202] {strides = array<i32>} : memref<16x512xf32, #tpu.memory_space<vmem>>, vector<16xf32>,
          %mul3A_204 = vector.broadcast %squeeze3A : f32 to vector<16xf32>
          %mul3A_205 = arith.mulf %get3A_203, %mul3A_204 : vector<16xf32>
          %swap3A_206 = arith.index_cast %reduce_max3A_132 : i32 to index
          %swap3A_207 = arith.constant 96 : index
          %swap3A_208 = tpu.vector_load %arg8[%swap3A_206, %swap3A_207] {strides = array<i32>} : memref<160x512xf32, #tpu.memory_space<vmem>>, vector<16xf32>,
          tpu.vector_store %arg8[%swap3A_206, %swap3A_207], %mul3A_205 {add = true, strides = array<i32>} : memref<160x512xf32, #tpu.memory_space<vmem>>, vector<16xf32>,
          %get3A_209 = arith.index_cast %scan3A_121 : i32 to index
          %get3A_210 = arith.constant 112 : index
          %get3A_211 = tpu.vector_load %arg15[%get3A_209, %get3A_210] {strides = array<i32>} : memref<16x512xf32, #tpu.memory_space<vmem>>, vector<16xf32>,
          %mul3A_212 = vector.broadcast %squeeze3A : f32 to vector<16xf32>
          %mul3A_213 = arith.mulf %get3A_211, %mul3A_212 : vector<16xf32>
          %swap3A_214 = arith.index_cast %reduce_max3A_132 : i32 to index
          %swap3A_215 = arith.constant 112 : index
          %swap3A_216 = tpu.vector_load %arg8[%swap3A_214, %swap3A_215] {strides = array<i32>} : memref<160x512xf32, #tpu.memory_space<vmem>>, vector<16xf32>,
          tpu.vector_store %arg8[%swap3A_214, %swap3A_215], %mul3A_213 {add = true, strides = array<i32>} : memref<160x512xf32, #tpu.memory_space<vmem>>, vector<16xf32>,
          %slice3A_217 = vector.extract_strided_slice %gather3A_152 {offsets = [1], sizes = [1], strides = [1]} : vector<16xf32> to vector<1xf32>
          %squeeze3A_218 = vector.extract %slice3A_217[0] : f32 from vector<1xf32>
          %get3A_219 = arith.index_cast %scan3A_121 : i32 to index
          %get3A_220 = arith.constant 128 : index
          %get3A_221 = tpu.vector_load %arg15[%get3A_219, %get3A_220] {strides = array<i32>} : memref<16x512xf32, #tpu.memory_space<vmem>>, vector<16xf32>,
          %mul3A_222 = vector.broadcast %squeeze3A_218 : f32 to vector<16xf32>
          %mul3A_223 = arith.mulf %get3A_221, %mul3A_222 : vector<16xf32>
          %swap3A_224 = arith.index_cast %reduce_max3A_132 : i32 to index
          %swap3A_225 = arith.constant 128 : index
          %swap3A_226 = tpu.vector_load %arg8[%swap3A_224, %swap3A_225] {strides = array<i32>} : memref<160x512xf32, #tpu.memory_space<vmem>>, vector<16xf32>,
          tpu.vector_store %arg8[%swap3A_224, %swap3A_225], %mul3A_223 {add = true, strides = array<i32>} : memref<160x512xf32, #tpu.memory_space<vmem>>, vector<16xf32>,
          %get3A_227 = arith.index_cast %scan3A_121 : i32 to index
          %get3A_228 = arith.constant 144 : index
          %get3A_229 = tpu.vector_load %arg15[%get3A_227, %get3A_228] {strides = array<i32>} : memref<16x512xf32, #tpu.memory_space<vmem>>, vector<16xf32>,
          %mul3A_230 = vector.broadcast %squeeze3A_218 : f32 to vector<16xf32>
          %mul3A_231 = arith.mulf %get3A_229, %mul3A_230 : vector<16xf32>
          %swap3A_232 = arith.index_cast %reduce_max3A_132 : i32 to index
          %swap3A_233 = arith.constant 144 : index
          %swap3A_234 = tpu.vector_load %arg8[%swap3A_232, %swap3A_233] {strides = array<i32>} : memref<160x512xf32, #tpu.memory_space<vmem>>, vector<16xf32>,
          tpu.vector_store %arg8[%swap3A_232, %swap3A_233], %mul3A_231 {add = true, strides = array<i32>} : memref<160x512xf32, #tpu.memory_space<vmem>>, vector<16xf32>,
          %get3A_235 = arith.index_cast %scan3A_121 : i32 to index
          %get3A_236 = arith.constant 160 : index
          %get3A_237 = tpu.vector_load %arg15[%get3A_235, %get3A_236] {strides = array<i32>} : memref<16x512xf32, #tpu.memory_space<vmem>>, vector<16xf32>,
          %mul3A_238 = vector.broadcast %squeeze3A_218 : f32 to vector<16xf32>
          %mul3A_239 = arith.mulf %get3A_237, %mul3A_238 : vector<16xf32>
          %swap3A_240 = arith.index_cast %reduce_max3A_132 : i32 to index
          %swap3A_241 = arith.constant 160 : index
          %swap3A_242 = tpu.vector_load %arg8[%swap3A_240, %swap3A_241] {strides = array<i32>} : memref<160x512xf32, #tpu.memory_space<vmem>>, vector<16xf32>,
          tpu.vector_store %arg8[%swap3A_240, %swap3A_241], %mul3A_239 {add = true, strides = array<i32>} : memref<160x512xf32, #tpu.memory_space<vmem>>, vector<16xf32>,
          %get3A_243 = arith.index_cast %scan3A_121 : i32 to index
          %get3A_244 = arith.constant 176 : index
          %get3A_245 = tpu.vector_load %arg15[%get3A_243, %get3A_244] {strides = array<i32>} : memref<16x512xf32, #tpu.memory_space<vmem>>, vector<16xf32>,
          %mul3A_246 = vector.broadcast %squeeze3A_218 : f32 to vector<16xf32>
          %mul3A_247 = arith.mulf %get3A_245, %mul3A_246 : vector<16xf32>
          %swap3A_248 = arith.index_cast %reduce_max3A_132 : i32 to index
          %swap3A_249 = arith.constant 176 : index
          %swap3A_250 = tpu.vector_load %arg8[%swap3A_248, %swap3A_249] {strides = array<i32>} : memref<160x512xf32, #tpu.memory_space<vmem>>, vector<16xf32>,
          tpu.vector_store %arg8[%swap3A_248, %swap3A_249], %mul3A_247 {add = true, strides = array<i32>} : memref<160x512xf32, #tpu.memory_space<vmem>>, vector<16xf32>,
          %get3A_251 = arith.index_cast %scan3A_121 : i32 to index
          %get3A_252 = arith.constant 192 : index
          %get3A_253 = tpu.vector_load %arg15[%get3A_251, %get3A_252] {strides = array<i32>} : memref<16x512xf32, #tpu.memory_space<vmem>>, vector<16xf32>,
          %mul3A_254 = vector.broadcast %squeeze3A_218 : f32 to vector<16xf32>
          %mul3A_255 = arith.mulf %get3A_253, %mul3A_254 : vector<16xf32>
          %swap3A_256 = arith.index_cast %reduce_max3A_132 : i32 to index
          %swap3A_257 = arith.constant 192 : index
          %swap3A_258 = tpu.vector_load %arg8[%swap3A_256, %swap3A_257] {strides = array<i32>} : memref<160x512xf32, #tpu.memory_space<vmem>>, vector<16xf32>,
          tpu.vector_store %arg8[%swap3A_256, %swap3A_257], %mul3A_255 {add = true, strides = array<i32>} : memref<160x512xf32, #tpu.memory_space<vmem>>, vector<16xf32>,
          %get3A_259 = arith.index_cast %scan3A_121 : i32 to index
          %get3A_260 = arith.constant 208 : index
          %get3A_261 = tpu.vector_load %arg15[%get3A_259, %get3A_260] {strides = array<i32>} : memref<16x512xf32, #tpu.memory_space<vmem>>, vector<16xf32>,
          %mul3A_262 = vector.broadcast %squeeze3A_218 : f32 to vector<16xf32>
          %mul3A_263 = arith.mulf %get3A_261, %mul3A_262 : vector<16xf32>
          %swap3A_264 = arith.index_cast %reduce_max3A_132 : i32 to index
          %swap3A_265 = arith.constant 208 : index
          %swap3A_266 = tpu.vector_load %arg8[%swap3A_264, %swap3A_265] {strides = array<i32>} : memref<160x512xf32, #tpu.memory_space<vmem>>, vector<16xf32>,
          tpu.vector_store %arg8[%swap3A_264, %swap3A_265], %mul3A_263 {add = true, strides = array<i32>} : memref<160x512xf32, #tpu.memory_space<vmem>>, vector<16xf32>,
          %get3A_267 = arith.index_cast %scan3A_121 : i32 to index
          %get3A_268 = arith.constant 224 : index
          %get3A_269 = tpu.vector_load %arg15[%get3A_267, %get3A_268] {strides = array<i32>} : memref<16x512xf32, #tpu.memory_space<vmem>>, vector<16xf32>,
          %mul3A_270 = vector.broadcast %squeeze3A_218 : f32 to vector<16xf32>
          %mul3A_271 = arith.mulf %get3A_269, %mul3A_270 : vector<16xf32>
          %swap3A_272 = arith.index_cast %reduce_max3A_132 : i32 to index
          %swap3A_273 = arith.constant 224 : index
          %swap3A_274 = tpu.vector_load %arg8[%swap3A_272, %swap3A_273] {strides = array<i32>} : memref<160x512xf32, #tpu.memory_space<vmem>>, vector<16xf32>,
          tpu.vector_store %arg8[%swap3A_272, %swap3A_273], %mul3A_271 {add = true, strides = array<i32>} : memref<160x512xf32, #tpu.memory_space<vmem>>, vector<16xf32>,
          %get3A_275 = arith.index_cast %scan3A_121 : i32 to index
          %get3A_276 = arith.constant 240 : index
          %get3A_277 = tpu.vector_load %arg15[%get3A_275, %get3A_276] {strides = array<i32>} : memref<16x512xf32, #tpu.memory_space<vmem>>, vector<16xf32>,
          %mul3A_278 = vector.broadcast %squeeze3A_218 : f32 to vector<16xf32>
          %mul3A_279 = arith.mulf %get3A_277, %mul3A_278 : vector<16xf32>
          %swap3A_280 = arith.index_cast %reduce_max3A_132 : i32 to index
          %swap3A_281 = arith.constant 240 : index
          %swap3A_282 = tpu.vector_load %arg8[%swap3A_280, %swap3A_281] {strides = array<i32>} : memref<160x512xf32, #tpu.memory_space<vmem>>, vector<16xf32>,
          tpu.vector_store %arg8[%swap3A_280, %swap3A_281], %mul3A_279 {add = true, strides = array<i32>} : memref<160x512xf32, #tpu.memory_space<vmem>>, vector<16xf32>,
          %slice3A_283 = vector.extract_strided_slice %gather3A_152 {offsets = [2], sizes = [1], strides = [1]} : vector<16xf32> to vector<1xf32>
          %squeeze3A_284 = vector.extract %slice3A_283[0] : f32 from vector<1xf32>
          %get3A_285 = arith.index_cast %scan3A_121 : i32 to index
          %get3A_286 = arith.constant 256 : index
          %get3A_287 = tpu.vector_load %arg15[%get3A_285, %get3A_286] {strides = array<i32>} : memref<16x512xf32, #tpu.memory_space<vmem>>, vector<16xf32>,
          %mul3A_288 = vector.broadcast %squeeze3A_284 : f32 to vector<16xf32>
          %mul3A_289 = arith.mulf %get3A_287, %mul3A_288 : vector<16xf32>
          %swap3A_290 = arith.index_cast %reduce_max3A_132 : i32 to index
          %swap3A_291 = arith.constant 256 : index
          %swap3A_292 = tpu.vector_load %arg8[%swap3A_290, %swap3A_291] {strides = array<i32>} : memref<160x512xf32, #tpu.memory_space<vmem>>, vector<16xf32>,
          tpu.vector_store %arg8[%swap3A_290, %swap3A_291], %mul3A_289 {add = true, strides = array<i32>} : memref<160x512xf32, #tpu.memory_space<vmem>>, vector<16xf32>,
          %get3A_293 = arith.index_cast %scan3A_121 : i32 to index
          %get3A_294 = arith.constant 272 : index
          %get3A_295 = tpu.vector_load %arg15[%get3A_293, %get3A_294] {strides = array<i32>} : memref<16x512xf32, #tpu.memory_space<vmem>>, vector<16xf32>,
          %mul3A_296 = vector.broadcast %squeeze3A_284 : f32 to vector<16xf32>
          %mul3A_297 = arith.mulf %get3A_295, %mul3A_296 : vector<16xf32>
          %swap3A_298 = arith.index_cast %reduce_max3A_132 : i32 to index
          %swap3A_299 = arith.constant 272 : index
          %swap3A_300 = tpu.vector_load %arg8[%swap3A_298, %swap3A_299] {strides = array<i32>} : memref<160x512xf32, #tpu.memory_space<vmem>>, vector<16xf32>,
          tpu.vector_store %arg8[%swap3A_298, %swap3A_299], %mul3A_297 {add = true, strides = array<i32>} : memref<160x512xf32, #tpu.memory_space<vmem>>, vector<16xf32>,
          %get3A_301 = arith.index_cast %scan3A_121 : i32 to index
          %get3A_302 = arith.constant 288 : index
          %get3A_303 = tpu.vector_load %arg15[%get3A_301, %get3A_302] {strides = array<i32>} : memref<16x512xf32, #tpu.memory_space<vmem>>, vector<16xf32>,
          %mul3A_304 = vector.broadcast %squeeze3A_284 : f32 to vector<16xf32>
          %mul3A_305 = arith.mulf %get3A_303, %mul3A_304 : vector<16xf32>
          %swap3A_306 = arith.index_cast %reduce_max3A_132 : i32 to index
          %swap3A_307 = arith.constant 288 : index
          %swap3A_308 = tpu.vector_load %arg8[%swap3A_306, %swap3A_307] {strides = array<i32>} : memref<160x512xf32, #tpu.memory_space<vmem>>, vector<16xf32>,
          tpu.vector_store %arg8[%swap3A_306, %swap3A_307], %mul3A_305 {add = true, strides = array<i32>} : memref<160x512xf32, #tpu.memory_space<vmem>>, vector<16xf32>,
          %get3A_309 = arith.index_cast %scan3A_121 : i32 to index
          %get3A_310 = arith.constant 304 : index
          %get3A_311 = tpu.vector_load %arg15[%get3A_309, %get3A_310] {strides = array<i32>} : memref<16x512xf32, #tpu.memory_space<vmem>>, vector<16xf32>,
          %mul3A_312 = vector.broadcast %squeeze3A_284 : f32 to vector<16xf32>
          %mul3A_313 = arith.mulf %get3A_311, %mul3A_312 : vector<16xf32>
          %swap3A_314 = arith.index_cast %reduce_max3A_132 : i32 to index
          %swap3A_315 = arith.constant 304 : index
          %swap3A_316 = tpu.vector_load %arg8[%swap3A_314, %swap3A_315] {strides = array<i32>} : memref<160x512xf32, #tpu.memory_space<vmem>>, vector<16xf32>,
          tpu.vector_store %arg8[%swap3A_314, %swap3A_315], %mul3A_313 {add = true, strides = array<i32>} : memref<160x512xf32, #tpu.memory_space<vmem>>, vector<16xf32>,
          %get3A_317 = arith.index_cast %scan3A_121 : i32 to index
          %get3A_318 = arith.constant 320 : index
          %get3A_319 = tpu.vector_load %arg15[%get3A_317, %get3A_318] {strides = array<i32>} : memref<16x512xf32, #tpu.memory_space<vmem>>, vector<16xf32>,
          %mul3A_320 = vector.broadcast %squeeze3A_284 : f32 to vector<16xf32>
          %mul3A_321 = arith.mulf %get3A_319, %mul3A_320 : vector<16xf32>
          %swap3A_322 = arith.index_cast %reduce_max3A_132 : i32 to index
          %swap3A_323 = arith.constant 320 : index
          %swap3A_324 = tpu.vector_load %arg8[%swap3A_322, %swap3A_323] {strides = array<i32>} : memref<160x512xf32, #tpu.memory_space<vmem>>, vector<16xf32>,
          tpu.vector_store %arg8[%swap3A_322, %swap3A_323], %mul3A_321 {add = true, strides = array<i32>} : memref<160x512xf32, #tpu.memory_space<vmem>>, vector<16xf32>,
          %get3A_325 = arith.index_cast %scan3A_121 : i32 to index
          %get3A_326 = arith.constant 336 : index
          %get3A_327 = tpu.vector_load %arg15[%get3A_325, %get3A_326] {strides = array<i32>} : memref<16x512xf32, #tpu.memory_space<vmem>>, vector<16xf32>,
          %mul3A_328 = vector.broadcast %squeeze3A_284 : f32 to vector<16xf32>
          %mul3A_329 = arith.mulf %get3A_327, %mul3A_328 : vector<16xf32>
          %swap3A_330 = arith.index_cast %reduce_max3A_132 : i32 to index
          %swap3A_331 = arith.constant 336 : index
          %swap3A_332 = tpu.vector_load %arg8[%swap3A_330, %swap3A_331] {strides = array<i32>} : memref<160x512xf32, #tpu.memory_space<vmem>>, vector<16xf32>,
          tpu.vector_store %arg8[%swap3A_330, %swap3A_331], %mul3A_329 {add = true, strides = array<i32>} : memref<160x512xf32, #tpu.memory_space<vmem>>, vector<16xf32>,
          %get3A_333 = arith.index_cast %scan3A_121 : i32 to index
          %get3A_334 = arith.constant 352 : index
          %get3A_335 = tpu.vector_load %arg15[%get3A_333, %get3A_334] {strides = array<i32>} : memref<16x512xf32, #tpu.memory_space<vmem>>, vector<16xf32>,
          %mul3A_336 = vector.broadcast %squeeze3A_284 : f32 to vector<16xf32>
          %mul3A_337 = arith.mulf %get3A_335, %mul3A_336 : vector<16xf32>
          %swap3A_338 = arith.index_cast %reduce_max3A_132 : i32 to index
          %swap3A_339 = arith.constant 352 : index
          %swap3A_340 = tpu.vector_load %arg8[%swap3A_338, %swap3A_339] {strides = array<i32>} : memref<160x512xf32, #tpu.memory_space<vmem>>, vector<16xf32>,
          tpu.vector_store %arg8[%swap3A_338, %swap3A_339], %mul3A_337 {add = true, strides = array<i32>} : memref<160x512xf32, #tpu.memory_space<vmem>>, vector<16xf32>,
          %get3A_341 = arith.index_cast %scan3A_121 : i32 to index
          %get3A_342 = arith.constant 368 : index
          %get3A_343 = tpu.vector_load %arg15[%get3A_341, %get3A_342] {strides = array<i32>} : memref<16x512xf32, #tpu.memory_space<vmem>>, vector<16xf32>,
          %mul3A_344 = vector.broadcast %squeeze3A_284 : f32 to vector<16xf32>
          %mul3A_345 = arith.mulf %get3A_343, %mul3A_344 : vector<16xf32>
          %swap3A_346 = arith.index_cast %reduce_max3A_132 : i32 to index
          %swap3A_347 = arith.constant 368 : index
          %swap3A_348 = tpu.vector_load %arg8[%swap3A_346, %swap3A_347] {strides = array<i32>} : memref<160x512xf32, #tpu.memory_space<vmem>>, vector<16xf32>,
          tpu.vector_store %arg8[%swap3A_346, %swap3A_347], %mul3A_345 {add = true, strides = array<i32>} : memref<160x512xf32, #tpu.memory_space<vmem>>, vector<16xf32>,
          %slice3A_349 = vector.extract_strided_slice %gather3A_152 {offsets = [3], sizes = [1], strides = [1]} : vector<16xf32> to vector<1xf32>
          %squeeze3A_350 = vector.extract %slice3A_349[0] : f32 from vector<1xf32>
          %get3A_351 = arith.index_cast %scan3A_121 : i32 to index
          %get3A_352 = arith.constant 384 : index
          %get3A_353 = tpu.vector_load %arg15[%get3A_351, %get3A_352] {strides = array<i32>} : memref<16x512xf32, #tpu.memory_space<vmem>>, vector<16xf32>,
          %mul3A_354 = vector.broadcast %squeeze3A_350 : f32 to vector<16xf32>
          %mul3A_355 = arith.mulf %get3A_353, %mul3A_354 : vector<16xf32>
          %swap3A_356 = arith.index_cast %reduce_max3A_132 : i32 to index
          %swap3A_357 = arith.constant 384 : index
          %swap3A_358 = tpu.vector_load %arg8[%swap3A_356, %swap3A_357] {strides = array<i32>} : memref<160x512xf32, #tpu.memory_space<vmem>>, vector<16xf32>,
          tpu.vector_store %arg8[%swap3A_356, %swap3A_357], %mul3A_355 {add = true, strides = array<i32>} : memref<160x512xf32, #tpu.memory_space<vmem>>, vector<16xf32>,
          %get3A_359 = arith.index_cast %scan3A_121 : i32 to index
          %get3A_360 = arith.constant 400 : index
          %get3A_361 = tpu.vector_load %arg15[%get3A_359, %get3A_360] {strides = array<i32>} : memref<16x512xf32, #tpu.memory_space<vmem>>, vector<16xf32>,
          %mul3A_362 = vector.broadcast %squeeze3A_350 : f32 to vector<16xf32>
          %mul3A_363 = arith.mulf %get3A_361, %mul3A_362 : vector<16xf32>
          %swap3A_364 = arith.index_cast %reduce_max3A_132 : i32 to index
          %swap3A_365 = arith.constant 400 : index
          %swap3A_366 = tpu.vector_load %arg8[%swap3A_364, %swap3A_365] {strides = array<i32>} : memref<160x512xf32, #tpu.memory_space<vmem>>, vector<16xf32>,
          tpu.vector_store %arg8[%swap3A_364, %swap3A_365], %mul3A_363 {add = true, strides = array<i32>} : memref<160x512xf32, #tpu.memory_space<vmem>>, vector<16xf32>,
          %get3A_367 = arith.index_cast %scan3A_121 : i32 to index
          %get3A_368 = arith.constant 416 : index
          %get3A_369 = tpu.vector_load %arg15[%get3A_367, %get3A_368] {strides = array<i32>} : memref<16x512xf32, #tpu.memory_space<vmem>>, vector<16xf32>,
          %mul3A_370 = vector.broadcast %squeeze3A_350 : f32 to vector<16xf32>
          %mul3A_371 = arith.mulf %get3A_369, %mul3A_370 : vector<16xf32>
          %swap3A_372 = arith.index_cast %reduce_max3A_132 : i32 to index
          %swap3A_373 = arith.constant 416 : index
          %swap3A_374 = tpu.vector_load %arg8[%swap3A_372, %swap3A_373] {strides = array<i32>} : memref<160x512xf32, #tpu.memory_space<vmem>>, vector<16xf32>,
          tpu.vector_store %arg8[%swap3A_372, %swap3A_373], %mul3A_371 {add = true, strides = array<i32>} : memref<160x512xf32, #tpu.memory_space<vmem>>, vector<16xf32>,
          %get3A_375 = arith.index_cast %scan3A_121 : i32 to index
          %get3A_376 = arith.constant 432 : index
          %get3A_377 = tpu.vector_load %arg15[%get3A_375, %get3A_376] {strides = array<i32>} : memref<16x512xf32, #tpu.memory_space<vmem>>, vector<16xf32>,
          %mul3A_378 = vector.broadcast %squeeze3A_350 : f32 to vector<16xf32>
          %mul3A_379 = arith.mulf %get3A_377, %mul3A_378 : vector<16xf32>
          %swap3A_380 = arith.index_cast %reduce_max3A_132 : i32 to index
          %swap3A_381 = arith.constant 432 : index
          %swap3A_382 = tpu.vector_load %arg8[%swap3A_380, %swap3A_381] {strides = array<i32>} : memref<160x512xf32, #tpu.memory_space<vmem>>, vector<16xf32>,
          tpu.vector_store %arg8[%swap3A_380, %swap3A_381], %mul3A_379 {add = true, strides = array<i32>} : memref<160x512xf32, #tpu.memory_space<vmem>>, vector<16xf32>,
          %get3A_383 = arith.index_cast %scan3A_121 : i32 to index
          %get3A_384 = arith.constant 448 : index
          %get3A_385 = tpu.vector_load %arg15[%get3A_383, %get3A_384] {strides = array<i32>} : memref<16x512xf32, #tpu.memory_space<vmem>>, vector<16xf32>,
          %mul3A_386 = vector.broadcast %squeeze3A_350 : f32 to vector<16xf32>
          %mul3A_387 = arith.mulf %get3A_385, %mul3A_386 : vector<16xf32>
          %swap3A_388 = arith.index_cast %reduce_max3A_132 : i32 to index
          %swap3A_389 = arith.constant 448 : index
          %swap3A_390 = tpu.vector_load %arg8[%swap3A_388, %swap3A_389] {strides = array<i32>} : memref<160x512xf32, #tpu.memory_space<vmem>>, vector<16xf32>,
          tpu.vector_store %arg8[%swap3A_388, %swap3A_389], %mul3A_387 {add = true, strides = array<i32>} : memref<160x512xf32, #tpu.memory_space<vmem>>, vector<16xf32>,
          %get3A_391 = arith.index_cast %scan3A_121 : i32 to index
          %get3A_392 = arith.constant 464 : index
          %get3A_393 = tpu.vector_load %arg15[%get3A_391, %get3A_392] {strides = array<i32>} : memref<16x512xf32, #tpu.memory_space<vmem>>, vector<16xf32>,
          %mul3A_394 = vector.broadcast %squeeze3A_350 : f32 to vector<16xf32>
          %mul3A_395 = arith.mulf %get3A_393, %mul3A_394 : vector<16xf32>
          %swap3A_396 = arith.index_cast %reduce_max3A_132 : i32 to index
          %swap3A_397 = arith.constant 464 : index
          %swap3A_398 = tpu.vector_load %arg8[%swap3A_396, %swap3A_397] {strides = array<i32>} : memref<160x512xf32, #tpu.memory_space<vmem>>, vector<16xf32>,
          tpu.vector_store %arg8[%swap3A_396, %swap3A_397], %mul3A_395 {add = true, strides = array<i32>} : memref<160x512xf32, #tpu.memory_space<vmem>>, vector<16xf32>,
          %get3A_399 = arith.index_cast %scan3A_121 : i32 to index
          %get3A_400 = arith.constant 480 : index
          %get3A_401 = tpu.vector_load %arg15[%get3A_399, %get3A_400] {strides = array<i32>} : memref<16x512xf32, #tpu.memory_space<vmem>>, vector<16xf32>,
          %mul3A_402 = vector.broadcast %squeeze3A_350 : f32 to vector<16xf32>
          %mul3A_403 = arith.mulf %get3A_401, %mul3A_402 : vector<16xf32>
          %swap3A_404 = arith.index_cast %reduce_max3A_132 : i32 to index
          %swap3A_405 = arith.constant 480 : index
          %swap3A_406 = tpu.vector_load %arg8[%swap3A_404, %swap3A_405] {strides = array<i32>} : memref<160x512xf32, #tpu.memory_space<vmem>>, vector<16xf32>,
          tpu.vector_store %arg8[%swap3A_404, %swap3A_405], %mul3A_403 {add = true, strides = array<i32>} : memref<160x512xf32, #tpu.memory_space<vmem>>, vector<16xf32>,
          %get3A_407 = arith.index_cast %scan3A_121 : i32 to index
          %get3A_408 = arith.constant 496 : index
          %get3A_409 = tpu.vector_load %arg15[%get3A_407, %get3A_408] {strides = array<i32>} : memref<16x512xf32, #tpu.memory_space<vmem>>, vector<16xf32>,
          %mul3A_410 = vector.broadcast %squeeze3A_350 : f32 to vector<16xf32>
          %mul3A_411 = arith.mulf %get3A_409, %mul3A_410 : vector<16xf32>
          %swap3A_412 = arith.index_cast %reduce_max3A_132 : i32 to index
          %swap3A_413 = arith.constant 496 : index
          %swap3A_414 = tpu.vector_load %arg8[%swap3A_412, %swap3A_413] {strides = array<i32>} : memref<160x512xf32, #tpu.memory_space<vmem>>, vector<16xf32>,
          tpu.vector_store %arg8[%swap3A_412, %swap3A_413], %mul3A_411 {add = true, strides = array<i32>} : memref<160x512xf32, #tpu.memory_space<vmem>>, vector<16xf32>,
          %lt3A = arith.constant 4 : i32
          %lt3A_415 = vector.broadcast %lt3A : i32 to vector<16xi32>
          %lt3A_416 = arith.cmpi slt, %iota3A, %lt3A_415 : vector<16xi32>
          %jit3A_417 = arith.constant 0.000000e+00 : f32
          %broadcast_in_dim3A_418 = vector.broadcast %jit3A_417 : f32 to vector<16xf32>
          %select_n3A_419 = arith.select %lt3A_416, %gather3A_152, %broadcast_in_dim3A_418 : vector<16xi1>, vector<16xf32>
          %swap3A_420 = arith.index_cast %reduce_max3A_132 : i32 to index
          %swap3A_421 = arith.constant 0 : index
          %swap3A_422 = tpu.vector_load %arg9[%swap3A_420, %swap3A_421] {strides = array<i32>} : memref<160x16xf32, #tpu.memory_space<vmem>>, vector<16xf32>,
          tpu.vector_store %arg9[%swap3A_420, %swap3A_421], %select_n3A_419 {add = true, strides = array<i32>} : memref<160x16xf32, #tpu.memory_space<vmem>>, vector<16xf32>,
          %scan3A_423 = arith.constant 0 : i32
          scf.yield %scan3A_423 : i32
        }
        %scan3A_119 = arith.constant 16 : i32
        %while3A_120 = arith.constant 0 : i32
        scf.yield %while3A_120 : i32
      }
      %while3A_101 = arith.constant 1 : i32
      %while3A_102 = scf.for %while3A_104 = %while3A_98 to %while3A_94 step %while3A_101 iter_args(%while3A_105 = %while3A_100) -> (i32)  : i32 {
        %mul3A_106 = arith.constant 16 : i32
        %mul3A_107 = arith.muli %while3A_104, %mul3A_106 : i32
        %get3A = arith.index_cast %mul3A_107 : i32 to index
        %get3A_108 = tpu.vector_load %arg12[%get3A] {strides = array<i32>} : memref<1056xi32, #tpu.memory_space<vmem>>, vector<16xi32>,
        %get3A_109 = arith.index_cast %mul3A_107 : i32 to index
        %get3A_110 = tpu.vector_load %arg14[%get3A_109] {strides = array<i32>} : memref<1056xi32, #tpu.memory_space<vmem>>, vector<16xi32>,
        "tpu.region"() ({
          %run_scoped3A = tpu.sem_alloc : memref<!tpu.dma_semaphore, #tpu.memory_space<semaphore_mem>>
          %dma_start3A = arith.constant 0 : i32
          %dma_start3A_121 = arith.constant 0 : i32
          %dma_start3A_122 = tpu.memref_slice %arg2[%dma_start3A, %dma_start3A_121] : memref<10000x512xf32, #tpu.memory_space<hbm>> -> memref<10000x512xf32, #tpu.memory_space<hbm>>
          tpu.enqueue_indirect_dma source(%dma_start3A_122 : memref<10000x512xf32, #tpu.memory_space<hbm>>) target(%arg15 : memref<16x512xf32, #tpu.memory_space<vmem>>) offsets(%get3A_108 : vector<16xi32>) semaphore(%run_scoped3A : memref<!tpu.dma_semaphore, #tpu.memory_space<semaphore_mem>>)
          %dma_wait3A = arith.constant 0 : i32
          %dma_wait3A_123 = arith.constant 0 : i32
          %dma_wait3A_124 = tpu.memref_slice %arg2[%dma_wait3A, %dma_wait3A_123] : memref<10000x512xf32, #tpu.memory_space<hbm>> -> memref<10000x512xf32, #tpu.memory_space<hbm>>
          tpu.wait_indirect_dma semaphore(%run_scoped3A : memref<!tpu.dma_semaphore, #tpu.memory_space<semaphore_mem>>) src(%dma_wait3A_124 : memref<10000x512xf32, #tpu.memory_space<hbm>>) dst(%arg15 : memref<16x512xf32, #tpu.memory_space<vmem>>)
          tpu.yield
        }) : () -> ()
        %shift_right_arithmetic3A = arith.constant 5 : i32
        %shift_right_arithmetic3A_111 = vector.broadcast %shift_right_arithmetic3A : i32 to vector<16xi32>
        %shift_right_arithmetic3A_112 = arith.shrsi %get3A_110, %shift_right_arithmetic3A_111 : vector<16xi32>
        "tpu.region"() ({
          %run_scoped3A = tpu.sem_alloc : memref<!tpu.dma_semaphore, #tpu.memory_space<semaphore_mem>>
          %dma_start3A = arith.constant 0 : i32
          %dma_start3A_121 = arith.constant 0 : i32
          %dma_start3A_122 = tpu.memref_slice %arg5[%dma_start3A, %dma_start3A_121] : memref<10752x128xf32, #tpu.memory_space<hbm>> -> memref<10752x128xf32, #tpu.memory_space<hbm>>
          tpu.enqueue_indirect_dma source(%dma_start3A_122 : memref<10752x128xf32, #tpu.memory_space<hbm>>) target(%arg16 : memref<16x128xf32, #tpu.memory_space<vmem>>) offsets(%shift_right_arithmetic3A_112 : vector<16xi32>) semaphore(%run_scoped3A : memref<!tpu.dma_semaphore, #tpu.memory_space<semaphore_mem>>)
          %dma_wait3A = arith.constant 0 : i32
          %dma_wait3A_123 = arith.constant 0 : i32
          %dma_wait3A_124 = tpu.memref_slice %arg5[%dma_wait3A, %dma_wait3A_123] : memref<10752x128xf32, #tpu.memory_space<hbm>> -> memref<10752x128xf32, #tpu.memory_space<hbm>>
          tpu.wait_indirect_dma semaphore(%run_scoped3A : memref<!tpu.dma_semaphore, #tpu.memory_space<semaphore_mem>>) src(%dma_wait3A_124 : memref<10752x128xf32, #tpu.memory_space<hbm>>) dst(%arg16 : memref<16x128xf32, #tpu.memory_space<vmem>>)
          tpu.yield
        }) : () -> ()
        %scan3A_113 = arith.constant 0 : i32
        %scan3A_114 = arith.constant 0 : i32
        %scan3A_115 = arith.constant 16 : i32
        %scan3A_116 = arith.addi %scan3A_114, %scan3A_115 : i32
        %scan3A_117 = arith.constant 1 : i32
        %scan3A_118 = scf.for %scan3A_121 = %scan3A_114 to %scan3A_116 step %scan3A_117 iter_args(%scan3A_122 = %scan3A_113) -> (i32)  : i32 {
          %broadcast_in_dim3A_123 = vector.broadcast %scan3A_121 : i32 to vector<16xi32>
          %add3A_124 = vector.broadcast %mul3A_107 : i32 to vector<16xi32>
          %add3A_125 = arith.addi %add3A_124, %broadcast_in_dim3A_123 : vector<16xi32>
          %gather3A = tpu.vector_load_idx %arg13[%add3A_125] : memref<1056xi32, #tpu.memory_space<vmem>>[vector<16xi32>], vector<16xi32>,
          %reduce_max3A = arith.constant true
          %reduce_max3A_126 = vector.broadcast %reduce_max3A : i1 to vector<16xi1>
          %reduce_max3A_127 = arith.constant -2147483648 : i32
          %reduce_max3A_128 = vector.broadcast %reduce_max3A_127 : i32 to vector<16xi32>
          %reduce_max3A_129 = arith.xori %gather3A, %reduce_max3A_128 : vector<16xi32>
          %reduce_max3A_130 = tpu.scan <max>, %reduce_max3A_129 masked %reduce_max3A_126 : vector<16xi32>, vector<16xi1> -> vector<16xi32>
          %reduce_max3A_131 = arith.xori %reduce_max3A_130, %reduce_max3A_128 : vector<16xi32>
          %reduce_max3A_132 = vector.extract %reduce_max3A_131[15] : i32 from vector<16xi32>
          %add3A_133 = vector.broadcast %mul3A_107 : i32 to vector<16xi32>
          %add3A_134 = arith.addi %add3A_133, %broadcast_in_dim3A_123 : vector<16xi32>
          %gather3A_135 = tpu.vector_load_idx %arg14[%add3A_134] : memref<1056xi32, #tpu.memory_space<vmem>>[vector<16xi32>], vector<16xi32>,
          %reduce_max3A_136 = arith.constant true
          %reduce_max3A_137 = vector.broadcast %reduce_max3A_136 : i1 to vector<16xi1>
          %reduce_max3A_138 = arith.constant -2147483648 : i32
          %reduce_max3A_139 = vector.broadcast %reduce_max3A_138 : i32 to vector<16xi32>
          %reduce_max3A_140 = arith.xori %gather3A_135, %reduce_max3A_139 : vector<16xi32>
          %reduce_max3A_141 = tpu.scan <max>, %reduce_max3A_140 masked %reduce_max3A_137 : vector<16xi32>, vector<16xi1> -> vector<16xi32>
          %reduce_max3A_142 = arith.xori %reduce_max3A_141, %reduce_max3A_139 : vector<16xi32>
          %reduce_max3A_143 = vector.extract %reduce_max3A_142[15] : i32 from vector<16xi32>
          %and3A_144 = arith.constant 31 : i32
          %and3A_145 = arith.andi %reduce_max3A_143, %and3A_144 : i32
          %mul3A_146 = arith.constant 4 : i32
          %mul3A_147 = arith.muli %and3A_145, %mul3A_146 : i32
          %min3A = arith.constant 3 : i32
          %min3A_148 = vector.broadcast %min3A : i32 to vector<16xi32>
          %min3A_149 = arith.minsi %iota3A, %min3A_148 : vector<16xi32>
          %add3A_150 = vector.broadcast %mul3A_147 : i32 to vector<16xi32>
          %add3A_151 = arith.addi %add3A_150, %min3A_149 : vector<16xi32>
          %gather3A_152 = tpu.vector_load_idx %arg16[%broadcast_in_dim3A_123, %add3A_151] : memref<16x128xf32, #tpu.memory_space<vmem>>[vector<16xi32>, vector<16xi32>], vector<16xf32>,
          %slice3A = vector.extract_strided_slice %gather3A_152 {offsets = [0], sizes = [1], strides = [1]} : vector<16xf32> to vector<1xf32>
          %squeeze3A = vector.extract %slice3A[0] : f32 from vector<1xf32>
          %get3A_153 = arith.index_cast %scan3A_121 : i32 to index
          %get3A_154 = arith.constant 0 : index
          %get3A_155 = tpu.vector_load %arg15[%get3A_153, %get3A_154] {strides = array<i32>} : memref<16x512xf32, #tpu.memory_space<vmem>>, vector<16xf32>,
          %mul3A_156 = vector.broadcast %squeeze3A : f32 to vector<16xf32>
          %mul3A_157 = arith.mulf %get3A_155, %mul3A_156 : vector<16xf32>
          %swap3A_158 = arith.index_cast %reduce_max3A_132 : i32 to index
          %swap3A_159 = arith.constant 0 : index
          %swap3A_160 = tpu.vector_load %arg8[%swap3A_158, %swap3A_159] {strides = array<i32>} : memref<160x512xf32, #tpu.memory_space<vmem>>, vector<16xf32>,
          tpu.vector_store %arg8[%swap3A_158, %swap3A_159], %mul3A_157 {add = true, strides = array<i32>} : memref<160x512xf32, #tpu.memory_space<vmem>>, vector<16xf32>,
          %get3A_161 = arith.index_cast %scan3A_121 : i32 to index
          %get3A_162 = arith.constant 16 : index
          %get3A_163 = tpu.vector_load %arg15[%get3A_161, %get3A_162] {strides = array<i32>} : memref<16x512xf32, #tpu.memory_space<vmem>>, vector<16xf32>,
          %mul3A_164 = vector.broadcast %squeeze3A : f32 to vector<16xf32>
          %mul3A_165 = arith.mulf %get3A_163, %mul3A_164 : vector<16xf32>
          %swap3A_166 = arith.index_cast %reduce_max3A_132 : i32 to index
          %swap3A_167 = arith.constant 16 : index
          %swap3A_168 = tpu.vector_load %arg8[%swap3A_166, %swap3A_167] {strides = array<i32>} : memref<160x512xf32, #tpu.memory_space<vmem>>, vector<16xf32>,
          tpu.vector_store %arg8[%swap3A_166, %swap3A_167], %mul3A_165 {add = true, strides = array<i32>} : memref<160x512xf32, #tpu.memory_space<vmem>>, vector<16xf32>,
          %get3A_169 = arith.index_cast %scan3A_121 : i32 to index
          %get3A_170 = arith.constant 32 : index
          %get3A_171 = tpu.vector_load %arg15[%get3A_169, %get3A_170] {strides = array<i32>} : memref<16x512xf32, #tpu.memory_space<vmem>>, vector<16xf32>,
          %mul3A_172 = vector.broadcast %squeeze3A : f32 to vector<16xf32>
          %mul3A_173 = arith.mulf %get3A_171, %mul3A_172 : vector<16xf32>
          %swap3A_174 = arith.index_cast %reduce_max3A_132 : i32 to index
          %swap3A_175 = arith.constant 32 : index
          %swap3A_176 = tpu.vector_load %arg8[%swap3A_174, %swap3A_175] {strides = array<i32>} : memref<160x512xf32, #tpu.memory_space<vmem>>, vector<16xf32>,
          tpu.vector_store %arg8[%swap3A_174, %swap3A_175], %mul3A_173 {add = true, strides = array<i32>} : memref<160x512xf32, #tpu.memory_space<vmem>>, vector<16xf32>,
          %get3A_177 = arith.index_cast %scan3A_121 : i32 to index
          %get3A_178 = arith.constant 48 : index
          %get3A_179 = tpu.vector_load %arg15[%get3A_177, %get3A_178] {strides = array<i32>} : memref<16x512xf32, #tpu.memory_space<vmem>>, vector<16xf32>,
          %mul3A_180 = vector.broadcast %squeeze3A : f32 to vector<16xf32>
          %mul3A_181 = arith.mulf %get3A_179, %mul3A_180 : vector<16xf32>
          %swap3A_182 = arith.index_cast %reduce_max3A_132 : i32 to index
          %swap3A_183 = arith.constant 48 : index
          %swap3A_184 = tpu.vector_load %arg8[%swap3A_182, %swap3A_183] {strides = array<i32>} : memref<160x512xf32, #tpu.memory_space<vmem>>, vector<16xf32>,
          tpu.vector_store %arg8[%swap3A_182, %swap3A_183], %mul3A_181 {add = true, strides = array<i32>} : memref<160x512xf32, #tpu.memory_space<vmem>>, vector<16xf32>,
          %get3A_185 = arith.index_cast %scan3A_121 : i32 to index
          %get3A_186 = arith.constant 64 : index
          %get3A_187 = tpu.vector_load %arg15[%get3A_185, %get3A_186] {strides = array<i32>} : memref<16x512xf32, #tpu.memory_space<vmem>>, vector<16xf32>,
          %mul3A_188 = vector.broadcast %squeeze3A : f32 to vector<16xf32>
          %mul3A_189 = arith.mulf %get3A_187, %mul3A_188 : vector<16xf32>
          %swap3A_190 = arith.index_cast %reduce_max3A_132 : i32 to index
          %swap3A_191 = arith.constant 64 : index
          %swap3A_192 = tpu.vector_load %arg8[%swap3A_190, %swap3A_191] {strides = array<i32>} : memref<160x512xf32, #tpu.memory_space<vmem>>, vector<16xf32>,
          tpu.vector_store %arg8[%swap3A_190, %swap3A_191], %mul3A_189 {add = true, strides = array<i32>} : memref<160x512xf32, #tpu.memory_space<vmem>>, vector<16xf32>,
          %get3A_193 = arith.index_cast %scan3A_121 : i32 to index
          %get3A_194 = arith.constant 80 : index
          %get3A_195 = tpu.vector_load %arg15[%get3A_193, %get3A_194] {strides = array<i32>} : memref<16x512xf32, #tpu.memory_space<vmem>>, vector<16xf32>,
          %mul3A_196 = vector.broadcast %squeeze3A : f32 to vector<16xf32>
          %mul3A_197 = arith.mulf %get3A_195, %mul3A_196 : vector<16xf32>
          %swap3A_198 = arith.index_cast %reduce_max3A_132 : i32 to index
          %swap3A_199 = arith.constant 80 : index
          %swap3A_200 = tpu.vector_load %arg8[%swap3A_198, %swap3A_199] {strides = array<i32>} : memref<160x512xf32, #tpu.memory_space<vmem>>, vector<16xf32>,
          tpu.vector_store %arg8[%swap3A_198, %swap3A_199], %mul3A_197 {add = true, strides = array<i32>} : memref<160x512xf32, #tpu.memory_space<vmem>>, vector<16xf32>,
          %get3A_201 = arith.index_cast %scan3A_121 : i32 to index
          %get3A_202 = arith.constant 96 : index
          %get3A_203 = tpu.vector_load %arg15[%get3A_201, %get3A_202] {strides = array<i32>} : memref<16x512xf32, #tpu.memory_space<vmem>>, vector<16xf32>,
          %mul3A_204 = vector.broadcast %squeeze3A : f32 to vector<16xf32>
          %mul3A_205 = arith.mulf %get3A_203, %mul3A_204 : vector<16xf32>
          %swap3A_206 = arith.index_cast %reduce_max3A_132 : i32 to index
          %swap3A_207 = arith.constant 96 : index
          %swap3A_208 = tpu.vector_load %arg8[%swap3A_206, %swap3A_207] {strides = array<i32>} : memref<160x512xf32, #tpu.memory_space<vmem>>, vector<16xf32>,
          tpu.vector_store %arg8[%swap3A_206, %swap3A_207], %mul3A_205 {add = true, strides = array<i32>} : memref<160x512xf32, #tpu.memory_space<vmem>>, vector<16xf32>,
          %get3A_209 = arith.index_cast %scan3A_121 : i32 to index
          %get3A_210 = arith.constant 112 : index
          %get3A_211 = tpu.vector_load %arg15[%get3A_209, %get3A_210] {strides = array<i32>} : memref<16x512xf32, #tpu.memory_space<vmem>>, vector<16xf32>,
          %mul3A_212 = vector.broadcast %squeeze3A : f32 to vector<16xf32>
          %mul3A_213 = arith.mulf %get3A_211, %mul3A_212 : vector<16xf32>
          %swap3A_214 = arith.index_cast %reduce_max3A_132 : i32 to index
          %swap3A_215 = arith.constant 112 : index
          %swap3A_216 = tpu.vector_load %arg8[%swap3A_214, %swap3A_215] {strides = array<i32>} : memref<160x512xf32, #tpu.memory_space<vmem>>, vector<16xf32>,
          tpu.vector_store %arg8[%swap3A_214, %swap3A_215], %mul3A_213 {add = true, strides = array<i32>} : memref<160x512xf32, #tpu.memory_space<vmem>>, vector<16xf32>,
          %slice3A_217 = vector.extract_strided_slice %gather3A_152 {offsets = [1], sizes = [1], strides = [1]} : vector<16xf32> to vector<1xf32>
          %squeeze3A_218 = vector.extract %slice3A_217[0] : f32 from vector<1xf32>
          %get3A_219 = arith.index_cast %scan3A_121 : i32 to index
          %get3A_220 = arith.constant 128 : index
          %get3A_221 = tpu.vector_load %arg15[%get3A_219, %get3A_220] {strides = array<i32>} : memref<16x512xf32, #tpu.memory_space<vmem>>, vector<16xf32>,
          %mul3A_222 = vector.broadcast %squeeze3A_218 : f32 to vector<16xf32>
          %mul3A_223 = arith.mulf %get3A_221, %mul3A_222 : vector<16xf32>
          %swap3A_224 = arith.index_cast %reduce_max3A_132 : i32 to index
          %swap3A_225 = arith.constant 128 : index
          %swap3A_226 = tpu.vector_load %arg8[%swap3A_224, %swap3A_225] {strides = array<i32>} : memref<160x512xf32, #tpu.memory_space<vmem>>, vector<16xf32>,
          tpu.vector_store %arg8[%swap3A_224, %swap3A_225], %mul3A_223 {add = true, strides = array<i32>} : memref<160x512xf32, #tpu.memory_space<vmem>>, vector<16xf32>,
          %get3A_227 = arith.index_cast %scan3A_121 : i32 to index
          %get3A_228 = arith.constant 144 : index
          %get3A_229 = tpu.vector_load %arg15[%get3A_227, %get3A_228] {strides = array<i32>} : memref<16x512xf32, #tpu.memory_space<vmem>>, vector<16xf32>,
          %mul3A_230 = vector.broadcast %squeeze3A_218 : f32 to vector<16xf32>
          %mul3A_231 = arith.mulf %get3A_229, %mul3A_230 : vector<16xf32>
          %swap3A_232 = arith.index_cast %reduce_max3A_132 : i32 to index
          %swap3A_233 = arith.constant 144 : index
          %swap3A_234 = tpu.vector_load %arg8[%swap3A_232, %swap3A_233] {strides = array<i32>} : memref<160x512xf32, #tpu.memory_space<vmem>>, vector<16xf32>,
          tpu.vector_store %arg8[%swap3A_232, %swap3A_233], %mul3A_231 {add = true, strides = array<i32>} : memref<160x512xf32, #tpu.memory_space<vmem>>, vector<16xf32>,
          %get3A_235 = arith.index_cast %scan3A_121 : i32 to index
          %get3A_236 = arith.constant 160 : index
          %get3A_237 = tpu.vector_load %arg15[%get3A_235, %get3A_236] {strides = array<i32>} : memref<16x512xf32, #tpu.memory_space<vmem>>, vector<16xf32>,
          %mul3A_238 = vector.broadcast %squeeze3A_218 : f32 to vector<16xf32>
          %mul3A_239 = arith.mulf %get3A_237, %mul3A_238 : vector<16xf32>
          %swap3A_240 = arith.index_cast %reduce_max3A_132 : i32 to index
          %swap3A_241 = arith.constant 160 : index
          %swap3A_242 = tpu.vector_load %arg8[%swap3A_240, %swap3A_241] {strides = array<i32>} : memref<160x512xf32, #tpu.memory_space<vmem>>, vector<16xf32>,
          tpu.vector_store %arg8[%swap3A_240, %swap3A_241], %mul3A_239 {add = true, strides = array<i32>} : memref<160x512xf32, #tpu.memory_space<vmem>>, vector<16xf32>,
          %get3A_243 = arith.index_cast %scan3A_121 : i32 to index
          %get3A_244 = arith.constant 176 : index
          %get3A_245 = tpu.vector_load %arg15[%get3A_243, %get3A_244] {strides = array<i32>} : memref<16x512xf32, #tpu.memory_space<vmem>>, vector<16xf32>,
          %mul3A_246 = vector.broadcast %squeeze3A_218 : f32 to vector<16xf32>
          %mul3A_247 = arith.mulf %get3A_245, %mul3A_246 : vector<16xf32>
          %swap3A_248 = arith.index_cast %reduce_max3A_132 : i32 to index
          %swap3A_249 = arith.constant 176 : index
          %swap3A_250 = tpu.vector_load %arg8[%swap3A_248, %swap3A_249] {strides = array<i32>} : memref<160x512xf32, #tpu.memory_space<vmem>>, vector<16xf32>,
          tpu.vector_store %arg8[%swap3A_248, %swap3A_249], %mul3A_247 {add = true, strides = array<i32>} : memref<160x512xf32, #tpu.memory_space<vmem>>, vector<16xf32>,
          %get3A_251 = arith.index_cast %scan3A_121 : i32 to index
          %get3A_252 = arith.constant 192 : index
          %get3A_253 = tpu.vector_load %arg15[%get3A_251, %get3A_252] {strides = array<i32>} : memref<16x512xf32, #tpu.memory_space<vmem>>, vector<16xf32>,
          %mul3A_254 = vector.broadcast %squeeze3A_218 : f32 to vector<16xf32>
          %mul3A_255 = arith.mulf %get3A_253, %mul3A_254 : vector<16xf32>
          %swap3A_256 = arith.index_cast %reduce_max3A_132 : i32 to index
          %swap3A_257 = arith.constant 192 : index
          %swap3A_258 = tpu.vector_load %arg8[%swap3A_256, %swap3A_257] {strides = array<i32>} : memref<160x512xf32, #tpu.memory_space<vmem>>, vector<16xf32>,
          tpu.vector_store %arg8[%swap3A_256, %swap3A_257], %mul3A_255 {add = true, strides = array<i32>} : memref<160x512xf32, #tpu.memory_space<vmem>>, vector<16xf32>,
          %get3A_259 = arith.index_cast %scan3A_121 : i32 to index
          %get3A_260 = arith.constant 208 : index
          %get3A_261 = tpu.vector_load %arg15[%get3A_259, %get3A_260] {strides = array<i32>} : memref<16x512xf32, #tpu.memory_space<vmem>>, vector<16xf32>,
          %mul3A_262 = vector.broadcast %squeeze3A_218 : f32 to vector<16xf32>
          %mul3A_263 = arith.mulf %get3A_261, %mul3A_262 : vector<16xf32>
          %swap3A_264 = arith.index_cast %reduce_max3A_132 : i32 to index
          %swap3A_265 = arith.constant 208 : index
          %swap3A_266 = tpu.vector_load %arg8[%swap3A_264, %swap3A_265] {strides = array<i32>} : memref<160x512xf32, #tpu.memory_space<vmem>>, vector<16xf32>,
          tpu.vector_store %arg8[%swap3A_264, %swap3A_265], %mul3A_263 {add = true, strides = array<i32>} : memref<160x512xf32, #tpu.memory_space<vmem>>, vector<16xf32>,
          %get3A_267 = arith.index_cast %scan3A_121 : i32 to index
          %get3A_268 = arith.constant 224 : index
          %get3A_269 = tpu.vector_load %arg15[%get3A_267, %get3A_268] {strides = array<i32>} : memref<16x512xf32, #tpu.memory_space<vmem>>, vector<16xf32>,
          %mul3A_270 = vector.broadcast %squeeze3A_218 : f32 to vector<16xf32>
          %mul3A_271 = arith.mulf %get3A_269, %mul3A_270 : vector<16xf32>
          %swap3A_272 = arith.index_cast %reduce_max3A_132 : i32 to index
          %swap3A_273 = arith.constant 224 : index
          %swap3A_274 = tpu.vector_load %arg8[%swap3A_272, %swap3A_273] {strides = array<i32>} : memref<160x512xf32, #tpu.memory_space<vmem>>, vector<16xf32>,
          tpu.vector_store %arg8[%swap3A_272, %swap3A_273], %mul3A_271 {add = true, strides = array<i32>} : memref<160x512xf32, #tpu.memory_space<vmem>>, vector<16xf32>,
          %get3A_275 = arith.index_cast %scan3A_121 : i32 to index
          %get3A_276 = arith.constant 240 : index
          %get3A_277 = tpu.vector_load %arg15[%get3A_275, %get3A_276] {strides = array<i32>} : memref<16x512xf32, #tpu.memory_space<vmem>>, vector<16xf32>,
          %mul3A_278 = vector.broadcast %squeeze3A_218 : f32 to vector<16xf32>
          %mul3A_279 = arith.mulf %get3A_277, %mul3A_278 : vector<16xf32>
          %swap3A_280 = arith.index_cast %reduce_max3A_132 : i32 to index
          %swap3A_281 = arith.constant 240 : index
          %swap3A_282 = tpu.vector_load %arg8[%swap3A_280, %swap3A_281] {strides = array<i32>} : memref<160x512xf32, #tpu.memory_space<vmem>>, vector<16xf32>,
          tpu.vector_store %arg8[%swap3A_280, %swap3A_281], %mul3A_279 {add = true, strides = array<i32>} : memref<160x512xf32, #tpu.memory_space<vmem>>, vector<16xf32>,
          %slice3A_283 = vector.extract_strided_slice %gather3A_152 {offsets = [2], sizes = [1], strides = [1]} : vector<16xf32> to vector<1xf32>
          %squeeze3A_284 = vector.extract %slice3A_283[0] : f32 from vector<1xf32>
          %get3A_285 = arith.index_cast %scan3A_121 : i32 to index
          %get3A_286 = arith.constant 256 : index
          %get3A_287 = tpu.vector_load %arg15[%get3A_285, %get3A_286] {strides = array<i32>} : memref<16x512xf32, #tpu.memory_space<vmem>>, vector<16xf32>,
          %mul3A_288 = vector.broadcast %squeeze3A_284 : f32 to vector<16xf32>
          %mul3A_289 = arith.mulf %get3A_287, %mul3A_288 : vector<16xf32>
          %swap3A_290 = arith.index_cast %reduce_max3A_132 : i32 to index
          %swap3A_291 = arith.constant 256 : index
          %swap3A_292 = tpu.vector_load %arg8[%swap3A_290, %swap3A_291] {strides = array<i32>} : memref<160x512xf32, #tpu.memory_space<vmem>>, vector<16xf32>,
          tpu.vector_store %arg8[%swap3A_290, %swap3A_291], %mul3A_289 {add = true, strides = array<i32>} : memref<160x512xf32, #tpu.memory_space<vmem>>, vector<16xf32>,
          %get3A_293 = arith.index_cast %scan3A_121 : i32 to index
          %get3A_294 = arith.constant 272 : index
          %get3A_295 = tpu.vector_load %arg15[%get3A_293, %get3A_294] {strides = array<i32>} : memref<16x512xf32, #tpu.memory_space<vmem>>, vector<16xf32>,
          %mul3A_296 = vector.broadcast %squeeze3A_284 : f32 to vector<16xf32>
          %mul3A_297 = arith.mulf %get3A_295, %mul3A_296 : vector<16xf32>
          %swap3A_298 = arith.index_cast %reduce_max3A_132 : i32 to index
          %swap3A_299 = arith.constant 272 : index
          %swap3A_300 = tpu.vector_load %arg8[%swap3A_298, %swap3A_299] {strides = array<i32>} : memref<160x512xf32, #tpu.memory_space<vmem>>, vector<16xf32>,
          tpu.vector_store %arg8[%swap3A_298, %swap3A_299], %mul3A_297 {add = true, strides = array<i32>} : memref<160x512xf32, #tpu.memory_space<vmem>>, vector<16xf32>,
          %get3A_301 = arith.index_cast %scan3A_121 : i32 to index
          %get3A_302 = arith.constant 288 : index
          %get3A_303 = tpu.vector_load %arg15[%get3A_301, %get3A_302] {strides = array<i32>} : memref<16x512xf32, #tpu.memory_space<vmem>>, vector<16xf32>,
          %mul3A_304 = vector.broadcast %squeeze3A_284 : f32 to vector<16xf32>
          %mul3A_305 = arith.mulf %get3A_303, %mul3A_304 : vector<16xf32>
          %swap3A_306 = arith.index_cast %reduce_max3A_132 : i32 to index
          %swap3A_307 = arith.constant 288 : index
          %swap3A_308 = tpu.vector_load %arg8[%swap3A_306, %swap3A_307] {strides = array<i32>} : memref<160x512xf32, #tpu.memory_space<vmem>>, vector<16xf32>,
          tpu.vector_store %arg8[%swap3A_306, %swap3A_307], %mul3A_305 {add = true, strides = array<i32>} : memref<160x512xf32, #tpu.memory_space<vmem>>, vector<16xf32>,
          %get3A_309 = arith.index_cast %scan3A_121 : i32 to index
          %get3A_310 = arith.constant 304 : index
          %get3A_311 = tpu.vector_load %arg15[%get3A_309, %get3A_310] {strides = array<i32>} : memref<16x512xf32, #tpu.memory_space<vmem>>, vector<16xf32>,
          %mul3A_312 = vector.broadcast %squeeze3A_284 : f32 to vector<16xf32>
          %mul3A_313 = arith.mulf %get3A_311, %mul3A_312 : vector<16xf32>
          %swap3A_314 = arith.index_cast %reduce_max3A_132 : i32 to index
          %swap3A_315 = arith.constant 304 : index
          %swap3A_316 = tpu.vector_load %arg8[%swap3A_314, %swap3A_315] {strides = array<i32>} : memref<160x512xf32, #tpu.memory_space<vmem>>, vector<16xf32>,
          tpu.vector_store %arg8[%swap3A_314, %swap3A_315], %mul3A_313 {add = true, strides = array<i32>} : memref<160x512xf32, #tpu.memory_space<vmem>>, vector<16xf32>,
          %get3A_317 = arith.index_cast %scan3A_121 : i32 to index
          %get3A_318 = arith.constant 320 : index
          %get3A_319 = tpu.vector_load %arg15[%get3A_317, %get3A_318] {strides = array<i32>} : memref<16x512xf32, #tpu.memory_space<vmem>>, vector<16xf32>,
          %mul3A_320 = vector.broadcast %squeeze3A_284 : f32 to vector<16xf32>
          %mul3A_321 = arith.mulf %get3A_319, %mul3A_320 : vector<16xf32>
          %swap3A_322 = arith.index_cast %reduce_max3A_132 : i32 to index
          %swap3A_323 = arith.constant 320 : index
          %swap3A_324 = tpu.vector_load %arg8[%swap3A_322, %swap3A_323] {strides = array<i32>} : memref<160x512xf32, #tpu.memory_space<vmem>>, vector<16xf32>,
          tpu.vector_store %arg8[%swap3A_322, %swap3A_323], %mul3A_321 {add = true, strides = array<i32>} : memref<160x512xf32, #tpu.memory_space<vmem>>, vector<16xf32>,
          %get3A_325 = arith.index_cast %scan3A_121 : i32 to index
          %get3A_326 = arith.constant 336 : index
          %get3A_327 = tpu.vector_load %arg15[%get3A_325, %get3A_326] {strides = array<i32>} : memref<16x512xf32, #tpu.memory_space<vmem>>, vector<16xf32>,
          %mul3A_328 = vector.broadcast %squeeze3A_284 : f32 to vector<16xf32>
          %mul3A_329 = arith.mulf %get3A_327, %mul3A_328 : vector<16xf32>
          %swap3A_330 = arith.index_cast %reduce_max3A_132 : i32 to index
          %swap3A_331 = arith.constant 336 : index
          %swap3A_332 = tpu.vector_load %arg8[%swap3A_330, %swap3A_331] {strides = array<i32>} : memref<160x512xf32, #tpu.memory_space<vmem>>, vector<16xf32>,
          tpu.vector_store %arg8[%swap3A_330, %swap3A_331], %mul3A_329 {add = true, strides = array<i32>} : memref<160x512xf32, #tpu.memory_space<vmem>>, vector<16xf32>,
          %get3A_333 = arith.index_cast %scan3A_121 : i32 to index
          %get3A_334 = arith.constant 352 : index
          %get3A_335 = tpu.vector_load %arg15[%get3A_333, %get3A_334] {strides = array<i32>} : memref<16x512xf32, #tpu.memory_space<vmem>>, vector<16xf32>,
          %mul3A_336 = vector.broadcast %squeeze3A_284 : f32 to vector<16xf32>
          %mul3A_337 = arith.mulf %get3A_335, %mul3A_336 : vector<16xf32>
          %swap3A_338 = arith.index_cast %reduce_max3A_132 : i32 to index
          %swap3A_339 = arith.constant 352 : index
          %swap3A_340 = tpu.vector_load %arg8[%swap3A_338, %swap3A_339] {strides = array<i32>} : memref<160x512xf32, #tpu.memory_space<vmem>>, vector<16xf32>,
          tpu.vector_store %arg8[%swap3A_338, %swap3A_339], %mul3A_337 {add = true, strides = array<i32>} : memref<160x512xf32, #tpu.memory_space<vmem>>, vector<16xf32>,
          %get3A_341 = arith.index_cast %scan3A_121 : i32 to index
          %get3A_342 = arith.constant 368 : index
          %get3A_343 = tpu.vector_load %arg15[%get3A_341, %get3A_342] {strides = array<i32>} : memref<16x512xf32, #tpu.memory_space<vmem>>, vector<16xf32>,
          %mul3A_344 = vector.broadcast %squeeze3A_284 : f32 to vector<16xf32>
          %mul3A_345 = arith.mulf %get3A_343, %mul3A_344 : vector<16xf32>
          %swap3A_346 = arith.index_cast %reduce_max3A_132 : i32 to index
          %swap3A_347 = arith.constant 368 : index
          %swap3A_348 = tpu.vector_load %arg8[%swap3A_346, %swap3A_347] {strides = array<i32>} : memref<160x512xf32, #tpu.memory_space<vmem>>, vector<16xf32>,
          tpu.vector_store %arg8[%swap3A_346, %swap3A_347], %mul3A_345 {add = true, strides = array<i32>} : memref<160x512xf32, #tpu.memory_space<vmem>>, vector<16xf32>,
          %slice3A_349 = vector.extract_strided_slice %gather3A_152 {offsets = [3], sizes = [1], strides = [1]} : vector<16xf32> to vector<1xf32>
          %squeeze3A_350 = vector.extract %slice3A_349[0] : f32 from vector<1xf32>
          %get3A_351 = arith.index_cast %scan3A_121 : i32 to index
          %get3A_352 = arith.constant 384 : index
          %get3A_353 = tpu.vector_load %arg15[%get3A_351, %get3A_352] {strides = array<i32>} : memref<16x512xf32, #tpu.memory_space<vmem>>, vector<16xf32>,
          %mul3A_354 = vector.broadcast %squeeze3A_350 : f32 to vector<16xf32>
          %mul3A_355 = arith.mulf %get3A_353, %mul3A_354 : vector<16xf32>
          %swap3A_356 = arith.index_cast %reduce_max3A_132 : i32 to index
          %swap3A_357 = arith.constant 384 : index
          %swap3A_358 = tpu.vector_load %arg8[%swap3A_356, %swap3A_357] {strides = array<i32>} : memref<160x512xf32, #tpu.memory_space<vmem>>, vector<16xf32>,
          tpu.vector_store %arg8[%swap3A_356, %swap3A_357], %mul3A_355 {add = true, strides = array<i32>} : memref<160x512xf32, #tpu.memory_space<vmem>>, vector<16xf32>,
          %get3A_359 = arith.index_cast %scan3A_121 : i32 to index
          %get3A_360 = arith.constant 400 : index
          %get3A_361 = tpu.vector_load %arg15[%get3A_359, %get3A_360] {strides = array<i32>} : memref<16x512xf32, #tpu.memory_space<vmem>>, vector<16xf32>,
          %mul3A_362 = vector.broadcast %squeeze3A_350 : f32 to vector<16xf32>
          %mul3A_363 = arith.mulf %get3A_361, %mul3A_362 : vector<16xf32>
          %swap3A_364 = arith.index_cast %reduce_max3A_132 : i32 to index
          %swap3A_365 = arith.constant 400 : index
          %swap3A_366 = tpu.vector_load %arg8[%swap3A_364, %swap3A_365] {strides = array<i32>} : memref<160x512xf32, #tpu.memory_space<vmem>>, vector<16xf32>,
          tpu.vector_store %arg8[%swap3A_364, %swap3A_365], %mul3A_363 {add = true, strides = array<i32>} : memref<160x512xf32, #tpu.memory_space<vmem>>, vector<16xf32>,
          %get3A_367 = arith.index_cast %scan3A_121 : i32 to index
          %get3A_368 = arith.constant 416 : index
          %get3A_369 = tpu.vector_load %arg15[%get3A_367, %get3A_368] {strides = array<i32>} : memref<16x512xf32, #tpu.memory_space<vmem>>, vector<16xf32>,
          %mul3A_370 = vector.broadcast %squeeze3A_350 : f32 to vector<16xf32>
          %mul3A_371 = arith.mulf %get3A_369, %mul3A_370 : vector<16xf32>
          %swap3A_372 = arith.index_cast %reduce_max3A_132 : i32 to index
          %swap3A_373 = arith.constant 416 : index
          %swap3A_374 = tpu.vector_load %arg8[%swap3A_372, %swap3A_373] {strides = array<i32>} : memref<160x512xf32, #tpu.memory_space<vmem>>, vector<16xf32>,
          tpu.vector_store %arg8[%swap3A_372, %swap3A_373], %mul3A_371 {add = true, strides = array<i32>} : memref<160x512xf32, #tpu.memory_space<vmem>>, vector<16xf32>,
          %get3A_375 = arith.index_cast %scan3A_121 : i32 to index
          %get3A_376 = arith.constant 432 : index
          %get3A_377 = tpu.vector_load %arg15[%get3A_375, %get3A_376] {strides = array<i32>} : memref<16x512xf32, #tpu.memory_space<vmem>>, vector<16xf32>,
          %mul3A_378 = vector.broadcast %squeeze3A_350 : f32 to vector<16xf32>
          %mul3A_379 = arith.mulf %get3A_377, %mul3A_378 : vector<16xf32>
          %swap3A_380 = arith.index_cast %reduce_max3A_132 : i32 to index
          %swap3A_381 = arith.constant 432 : index
          %swap3A_382 = tpu.vector_load %arg8[%swap3A_380, %swap3A_381] {strides = array<i32>} : memref<160x512xf32, #tpu.memory_space<vmem>>, vector<16xf32>,
          tpu.vector_store %arg8[%swap3A_380, %swap3A_381], %mul3A_379 {add = true, strides = array<i32>} : memref<160x512xf32, #tpu.memory_space<vmem>>, vector<16xf32>,
          %get3A_383 = arith.index_cast %scan3A_121 : i32 to index
          %get3A_384 = arith.constant 448 : index
          %get3A_385 = tpu.vector_load %arg15[%get3A_383, %get3A_384] {strides = array<i32>} : memref<16x512xf32, #tpu.memory_space<vmem>>, vector<16xf32>,
          %mul3A_386 = vector.broadcast %squeeze3A_350 : f32 to vector<16xf32>
          %mul3A_387 = arith.mulf %get3A_385, %mul3A_386 : vector<16xf32>
          %swap3A_388 = arith.index_cast %reduce_max3A_132 : i32 to index
          %swap3A_389 = arith.constant 448 : index
          %swap3A_390 = tpu.vector_load %arg8[%swap3A_388, %swap3A_389] {strides = array<i32>} : memref<160x512xf32, #tpu.memory_space<vmem>>, vector<16xf32>,
          tpu.vector_store %arg8[%swap3A_388, %swap3A_389], %mul3A_387 {add = true, strides = array<i32>} : memref<160x512xf32, #tpu.memory_space<vmem>>, vector<16xf32>,
          %get3A_391 = arith.index_cast %scan3A_121 : i32 to index
          %get3A_392 = arith.constant 464 : index
          %get3A_393 = tpu.vector_load %arg15[%get3A_391, %get3A_392] {strides = array<i32>} : memref<16x512xf32, #tpu.memory_space<vmem>>, vector<16xf32>,
          %mul3A_394 = vector.broadcast %squeeze3A_350 : f32 to vector<16xf32>
          %mul3A_395 = arith.mulf %get3A_393, %mul3A_394 : vector<16xf32>
          %swap3A_396 = arith.index_cast %reduce_max3A_132 : i32 to index
          %swap3A_397 = arith.constant 464 : index
          %swap3A_398 = tpu.vector_load %arg8[%swap3A_396, %swap3A_397] {strides = array<i32>} : memref<160x512xf32, #tpu.memory_space<vmem>>, vector<16xf32>,
          tpu.vector_store %arg8[%swap3A_396, %swap3A_397], %mul3A_395 {add = true, strides = array<i32>} : memref<160x512xf32, #tpu.memory_space<vmem>>, vector<16xf32>,
          %get3A_399 = arith.index_cast %scan3A_121 : i32 to index
          %get3A_400 = arith.constant 480 : index
          %get3A_401 = tpu.vector_load %arg15[%get3A_399, %get3A_400] {strides = array<i32>} : memref<16x512xf32, #tpu.memory_space<vmem>>, vector<16xf32>,
          %mul3A_402 = vector.broadcast %squeeze3A_350 : f32 to vector<16xf32>
          %mul3A_403 = arith.mulf %get3A_401, %mul3A_402 : vector<16xf32>
          %swap3A_404 = arith.index_cast %reduce_max3A_132 : i32 to index
          %swap3A_405 = arith.constant 480 : index
          %swap3A_406 = tpu.vector_load %arg8[%swap3A_404, %swap3A_405] {strides = array<i32>} : memref<160x512xf32, #tpu.memory_space<vmem>>, vector<16xf32>,
          tpu.vector_store %arg8[%swap3A_404, %swap3A_405], %mul3A_403 {add = true, strides = array<i32>} : memref<160x512xf32, #tpu.memory_space<vmem>>, vector<16xf32>,
          %get3A_407 = arith.index_cast %scan3A_121 : i32 to index
          %get3A_408 = arith.constant 496 : index
          %get3A_409 = tpu.vector_load %arg15[%get3A_407, %get3A_408] {strides = array<i32>} : memref<16x512xf32, #tpu.memory_space<vmem>>, vector<16xf32>,
          %mul3A_410 = vector.broadcast %squeeze3A_350 : f32 to vector<16xf32>
          %mul3A_411 = arith.mulf %get3A_409, %mul3A_410 : vector<16xf32>
          %swap3A_412 = arith.index_cast %reduce_max3A_132 : i32 to index
          %swap3A_413 = arith.constant 496 : index
          %swap3A_414 = tpu.vector_load %arg8[%swap3A_412, %swap3A_413] {strides = array<i32>} : memref<160x512xf32, #tpu.memory_space<vmem>>, vector<16xf32>,
          tpu.vector_store %arg8[%swap3A_412, %swap3A_413], %mul3A_411 {add = true, strides = array<i32>} : memref<160x512xf32, #tpu.memory_space<vmem>>, vector<16xf32>,
          %lt3A = arith.constant 4 : i32
          %lt3A_415 = vector.broadcast %lt3A : i32 to vector<16xi32>
          %lt3A_416 = arith.cmpi slt, %iota3A, %lt3A_415 : vector<16xi32>
          %jit3A_417 = arith.constant 0.000000e+00 : f32
          %broadcast_in_dim3A_418 = vector.broadcast %jit3A_417 : f32 to vector<16xf32>
          %select_n3A_419 = arith.select %lt3A_416, %gather3A_152, %broadcast_in_dim3A_418 : vector<16xi1>, vector<16xf32>
          %swap3A_420 = arith.index_cast %reduce_max3A_132 : i32 to index
          %swap3A_421 = arith.constant 0 : index
          %swap3A_422 = tpu.vector_load %arg9[%swap3A_420, %swap3A_421] {strides = array<i32>} : memref<160x16xf32, #tpu.memory_space<vmem>>, vector<16xf32>,
          tpu.vector_store %arg9[%swap3A_420, %swap3A_421], %select_n3A_419 {add = true, strides = array<i32>} : memref<160x16xf32, #tpu.memory_space<vmem>>, vector<16xf32>,
          %scan3A_423 = arith.constant 0 : i32
          scf.yield %scan3A_423 : i32
        }
        %scan3A_119 = arith.constant 16 : i32
        %while3A_120 = arith.constant 0 : i32
        scf.yield %while3A_120 : i32
      }
      %scan3A_103 = arith.constant 0 : i32
      scf.yield %scan3A_103 : i32
    }
    %scan3A_52 = arith.constant 336 : i32
    "tpu.region"() ({
      %run_scoped3A = tpu.sem_alloc : memref<!tpu.dma_semaphore, #tpu.memory_space<semaphore_mem>>
      %dma_start3A = arith.constant 0 : i32
      %dma_start3A_53 = tpu.memref_slice %arg6[%add3A_31, %dma_start3A] : memref<10240x512xf32, #tpu.memory_space<hbm>> -> memref<160x512xf32, #tpu.memory_space<hbm>>
      %dma_start3A_54 = arith.constant 0 : i32
      %dma_start3A_55 = tpu.memref_slice %arg6[%add3A_31, %dma_start3A_54] : memref<10240x512xf32, #tpu.memory_space<hbm>> -> memref<160x512xf32, #tpu.memory_space<hbm>>
      tpu.enqueue_dma source(%arg8 : memref<160x512xf32, #tpu.memory_space<vmem>>) target(%dma_start3A_55 : memref<160x512xf32, #tpu.memory_space<hbm>>) target_semaphore(%run_scoped3A : memref<!tpu.dma_semaphore, #tpu.memory_space<semaphore_mem>>)
      %dma_wait3A = arith.constant 0 : i32
      %dma_wait3A_56 = tpu.memref_slice %arg6[%add3A_31, %dma_wait3A] : memref<10240x512xf32, #tpu.memory_space<hbm>> -> memref<160x512xf32, #tpu.memory_space<hbm>>
      %dma_wait3A_57 = arith.constant 0 : i32
      %dma_wait3A_58 = tpu.memref_slice %arg6[%add3A_31, %dma_wait3A_57] : memref<10240x512xf32, #tpu.memory_space<hbm>> -> memref<160x512xf32, #tpu.memory_space<hbm>>
      tpu.wait_dma2 semaphore(%run_scoped3A : memref<!tpu.dma_semaphore, #tpu.memory_space<semaphore_mem>>) src(%arg8 : memref<160x512xf32, #tpu.memory_space<vmem>>) dst(%dma_wait3A_58 : memref<160x512xf32, #tpu.memory_space<hbm>>)
      tpu.yield
    }) : () -> ()
    "tpu.region"() ({
      %run_scoped3A = tpu.sem_alloc : memref<!tpu.dma_semaphore, #tpu.memory_space<semaphore_mem>>
      %dma_start3A = arith.constant 0 : i32
      %dma_start3A_53 = tpu.memref_slice %arg7[%add3A_31, %dma_start3A] : memref<10240x16xf32, #tpu.memory_space<hbm>> -> memref<160x16xf32, #tpu.memory_space<hbm>>
      %dma_start3A_54 = arith.constant 0 : i32
      %dma_start3A_55 = tpu.memref_slice %arg7[%add3A_31, %dma_start3A_54] : memref<10240x16xf32, #tpu.memory_space<hbm>> -> memref<160x16xf32, #tpu.memory_space<hbm>>
      tpu.enqueue_dma source(%arg9 : memref<160x16xf32, #tpu.memory_space<vmem>>) target(%dma_start3A_55 : memref<160x16xf32, #tpu.memory_space<hbm>>) target_semaphore(%run_scoped3A : memref<!tpu.dma_semaphore, #tpu.memory_space<semaphore_mem>>)
      %dma_wait3A = arith.constant 0 : i32
      %dma_wait3A_56 = tpu.memref_slice %arg7[%add3A_31, %dma_wait3A] : memref<10240x16xf32, #tpu.memory_space<hbm>> -> memref<160x16xf32, #tpu.memory_space<hbm>>
      %dma_wait3A_57 = arith.constant 0 : i32
      %dma_wait3A_58 = tpu.memref_slice %arg7[%add3A_31, %dma_wait3A_57] : memref<10240x16xf32, #tpu.memory_space<hbm>> -> memref<160x16xf32, #tpu.memory_space<hbm>>
      tpu.wait_dma2 semaphore(%run_scoped3A : memref<!tpu.dma_semaphore, #tpu.memory_space<semaphore_mem>>) src(%arg9 : memref<160x16xf32, #tpu.memory_space<vmem>>) dst(%dma_wait3A_58 : memref<160x16xf32, #tpu.memory_space<hbm>>)
      tpu.yield
    }) : () -> ()
    return
  }
}

#map = affine_map<(d0, d1) -> (0)>
module attributes {stable_mosaic.version = 14 : i64} {
  func.func @_p1_body(%arg0: i32, %arg1: i32, %arg2: memref<80000xf32, #tpu.memory_space<hbm>>, %arg3: memref<344064xi32, #tpu.memory_space<hbm>>, %arg4: memref<344064xi32, #tpu.memory_space<hbm>>, %arg5: memref<1376256xf32, #tpu.memory_space<hbm>>, %arg6: memref<80000xf32, #tpu.memory_space<vmem>>, %arg7: memref<256xi32, #tpu.memory_space<vmem>>, %arg8: memref<256xi32, #tpu.memory_space<vmem>>, %arg9: memref<1024xf32, #tpu.memory_space<vmem>>) attributes {dimension_semantics = [#tpu.dimension_semantics<core_parallel>, #tpu.dimension_semantics<subcore_parallel>], iteration_bounds = array<i64: 2, 16>, scalar_prefetch = 0 : i64, scratch_operands = 4 : i64, tpu.core_type = #tpu.core_type<sc_vector_subcore>, window_params = [{transform_indices = #map}, {transform_indices = #map}, {transform_indices = #map}, {transform_indices = #map}]} {
    %mul3A = arith.constant 16 : i32
    %mul3A_0 = arith.muli %arg0, %mul3A : i32
    %add3A = arith.addi %mul3A_0, %arg1 : i32
    %mul3A_1 = arith.constant 10752 : i32
    %mul3A_2 = arith.muli %add3A, %mul3A_1 : i32
    %iota3A = tpu.iota {dimensions = array<i32: 0>} : vector<16xi32>
    "tpu.region"() ({
      %run_scoped3A = tpu.sem_alloc : memref<!tpu.dma_semaphore, #tpu.memory_space<semaphore_mem>>
      tpu.enqueue_dma source(%arg2 : memref<80000xf32, #tpu.memory_space<hbm>>) target(%arg6 : memref<80000xf32, #tpu.memory_space<vmem>>) target_semaphore(%run_scoped3A : memref<!tpu.dma_semaphore, #tpu.memory_space<semaphore_mem>>)
      tpu.wait_dma2 semaphore(%run_scoped3A : memref<!tpu.dma_semaphore, #tpu.memory_space<semaphore_mem>>) src(%arg2 : memref<80000xf32, #tpu.memory_space<hbm>>) dst(%arg6 : memref<80000xf32, #tpu.memory_space<vmem>>)
      tpu.yield
    }) : () -> ()
    %broadcast_in_dim3A = arith.constant -3.000000e+38 : f32
    %broadcast_in_dim3A_3 = vector.broadcast %broadcast_in_dim3A : f32 to vector<16xf32>
    %scan3A = arith.constant 0 : i32
    %scan3A_4 = arith.constant 5000 : i32
    %scan3A_5 = arith.addi %scan3A, %scan3A_4 : i32
    %scan3A_6 = arith.constant 1 : i32
    %scan3A_7 = scf.for %scan3A_81 = %scan3A to %scan3A_5 step %scan3A_6 iter_args(%scan3A_82 = %broadcast_in_dim3A_3) -> (vector<16xf32>)  : i32 {
      %mul3A_83 = arith.constant 16 : i32
      %mul3A_84 = arith.muli %scan3A_81, %mul3A_83 : i32
      %get3A = arith.index_cast %mul3A_84 : i32 to index
      %get3A_85 = tpu.vector_load %arg6[%get3A] {strides = array<i32>} : memref<80000xf32, #tpu.memory_space<vmem>>, vector<16xf32>,
      %max3A_86 = arith.maximumf %scan3A_82, %get3A_85 : vector<16xf32>
      scf.yield %max3A_86 : vector<16xf32>
    }
    %scan3A_8 = arith.constant 5000 : i32
    %slice3A = vector.extract_strided_slice %scan3A_7 {offsets = [0], sizes = [1], strides = [1]} : vector<16xf32> to vector<1xf32>
    %squeeze3A = vector.extract %slice3A[0] : f32 from vector<1xf32>
    %slice3A_9 = vector.extract_strided_slice %scan3A_7 {offsets = [8], sizes = [1], strides = [1]} : vector<16xf32> to vector<1xf32>
    %squeeze3A_10 = vector.extract %slice3A_9[0] : f32 from vector<1xf32>
    %max3A = arith.maximumf %squeeze3A, %squeeze3A_10 : f32
    %slice3A_11 = vector.extract_strided_slice %scan3A_7 {offsets = [4], sizes = [1], strides = [1]} : vector<16xf32> to vector<1xf32>
    %squeeze3A_12 = vector.extract %slice3A_11[0] : f32 from vector<1xf32>
    %slice3A_13 = vector.extract_strided_slice %scan3A_7 {offsets = [12], sizes = [1], strides = [1]} : vector<16xf32> to vector<1xf32>
    %squeeze3A_14 = vector.extract %slice3A_13[0] : f32 from vector<1xf32>
    %max3A_15 = arith.maximumf %squeeze3A_12, %squeeze3A_14 : f32
    %add3A_16 = arith.addf %max3A, %max3A_15 : f32
    %max3A_17 = arith.constant 0.000000e+00 : f32
    %max3A_18 = arith.maximumf %add3A_16, %max3A_17 : f32
    %slice3A_19 = vector.extract_strided_slice %scan3A_7 {offsets = [1], sizes = [1], strides = [1]} : vector<16xf32> to vector<1xf32>
    %squeeze3A_20 = vector.extract %slice3A_19[0] : f32 from vector<1xf32>
    %slice3A_21 = vector.extract_strided_slice %scan3A_7 {offsets = [9], sizes = [1], strides = [1]} : vector<16xf32> to vector<1xf32>
    %squeeze3A_22 = vector.extract %slice3A_21[0] : f32 from vector<1xf32>
    %max3A_23 = arith.maximumf %squeeze3A_20, %squeeze3A_22 : f32
    %slice3A_24 = vector.extract_strided_slice %scan3A_7 {offsets = [5], sizes = [1], strides = [1]} : vector<16xf32> to vector<1xf32>
    %squeeze3A_25 = vector.extract %slice3A_24[0] : f32 from vector<1xf32>
    %slice3A_26 = vector.extract_strided_slice %scan3A_7 {offsets = [13], sizes = [1], strides = [1]} : vector<16xf32> to vector<1xf32>
    %squeeze3A_27 = vector.extract %slice3A_26[0] : f32 from vector<1xf32>
    %max3A_28 = arith.maximumf %squeeze3A_25, %squeeze3A_27 : f32
    %add3A_29 = arith.addf %max3A_23, %max3A_28 : f32
    %max3A_30 = arith.constant 0.000000e+00 : f32
    %max3A_31 = arith.maximumf %add3A_29, %max3A_30 : f32
    %slice3A_32 = vector.extract_strided_slice %scan3A_7 {offsets = [2], sizes = [1], strides = [1]} : vector<16xf32> to vector<1xf32>
    %squeeze3A_33 = vector.extract %slice3A_32[0] : f32 from vector<1xf32>
    %slice3A_34 = vector.extract_strided_slice %scan3A_7 {offsets = [10], sizes = [1], strides = [1]} : vector<16xf32> to vector<1xf32>
    %squeeze3A_35 = vector.extract %slice3A_34[0] : f32 from vector<1xf32>
    %max3A_36 = arith.maximumf %squeeze3A_33, %squeeze3A_35 : f32
    %slice3A_37 = vector.extract_strided_slice %scan3A_7 {offsets = [6], sizes = [1], strides = [1]} : vector<16xf32> to vector<1xf32>
    %squeeze3A_38 = vector.extract %slice3A_37[0] : f32 from vector<1xf32>
    %slice3A_39 = vector.extract_strided_slice %scan3A_7 {offsets = [14], sizes = [1], strides = [1]} : vector<16xf32> to vector<1xf32>
    %squeeze3A_40 = vector.extract %slice3A_39[0] : f32 from vector<1xf32>
    %max3A_41 = arith.maximumf %squeeze3A_38, %squeeze3A_40 : f32
    %add3A_42 = arith.addf %max3A_36, %max3A_41 : f32
    %max3A_43 = arith.constant 0.000000e+00 : f32
    %max3A_44 = arith.maximumf %add3A_42, %max3A_43 : f32
    %slice3A_45 = vector.extract_strided_slice %scan3A_7 {offsets = [3], sizes = [1], strides = [1]} : vector<16xf32> to vector<1xf32>
    %squeeze3A_46 = vector.extract %slice3A_45[0] : f32 from vector<1xf32>
    %slice3A_47 = vector.extract_strided_slice %scan3A_7 {offsets = [11], sizes = [1], strides = [1]} : vector<16xf32> to vector<1xf32>
    %squeeze3A_48 = vector.extract %slice3A_47[0] : f32 from vector<1xf32>
    %max3A_49 = arith.maximumf %squeeze3A_46, %squeeze3A_48 : f32
    %slice3A_50 = vector.extract_strided_slice %scan3A_7 {offsets = [7], sizes = [1], strides = [1]} : vector<16xf32> to vector<1xf32>
    %squeeze3A_51 = vector.extract %slice3A_50[0] : f32 from vector<1xf32>
    %slice3A_52 = vector.extract_strided_slice %scan3A_7 {offsets = [15], sizes = [1], strides = [1]} : vector<16xf32> to vector<1xf32>
    %squeeze3A_53 = vector.extract %slice3A_52[0] : f32 from vector<1xf32>
    %max3A_54 = arith.maximumf %squeeze3A_51, %squeeze3A_53 : f32
    %add3A_55 = arith.addf %max3A_49, %max3A_54 : f32
    %max3A_56 = arith.constant 0.000000e+00 : f32
    %max3A_57 = arith.maximumf %add3A_55, %max3A_56 : f32
    %and3A = arith.constant 3 : i32
    %and3A_58 = vector.broadcast %and3A : i32 to vector<16xi32>
    %and3A_59 = arith.andi %iota3A, %and3A_58 : vector<16xi32>
    %eq3A = arith.constant 0 : i32
    %eq3A_60 = vector.broadcast %eq3A : i32 to vector<16xi32>
    %eq3A_61 = arith.cmpi eq, %and3A_59, %eq3A_60 : vector<16xi32>
    %eq3A_62 = arith.constant 1 : i32
    %eq3A_63 = vector.broadcast %eq3A_62 : i32 to vector<16xi32>
    %eq3A_64 = arith.cmpi eq, %and3A_59, %eq3A_63 : vector<16xi32>
    %eq3A_65 = arith.constant 2 : i32
    %eq3A_66 = vector.broadcast %eq3A_65 : i32 to vector<16xi32>
    %eq3A_67 = arith.cmpi eq, %and3A_59, %eq3A_66 : vector<16xi32>
    %broadcast_in_dim3A_68 = vector.broadcast %max3A_44 : f32 to vector<16xf32>
    %broadcast_in_dim3A_69 = vector.broadcast %max3A_57 : f32 to vector<16xf32>
    %select_n3A = arith.select %eq3A_67, %broadcast_in_dim3A_68, %broadcast_in_dim3A_69 : vector<16xi1>, vector<16xf32>
    %broadcast_in_dim3A_70 = vector.broadcast %max3A_31 : f32 to vector<16xf32>
    %select_n3A_71 = arith.select %eq3A_64, %broadcast_in_dim3A_70, %select_n3A : vector<16xi1>, vector<16xf32>
    %broadcast_in_dim3A_72 = vector.broadcast %max3A_18 : f32 to vector<16xf32>
    %select_n3A_73 = arith.select %eq3A_61, %broadcast_in_dim3A_72, %select_n3A_71 : vector<16xi1>, vector<16xf32>
    %scan3A_74 = arith.constant 0 : i32
    %scan3A_75 = arith.constant 0 : i32
    %scan3A_76 = arith.constant 42 : i32
    %scan3A_77 = arith.addi %scan3A_75, %scan3A_76 : i32
    %scan3A_78 = arith.constant 1 : i32
    %scan3A_79 = scf.for %scan3A_81 = %scan3A_75 to %scan3A_77 step %scan3A_78 iter_args(%scan3A_82 = %scan3A_74) -> (i32)  : i32 {
      %mul3A_83 = arith.constant 256 : i32
      %mul3A_84 = arith.muli %scan3A_81, %mul3A_83 : i32
      %add3A_85 = arith.addi %mul3A_2, %mul3A_84 : i32
      "tpu.region"() ({
        %run_scoped3A = tpu.sem_alloc : memref<!tpu.dma_semaphore, #tpu.memory_space<semaphore_mem>>
        %dma_start3A = tpu.memref_slice %arg3[%add3A_85] : memref<344064xi32, #tpu.memory_space<hbm>> -> memref<256xi32, #tpu.memory_space<hbm>>
        %dma_start3A_96 = tpu.memref_slice %arg3[%add3A_85] : memref<344064xi32, #tpu.memory_space<hbm>> -> memref<256xi32, #tpu.memory_space<hbm>>
        tpu.enqueue_dma source(%dma_start3A_96 : memref<256xi32, #tpu.memory_space<hbm>>) target(%arg7 : memref<256xi32, #tpu.memory_space<vmem>>) target_semaphore(%run_scoped3A : memref<!tpu.dma_semaphore, #tpu.memory_space<semaphore_mem>>)
        %dma_wait3A = tpu.memref_slice %arg3[%add3A_85] : memref<344064xi32, #tpu.memory_space<hbm>> -> memref<256xi32, #tpu.memory_space<hbm>>
        %dma_wait3A_97 = tpu.memref_slice %arg3[%add3A_85] : memref<344064xi32, #tpu.memory_space<hbm>> -> memref<256xi32, #tpu.memory_space<hbm>>
        tpu.wait_dma2 semaphore(%run_scoped3A : memref<!tpu.dma_semaphore, #tpu.memory_space<semaphore_mem>>) src(%dma_wait3A_97 : memref<256xi32, #tpu.memory_space<hbm>>) dst(%arg7 : memref<256xi32, #tpu.memory_space<vmem>>)
        tpu.yield
      }) : () -> ()
      "tpu.region"() ({
        %run_scoped3A = tpu.sem_alloc : memref<!tpu.dma_semaphore, #tpu.memory_space<semaphore_mem>>
        %dma_start3A = tpu.memref_slice %arg4[%add3A_85] : memref<344064xi32, #tpu.memory_space<hbm>> -> memref<256xi32, #tpu.memory_space<hbm>>
        %dma_start3A_96 = tpu.memref_slice %arg4[%add3A_85] : memref<344064xi32, #tpu.memory_space<hbm>> -> memref<256xi32, #tpu.memory_space<hbm>>
        tpu.enqueue_dma source(%dma_start3A_96 : memref<256xi32, #tpu.memory_space<hbm>>) target(%arg8 : memref<256xi32, #tpu.memory_space<vmem>>) target_semaphore(%run_scoped3A : memref<!tpu.dma_semaphore, #tpu.memory_space<semaphore_mem>>)
        %dma_wait3A = tpu.memref_slice %arg4[%add3A_85] : memref<344064xi32, #tpu.memory_space<hbm>> -> memref<256xi32, #tpu.memory_space<hbm>>
        %dma_wait3A_97 = tpu.memref_slice %arg4[%add3A_85] : memref<344064xi32, #tpu.memory_space<hbm>> -> memref<256xi32, #tpu.memory_space<hbm>>
        tpu.wait_dma2 semaphore(%run_scoped3A : memref<!tpu.dma_semaphore, #tpu.memory_space<semaphore_mem>>) src(%dma_wait3A_97 : memref<256xi32, #tpu.memory_space<hbm>>) dst(%arg8 : memref<256xi32, #tpu.memory_space<vmem>>)
        tpu.yield
      }) : () -> ()
      %scan3A_86 = arith.constant 0 : i32
      %scan3A_87 = arith.constant 0 : i32
      %scan3A_88 = arith.constant 64 : i32
      %scan3A_89 = arith.addi %scan3A_87, %scan3A_88 : i32
      %scan3A_90 = arith.constant 1 : i32
      %scan3A_91 = scf.for %scan3A_96 = %scan3A_87 to %scan3A_89 step %scan3A_90 iter_args(%scan3A_97 = %scan3A_86) -> (i32)  : i32 {
        %mul3A_98 = arith.constant 4 : i32
        %mul3A_99 = arith.muli %scan3A_96, %mul3A_98 : i32
        %shift_right_arithmetic3A = arith.constant 2 : i32
        %shift_right_arithmetic3A_100 = vector.broadcast %shift_right_arithmetic3A : i32 to vector<16xi32>
        %shift_right_arithmetic3A_101 = arith.shrsi %iota3A, %shift_right_arithmetic3A_100 : vector<16xi32>
        %add3A_102 = vector.broadcast %mul3A_99 : i32 to vector<16xi32>
        %add3A_103 = arith.addi %add3A_102, %shift_right_arithmetic3A_101 : vector<16xi32>
        %gather3A = tpu.vector_load_idx %arg7[%add3A_103] : memref<256xi32, #tpu.memory_space<vmem>>[vector<16xi32>], vector<16xi32>,
        %gather3A_104 = tpu.vector_load_idx %arg8[%add3A_103] : memref<256xi32, #tpu.memory_space<vmem>>[vector<16xi32>], vector<16xi32>,
        %mul3A_105 = arith.constant 8 : i32
        %mul3A_106 = vector.broadcast %mul3A_105 : i32 to vector<16xi32>
        %mul3A_107 = arith.muli %gather3A, %mul3A_106 : vector<16xi32>
        %add3A_108 = arith.addi %mul3A_107, %and3A_59 : vector<16xi32>
        %gather3A_109 = tpu.vector_load_idx %arg6[%add3A_108] : memref<80000xf32, #tpu.memory_space<vmem>>[vector<16xi32>], vector<16xf32>,
        %mul3A_110 = arith.constant 8 : i32
        %mul3A_111 = vector.broadcast %mul3A_110 : i32 to vector<16xi32>
        %mul3A_112 = arith.muli %gather3A_104, %mul3A_111 : vector<16xi32>
        %add3A_113 = arith.constant 4 : i32
        %add3A_114 = vector.broadcast %add3A_113 : i32 to vector<16xi32>
        %add3A_115 = arith.addi %mul3A_112, %add3A_114 : vector<16xi32>
        %add3A_116 = arith.addi %add3A_115, %and3A_59 : vector<16xi32>
        %gather3A_117 = tpu.vector_load_idx %arg6[%add3A_116] : memref<80000xf32, #tpu.memory_space<vmem>>[vector<16xi32>], vector<16xf32>,
        %add3A_118 = arith.addf %gather3A_109, %gather3A_117 : vector<16xf32>
        %gt3A = arith.constant 0.000000e+00 : f32
        %gt3A_119 = vector.broadcast %gt3A : f32 to vector<16xf32>
        %gt3A_120 = arith.cmpf ogt, %add3A_118, %gt3A_119 : vector<16xf32>
        %mul3A_121 = arith.constant 2.000000e-01 : f32
        %mul3A_122 = vector.broadcast %mul3A_121 : f32 to vector<16xf32>
        %mul3A_123 = arith.mulf %mul3A_122, %add3A_118 : vector<16xf32>
        %select_n3A_124 = arith.select %gt3A_120, %add3A_118, %mul3A_123 : vector<16xi1>, vector<16xf32>
        %sub3A = arith.subf %select_n3A_124, %select_n3A_73 : vector<16xf32>
        %exp3A = math.exp %sub3A : vector<16xf32>
        %add3A_125 = vector.broadcast %add3A_85 : i32 to vector<16xi32>
        %add3A_126 = arith.addi %add3A_125, %add3A_103 : vector<16xi32>
        %lt3A = arith.constant 330000 : i32
        %lt3A_127 = vector.broadcast %lt3A : i32 to vector<16xi32>
        %lt3A_128 = arith.cmpi slt, %add3A_126, %lt3A_127 : vector<16xi32>
        %jit3A = arith.constant 0.000000e+00 : f32
        %broadcast_in_dim3A_129 = vector.broadcast %jit3A : f32 to vector<16xf32>
        %select_n3A_130 = arith.select %lt3A_128, %exp3A, %broadcast_in_dim3A_129 : vector<16xi1>, vector<16xf32>
        %mul3A_131 = arith.constant 16 : i32
        %mul3A_132 = arith.muli %scan3A_96, %mul3A_131 : i32
        %swap3A = arith.index_cast %mul3A_132 : i32 to index
        %swap3A_133 = tpu.vector_load %arg9[%swap3A] {strides = array<i32>} : memref<1024xf32, #tpu.memory_space<vmem>>, vector<16xf32>,
        tpu.vector_store %arg9[%swap3A], %select_n3A_130 {strides = array<i32>} : memref<1024xf32, #tpu.memory_space<vmem>>, vector<16xf32>,
        %scan3A_134 = arith.constant 0 : i32
        scf.yield %scan3A_134 : i32
      }
      %scan3A_92 = arith.constant 64 : i32
      %mul3A_93 = arith.constant 4 : i32
      %mul3A_94 = arith.muli %add3A_85, %mul3A_93 : i32
      "tpu.region"() ({
        %run_scoped3A = tpu.sem_alloc : memref<!tpu.dma_semaphore, #tpu.memory_space<semaphore_mem>>
        %dma_start3A = tpu.memref_slice %arg5[%mul3A_94] : memref<1376256xf32, #tpu.memory_space<hbm>> -> memref<1024xf32, #tpu.memory_space<hbm>>
        %dma_start3A_96 = tpu.memref_slice %arg5[%mul3A_94] : memref<1376256xf32, #tpu.memory_space<hbm>> -> memref<1024xf32, #tpu.memory_space<hbm>>
        tpu.enqueue_dma source(%arg9 : memref<1024xf32, #tpu.memory_space<vmem>>) target(%dma_start3A_96 : memref<1024xf32, #tpu.memory_space<hbm>>) target_semaphore(%run_scoped3A : memref<!tpu.dma_semaphore, #tpu.memory_space<semaphore_mem>>)
        %dma_wait3A = tpu.memref_slice %arg5[%mul3A_94] : memref<1376256xf32, #tpu.memory_space<hbm>> -> memref<1024xf32, #tpu.memory_space<hbm>>
        %dma_wait3A_97 = tpu.memref_slice %arg5[%mul3A_94] : memref<1376256xf32, #tpu.memory_space<hbm>> -> memref<1024xf32, #tpu.memory_space<hbm>>
        tpu.wait_dma2 semaphore(%run_scoped3A : memref<!tpu.dma_semaphore, #tpu.memory_space<semaphore_mem>>) src(%arg9 : memref<1024xf32, #tpu.memory_space<vmem>>) dst(%dma_wait3A_97 : memref<1024xf32, #tpu.memory_space<hbm>>)
        tpu.yield
      }) : () -> ()
      %scan3A_95 = arith.constant 0 : i32
      scf.yield %scan3A_95 : i32
    }
    %scan3A_80 = arith.constant 42 : i32
    return
  }
}

module attributes {stable_mosaic.version = 14 : i64} {
  func.func @_p0_body(%arg0: i32, %arg1: memref<400x128xf32, #tpu.memory_space<vmem>>, %arg2: memref<128x512xf32, #tpu.memory_space<vmem>>, %arg3: memref<512x8xf32, #tpu.memory_space<vmem>>, %arg4: memref<400x512xf32, #tpu.memory_space<vmem>>, %arg5: memref<400x8xf32, #tpu.memory_space<vmem>>) attributes {dimension_semantics = [#tpu.dimension_semantics<arbitrary>], iteration_bounds = array<i64: 25>, scalar_prefetch = 0 : i64, scratch_operands = 0 : i64, tpu.core_type = #tpu.core_type<tc>, window_params = [{transform_indices = @transform_0, window_bounds = array<i64: 400, 128>}, {pipeline_mode = #tpu.pipeline_mode<synchronous>, transform_indices = @transform_1, window_bounds = array<i64: 128, 512>}, {pipeline_mode = #tpu.pipeline_mode<synchronous>, transform_indices = @transform_2, window_bounds = array<i64: 512, 8>}, {transform_indices = @transform_3, window_bounds = array<i64: 400, 512>}, {transform_indices = @transform_4, window_bounds = array<i64: 400, 8>}]} {
    %get3A = arith.constant 0 : index
    %get3A_0 = arith.constant 0 : index
    %get3A_1 = vector.load %arg1[%get3A, %get3A_0] : memref<400x128xf32, #tpu.memory_space<vmem>>, vector<400x128xf32>
    %get3A_2 = arith.constant 0 : index
    %get3A_3 = arith.constant 0 : index
    %get3A_4 = vector.load %arg2[%get3A_2, %get3A_3] : memref<128x512xf32, #tpu.memory_space<vmem>>, vector<128x512xf32>
    %dot_general3A = arith.constant dense<0.000000e+00> : vector<400x512xf32>
    %dot_general3A_5 = tpu.matmul %get3A_1, %get3A_4, %dot_general3A {dimension_numbers = #tpu.dot_dimension_numbers<[1], [0], [0], [1], [0, 0, 1, 1], [], []>, transpose_lhs_hint = false} : vector<400x128xf32>, vector<128x512xf32>, vector<400x512xf32> -> vector<400x512xf32>
    %swap3A = arith.constant 0 : index
    %swap3A_6 = arith.constant 0 : index
    %swap3A_7 = vector.load %arg4[%swap3A, %swap3A_6] : memref<400x512xf32, #tpu.memory_space<vmem>>, vector<400x512xf32>
    tpu.vector_store %arg4[%swap3A, %swap3A_6], %dot_general3A_5 {strides = array<i32>} : memref<400x512xf32, #tpu.memory_space<vmem>>, vector<400x512xf32>,
    %get3A_8 = arith.constant 0 : index
    %get3A_9 = arith.constant 0 : index
    %get3A_10 = vector.load %arg3[%get3A_8, %get3A_9] : memref<512x8xf32, #tpu.memory_space<vmem>>, vector<512x8xf32>
    %dot_general3A_11 = arith.constant dense<0.000000e+00> : vector<400x8xf32>
    %dot_general3A_12 = tpu.matmul %dot_general3A_5, %get3A_10, %dot_general3A_11 {dimension_numbers = #tpu.dot_dimension_numbers<[1], [0], [0], [1], [0, 0, 1, 1], [], []>, transpose_lhs_hint = false} : vector<400x512xf32>, vector<512x8xf32>, vector<400x8xf32> -> vector<400x8xf32>
    %swap3A_13 = arith.constant 0 : index
    %swap3A_14 = arith.constant 0 : index
    %swap3A_15 = vector.load %arg5[%swap3A_13, %swap3A_14] : memref<400x8xf32, #tpu.memory_space<vmem>>, vector<400x8xf32>
    tpu.vector_store %arg5[%swap3A_13, %swap3A_14], %dot_general3A_12 {strides = array<i32>} : memref<400x8xf32, #tpu.memory_space<vmem>>, vector<400x8xf32>,
    return
  }
  func.func @transform_0(%arg0: i32) -> (i32, i32) {
    %c0_i32 = arith.constant 0 : i32
    %c0_i32_0 = arith.constant 0 : i32
    return %arg0, %c0_i32 : i32, i32
  }
  func.func @transform_1(%arg0: i32) -> (i32, i32) {
    %c0_i32 = arith.constant 0 : i32
    %c0_i32_0 = arith.constant 0 : i32
    %c0_i32_1 = arith.constant 0 : i32
    return %c0_i32, %c0_i32_0 : i32, i32
  }
  func.func @transform_2(%arg0: i32) -> (i32, i32) {
    %c0_i32 = arith.constant 0 : i32
    %c0_i32_0 = arith.constant 0 : i32
    %c0_i32_1 = arith.constant 0 : i32
    return %c0_i32, %c0_i32_0 : i32, i32
  }
  func.func @transform_3(%arg0: i32) -> (i32, i32) {
    %c0_i32 = arith.constant 0 : i32
    %c0_i32_0 = arith.constant 0 : i32
    return %arg0, %c0_i32 : i32, i32
  }
  func.func @transform_4(%arg0: i32) -> (i32, i32) {
    %c0_i32 = arith.constant 0 : i32
    %c0_i32_0 = arith.constant 0 : i32
    return %arg0, %c0_i32 : i32, i32
  }
}

module attributes {stable_mosaic.version = 14 : i64} {
  func.func @_p3_body(%arg0: i32, %arg1: memref<400x512xf32, #tpu.memory_space<vmem>>, %arg2: memref<400x16xf32, #tpu.memory_space<vmem>>, %arg3: memref<1x512xf32, #tpu.memory_space<vmem>>, %arg4: memref<400x512xf32, #tpu.memory_space<vmem>>) attributes {dimension_semantics = [#tpu.dimension_semantics<arbitrary>], iteration_bounds = array<i64: 25>, scalar_prefetch = 0 : i64, scratch_operands = 0 : i64, tpu.core_type = #tpu.core_type<tc>, window_params = [{transform_indices = @transform_0, window_bounds = array<i64: 400, 512>}, {transform_indices = @transform_1, window_bounds = array<i64: 400, 16>}, {pipeline_mode = #tpu.pipeline_mode<synchronous>, transform_indices = @transform_2, window_bounds = array<i64: 1, 512>}, {transform_indices = @transform_3, window_bounds = array<i64: 400, 512>}]} {
    %get3A = arith.constant 0 : index
    %get3A_0 = arith.constant 0 : index
    %get3A_1 = vector.load %arg1[%get3A, %get3A_0] : memref<400x512xf32, #tpu.memory_space<vmem>>, vector<400x512xf32>
    %reshape3A = vector.shape_cast %get3A_1 : vector<400x512xf32> to vector<400x4x128xf32>
    %get3A_2 = arith.constant 0 : index
    %get3A_3 = arith.constant 0 : index
    %get3A_4 = vector.load %arg2[%get3A_2, %get3A_3] : memref<400x16xf32, #tpu.memory_space<vmem>>, vector<400x16xf32>
    %slice3A = vector.extract_strided_slice %get3A_4 {offsets = [0, 0], sizes = [400, 4], strides = [1, 1]} : vector<400x16xf32> to vector<400x4xf32>
    %broadcast_in_dim3A = vector.shape_cast %slice3A : vector<400x4xf32> to vector<400x4x1xf32>
    %add3A = arith.constant 1.000000e-16 : f32
    %add3A_5 = vector.broadcast %add3A : f32 to vector<400x4x1xf32>
    %add3A_6 = arith.addf %broadcast_in_dim3A, %add3A_5 : vector<400x4x1xf32>
    %div3A = vector.broadcast %add3A_6 : vector<400x4x1xf32> to vector<400x4x128xf32>
    %div3A_7 = arith.divf %reshape3A, %div3A : vector<400x4x128xf32>
    %reshape3A_8 = vector.shape_cast %div3A_7 : vector<400x4x128xf32> to vector<400x512xf32>
    %get3A_9 = arith.constant 0 : index
    %get3A_10 = arith.constant 0 : index
    %get3A_11 = vector.load %arg3[%get3A_9, %get3A_10] : memref<1x512xf32, #tpu.memory_space<vmem>>, vector<1x512xf32>
    %add3A_12 = vector.broadcast %get3A_11 : vector<1x512xf32> to vector<400x512xf32>
    %add3A_13 = arith.addf %reshape3A_8, %add3A_12 : vector<400x512xf32>
    %swap3A = arith.constant 0 : index
    %swap3A_14 = arith.constant 0 : index
    %swap3A_15 = vector.load %arg4[%swap3A, %swap3A_14] : memref<400x512xf32, #tpu.memory_space<vmem>>, vector<400x512xf32>
    tpu.vector_store %arg4[%swap3A, %swap3A_14], %add3A_13 {strides = array<i32>} : memref<400x512xf32, #tpu.memory_space<vmem>>, vector<400x512xf32>,
    return
  }
  func.func @transform_0(%arg0: i32) -> (i32, i32) {
    %c0_i32 = arith.constant 0 : i32
    %c0_i32_0 = arith.constant 0 : i32
    return %arg0, %c0_i32 : i32, i32
  }
  func.func @transform_1(%arg0: i32) -> (i32, i32) {
    %c0_i32 = arith.constant 0 : i32
    %c0_i32_0 = arith.constant 0 : i32
    return %arg0, %c0_i32 : i32, i32
  }
  func.func @transform_2(%arg0: i32) -> (i32, i32) {
    %c0_i32 = arith.constant 0 : i32
    %c0_i32_0 = arith.constant 0 : i32
    %c0_i32_1 = arith.constant 0 : i32
    return %c0_i32, %c0_i32_0 : i32, i32
  }
  func.func @transform_3(%arg0: i32) -> (i32, i32) {
    %c0_i32 = arith.constant 0 : i32
    %c0_i32_0 = arith.constant 0 : i32
    return %arg0, %c0_i32 : i32, i32
  }
}

</mosaic_0001>

<sc_bundles>
// kernel: kernel.6.cloned.1.call-start
scs
__scs_entry_jumppad:
0x0: {  	(pc) =	sbr.rel $0x88, $3  }
0x1: {  	(tag) =	ssettag $0x0;
	lr =	simm.s32 $0x1  }
0x2: {  	[smem:$0x3F9B] =	sst lr;
	_ =	strace $0xD0000000  }
0x3: {  	_ = 	snop  }
0x4: {  	_ = 	snop  }
0x5: {  	_ = 	snop  }
0x6: {  	_ = 	snop  }
0x7: {  	_ = 	snop  }
__scs_overlays_trampoline_lowered:
0x8: {  	[smem:$0x3FAA] =	sst s0  }
0x9: {  	[smem:$0x3FAB] =	sst s1  }
0xa: {  	[smem:$0x3FAC] =	sst s2  }
0xb: {  	[smem:$0x3FAD] =	sst s3  }
0xc: {  	[smem:$0x3FAE] =	sst s4  }
0xd: {  	[smem:$0x3FAF] =	sst s5  }
0xe: {  	[smem:$0x3FB0] =	sst s6  }
0xf: {  	[smem:$0x3FB1] =	sst s7  }
0x10: {  	[smem:$0x3FB2] =	sst s8  }
0x11: {  	[smem:$0x3FB3] =	sst s9;
	s0 =	simm.s32 @!p0 $0x0  }
0x12: {  	s1 =	sld [smem:$0x3F99];
	s0 =	simm.s32 @p0 $0x1  }
0x13: {  	[smem:$0x3FB4] =	sst s0;
	s0 =	simm.s32 @!p1 $0x0  }
0x14: {  	s2 =	sld [smem:$0x3F98];
	s0 =	simm.s32 @p1 $0x1  }
0x15: {  	[smem:$0x3FB5] =	sst s0;
	s0 =	simm.s32 @!p2 $0x0  }
0x16: {  	s3 =	sld [smem:$0x3FDB];
	s0 =	simm.s32 @p2 $0x1  }
0x17: {  	s4 =	simm.s32 $0x1BF5;
	[smem:$0x3FB7] =	sst s0  }
0x18: {  	s0 =	sld [smem:$0x3F9A];
	_ =	swait.ge [sflag:s4], $0x0  }
0x19: {  	s7 =	sld [smem:$0x3F9B]  }
0x1a: {  	s8 =	sadd.s32 $0xFFFFE003, lr  }
0x1b: {  	s9 =	sadd.s32 $0xFFFFFEF7, lr;
	s5 =	simm.s32 $0xFFFFFFFF;
	p2 =	slt.u32 s8, $0xFFFFF086  }
0x1c: {  	p1 =	slt.u32 s9, $0xF7A;
	s5 =	simm.s32 @!p2 $0x0  }
0x1d: {  	s5 =	simm.s32 @p1 $0x1;
	p0 =	seq.s32 s7, s2  }
0x1e: {  	s7 =	smul.u32 @!p0 $0xF7A, s2;
	p2 =	seq.s32 @!p0 s5, $0x0  }
0x1f: {  	s9 =	smul.u32 $0xF7A, s1;
	s8 =	simm.s32 @!p0 $0x1BF5;
	p2 =	por !p2, p0  }
0x20: {  	[sflag:s8] =	ssyncset.s32 @!p0 $0xFFFFF086;
	s6 =	sadd.s32 @!p0 s3, s7;
	s7 =	simm.s32 @!p0 $0x108  }
0x21: {  	s3 =	sadd.s32 s3, s9;
	s6 =	sadd.s32 @!p0 $0x88, s6;
	s7 =	simm.s32 @p2 $0x1082  }
0x22: {  	[simem:s7], [sflag:s8] =	dma.local @!p0 [hbm:s6], $0xF7A  }
0x23: {  	s9 =	sor.u32 $0xD0000000, s2;
	s6 =	simm.s32 $0x108;
	_ =	swait.ge @!p0 [sflag:s8], $0x0  }
0x24: {  	s3 =	sadd.s32 $0x88, s3;
	s6 =	simm.s32 @!p1 $0x1082;
	[sflag:s4] =	ssyncset.s32 $0xFFFFF086  }
0x25: {  	[simem:s6], [sflag:s4] =	dma.local [hbm:s3], $0xF7A  }
0x26: {  	[smem:$0x3F9B] =	sst s1;
	(tag) =	ssettag s2;
	_ =	strace s9  }
0x27: {  	s1 =	sld [smem:$0x3FAB]  }
0x28: {  	s2 =	sld [smem:$0x3FAC]  }
0x29: {  	s4 =	sld [smem:$0x3FAE]  }
0x2a: {  	p0 =	seq.s32 s5, $0x0;
	s5 =	sld [smem:$0x3FAF]  }
0x2b: {  	s6 =	sld [smem:$0x3FB0]  }
0x2c: {  	s7 =	sld [smem:$0x3FB1]  }
0x2d: {  	s3 =	simm.s32 $0x108;
	s8 =	sld [smem:$0x3FB2]  }
0x2e: {  	s3 =	simm.s32 @!p0 $0x1082;
	s9 =	sld [smem:$0x3FB3]  }
0x2f: {  	lr =	sadd.s32 s0, s3;
	s0 =	sld [smem:$0x3FAA]  }
0x30: {  	s3 =	sld [smem:$0x3FAD]  }
0x31: {  	[smem:$0x3FB6] =	sst s10  }
0x32: {  	s10 =	sld [smem:$0x3FB4];
	_ =	sdelay $0x3  }
0x33: {  	p0 =	seq.s32 s10, $0x1;
	s10 =	sld [smem:$0x3FB6];
	_ =	sdelay $0x3  }
0x34: {  	[smem:$0x3FB6] =	sst s10  }
0x35: {  	s10 =	sld [smem:$0x3FB5];
	_ =	sdelay $0x3  }
0x36: {  	p1 =	seq.s32 s10, $0x1;
	s10 =	sld [smem:$0x3FB6];
	_ =	sdelay $0x3  }
0x37: {  	[smem:$0x3FB6] =	sst s10  }
0x38: {  	s10 =	sld [smem:$0x3FB7]  }
0x39: {  	_ = 	snop;
	(pc) =	sbr.ind lr, $3  }
0x3a: {  	_ = 	snop  }
0x3b: {  	_ = 	snop  }
0x3c: {  	p2 =	seq.s32 s10, $0x1;
	s10 =	sld [smem:$0x3FB6]  }
0x3d: {  	_ =	shalt  }
0x3e: {  	_ =	shalt  }
0x3f: {  	_ =	shalt  }
0x40: {  	_ =	shalt  }
0x41: {  	_ =	shalt  }
0x42: {  	_ =	shalt  }
0x43: {  	_ =	shalt  }
0x44: {  	_ =	shalt  }
0x45: {  	_ =	shalt  }
0x46: {  	_ =	shalt  }
0x47: {  	_ =	shalt  }
0x48: {  	_ =	shalt  }
0x49: {  	_ =	shalt  }
0x4a: {  	_ =	shalt  }
0x4b: {  	_ =	shalt  }
0x4c: {  	_ =	shalt  }
0x4d: {  	_ =	shalt  }
0x4e: {  	_ =	shalt  }
0x4f: {  	_ =	shalt  }
0x50: {  	_ =	shalt  }
0x51: {  	_ =	shalt  }
0x52: {  	_ =	shalt  }
0x53: {  	_ =	shalt  }
0x54: {  	_ =	shalt  }
0x55: {  	_ =	shalt  }
0x56: {  	_ =	shalt  }
0x57: {  	_ =	shalt  }
0x58: {  	_ =	shalt  }
0x59: {  	_ =	shalt  }
0x5a: {  	_ =	shalt  }
0x5b: {  	_ =	shalt  }
0x5c: {  	_ =	shalt  }
0x5d: {  	_ =	shalt  }
0x5e: {  	_ =	shalt  }
0x5f: {  	_ =	shalt  }
0x60: {  	_ =	shalt  }
0x61: {  	_ =	shalt  }
0x62: {  	_ =	shalt  }
0x63: {  	_ =	shalt  }
0x64: {  	_ =	shalt  }
0x65: {  	_ =	shalt  }
0x66: {  	_ =	shalt  }
0x67: {  	_ =	shalt  }
0x68: {  	_ =	shalt  }
0x69: {  	_ =	shalt  }
0x6a: {  	_ =	shalt  }
0x6b: {  	_ =	shalt  }
0x6c: {  	_ =	shalt  }
0x6d: {  	_ =	shalt  }
0x6e: {  	_ =	shalt  }
0x6f: {  	_ =	shalt  }
0x70: {  	_ =	shalt  }
0x71: {  	_ =	shalt  }
0x72: {  	_ =	shalt  }
0x73: {  	_ =	shalt  }
0x74: {  	_ =	shalt  }
0x75: {  	_ =	shalt  }
0x76: {  	_ =	shalt  }
0x77: {  	_ =	shalt  }
0x78: {  	_ =	shalt  }
0x79: {  	_ =	shalt  }
0x7a: {  	_ =	shalt  }
0x7b: {  	_ =	shalt  }
0x7c: {  	_ =	shalt  }
0x7d: {  	_ =	shalt  }
0x7e: {  	_ =	shalt  }
0x7f: {  	_ =	shalt  }
0x80: {  	_ =	shalt  }
0x81: {  	_ =	shalt  }
0x82: {  	_ =	shalt  }
0x83: {  	_ =	shalt  }
0x84: {  	_ =	shalt  }
0x85: {  	_ =	shalt  }
0x86: {  	_ =	shalt  }
0x87: {  	_ =	shalt  }
.Lfunc_end0:
.L_simem_size_0:
called_computation_lowered:
.L_overlay_start_0:
0x88: {  	s2 =	sld [smem:$0x3FD9]  }
0x89: {  	s3 =	sld [smem:$0x3FFE];
	_ =	sdelay $0x1  }
0x8a: {  	s1 =	srdreg.scid  }
0x8b: {  	s0 =	sand.u32 $0x1, s1  }
0x8c: {  	s16 =	sshll.u32 s0, $0xA;
	s2 =	sadd.s32 s3, s2  }
0x8d: {  	s2 =	sadd.s32 s2, s16  }
0x8e: {  	[smem:$0x3FC2] =	sst s2  }
0x8f: {  	_ = 	snop  }
0x90: {  	(tm) =	ssettm $0x1  }
0x91: {  	s17 =	sld [smem:$0x3FFB];
	_ =	sdelay $0x3  }
0x92: {  	_ =	strace s17  }
0x93: {  	s2 =	sld [smem:$0x3FFC];
	_ =	sdelay $0x3  }
0x94: {  	_ =	strace s2  }
0x95: {  	s2 =	sld [smem:$0x3FFD];
	_ =	sdelay $0x3  }
0x96: {  	_ =	strace s2  }
0x97: {  	_ =	strace $0x8FFFFFFF  }
0x98: {  	s18 =	sld [smem:$0x3FDB];
	_ =	sdelay $0x1  }
0x99: {  	s19 =	simm.s32 $_scs_section_size  }
0x9a: {  	s4 =	simm.s32 $_size__tile_overlayer_lowered;
	s5 =	simm.s32 $_tile_overlayer_lowered  }
0x9b: {  	s22 =	simm.s32 $0x1BFF;
	s21 =	sshll.u32 s5, $0x1;
	s2 =	sadd.s32 s19, s18  }
0x9c: {  	s6 =	simm.s32 $0x0;
	s20 =	sshll.u32 s4, $0x1;
	s4 =	sadd.s32 s21, s2  }
0x9d: {  	[timem:s6], [sflag:s22] =	dma.local [hbm:s4], s20  }
0x9e: {  	_ =	swait.ge [sflag:s22], s20  }
0x9f: {  	s3 =	ssub.s32 $0x0, s20;
	[sflag:s22] =	ssyncset.done $0x0  }
0xa0: {  	[sflag:s22] =	ssyncadd.s32 s3;
	_ =	sdelay $0x1  }
0xa1: {  	s23 =	simm.s32 $0x1B8B  }
0xa2: {  	_ =	swait.ge [sflag:s23], $0x1  }
0xa3: {  	[sflag:s23] =	ssyncset.done $0x0  }
0xa4: {  	s25 =	simm.s32 $0x1B8E;
	s24 =	sld [smem:$0x3FFE];
	[sflag:s23] =	ssyncadd.s32 $0xFFFFFFFF  }
0xa5: {  	s26 =	simm.s32 $execute0_lowered;
	[smem:$0x3FD2] =	sst s25  }
0xa6: {  	s4 =	sshll.u32 s26, $0x1;
	_ =	strace $0x80000046;
	[dreg:$0x1] =	wrdreg $0xFFFFFFFF  }
0xa7: {  	s28 =	simm.s32 $_size_execute0_lowered;
	s2 =	sadd.s32 s2, s4;
	[dreg:$0x0] =	wrdreg $0x0  }
0xa8: {  	s4 =	sshll.u32 s28, $0x1;
	[dreg:$0x2] =	wrdreg s2  }
0xa9: {  	[dreg:$0x3] =	wrdreg s4  }
0xaa: {  	[dreg:$0x4] =	wrdreg $0xC0  }
0xab: {  	_ =	task [dreg:s6], $0x5FFFF  }
0xac: {  	[dreg:$0x1] =	wrdreg $0xFFFFFFFF  }
0xad: {  	[dreg:$0x0] =	wrdreg $0x60  }
0xae: {  	[dreg:$0x2] =	wrdreg s24  }
0xaf: {  	[dreg:$0x3] =	wrdreg $0x9  }
0xb0: {  	_ =	task.clear_ibuf [dreg:s6], $0x4FFFF;
	_ =	strace $0x90000046  }
0xb1: {  	s29 =	simm.s32 $0x9;
	_ =	strace $0x80000048  }
0xb2: {  	_ =	swait.ge [sflag:s29], $0x1  }
0xb3: {  	[sflag:s29] =	ssyncadd.s32 $0xFFFFFFFF  }
0xb4: {  	_ =	strace $0x90000048  }
0xb5: {  	_ =	sfence  }
0xb6: {  	s30 =	sld [smem:$0x0];
	_ =	sdelay $0x2  }
0xb7: {  	s31 =	sshll.u32 s1, $0xD;
	s1 =	sshrl.u32 s1, $0x2  }
0xb8: {  	s3 =	sand.u32 $0x4000, s31;
	s1 =	sadd.s32 s1, s30  }
0xb9: {  	s0 =	sor.u32 s3, s0;
	s1 =	sshll.u32 s1, $0x11  }
0xba: {  	s0 =	sor.u32 s1, s0  }
0xbb: {  	s0 =	sadd.s32 $0x8F2B, s0  }
0xbc: {  	[sflag:s0] =	ssyncadd.remote.s32 $0x1  }
0xbd: {  	_ =	sfence.sel $0xFFFF  }
0xbe: {  	[dreg:$0x0] =	wrdreg $0xFFFFFFFF;
	(pc) =	sbr.abs _section_cstart, $3  }
0xbf: {  	[dreg:$0x1] =	wrdreg $0xFFFFFFFF  }
0xc0: {  	_ =	task.clear_ibuf [dreg:s6], $0x2FFFF;
	_ =	strace $0x9FFFFFFF  }
0xc1: {  	(tm) =	ssettm $0x7FFFFFFF  }
tec
execute0_lowered:
.L_overlay_start_1:
0x0: {  	(tag) =	ssettag $0x1  }
0x1: {  	s6 =	rddreg [dreg:$0x0];
	vm0 =	vcmask $0x1F1C;
	vm1 =	vcmask $0xF0C  }
0x2: {  	s0 =	rddreg [dreg:$0x1];
	s1 =	simm.s32 $0x0;
	vm0 =	vmor vm1, vm0;
	vm1 =	vcmask $0x2F2C  }
0x3: {  	s4 =	srdreg.scid;
	vm2 =	vcmask $0xF08;
	s10 =	simm.s32 $0x13880;
	s11 =	simm.s32 $0x13980;
	vm0 =	vmor vm0, vm1;
	vm1 =	vcmask $0x1F18  }
0x4: {  	vm3 =	vcmask $0x3F3C;
	s12 =	simm.s32 $0x13A80;
	s13 =	simm.s32 $0x0;
	[smem:$0x7FF] =	sst s1;
	vm1 =	vmor vm2, vm1;
	vm2 =	vcmask $0x2F28  }
0x5: {  	s2 =	sadd.s32 $0x16000, s6;
	s3 =	sadd.s32 $0xB800, s6;
	s5 =	sand.u32 $0x1, s4;
	vm0 =	vmor vm0, vm3;
	vm1 =	vmor vm1, vm2;
	vm2 =	vcmask $0x3F38  }
0x6: {  	s4 =	stileid.u32;
	_ =	strace $0x80000047;
	s7 =	ssub.s32 $0x2, s5;
	vm3 =	vcmask $0xF04;
	vm1 =	vmor vm1, vm2;
	vm2 =	vcmask $0x1F14  }
0x7: {  	v1 =	vlaneseq.u32;
	s8 =	sshll.u32 s5, $0x4;
	s5 =	sadd.s32 $0x1000, s6;
	s9 =	sshrl.u32 s7, $0x1;
	vm2 =	vmor vm3, vm2;
	vm3 =	vcmask $0x2F24  }
0x8: {  	v0 =	vand.u32 $0x3, v1;
	s6 =	sadd.s32 $0x18800, s6;
	s8 =	sor.u32 s4, s8;
	s9 =	ssub.s32 s7, s9;
	vm2 =	vmor vm2, vm3;
	vm3 =	vcmask $0x3F34  }
0x9: {  	v1 =	vshrl.u32 v1, $0x2;
	v2 =	vor.u32 $0x4, v0;
	s7 =	smul.u32 $0x2A00, s8;
	s8 =	smax.u32 s9, $0x1;
	s9 =	simm.s32 $0x1;
	vm2 =	vmor vm2, vm3  }
.LBB2_1:
0xa: {  	[tilespmem:s1], [sflag:$0x1] =	stream.linear.gather [hbm4b:s2+s1], $0x13880, $0x38;
	[tilespmem:$0x13E80] =	vst v63  }
0xb: {  	_ =	swait.ge [sflag:s9], $0x13880  }
0xc: {  	[sflag:s9] =	ssyncset.done $0x0  }
0xd: {  	s15 =	simm.s32 $0x0;
	[sflag:s9] =	ssyncadd.s32 $0xFFFEC780  }
0xe: {  	v3 =	vimm.f32 $-3.000000010e+38;
	s14 =	simm.s32 $0x40;
	v4 =	vld [tilespmem:s15+$0x0]  }
.LBB2_2:
0xf: {  	p0 =	sne.s32 s14, $0x4E1C0  }
.Ltmp0:
0x10: {  	_ = 	snop;
	(pc) =	sbr.rel @p0 .LBB2_2-.Ltmp0, $3  }
0x11: {  	_ =	sdelay $0x1  }
0x12: {  	s15 =	sshra.s32 s14, $0x2;
	s14 =	sadd.s32 $0x40, s14;
	v3 =	vmax.f32 v3, v4  }
0x13: {  	v4 =	vld [tilespmem:s15+$0x0]  }
0x14: {  	_ =	sdelay $0x3  }
0x15: {  	v3 =	vmax.f32 v3, v4  }
0x16: {  	(v2sf) =	vpush v3, $0x0  }
0x17: {  	(v2sf) =	vpush v3, $0x8  }
0x18: {  	(v2sf) =	vpush v3, $0x4  }
0x19: {  	(v2sf) =	vpush v3, $0xC  }
0x1a: {  	(v2sf) =	vpush v3, $0x1  }
0x1b: {  	(v2sf) =	vpush v3, $0x9  }
0x1c: {  	(v2sf) =	vpush v3, $0x5  }
0x1d: {  	(v2sf) =	vpush v3, $0xD  }
0x1e: {  	(v2sf) =	vpush v3, $0x2  }
0x1f: {  	(v2sf) =	vpush v3, $0xA  }
0x20: {  	(v2sf) =	vpush v3, $0x6  }
0x21: {  	(v2sf) =	vpush v3, $0xE  }
0x22: {  	(v2sf) =	vpush v3, $0x3  }
0x23: {  	(v2sf) =	vpush v3, $0xB  }
0x24: {  	(v2sf) =	vpush v3, $0x7  }
0x25: {  	s14 =	spop (v2sf);
	(v2sf) =	vpush v3, $0xF  }
0x26: {  	s15 =	spop (v2sf)  }
0x27: {  	s16 =	spop (v2sf)  }
0x28: {  	s17 =	spop (v2sf)  }
0x29: {  	s18 =	spop (v2sf)  }
0x2a: {  	s19 =	spop (v2sf)  }
0x2b: {  	s20 =	spop (v2sf)  }
0x2c: {  	s21 =	spop (v2sf)  }
0x2d: {  	s22 =	spop (v2sf)  }
0x2e: {  	s23 =	spop (v2sf)  }
0x2f: {  	s14 =	smax.f32 s14, s15;
	s31 =	spop (v2sf)  }
0x30: {  	s16 =	smax.f32 s16, s17;
	s24 =	spop (v2sf)  }
0x31: {  	s18 =	smax.f32 s18, s19;
	s25 =	spop (v2sf)  }
0x32: {  	s22 =	smax.f32 s22, s23;
	s26 =	spop (v2sf)  }
0x33: {  	s15 =	smax.f32 s31, s24;
	s28 =	spop (v2sf)  }
0x34: {  	s15 =	sadd.f32 s15, s22;
	s29 =	spop (v2sf)  }
0x35: {  	s19 =	smax.f32 s25, s26;
	s17 =	smax.f32 s28, s29  }
0x36: {  	s20 =	smax.f32 s20, s21;
	s17 =	sadd.f32 s17, s19  }
0x37: {  	s18 =	sadd.f32 s20, s18;
	s15 =	smax.f32 s15, $0.0e+00  }
0x38: {  	s14 =	sadd.f32 s16, s14;
	v3 =	vmov s15;
	s30 =	smax.f32 s17, $0.0e+00  }
0x39: {  	s31 =	smax.f32 s18, $0.0e+00;
	v3 =	vsel vm0, s30, v3  }
0x3a: {  	s14 =	smax.f32 s14, $0.0e+00;
	v3 =	vnsel vm1, s31, v3  }
0x3b: {  	s15 =	simm.s32 $0x0;
	v3 =	vnsel vm2, s14, v3;
	s14 =	simm.s32 $0x0  }
.LBB2_4:
0x3c: {  	s16 =	sshll.u32 s15, $0x8  }
0x3d: {  	s16 =	sadd.s32 s7, s16  }
0x3e: {  	s17 =	sshrl.u32 s16, $0x3  }
0x3f: {  	s18 =	sadd.s32 s3, s17  }
0x40: {  	[tilespmem:s10], [sflag:$0x1] =	stream.linear.gather [hbm4b:s18+s14], $0x100, $0x38;
	[tilespmem:$0x13E80] =	vst v63  }
0x41: {  	_ =	swait.ge [sflag:s9], $0x100  }
0x42: {  	[sflag:s9] =	ssyncset.done $0x0  }
0x43: {  	v4 =	vor.u32 s14, v1;
	s17 =	sadd.s32 s5, s17;
	[sflag:s9] =	ssyncadd.s32 $0xFFFFFF00  }
0x44: {  	[tilespmem:s11], [sflag:$0x1] =	stream.linear.gather [hbm4b:s17+s14], $0x100, $0x38;
	[tilespmem:$0x13E80] =	vst v63  }
0x45: {  	_ =	swait.ge [sflag:s9], $0x100  }
0x46: {  	[sflag:s9] =	ssyncset.done $0x0  }
0x47: {  	[sflag:s9] =	ssyncadd.s32 $0xFFFFFF00  }
0x48: {  	v5 =	vld.idx.msk [tilespmem:v4+s11+$0x0], $0xffff  }
0x49: {  	v4 =	vld.idx.msk [tilespmem:v4+s10+$0x0], $0xffff;
	_ =	sdelay $0x3  }
0x4a: {  	v5 =	vshll.u32 v5, $0x3  }
0x4b: {  	v4 =	vshll.u32 v4, $0x3;
	v5 =	vor.u32 v2, v5  }
0x4c: {  	v4 =	vor.u32 v0, v4;
	_ =	sdelay $0x3  }
0x4d: {  	v5 =	vld.idx.msk [tilespmem:v5+s1+$0x0], $0xffff  }
0x4e: {  	v4 =	vld.idx.msk [tilespmem:v4+s1+$0x0], $0xffff;
	_ =	sdelay $0x4  }
0x4f: {  	v4 =	vadd.f32 v5, v4;
	_ =	sdelay $0x1  }
0x50: {  	v5 =	vmul.f32 $2.000000030e-01, v4  }
0x51: {  	vm3 =	vgt.f32 v4, $0.0e+00  }
0x52: {  	v4 =	vsel vm3, v4, v5  }
0x53: {  	v4 =	vsub.f32 v4, v3;
	_ =	sdelay $0x1  }
0x54: {  	v4 =	vmul.f32 $1.442695020e+00, v4;
	_ =	sdelay $0x1  }
0x55: {  	(erf) = vpow2.f32 v4;
	_ =	sdelay $0x5  }
0x56: {  	s20 =	simm.s32 $0x4  }
0x57: {  	v4 =	vor.u32 s20, v1  }
0x58: {  	s31 =	sor.u32 s16, s14  }
0x59: {  	p0 =	slt.u32 s31, $0x50910;
	v5 =	vpop (erf)  }
0x5a: {  	s17 =	simm.s32 $0x13A80;
	v5 =	vpsel !p0, $0x0, v5  }
0x5b: {  	[tilespmem:s17+$0x0] =	vst v5  }
0x5c: {  	v5 =	vld.idx.msk [tilespmem:v4+s11+$0x0], $0xffff  }
0x5d: {  	v4 =	vld.idx.msk [tilespmem:v4+s10+$0x0], $0xffff;
	_ =	sdelay $0x3  }
0x5e: {  	v5 =	vshll.u32 v5, $0x3  }
0x5f: {  	v4 =	vshll.u32 v4, $0x3;
	v5 =	vor.u32 v2, v5  }
0x60: {  	v4 =	vor.u32 v0, v4;
	_ =	sdelay $0x3  }
0x61: {  	v5 =	vld.idx.msk [tilespmem:v5+s1+$0x0], $0xffff  }
0x62: {  	v4 =	vld.idx.msk [tilespmem:v4+s1+$0x0], $0xffff;
	_ =	sdelay $0x4  }
0x63: {  	v4 =	vadd.f32 v5, v4;
	_ =	sdelay $0x1  }
0x64: {  	v5 =	vmul.f32 $2.000000030e-01, v4  }
0x65: {  	vm3 =	vgt.f32 v4, $0.0e+00  }
0x66: {  	v4 =	vsel vm3, v4, v5  }
0x67: {  	v4 =	vsub.f32 v4, v3;
	_ =	sdelay $0x1  }
0x68: {  	v4 =	vmul.f32 $1.442695020e+00, v4;
	_ =	sdelay $0x1  }
0x69: {  	(erf) = vpow2.f32 v4;
	_ =	sdelay $0x5  }
0x6a: {  	s18 =	simm.s32 $0x8  }
0x6b: {  	v4 =	vor.u32 s18, v1  }
0x6c: {  	s19 =	simm.s32 $0xC;
	s20 =	sor.u32 s16, s20  }
.LBB2_5:
0x6d: {  	p0 =	sne.s32 s19, $0xFC;
	p1 =	slt.u32 s20, $0x50910;
	v5 =	vpop (erf)  }
0x6e: {  	s17 =	sadd.s32 $0x10, s17;
	v5 =	vpsel !p1, $0x0, v5  }
0x6f: {  	[tilespmem:s17+$0x0] =	vst v5  }
0x70: {  	v5 =	vld.idx.msk [tilespmem:v4+s11+$0x0], $0xffff  }
0x71: {  	v4 =	vld.idx.msk [tilespmem:v4+s10+$0x0], $0xffff;
	_ =	sdelay $0x4  }
0x72: {  	v5 =	vshll.u32 v5, $0x3  }
0x73: {  	v4 =	vshll.u32 v4, $0x3;
	v5 =	vor.u32 v2, v5  }
0x74: {  	v4 =	vor.u32 v0, v4;
	_ =	sdelay $0x3  }
0x75: {  	v5 =	vld.idx.msk [tilespmem:v5+s1+$0x0], $0xffff  }
0x76: {  	v4 =	vld.idx.msk [tilespmem:v4+s1+$0x0], $0xffff;
	_ =	sdelay $0x5  }
0x77: {  	v4 =	vadd.f32 v5, v4;
	_ =	sdelay $0x1  }
0x78: {  	v5 =	vmul.f32 $2.000000030e-01, v4  }
0x79: {  	vm3 =	vgt.f32 v4, $0.0e+00  }
0x7a: {  	v4 =	vsel vm3, v4, v5  }
0x7b: {  	v4 =	vsub.f32 v4, v3;
	_ =	sdelay $0x1  }
0x7c: {  	v4 =	vmul.f32 $1.442695020e+00, v4;
	_ =	sdelay $0x1  }
0x7d: {  	(erf) = vpow2.f32 v4;
	_ =	sdelay $0x3  }
.Ltmp1:
0x7e: {  	(pc) =	sbr.rel @p0 .LBB2_5-.Ltmp1, $3  }
0x7f: {  	_ =	sdelay $0x1  }
0x80: {  	v4 =	vor.u32 s19, v1  }
0x81: {  	s20 =	sor.u32 s16, s18;
	s18 =	smov.u32 s19;
	s19 =	sadd.s32 $0x4, s19  }
0x82: {  	_ = 	snop  }
0x83: {  	p0 =	slt.u32 s20, $0x50910;
	v5 =	vpop (erf)  }
0x84: {  	s17 =	sadd.s32 $0x10, s17;
	v5 =	vpsel !p0, $0x0, v5  }
0x85: {  	[tilespmem:s17+$0x0] =	vst v5  }
0x86: {  	v5 =	vld.idx.msk [tilespmem:v4+s11+$0x0], $0xffff  }
0x87: {  	v4 =	vld.idx.msk [tilespmem:v4+s10+$0x0], $0xffff;
	_ =	sdelay $0x3  }
0x88: {  	v5 =	vshll.u32 v5, $0x3  }
0x89: {  	v4 =	vshll.u32 v4, $0x3;
	v5 =	vor.u32 v2, v5  }
0x8a: {  	v4 =	vor.u32 v0, v4;
	_ =	sdelay $0x3  }
0x8b: {  	v5 =	vld.idx.msk [tilespmem:v5+s1+$0x0], $0xffff  }
0x8c: {  	v4 =	vld.idx.msk [tilespmem:v4+s1+$0x0], $0xffff;
	_ =	sdelay $0x4  }
0x8d: {  	v4 =	vadd.f32 v5, v4;
	_ =	sdelay $0x1  }
0x8e: {  	v5 =	vmul.f32 $2.000000030e-01, v4  }
0x8f: {  	vm3 =	vgt.f32 v4, $0.0e+00  }
0x90: {  	v4 =	vsel vm3, v4, v5  }
0x91: {  	v4 =	vsub.f32 v4, v3;
	_ =	sdelay $0x1  }
0x92: {  	v4 =	vmul.f32 $1.442695020e+00, v4;
	_ =	sdelay $0x1  }
0x93: {  	(erf) = vpow2.f32 v4;
	_ =	sdelay $0x7  }
0x94: {  	s18 =	sor.u32 s16, s18  }
0x95: {  	s15 =	sadd.s32 $0x1, s15;
	p6 =	slt.u32 s18, $0x50910;
	v4 =	vpop (erf)  }
0x96: {  	s31 =	sshrl.u32 s16, $0x1;
	p0 =	sne.s32 s15, $0x2A;
	s17 =	sadd.s32 $0x10, s17;
	v4 =	vpsel !p6, $0x0, v4  }
.Ltmp2:
0x97: {  	s16 =	sadd.s32 s6, s31;
	[tilespmem:s17+$0x0] =	vst v4;
	(pc) =	sbr.rel @p0 .LBB2_4-.Ltmp2, $4  }
0x98: {  	[hbm4b:s16+s1] =	stream.linear.scatter [tilespmem:s12], [sflag:$0x1], $0x400, $0x38;
	[tilespmem:$0x13E80] =	vst v63  }
0x99: {  	_ =	swait.ge [sflag:s9], $0x400  }
0x9a: {  	[sflag:s9] =	ssyncset.done $0x0  }
0x9b: {  	[sflag:s9] =	ssyncadd.s32 $0xFFFFFC00  }
0x9c: {  	s13 =	sadd.s32 $0x1, s13  }
0x9d: {  	p0 =	sne.s32 s13, s8  }
.Ltmp3:
0x9e: {  	_ = 	snop;
	(pc) =	sbr.rel @p0 .LBB2_1-.Ltmp3, $1  }
0x9f: {  	_ =	sdelay $0x3  }
0xa0: {  	_ =	sfence.sel $0x180000  }
0xa1: {  	[bflag:$0x0] =	sbarrier.arrive $0xFFFF  }
0xa2: {  	p0 =	sne.s32 s4, $0x0;
	_ =	strace $0x90000047  }
0xa3: {  	s0 =	sadd.s32 @!p0 $0x100000, s0;
	[bflag:$0x2] =	sbarrier.arrive $0xFFFF  }
0xa4: {  	[sflag:s0] =	ssyncadd.tile.s32 @!p0 $0x1;
	_ =	shalt  }
.Lfunc_end2:
_tile_overlayer_lowered:
.L_overlay_start_2:
0xa5: {  	(tag) =	ssettag $0x2  }
0xa6: {  	s0 =	rddreg [dreg:$0x0];
	s2 =	stileid.u32  }
0xa7: {  	s1 =	rddreg [dreg:$0x1];
	p0 =	sne.s32 s2, $0x0  }
0xa8: {  	s3 =	rddreg [dreg:$0x2];
	[bflag:$0x3] =	sbarrier.arrive $0xFFFF;
	s2 =	simm.s32 @!p0 $0x1C01  }
0xa9: {  	[timem:s3], [sflag:s2] =	dma.local @!p0 [hbm:s0], s1  }
0xaa: {  	s0 =	simm.s32 @!p0 $0x1  }
0xab: {  	_ =	swait.ge @!p0 [sflag:s0], s1  }
0xac: {  	s1 =	ssub.s32 @!p0 $0x0, s1;
	[sflag:s0] =	ssyncset.done @!p0 $0x0  }
0xad: {  	[sflag:s0] =	ssyncadd.s32 @!p0 s1  }
0xae: {  	[bflag:$0x3] =	sbarrier.arrive $0xFFFF  }
0xaf: {  	_ =	shalt  }

// kernel: kernel.9.cloned.1.call-start
scs
__scs_entry_jumppad:
0x0: {  	(pc) =	sbr.rel $0x88, $3  }
0x1: {  	(tag) =	ssettag $0x0;
	lr =	simm.s32 $0x1  }
0x2: {  	[smem:$0x3F9B] =	sst lr;
	_ =	strace $0xD0000000  }
0x3: {  	_ = 	snop  }
0x4: {  	_ = 	snop  }
0x5: {  	_ = 	snop  }
0x6: {  	_ = 	snop  }
0x7: {  	_ = 	snop  }
__scs_overlays_trampoline_lowered:
0x8: {  	[smem:$0x3FAA] =	sst s0  }
0x9: {  	[smem:$0x3FAB] =	sst s1  }
0xa: {  	[smem:$0x3FAC] =	sst s2  }
0xb: {  	[smem:$0x3FAD] =	sst s3  }
0xc: {  	[smem:$0x3FAE] =	sst s4  }
0xd: {  	[smem:$0x3FAF] =	sst s5  }
0xe: {  	[smem:$0x3FB0] =	sst s6  }
0xf: {  	[smem:$0x3FB1] =	sst s7  }
0x10: {  	[smem:$0x3FB2] =	sst s8  }
0x11: {  	[smem:$0x3FB3] =	sst s9;
	s0 =	simm.s32 @!p0 $0x0  }
0x12: {  	s1 =	sld [smem:$0x3F99];
	s0 =	simm.s32 @p0 $0x1  }
0x13: {  	[smem:$0x3FB4] =	sst s0;
	s0 =	simm.s32 @!p1 $0x0  }
0x14: {  	s2 =	sld [smem:$0x3F98];
	s0 =	simm.s32 @p1 $0x1  }
0x15: {  	[smem:$0x3FB5] =	sst s0;
	s0 =	simm.s32 @!p2 $0x0  }
0x16: {  	s3 =	sld [smem:$0x3FDB];
	s0 =	simm.s32 @p2 $0x1  }
0x17: {  	s4 =	simm.s32 $0x1BF5;
	[smem:$0x3FB7] =	sst s0  }
0x18: {  	s0 =	sld [smem:$0x3F9A];
	_ =	swait.ge [sflag:s4], $0x0  }
0x19: {  	s7 =	sld [smem:$0x3F9B]  }
0x1a: {  	s8 =	sadd.s32 $0xFFFFE003, lr  }
0x1b: {  	s9 =	sadd.s32 $0xFFFFFEF7, lr;
	s5 =	simm.s32 $0xFFFFFFFF;
	p2 =	slt.u32 s8, $0xFFFFF086  }
0x1c: {  	p1 =	slt.u32 s9, $0xF7A;
	s5 =	simm.s32 @!p2 $0x0  }
0x1d: {  	s5 =	simm.s32 @p1 $0x1;
	p0 =	seq.s32 s7, s2  }
0x1e: {  	s7 =	smul.u32 @!p0 $0xF7A, s2;
	p2 =	seq.s32 @!p0 s5, $0x0  }
0x1f: {  	s9 =	smul.u32 $0xF7A, s1;
	s8 =	simm.s32 @!p0 $0x1BF5;
	p2 =	por !p2, p0  }
0x20: {  	[sflag:s8] =	ssyncset.s32 @!p0 $0xFFFFF086;
	s6 =	sadd.s32 @!p0 s3, s7;
	s7 =	simm.s32 @!p0 $0x108  }
0x21: {  	s3 =	sadd.s32 s3, s9;
	s6 =	sadd.s32 @!p0 $0x88, s6;
	s7 =	simm.s32 @p2 $0x1082  }
0x22: {  	[simem:s7], [sflag:s8] =	dma.local @!p0 [hbm:s6], $0xF7A  }
0x23: {  	s9 =	sor.u32 $0xD0000000, s2;
	s6 =	simm.s32 $0x108;
	_ =	swait.ge @!p0 [sflag:s8], $0x0  }
0x24: {  	s3 =	sadd.s32 $0x88, s3;
	s6 =	simm.s32 @!p1 $0x1082;
	[sflag:s4] =	ssyncset.s32 $0xFFFFF086  }
0x25: {  	[simem:s6], [sflag:s4] =	dma.local [hbm:s3], $0xF7A  }
0x26: {  	[smem:$0x3F9B] =	sst s1;
	(tag) =	ssettag s2;
	_ =	strace s9  }
0x27: {  	s1 =	sld [smem:$0x3FAB]  }
0x28: {  	s2 =	sld [smem:$0x3FAC]  }
0x29: {  	s4 =	sld [smem:$0x3FAE]  }
0x2a: {  	p0 =	seq.s32 s5, $0x0;
	s5 =	sld [smem:$0x3FAF]  }
0x2b: {  	s6 =	sld [smem:$0x3FB0]  }
0x2c: {  	s7 =	sld [smem:$0x3FB1]  }
0x2d: {  	s3 =	simm.s32 $0x108;
	s8 =	sld [smem:$0x3FB2]  }
0x2e: {  	s3 =	simm.s32 @!p0 $0x1082;
	s9 =	sld [smem:$0x3FB3]  }
0x2f: {  	lr =	sadd.s32 s0, s3;
	s0 =	sld [smem:$0x3FAA]  }
0x30: {  	s3 =	sld [smem:$0x3FAD]  }
0x31: {  	[smem:$0x3FB6] =	sst s10  }
0x32: {  	s10 =	sld [smem:$0x3FB4];
	_ =	sdelay $0x3  }
0x33: {  	p0 =	seq.s32 s10, $0x1;
	s10 =	sld [smem:$0x3FB6];
	_ =	sdelay $0x3  }
0x34: {  	[smem:$0x3FB6] =	sst s10  }
0x35: {  	s10 =	sld [smem:$0x3FB5];
	_ =	sdelay $0x3  }
0x36: {  	p1 =	seq.s32 s10, $0x1;
	s10 =	sld [smem:$0x3FB6];
	_ =	sdelay $0x3  }
0x37: {  	[smem:$0x3FB6] =	sst s10  }
0x38: {  	s10 =	sld [smem:$0x3FB7]  }
0x39: {  	_ = 	snop;
	(pc) =	sbr.ind lr, $3  }
0x3a: {  	_ = 	snop  }
0x3b: {  	_ = 	snop  }
0x3c: {  	p2 =	seq.s32 s10, $0x1;
	s10 =	sld [smem:$0x3FB6]  }
0x3d: {  	_ =	shalt  }
0x3e: {  	_ =	shalt  }
0x3f: {  	_ =	shalt  }
0x40: {  	_ =	shalt  }
0x41: {  	_ =	shalt  }
0x42: {  	_ =	shalt  }
0x43: {  	_ =	shalt  }
0x44: {  	_ =	shalt  }
0x45: {  	_ =	shalt  }
0x46: {  	_ =	shalt  }
0x47: {  	_ =	shalt  }
0x48: {  	_ =	shalt  }
0x49: {  	_ =	shalt  }
0x4a: {  	_ =	shalt  }
0x4b: {  	_ =	shalt  }
0x4c: {  	_ =	shalt  }
0x4d: {  	_ =	shalt  }
0x4e: {  	_ =	shalt  }
0x4f: {  	_ =	shalt  }
0x50: {  	_ =	shalt  }
0x51: {  	_ =	shalt  }
0x52: {  	_ =	shalt  }
0x53: {  	_ =	shalt  }
0x54: {  	_ =	shalt  }
0x55: {  	_ =	shalt  }
0x56: {  	_ =	shalt  }
0x57: {  	_ =	shalt  }
0x58: {  	_ =	shalt  }
0x59: {  	_ =	shalt  }
0x5a: {  	_ =	shalt  }
0x5b: {  	_ =	shalt  }
0x5c: {  	_ =	shalt  }
0x5d: {  	_ =	shalt  }
0x5e: {  	_ =	shalt  }
0x5f: {  	_ =	shalt  }
0x60: {  	_ =	shalt  }
0x61: {  	_ =	shalt  }
0x62: {  	_ =	shalt  }
0x63: {  	_ =	shalt  }
0x64: {  	_ =	shalt  }
0x65: {  	_ =	shalt  }
0x66: {  	_ =	shalt  }
0x67: {  	_ =	shalt  }
0x68: {  	_ =	shalt  }
0x69: {  	_ =	shalt  }
0x6a: {  	_ =	shalt  }
0x6b: {  	_ =	shalt  }
0x6c: {  	_ =	shalt  }
0x6d: {  	_ =	shalt  }
0x6e: {  	_ =	shalt  }
0x6f: {  	_ =	shalt  }
0x70: {  	_ =	shalt  }
0x71: {  	_ =	shalt  }
0x72: {  	_ =	shalt  }
0x73: {  	_ =	shalt  }
0x74: {  	_ =	shalt  }
0x75: {  	_ =	shalt  }
0x76: {  	_ =	shalt  }
0x77: {  	_ =	shalt  }
0x78: {  	_ =	shalt  }
0x79: {  	_ =	shalt  }
0x7a: {  	_ =	shalt  }
0x7b: {  	_ =	shalt  }
0x7c: {  	_ =	shalt  }
0x7d: {  	_ =	shalt  }
0x7e: {  	_ =	shalt  }
0x7f: {  	_ =	shalt  }
0x80: {  	_ =	shalt  }
0x81: {  	_ =	shalt  }
0x82: {  	_ =	shalt  }
0x83: {  	_ =	shalt  }
0x84: {  	_ =	shalt  }
0x85: {  	_ =	shalt  }
0x86: {  	_ =	shalt  }
0x87: {  	_ =	shalt  }
.Lfunc_end0:
.L_simem_size_0:
called_computation.1_lowered:
.L_overlay_start_0:
0x88: {  	s2 =	sld [smem:$0x3FD9]  }
0x89: {  	s3 =	sld [smem:$0x3FFE];
	_ =	sdelay $0x1  }
0x8a: {  	s1 =	srdreg.scid  }
0x8b: {  	s0 =	sand.u32 $0x1, s1  }
0x8c: {  	s17 =	sshll.u32 s0, $0xA;
	s2 =	sadd.s32 s3, s2  }
0x8d: {  	s2 =	sadd.s32 s2, s17  }
0x8e: {  	[smem:$0x3FC2] =	sst s2  }
0x8f: {  	_ = 	snop  }
0x90: {  	s2 =	sld [smem:$0x3FD0];
	(tm) =	ssettm $0x1  }
0x91: {  	s18 =	sld [smem:$0x3FFB];
	_ =	sdelay $0x3  }
0x92: {  	_ =	strace s18  }
0x93: {  	s3 =	sld [smem:$0x3FFC];
	_ =	sdelay $0x3  }
0x94: {  	_ =	strace s3  }
0x95: {  	s3 =	sld [smem:$0x3FFD];
	_ =	sdelay $0x3  }
0x96: {  	_ =	strace s3  }
0x97: {  	_ =	strace $0x8FFFFFFF  }
0x98: {  	s19 =	sld [smem:$0x3FDB];
	_ =	sdelay $0x1  }
0x99: {  	s4 =	simm.s32 $_scs_section_size  }
0x9a: {  	s5 =	simm.s32 $_size__tile_overlayer_lowered;
	s6 =	simm.s32 $_tile_overlayer_lowered  }
0x9b: {  	s22 =	simm.s32 $0x1BFF;
	s21 =	sshll.u32 s6, $0x1;
	s3 =	sadd.s32 s4, s19  }
0x9c: {  	s7 =	simm.s32 $0x0;
	s20 =	sshll.u32 s5, $0x1;
	s5 =	sadd.s32 s21, s3  }
0x9d: {  	[timem:s7], [sflag:s22] =	dma.local [hbm:s5], s20  }
0x9e: {  	_ =	swait.ge [sflag:s22], s20  }
0x9f: {  	s4 =	ssub.s32 $0x0, s20;
	[sflag:s22] =	ssyncset.done $0x0  }
0xa0: {  	[sflag:s22] =	ssyncadd.s32 s4;
	_ =	sdelay $0x1  }
0xa1: {  	s23 =	simm.s32 $0x1B8B  }
0xa2: {  	_ =	swait.ge [sflag:s23], $0x1  }
0xa3: {  	[sflag:s23] =	ssyncset.done $0x0  }
0xa4: {  	s25 =	simm.s32 $0x1B8E;
	s24 =	sld [smem:$0x3FFE];
	[sflag:s23] =	ssyncadd.s32 $0xFFFFFFFF  }
0xa5: {  	s26 =	simm.s32 $execute0_lowered;
	[smem:$0x3FD2] =	sst s25  }
0xa6: {  	s5 =	sshll.u32 s26, $0x1;
	_ =	strace $0x80000049;
	[dreg:$0x1] =	wrdreg $0xFFFFFFFF  }
0xa7: {  	s28 =	simm.s32 $_size_execute0_lowered;
	s3 =	sadd.s32 s3, s5;
	[dreg:$0x0] =	wrdreg $0x0  }
0xa8: {  	s5 =	sshll.u32 s28, $0x1;
	[dreg:$0x2] =	wrdreg s3  }
0xa9: {  	[dreg:$0x3] =	wrdreg s5  }
0xaa: {  	[dreg:$0x4] =	wrdreg $0xC0  }
0xab: {  	_ =	task [dreg:s7], $0x5FFFF  }
0xac: {  	[dreg:$0x1] =	wrdreg $0xFFFFFFFF  }
0xad: {  	[dreg:$0x0] =	wrdreg $0x60  }
0xae: {  	[dreg:$0x2] =	wrdreg s2  }
0xaf: {  	[dreg:$0x3] =	wrdreg s24  }
0xb0: {  	[dreg:$0x4] =	wrdreg $0x9  }
0xb1: {  	_ =	task.clear_ibuf [dreg:s7], $0x5FFFF;
	_ =	strace $0x90000049  }
0xb2: {  	s29 =	simm.s32 $0x9;
	_ =	strace $0x8000004B  }
0xb3: {  	_ =	swait.ge [sflag:s29], $0x1  }
0xb4: {  	[sflag:s29] =	ssyncadd.s32 $0xFFFFFFFF  }
0xb5: {  	_ =	strace $0x9000004B  }
0xb6: {  	_ =	sfence  }
0xb7: {  	s30 =	sld [smem:$0x0];
	_ =	sdelay $0x2  }
0xb8: {  	s31 =	sshll.u32 s1, $0xD;
	s1 =	sshrl.u32 s1, $0x2  }
0xb9: {  	s3 =	sand.u32 $0x4000, s31;
	s1 =	sadd.s32 s1, s30  }
0xba: {  	s0 =	sor.u32 s3, s0;
	s1 =	sshll.u32 s1, $0x11  }
0xbb: {  	s0 =	sor.u32 s1, s0  }
0xbc: {  	s0 =	sadd.s32 $0x8F2B, s0  }
0xbd: {  	[sflag:s0] =	ssyncadd.remote.s32 $0x1  }
0xbe: {  	_ =	sfence.sel $0xFFFF  }
0xbf: {  	[dreg:$0x0] =	wrdreg $0xFFFFFFFF;
	(pc) =	sbr.abs _section_cstart, $3  }
0xc0: {  	[dreg:$0x1] =	wrdreg $0xFFFFFFFF  }
0xc1: {  	_ =	task.clear_ibuf [dreg:s7], $0x2FFFF;
	_ =	strace $0x9FFFFFFF  }
0xc2: {  	(tm) =	ssettm $0x7FFFFFFF  }
0xc3: {  	_ =	shalt  }
tec
execute0_lowered:
.L_overlay_start_1:
0x0: {  	(tag) =	ssettag $0x1  }
0x1: {  	s1 =	rddreg [dreg:$0x0]  }
0x2: {  	s0 =	rddreg [dreg:$0x1]  }
0x3: {  	s2 =	simm.s32 $0x0;
	s3 =	srdreg.scid;
	s7 =	stileid.u32  }
0x4: {  	s13 =	simm.s32 $0x19000;
	s14 =	simm.s32 $0x1;
	s15 =	simm.s32 $0x19400  }
0x5: {  	s16 =	simm.s32 $0x1A580;
	s17 =	simm.s32 $0x1AD80;
	s18 =	simm.s32 $0x1B580  }
0x6: {  	s19 =	simm.s32 $0x1BD80;
	s20 =	simm.s32 $0x1C580;
	s21 =	simm.s32 $0x19C80  }
0x7: {  	[smem:$0x7FF] =	sst s2;
	s3 =	sand.u32 $0x1, s3;
	s4 =	sadd.s32 $0xB800, s0  }
0x8: {  	s5 =	sadd.s32 $0x1000, s0;
	s9 =	sadd.s32 $0x42800, s0;
	s6 =	sshll.u32 s3, $0x4  }
0x9: {  	_ =	strace $0x8000004A;
	s3 =	ssub.s32 $0x2, s3;
	s7 =	sor.u32 s7, s6  }
0xa: {  	s6 =	sadd.s32 $0x18800, s0;
	s10 =	sshrl.u32 s3, $0x1;
	s11 =	smul.u32 $0x2800, s7  }
0xb: {  	s0 =	sadd.s32 $0xE2800, s0;
	s8 =	smul.u32 $0xA0, s7;
	s3 =	ssub.s32 s3, s10  }
0xc: {  	v2 =	vimm.f32 $0.0e+00;
	s25 =	smul.u32 $0xA00, s7;
	s31 =	smax.u32 s3, $0x1;
	s11 =	sadd.s32 s9, s11  }
.Ltmp0:
0xd: {  	v3 =	vlaneseq.u32;
	v4 =	vimm.s32 $0x0;
	v5 =	vimm.s32 $0x53FFF;
	s26 =	sadd.s32 $0x1400, s8;
	[dreg:$0x7] =	wrdreg s31;
	(pc) =	sbr.rel .LBB2_1-.Ltmp0, $4  }
0xe: {  	v7 =	vimm.s32 $0x3020100;
	vm0 =	vmmov $0xffff;
	vm1 =	vcmask $0xF00;
	s28 =	sadd.s32 s0, s25;
	[dreg:$0x3] =	wrdreg s11;
	s29 =	sshll.u32 s26, $0x6  }
0xf: {  	v8 =	vshrl.u32 v3, $0x3;
	v9 =	vunpack.c.0.s8.s32 v7;
	v0 =	vmov s8;
	[dreg:$0x4] =	wrdreg s28;
	s30 =	sshll.u32 s26, $0x4;
	s8 =	sadd.s32 s9, s29  }
0x10: {  	s22 =	simm.s32 $0x1A100;
	v6 =	vand.u32 $0x7, v3;
	v7 =	vmul.u32 $0x8, v8;
	v8 =	vor.u32 $0x8, v3;
	s0 =	sadd.s32 s0, s30;
	[dreg:$0x5] =	wrdreg s8  }
0x11: {  	s24 =	simm.s32 $0x0;
	v9 =	vnsel vm1, $0x3, v9;
	vm1 =	vmmov $0xf;
	s7 =	sadd.s32 $0x100, s1;
	v1 =	vmov s26;
	[dreg:$0x6] =	wrdreg s0  }
.LBB2_25:
0x12: {  	s2 =	simm.s32 $0x0;
	s0 =	rddreg [dreg:$0x5]  }
0x13: {  	[hbm4b:s0+s2] =	stream.linear.scatter [tilespmem:s2], [sflag:$0x1], $0x14000, $0x38;
	[tilespmem:$0x1CD80] =	vst v63  }
0x14: {  	_ =	swait.ge [sflag:s14], $0x14000  }
0x15: {  	[sflag:s14] =	ssyncset.done $0x0  }
0x16: {  	s3 =	simm.s32 $0x14000;
	s30 =	rddreg [dreg:$0x6];
	[sflag:s14] =	ssyncadd.s32 $0xFFFEC000  }
0x17: {  	[hbm4b:s30+s2] =	stream.linear.scatter [tilespmem:s3], [sflag:$0x1], $0x5000, $0x38;
	[tilespmem:$0x1CD80] =	vst v63  }
0x18: {  	_ =	swait.ge [sflag:s14], $0x5000  }
0x19: {  	s24 =	sadd.s32 $0x1, s24;
	s31 =	rddreg [dreg:$0x7]  }
0x1a: {  	p0 =	sne.s32 s24, s31  }
.Ltmp1:
0x1b: {  	_ = 	snop;
	(pc) =	sbr.rel @!p0 .LBB2_26-.Ltmp1, $3  }
0x1c: {  	_ =	sdelay $0x1  }
0x1d: {  	[sflag:s14] =	ssyncset.done $0x0  }
0x1e: {  	[sflag:s14] =	ssyncadd.s32 $0xFFFFB000  }
.LBB2_1:
0x1f: {  	s0 =	simm.s32 $0x0  }
0x20: {  	s3 =	sand.u32 $0xC00, s2;
	s8 =	simm.s32 $0x0;
	s0 =	sand.u32 $0x1F000, s0  }
0x21: {  	s8 =	sand.u32 $0x380, s8;
	s0 =	sor.u32 s3, s0  }
0x22: {  	s31 =	sand.u32 $0x70, s2;
	s0 =	sor.u32 s8, s0  }
0x23: {  	s3 =	sor.u32 s31, s0  }
0x24: {  	s8 =	simm.s32 $0x0;
	s0 =	simm.s32 $0x1;
	[tilespmem:s3+$0x0] =	vst v2;
	s3 =	simm.s32 $0x80  }
.LBB2_2:
0x25: {  	s9 =	sshll.u32 s0, $0x4;
	p0 =	sne.s32 s0, $0x13FF  }
0x26: {  	s10 =	smov.u32 s0;
	s0 =	sadd.s32 $0x1, s0;
	s11 =	sand.u32 $0xC00, s3  }
.Ltmp2:
0x27: {  	s9 =	sand.u32 $0x1F000, s9;
	s10 =	sshll.u32 s10, $0x2;
	(pc) =	sbr.rel @p0 .LBB2_2-.Ltmp2, $4  }
0x28: {  	s8 =	sadd.s32 $0x10, s8;
	s10 =	sand.u32 $0x380, s10;
	s9 =	sor.u32 s11, s9  }
0x29: {  	s11 =	sand.u32 $0x70, s8;
	s9 =	sor.u32 s10, s9  }
0x2a: {  	s9 =	sor.u32 s11, s9  }
0x2b: {  	s3 =	sadd.s32 $0x80, s3;
	s25 =	simm.s32 $0x0;
	[tilespmem:s9+$0x0] =	vst v2  }
0x2c: {  	s0 =	simm.s32 $0x200;
	s3 =	simm.s32 $0x0  }
.LBB2_4:
0x2d: {  	p0 =	sne.s32 s0, $0x13E00;
	[tilespmem:s3+$0x14000] =	vst v2;
	s3 =	smov.u32 s0;
	s0 =	sadd.s32 $0x200, s0  }
.Ltmp3:
0x2e: {  	(pc) =	sbr.rel @p0 .LBB2_4-.Ltmp3, $2  }
0x2f: {  	_ =	sdelay $0x2  }
0x30: {  	s3 =	sshra.s32 s3, $0x2  }
.Ltmp4:
0x31: {  	(pc) =	sbr.rel .LBB2_6-.Ltmp4, $2  }
0x32: {  	_ =	sdelay $0x2  }
0x33: {  	[tilespmem:s3+$0x14000] =	vst v2;
	s26 =	simm.s32 $0x0  }
.LBB2_12:
0x34: {  	s26 =	sadd.s32 $0x1, s26  }
0x35: {  	p0 =	sne.s32 s26, $0x150  }
.Ltmp5:
0x36: {  	_ = 	snop;
	(pc) =	sbr.rel @!p0 .LBB2_13-.Ltmp5, $2  }
0x37: {  	_ =	sdelay $0x2  }
0x38: {  	s25 =	sadd.s32 $0x400, s25  }
.LBB2_6:
0x39: {  	s3 =	sshll.u32 s26, $0x7  }
0x3a: {  	s0 =	simm.s32 $0x0;
	s8 =	sadd.s32 s4, s3  }
0x3b: {  	[tilespmem:s13], [sflag:$0x1] =	stream.linear.gather [hbm4b:s8+s0], $0x400, $0x38;
	[tilespmem:$0x1CD80] =	vst v63  }
0x3c: {  	_ =	swait.ge [sflag:s14], $0x400  }
0x3d: {  	[sflag:s14] =	ssyncset.done $0x0  }
0x3e: {  	s3 =	sadd.s32 s5, s3;
	[sflag:s14] =	ssyncadd.s32 $0xFFFFFC00  }
0x3f: {  	[tilespmem:s15], [sflag:$0x1] =	stream.linear.gather [hbm4b:s3+s0], $0x400, $0x38;
	[tilespmem:$0x1CD80] =	vst v63  }
0x40: {  	_ =	swait.ge [sflag:s14], $0x400  }
0x41: {  	[sflag:s14] =	ssyncset.done $0x0  }
0x42: {  	s31 =	simm.s32 $0x0;
	[sflag:s14] =	ssyncadd.s32 $0xFFFFFC00  }
0x43: {  	v10 =	vld [tilespmem:s31+$0x19400];
	_ =	sdelay $0x4  }
0x44: {  	v10 =	vsub.s32 v10, v0  }
0x45: {  	vm2 =	vlt.u32 v10, $0xA0  }
0x46: {  	v11 =	vmpcnt.ones.xlane vm2;
	_ =	sdelay $0x1  }
0x47: {  	v11 =	vxor.u32 $0x80000000, v11  }
0x48: {  	(xrf0) =	vmax.scan.msk.u32 $0xffff, v11  }
0x49: {  	v12 =	vld [tilespmem:s31+$0x19000];
	_ =	sdelay $0x4  }
0x4a: {  	[tilespmem:s0+$0x19800] =	vst.msk vm2, v12;
	v11, _, _ =	vpop (xrf0)  }
0x4b: {  	[tilespmem:s0+$0x19C80] =	vst.msk vm2, v10;
	v10 =	vor.u32 s25, v3;
	(v2sf) =	vpush v11, $0xF  }
0x4c: {  	s9 =	simm.s32 $0x10;
	s8 =	simm.s32 $0x80;
	s3 =	smov.u32 s25;
	[tilespmem:s0+$0x1A100] =	vst.msk vm2, v10  }
.LBB2_7:
0x4d: {  	p0 =	sne.s32 s8, $0xFC0;
	v10 =	vld [tilespmem:s9+$0x19400]  }
0x4e: {  	v11 =	vld [tilespmem:s9+$0x19000];
	_ =	sdelay $0x3  }
0x4f: {  	v10 =	vsub.s32 v10, v0  }
0x50: {  	vm2 =	vlt.u32 v10, $0xA0  }
0x51: {  	v12 =	vmpcnt.ones.xlane vm2;
	_ =	sdelay $0x1  }
0x52: {  	v12 =	vxor.u32 $0x80000000, v12  }
0x53: {  	(xrf0) =	vmax.scan.msk.u32 $0xffff, v12;
	_ =	sdelay $0x2  }
0x54: {  	s9 =	spop (v2sf)  }
.Ltmp6:
0x55: {  	s0 =	sadd.s32 s9, s0;
	(pc) =	sbr.rel @p0 .LBB2_7-.Ltmp6, $4  }
0x56: {  	s0 =	sadd.s32 $0x80000000, s0  }
0x57: {  	s3 =	sadd.s32 $0x10, s3;
	[tilespmem:s0+$0x19800] =	vst.msk vm2, v11;
	v11, _, _ =	vpop (xrf0)  }
0x58: {  	[tilespmem:s0+$0x19C80] =	vst.msk vm2, v10;
	v10 =	vor.u32 s3, v3;
	(v2sf) =	vpush v11, $0xF  }
0x59: {  	s9 =	sshra.s32 s8, $0x2;
	s8 =	sadd.s32 $0x40, s8;
	[tilespmem:s0+$0x1A100] =	vst.msk vm2, v10  }
0x5a: {  	v10 =	vld [tilespmem:s9+$0x19400];
	_ =	sdelay $0x4  }
0x5b: {  	v10 =	vsub.s32 v10, v0  }
0x5c: {  	vm2 =	vlt.u32 v10, $0xA0  }
0x5d: {  	v11 =	vmpcnt.ones.xlane vm2;
	_ =	sdelay $0x1  }
0x5e: {  	v11 =	vxor.u32 $0x80000000, v11  }
0x5f: {  	(xrf0) =	vmax.scan.msk.u32 $0xffff, v11;
	_ =	sdelay $0x5  }
0x60: {  	v11, _, _ =	vpop (xrf0)  }
0x61: {  	(v2sf) =	vpush v11, $0xF;
	_ =	sdelay $0xc  }
0x62: {  	s8 =	spop (v2sf)  }
0x63: {  	s0 =	sadd.s32 s8, s0  }
0x64: {  	s0 =	sadd.s32 $0x80000000, s0;
	s10 =	spop (v2sf)  }
0x65: {  	s8 =	sadd.s32 s10, s0  }
0x66: {  	s8 =	sadd.s32 $0x80000000, s8  }
0x67: {  	s11 =	sadd.s32 $0xF, s8  }
0x68: {  	s10 =	sand.u32 $0xF, s11  }
0x69: {  	v11 =	vld [tilespmem:s9+$0x19000];
	s12 =	sshra.s32 s11, $0x1F;
	p1 =	slt.s32 s11, $0x1;
	p0 =	sne.s32 s10, $0x0  }
0x6a: {  	s10 =	sshrl.u32 s12, $0x1C;
	p0 =	por !p1, !p0  }
0x6b: {  	s9 =	simm.s32 $0x1;
	s23 =	sadd.s32 s10, s11;
	p0 =	por !p0, !p0  }
0x6c: {  	s31 =	sshra.s32 s23, $0x4;
	s9 =	simm.s32 @!p0 $0x0  }
0x6d: {  	s28 =	ssub.s32 s31, s9  }
0x6e: {  	s3 =	sadd.s32 $0x10, s3;
	[tilespmem:s0+$0x19800] =	vst.msk vm2, v11;
	p0 =	slt.s32 s28, $0x1  }
.Ltmp7:
0x6f: {  	v11 =	vor.u32 s3, v3;
	[tilespmem:s0+$0x19C80] =	vst.msk vm2, v10;
	(pc) =	sbr.rel @p0 .LBB2_12-.Ltmp7, $4  }
0x70: {  	[tilespmem:s0+$0x1A100] =	vst.msk vm2, v11  }
0x71: {  	[tilespmem:s8+$0x19800] =	vst v4  }
0x72: {  	[tilespmem:s8+$0x19C80] =	vst v4  }
0x73: {  	s29 =	simm.s32 $0x0;
	s30 =	simm.s32 $0x0;
	[tilespmem:s8+$0x1A100] =	vst v5  }
.LBB2_9:
0x74: {  	s31 =	sshll.u32 s30, $0x4  }
0x75: {  	v10 =	vld [tilespmem:s31+$0x19800];
	_ =	sdelay $0x4  }
0x76: {  	v11 =	vshll.u32 v10, $0x2  }
0x77: {  	v10 =	vand.u32 $0x7, v10;
	v11 =	vand.u32 $0xFFFFFFE0, v11  }
0x78: {  	v10 =	vor.u32 v10, v11  }
0x79: {  	v11 =	vperm.xlane v10, v6;
	_ =	sdelay $0x1  }
0x7a: {  	v11 =	vadd.s32 v7, v11;
	_ =	sdelay $0x1  }
0x7b: {  	v10 =	vperm.xlane v10, v8;
	_ =	sdelay $0x1  }
0x7c: {  	v10 =	vadd.s32 v7, v10  }
0x7d: {  	v12 =	vld [tilespmem:s31+$0x1A100];
	[tilespmem:s16], [sflag:$0x1] =	stream.indirect_vreg.gather [hbm4b:s1+s29], $0x80, v11, vm0, $0xb8  }
0x7e: {  	_ = 	snop  }
0x7f: {  	[tilespmem:s17], [sflag:$0x1] =	stream.indirect_vreg.gather [hbm4b:s7+s29], $0x80, v11, vm0, $0xb8;
	[tilespmem:$0x1CD80] =	vst v63  }
0x80: {  	_ = 	snop  }
0x81: {  	[tilespmem:s18], [sflag:$0x1] =	stream.indirect_vreg.gather [hbm4b:s1+s29], $0x80, v10, vm0, $0xb8;
	[tilespmem:$0x1CD80] =	vst v63  }
0x82: {  	v11 =	vshra.s32 v12, $0x5  }
0x83: {  	[tilespmem:s19], [sflag:$0x1] =	stream.indirect_vreg.gather [hbm4b:s7+s29], $0x80, v10, vm0, $0xb8;
	[tilespmem:$0x1CD80] =	vst v63  }
0x84: {  	_ =	swait.ge [sflag:s14], $0x2000  }
0x85: {  	s0 =	sadd.s32 $0x0, s31;
	[sflag:s14] =	ssyncset.done $0x0  }
0x86: {  	v10 =	vmov s0;
	[sflag:s14] =	ssyncadd.s32 $0xFFFFE000  }
0x87: {  	[tilespmem:s20], [sflag:$0x1] =	stream.indirect_vreg.gather [hbm4b:s6+s29], $0x80, v11, vm0, $0xb8;
	[tilespmem:$0x1CD80] =	vst v63  }
0x88: {  	_ =	swait.ge [sflag:s14], $0x800  }
0x89: {  	[sflag:s14] =	ssyncset.done $0x0  }
0x8a: {  	[sflag:s14] =	ssyncadd.s32 $0xFFFFF800  }
0x8b: {  	v11 =	vld.idx.msk [tilespmem:v10+s22+$0x0], $0xffff;
	_ =	sdelay $0x4  }
0x8c: {  	v11 =	vxor.u32 $0x80000000, v11  }
0x8d: {  	(xrf0) =	vmax.scan.msk.u32 $0xffff, v11;
	_ =	sdelay $0x5  }
0x8e: {  	v11, _, _ =	vpop (xrf0)  }
0x8f: {  	(v2sf) =	vpush v11, $0xF  }
0x90: {  	v10 =	vld.idx.msk [tilespmem:v10+s21+$0x0], $0xffff;
	_ =	sdelay $0x4  }
0x91: {  	v10 =	vxor.u32 $0x80000000, v10  }
0x92: {  	(xrf0) =	vmax.scan.msk.u32 $0xffff, v10;
	_ =	sdelay $0x5  }
0x93: {  	v10, _, _ =	vpop (xrf0)  }
0x94: {  	(v2sf) =	vpush v10, $0xF  }
0x95: {  	s3 =	spop (v2sf)  }
0x96: {  	s0 =	sshll.u32 s3, $0x2  }
0x97: {  	s3 =	simm.s32 $0x0;
	s0 =	sand.u32 $0x7C, s0  }
0x98: {  	s0 =	sor.u32 s3, s0  }
0x99: {  	v10 =	vor.u32 s0, v9;
	_ =	sdelay $0x4  }
0x9a: {  	s8 =	sand.u32 $0x1000, s29;
	s9 =	sand.u32 $0x380, s29;
	v10 =	vld.idx.msk [tilespmem:v10+s20+$0x0], $0xffff  }
0x9b: {  	s0 =	sor.u32 s9, s8  }
0x9c: {  	v11 =	vld [tilespmem:s0+$0x1A580];
	_ =	sdelay $0x2  }
0x9d: {  	s8 =	spop (v2sf);
	v60 =	vbroadcast v10, $0x0  }
0x9e: {  	s3 =	sshll.u32 s8, $0x9;
	s8 =	sshll.u32 s8, $0x7  }
0x9f: {  	s9 =	sand.u32 $0xFFFFF000, s3;
	s8 =	sand.u32 $0x380, s8;
	v11 =	vmul.f32 v60, v11  }
0xa0: {  	s8 =	sor.u32 s8, s9  }
0xa1: {  	s0 =	sadd.s32 $0x1A580, s0;
	[tilespmem:s8+$0x0] =	vst.add.f32.msk $0xffff, v11  }
0xa2: {  	v11 =	vld [tilespmem:s0+$0x10];
	_ =	sdelay $0x4  }
0xa3: {  	v11 =	vmul.f32 v11, v60  }
0xa4: {  	s9 =	sor.u32 $0x10, s8  }
0xa5: {  	[tilespmem:s9+$0x0] =	vst.add.f32.msk $0xffff, v11  }
0xa6: {  	v11 =	vld [tilespmem:s0+$0x20];
	_ =	sdelay $0x4  }
0xa7: {  	v11 =	vmul.f32 v11, v60  }
0xa8: {  	s10 =	sor.u32 $0x20, s8  }
0xa9: {  	[tilespmem:s10+$0x0] =	vst.add.f32.msk $0xffff, v11  }
0xaa: {  	v11 =	vld [tilespmem:s0+$0x30];
	_ =	sdelay $0x4  }
0xab: {  	v11 =	vmul.f32 v11, v60  }
0xac: {  	s11 =	sor.u32 $0x30, s8  }
0xad: {  	[tilespmem:s11+$0x0] =	vst.add.f32.msk $0xffff, v11  }
0xae: {  	v11 =	vld [tilespmem:s0+$0x40];
	_ =	sdelay $0x4  }
0xaf: {  	v11 =	vmul.f32 v11, v60  }
0xb0: {  	s12 =	sor.u32 $0x40, s8  }
0xb1: {  	[tilespmem:s12+$0x0] =	vst.add.f32.msk $0xffff, v11  }
0xb2: {  	v11 =	vld [tilespmem:s0+$0x50];
	_ =	sdelay $0x4  }
0xb3: {  	v11 =	vmul.f32 v11, v60  }
0xb4: {  	s23 =	sor.u32 $0x50, s8  }
0xb5: {  	[tilespmem:s23+$0x0] =	vst.add.f32.msk $0xffff, v11  }
0xb6: {  	v11 =	vld [tilespmem:s0+$0x60];
	_ =	sdelay $0x4  }
0xb7: {  	v11 =	vmul.f32 v11, v60  }
0xb8: {  	s2 =	sor.u32 $0x60, s8  }
0xb9: {  	[tilespmem:s2+$0x0] =	vst.add.f32.msk $0xffff, v11  }
0xba: {  	v11 =	vld [tilespmem:s0+$0x70];
	_ =	sdelay $0x4  }
0xbb: {  	v11 =	vmul.f32 v11, v60  }
0xbc: {  	s10 =	sor.u32 $0x70, s8  }
0xbd: {  	[tilespmem:s10+$0x0] =	vst.add.f32.msk $0xffff, v11  }
0xbe: {  	v11 =	vld [tilespmem:s0+$0x400];
	_ =	sdelay $0x2  }
0xbf: {  	v61 =	vbroadcast v10, $0x1;
	_ =	sdelay $0x1  }
0xc0: {  	v11 =	vmul.f32 v11, v61  }
0xc1: {  	s11 =	sor.u32 $0x400, s8  }
0xc2: {  	[tilespmem:s11+$0x0] =	vst.add.f32.msk $0xffff, v11  }
0xc3: {  	v11 =	vld [tilespmem:s0+$0x410];
	_ =	sdelay $0x4  }
0xc4: {  	v11 =	vmul.f32 v11, v61  }
0xc5: {  	s12 =	sor.u32 $0x410, s8  }
0xc6: {  	[tilespmem:s12+$0x0] =	vst.add.f32.msk $0xffff, v11  }
0xc7: {  	v11 =	vld [tilespmem:s0+$0x420];
	_ =	sdelay $0x4  }
0xc8: {  	v11 =	vmul.f32 v11, v61  }
0xc9: {  	s23 =	sor.u32 $0x420, s8  }
0xca: {  	[tilespmem:s23+$0x0] =	vst.add.f32.msk $0xffff, v11  }
0xcb: {  	v11 =	vld [tilespmem:s0+$0x430];
	_ =	sdelay $0x4  }
0xcc: {  	v11 =	vmul.f32 v11, v61  }
0xcd: {  	s2 =	sor.u32 $0x430, s8  }
0xce: {  	[tilespmem:s2+$0x0] =	vst.add.f32.msk $0xffff, v11  }
0xcf: {  	v11 =	vld [tilespmem:s0+$0x440];
	_ =	sdelay $0x4  }
0xd0: {  	v11 =	vmul.f32 v11, v61  }
0xd1: {  	s10 =	sor.u32 $0x440, s8  }
0xd2: {  	[tilespmem:s10+$0x0] =	vst.add.f32.msk $0xffff, v11  }
0xd3: {  	v11 =	vld [tilespmem:s0+$0x450];
	_ =	sdelay $0x4  }
0xd4: {  	v11 =	vmul.f32 v11, v61  }
0xd5: {  	s11 =	sor.u32 $0x450, s8  }
0xd6: {  	[tilespmem:s11+$0x0] =	vst.add.f32.msk $0xffff, v11  }
0xd7: {  	v11 =	vld [tilespmem:s0+$0x460];
	_ =	sdelay $0x4  }
0xd8: {  	v11 =	vmul.f32 v11, v61  }
0xd9: {  	s12 =	sor.u32 $0x460, s8  }
0xda: {  	[tilespmem:s12+$0x0] =	vst.add.f32.msk $0xffff, v11  }
0xdb: {  	v11 =	vld [tilespmem:s0+$0x470];
	_ =	sdelay $0x4  }
0xdc: {  	v11 =	vmul.f32 v11, v61  }
0xdd: {  	s23 =	sor.u32 $0x470, s8  }
0xde: {  	[tilespmem:s23+$0x0] =	vst.add.f32.msk $0xffff, v11  }
0xdf: {  	v11 =	vld [tilespmem:s0+$0x800];
	_ =	sdelay $0x2  }
0xe0: {  	v62 =	vbroadcast v10, $0x2;
	_ =	sdelay $0x1  }
0xe1: {  	v11 =	vmul.f32 v11, v62  }
0xe2: {  	s2 =	sor.u32 $0x800, s8  }
0xe3: {  	[tilespmem:s2+$0x0] =	vst.add.f32.msk $0xffff, v11  }
0xe4: {  	v11 =	vld [tilespmem:s0+$0x810];
	_ =	sdelay $0x4  }
0xe5: {  	v11 =	vmul.f32 v11, v62  }
0xe6: {  	s10 =	sor.u32 $0x810, s8  }
0xe7: {  	[tilespmem:s10+$0x0] =	vst.add.f32.msk $0xffff, v11  }
0xe8: {  	v11 =	vld [tilespmem:s0+$0x820];
	_ =	sdelay $0x4  }
0xe9: {  	v11 =	vmul.f32 v11, v62  }
0xea: {  	s11 =	sor.u32 $0x820, s8  }
0xeb: {  	[tilespmem:s11+$0x0] =	vst.add.f32.msk $0xffff, v11  }
0xec: {  	v11 =	vld [tilespmem:s0+$0x830];
	_ =	sdelay $0x4  }
0xed: {  	v11 =	vmul.f32 v11, v62  }
0xee: {  	s12 =	sor.u32 $0x830, s8  }
0xef: {  	[tilespmem:s12+$0x0] =	vst.add.f32.msk $0xffff, v11  }
0xf0: {  	v11 =	vld [tilespmem:s0+$0x840];
	_ =	sdelay $0x4  }
0xf1: {  	v11 =	vmul.f32 v11, v62  }
0xf2: {  	s23 =	sor.u32 $0x840, s8  }
0xf3: {  	[tilespmem:s23+$0x0] =	vst.add.f32.msk $0xffff, v11  }
0xf4: {  	v11 =	vld [tilespmem:s0+$0x850];
	_ =	sdelay $0x4  }
0xf5: {  	v11 =	vmul.f32 v11, v62  }
0xf6: {  	s2 =	sor.u32 $0x850, s8  }
0xf7: {  	[tilespmem:s2+$0x0] =	vst.add.f32.msk $0xffff, v11  }
0xf8: {  	v11 =	vld [tilespmem:s0+$0x860];
	_ =	sdelay $0x4  }
0xf9: {  	v11 =	vmul.f32 v11, v62  }
0xfa: {  	s10 =	sor.u32 $0x860, s8  }
0xfb: {  	[tilespmem:s10+$0x0] =	vst.add.f32.msk $0xffff, v11  }
0xfc: {  	v11 =	vld [tilespmem:s0+$0x870];
	_ =	sdelay $0x4  }
0xfd: {  	v11 =	vmul.f32 v11, v62  }
0xfe: {  	s11 =	sor.u32 $0x870, s8  }
0xff: {  	[tilespmem:s11+$0x0] =	vst.add.f32.msk $0xffff, v11  }
0x100: {  	v11 =	vld [tilespmem:s0+$0xC00];
	_ =	sdelay $0x2  }
0x101: {  	v63 =	vbroadcast v10, $0x3;
	_ =	sdelay $0x1  }
0x102: {  	v11 =	vmul.f32 v11, v63  }
0x103: {  	s12 =	sor.u32 $0xC00, s8  }
0x104: {  	[tilespmem:s12+$0x0] =	vst.add.f32.msk $0xffff, v11  }
0x105: {  	v11 =	vld [tilespmem:s0+$0xC10];
	_ =	sdelay $0x4  }
0x106: {  	v11 =	vmul.f32 v11, v63  }
0x107: {  	s23 =	sor.u32 $0xC10, s8  }
0x108: {  	[tilespmem:s23+$0x0] =	vst.add.f32.msk $0xffff, v11  }
0x109: {  	v11 =	vld [tilespmem:s0+$0xC20];
	_ =	sdelay $0x4  }
0x10a: {  	v11 =	vmul.f32 v11, v63  }
0x10b: {  	s2 =	sor.u32 $0xC20, s8  }
0x10c: {  	[tilespmem:s2+$0x0] =	vst.add.f32.msk $0xffff, v11  }
0x10d: {  	v11 =	vld [tilespmem:s0+$0xC30];
	_ =	sdelay $0x4  }
0x10e: {  	v11 =	vmul.f32 v11, v63  }
0x10f: {  	s10 =	sor.u32 $0xC30, s8  }
0x110: {  	[tilespmem:s10+$0x0] =	vst.add.f32.msk $0xffff, v11  }
0x111: {  	v11 =	vld [tilespmem:s0+$0xC40];
	_ =	sdelay $0x4  }
0x112: {  	v11 =	vmul.f32 v11, v63  }
0x113: {  	s11 =	sor.u32 $0xC40, s8  }
0x114: {  	[tilespmem:s11+$0x0] =	vst.add.f32.msk $0xffff, v11  }
0x115: {  	v11 =	vld [tilespmem:s0+$0xC50];
	_ =	sdelay $0x4  }
0x116: {  	v11 =	vmul.f32 v11, v63  }
0x117: {  	s12 =	sor.u32 $0xC50, s8  }
0x118: {  	[tilespmem:s12+$0x0] =	vst.add.f32.msk $0xffff, v11  }
0x119: {  	v11 =	vld [tilespmem:s0+$0xC60];
	_ =	sdelay $0x4  }
0x11a: {  	v11 =	vmul.f32 v11, v63  }
0x11b: {  	s23 =	sor.u32 $0xC60, s8  }
0x11c: {  	[tilespmem:s23+$0x0] =	vst.add.f32.msk $0xffff, v11  }
0x11d: {  	v11 =	vld [tilespmem:s0+$0xC70];
	_ =	sdelay $0x3  }
0x11e: {  	s10 =	sadd.s32 $0x1, s31  }
0x11f: {  	v12 =	vmul.f32 v11, v63;
	v11 =	vmov s10  }
0x120: {  	s9 =	simm.s32 $0x2;
	s8 =	sor.u32 $0xC70, s8;
	s0 =	simm.s32 $0x1  }
0x121: {  	v10 =	vnsel vm1, $0x0, v10;
	s10 =	sshra.s32 s3, $0x2;
	s3 =	simm.s32 $0x0;
	[tilespmem:s8+$0x0] =	vst.add.f32.msk $0xffff, v12;
	s8 =	simm.s32 $0x0  }
.LBB2_10:
0x122: {  	s3 =	sadd.s32 $0x80, s3  }
0x123: {  	[tilespmem:s10+$0x14000] =	vst.add.f32.msk $0xffff, v10;
	s8 =	sadd.s32 $0x200, s8;
	s10 =	smov.u32 s9;
	s23 =	sadd.s32 $0x1, s9  }
0x124: {  	p0 =	sne.s32 s9, $0xF;
	v10 =	vld.idx.msk [tilespmem:v11+s22+$0x0], $0xffff;
	_ =	sdelay $0x5  }
0x125: {  	v10 =	vxor.u32 $0x80000000, v10  }
0x126: {  	(xrf0) =	vmax.scan.msk.u32 $0xffff, v10;
	_ =	sdelay $0x5  }
0x127: {  	v10, _, _ =	vpop (xrf0)  }
0x128: {  	(v2sf) =	vpush v10, $0xF  }
0x129: {  	v10 =	vld.idx.msk [tilespmem:v11+s21+$0x0], $0xffff;
	_ =	sdelay $0x5  }
0x12a: {  	v10 =	vxor.u32 $0x80000000, v10  }
0x12b: {  	(xrf0) =	vmax.scan.msk.u32 $0xffff, v10;
	_ =	sdelay $0x5  }
0x12c: {  	v10, _, _ =	vpop (xrf0)  }
0x12d: {  	(v2sf) =	vpush v10, $0xF;
	s9 =	spop (v2sf)  }
0x12e: {  	s9 =	sshll.u32 s9, $0x2  }
0x12f: {  	s11 =	sshll.u32 s0, $0x7;
	s0 =	smov.u32 s10;
	s9 =	sand.u32 $0x7C, s9  }
0x130: {  	s9 =	sor.u32 s11, s9  }
0x131: {  	v10 =	vor.u32 s9, v9;
	_ =	sdelay $0x4  }
0x132: {  	v10 =	vld.idx.msk [tilespmem:v10+s20+$0x0], $0xffff  }
0x133: {  	s10 =	sand.u32 $0x380, s3;
	s9 =	sand.u32 $0x1000, s8  }
0x134: {  	s11 =	sor.u32 s10, s9  }
0x135: {  	v11 =	vld [tilespmem:s11+$0x1A580];
	_ =	sdelay $0x2  }
0x136: {  	v12 =	vbroadcast v10, $0x0;
	s10 =	spop (v2sf)  }
0x137: {  	s9 =	sshll.u32 s10, $0x9;
	s10 =	sshll.u32 s10, $0x7  }
0x138: {  	v11 =	vmul.f32 v12, v11;
	s12 =	sand.u32 $0xFFFFF000, s9;
	s10 =	sand.u32 $0x380, s10  }
0x139: {  	s10 =	sor.u32 s10, s12  }
0x13a: {  	s11 =	sadd.s32 $0x1A580, s11;
	[tilespmem:s10+$0x0] =	vst.add.f32.msk $0xffff, v11  }
0x13b: {  	v11 =	vld [tilespmem:s11+$0x10];
	_ =	sdelay $0x4  }
0x13c: {  	v11 =	vmul.f32 v11, v12  }
0x13d: {  	s12 =	sor.u32 $0x10, s10  }
0x13e: {  	[tilespmem:s12+$0x0] =	vst.add.f32.msk $0xffff, v11  }
0x13f: {  	v11 =	vld [tilespmem:s11+$0x20];
	_ =	sdelay $0x4  }
0x140: {  	v11 =	vmul.f32 v11, v12  }
0x141: {  	s12 =	sor.u32 $0x20, s10  }
0x142: {  	[tilespmem:s12+$0x0] =	vst.add.f32.msk $0xffff, v11  }
0x143: {  	v11 =	vld [tilespmem:s11+$0x30];
	_ =	sdelay $0x4  }
0x144: {  	v11 =	vmul.f32 v11, v12  }
0x145: {  	s12 =	sor.u32 $0x30, s10  }
0x146: {  	[tilespmem:s12+$0x0] =	vst.add.f32.msk $0xffff, v11  }
0x147: {  	v11 =	vld [tilespmem:s11+$0x40];
	_ =	sdelay $0x4  }
0x148: {  	v11 =	vmul.f32 v11, v12  }
0x149: {  	s12 =	sor.u32 $0x40, s10  }
0x14a: {  	[tilespmem:s12+$0x0] =	vst.add.f32.msk $0xffff, v11  }
0x14b: {  	v11 =	vld [tilespmem:s11+$0x50];
	_ =	sdelay $0x4  }
0x14c: {  	v11 =	vmul.f32 v11, v12  }
0x14d: {  	s12 =	sor.u32 $0x50, s10  }
0x14e: {  	[tilespmem:s12+$0x0] =	vst.add.f32.msk $0xffff, v11  }
0x14f: {  	v11 =	vld [tilespmem:s11+$0x60];
	_ =	sdelay $0x4  }
0x150: {  	v11 =	vmul.f32 v11, v12  }
0x151: {  	s12 =	sor.u32 $0x60, s10  }
0x152: {  	[tilespmem:s12+$0x0] =	vst.add.f32.msk $0xffff, v11  }
0x153: {  	v11 =	vld [tilespmem:s11+$0x70];
	_ =	sdelay $0x4  }
0x154: {  	v11 =	vmul.f32 v11, v12  }
0x155: {  	s12 =	sor.u32 $0x70, s10  }
0x156: {  	[tilespmem:s12+$0x0] =	vst.add.f32.msk $0xffff, v11  }
0x157: {  	v11 =	vld [tilespmem:s11+$0x400];
	_ =	sdelay $0x2  }
0x158: {  	v12 =	vbroadcast v10, $0x1;
	_ =	sdelay $0x1  }
0x159: {  	v11 =	vmul.f32 v11, v12  }
0x15a: {  	s12 =	sor.u32 $0x400, s10  }
0x15b: {  	[tilespmem:s12+$0x0] =	vst.add.f32.msk $0xffff, v11  }
0x15c: {  	v11 =	vld [tilespmem:s11+$0x410];
	_ =	sdelay $0x4  }
0x15d: {  	v11 =	vmul.f32 v11, v12  }
0x15e: {  	s12 =	sor.u32 $0x410, s10  }
0x15f: {  	[tilespmem:s12+$0x0] =	vst.add.f32.msk $0xffff, v11  }
0x160: {  	v11 =	vld [tilespmem:s11+$0x420];
	_ =	sdelay $0x4  }
0x161: {  	v11 =	vmul.f32 v11, v12  }
0x162: {  	s12 =	sor.u32 $0x420, s10  }
0x163: {  	[tilespmem:s12+$0x0] =	vst.add.f32.msk $0xffff, v11  }
0x164: {  	v11 =	vld [tilespmem:s11+$0x430];
	_ =	sdelay $0x4  }
0x165: {  	v11 =	vmul.f32 v11, v12  }
0x166: {  	s12 =	sor.u32 $0x430, s10  }
0x167: {  	[tilespmem:s12+$0x0] =	vst.add.f32.msk $0xffff, v11  }
0x168: {  	v11 =	vld [tilespmem:s11+$0x440];
	_ =	sdelay $0x4  }
0x169: {  	v11 =	vmul.f32 v11, v12  }
0x16a: {  	s12 =	sor.u32 $0x440, s10  }
0x16b: {  	[tilespmem:s12+$0x0] =	vst.add.f32.msk $0xffff, v11  }
0x16c: {  	v11 =	vld [tilespmem:s11+$0x450];
	_ =	sdelay $0x4  }
0x16d: {  	v11 =	vmul.f32 v11, v12  }
0x16e: {  	s12 =	sor.u32 $0x450, s10  }
0x16f: {  	[tilespmem:s12+$0x0] =	vst.add.f32.msk $0xffff, v11  }
0x170: {  	v11 =	vld [tilespmem:s11+$0x460];
	_ =	sdelay $0x4  }
0x171: {  	v11 =	vmul.f32 v11, v12  }
0x172: {  	s12 =	sor.u32 $0x460, s10  }
0x173: {  	[tilespmem:s12+$0x0] =	vst.add.f32.msk $0xffff, v11  }
0x174: {  	v11 =	vld [tilespmem:s11+$0x470];
	_ =	sdelay $0x4  }
0x175: {  	v11 =	vmul.f32 v11, v12  }
0x176: {  	s12 =	sor.u32 $0x470, s10  }
0x177: {  	[tilespmem:s12+$0x0] =	vst.add.f32.msk $0xffff, v11  }
0x178: {  	v11 =	vld [tilespmem:s11+$0x800];
	_ =	sdelay $0x2  }
0x179: {  	v12 =	vbroadcast v10, $0x2;
	_ =	sdelay $0x1  }
0x17a: {  	v11 =	vmul.f32 v11, v12  }
0x17b: {  	s12 =	sor.u32 $0x800, s10  }
0x17c: {  	[tilespmem:s12+$0x0] =	vst.add.f32.msk $0xffff, v11  }
0x17d: {  	v11 =	vld [tilespmem:s11+$0x810];
	_ =	sdelay $0x4  }
0x17e: {  	v11 =	vmul.f32 v11, v12  }
0x17f: {  	s12 =	sor.u32 $0x810, s10  }
0x180: {  	[tilespmem:s12+$0x0] =	vst.add.f32.msk $0xffff, v11  }
0x181: {  	v11 =	vld [tilespmem:s11+$0x820];
	_ =	sdelay $0x4  }
0x182: {  	v11 =	vmul.f32 v11, v12  }
0x183: {  	s12 =	sor.u32 $0x820, s10  }
0x184: {  	[tilespmem:s12+$0x0] =	vst.add.f32.msk $0xffff, v11  }
0x185: {  	v11 =	vld [tilespmem:s11+$0x830];
	_ =	sdelay $0x4  }
0x186: {  	v11 =	vmul.f32 v11, v12  }
0x187: {  	s12 =	sor.u32 $0x830, s10  }
0x188: {  	[tilespmem:s12+$0x0] =	vst.add.f32.msk $0xffff, v11  }
0x189: {  	v11 =	vld [tilespmem:s11+$0x840];
	_ =	sdelay $0x4  }
0x18a: {  	v11 =	vmul.f32 v11, v12  }
0x18b: {  	s12 =	sor.u32 $0x840, s10  }
0x18c: {  	[tilespmem:s12+$0x0] =	vst.add.f32.msk $0xffff, v11  }
0x18d: {  	v11 =	vld [tilespmem:s11+$0x850];
	_ =	sdelay $0x4  }
0x18e: {  	v11 =	vmul.f32 v11, v12  }
0x18f: {  	s12 =	sor.u32 $0x850, s10  }
0x190: {  	[tilespmem:s12+$0x0] =	vst.add.f32.msk $0xffff, v11  }
0x191: {  	v11 =	vld [tilespmem:s11+$0x860];
	_ =	sdelay $0x4  }
0x192: {  	v11 =	vmul.f32 v11, v12  }
0x193: {  	s12 =	sor.u32 $0x860, s10  }
0x194: {  	[tilespmem:s12+$0x0] =	vst.add.f32.msk $0xffff, v11  }
0x195: {  	v11 =	vld [tilespmem:s11+$0x870];
	_ =	sdelay $0x4  }
0x196: {  	v11 =	vmul.f32 v11, v12  }
0x197: {  	s12 =	sor.u32 $0x870, s10  }
0x198: {  	[tilespmem:s12+$0x0] =	vst.add.f32.msk $0xffff, v11  }
0x199: {  	v11 =	vld [tilespmem:s11+$0xC00];
	_ =	sdelay $0x2  }
0x19a: {  	v12 =	vbroadcast v10, $0x3;
	_ =	sdelay $0x1  }
0x19b: {  	v11 =	vmul.f32 v11, v12  }
0x19c: {  	s12 =	sor.u32 $0xC00, s10  }
0x19d: {  	[tilespmem:s12+$0x0] =	vst.add.f32.msk $0xffff, v11  }
0x19e: {  	v11 =	vld [tilespmem:s11+$0xC10];
	_ =	sdelay $0x4  }
0x19f: {  	v11 =	vmul.f32 v11, v12  }
0x1a0: {  	s12 =	sor.u32 $0xC10, s10  }
0x1a1: {  	[tilespmem:s12+$0x0] =	vst.add.f32.msk $0xffff, v11  }
0x1a2: {  	v11 =	vld [tilespmem:s11+$0xC20];
	_ =	sdelay $0x4  }
0x1a3: {  	v11 =	vmul.f32 v11, v12  }
0x1a4: {  	s12 =	sor.u32 $0xC20, s10  }
0x1a5: {  	[tilespmem:s12+$0x0] =	vst.add.f32.msk $0xffff, v11  }
0x1a6: {  	v11 =	vld [tilespmem:s11+$0xC30];
	_ =	sdelay $0x4  }
0x1a7: {  	v11 =	vmul.f32 v11, v12  }
0x1a8: {  	s12 =	sor.u32 $0xC30, s10  }
0x1a9: {  	[tilespmem:s12+$0x0] =	vst.add.f32.msk $0xffff, v11  }
0x1aa: {  	v11 =	vld [tilespmem:s11+$0xC40];
	_ =	sdelay $0x4  }
0x1ab: {  	v11 =	vmul.f32 v11, v12  }
0x1ac: {  	s12 =	sor.u32 $0xC40, s10  }
0x1ad: {  	[tilespmem:s12+$0x0] =	vst.add.f32.msk $0xffff, v11  }
0x1ae: {  	v11 =	vld [tilespmem:s11+$0xC50];
	_ =	sdelay $0x4  }
0x1af: {  	v11 =	vmul.f32 v11, v12  }
0x1b0: {  	s12 =	sor.u32 $0xC50, s10  }
0x1b1: {  	[tilespmem:s12+$0x0] =	vst.add.f32.msk $0xffff, v11  }
0x1b2: {  	v11 =	vld [tilespmem:s11+$0xC60];
	_ =	sdelay $0x4  }
0x1b3: {  	v11 =	vmul.f32 v11, v12  }
0x1b4: {  	s12 =	sor.u32 $0xC60, s10  }
0x1b5: {  	[tilespmem:s12+$0x0] =	vst.add.f32.msk $0xffff, v11  }
0x1b6: {  	v13 =	vld [tilespmem:s11+$0xC70];
	_ =	sdelay $0x2  }
.Ltmp8:
0x1b7: {  	s11 =	sadd.s32 s31, s0;
	(pc) =	sbr.rel @p0 .LBB2_10-.Ltmp8, $4  }
0x1b8: {  	v11 =	vmov s11  }
0x1b9: {  	v12 =	vmul.f32 v13, v12  }
0x1ba: {  	s10 =	sor.u32 $0xC70, s10  }
0x1bb: {  	v10 =	vnsel vm1, $0x0, v10;
	[tilespmem:s10+$0x0] =	vst.add.f32.msk $0xffff, v12;
	s10 =	sshra.s32 s9, $0x2;
	s9 =	smov.u32 s23  }
0x1bc: {  	_ =	sdelay $0x2  }
0x1bd: {  	[tilespmem:s10+$0x14000] =	vst.add.f32.msk $0xffff, v10  }
0x1be: {  	v10 =	vld.idx.msk [tilespmem:v11+s22+$0x0], $0xffff;
	_ =	sdelay $0x4  }
0x1bf: {  	v10 =	vxor.u32 $0x80000000, v10  }
0x1c0: {  	(xrf0) =	vmax.scan.msk.u32 $0xffff, v10;
	_ =	sdelay $0x5  }
0x1c1: {  	v10, _, _ =	vpop (xrf0)  }
0x1c2: {  	(v2sf) =	vpush v10, $0xF  }
0x1c3: {  	v10 =	vld.idx.msk [tilespmem:v11+s21+$0x0], $0xffff;
	_ =	sdelay $0x4  }
0x1c4: {  	v10 =	vxor.u32 $0x80000000, v10  }
0x1c5: {  	(xrf0) =	vmax.scan.msk.u32 $0xffff, v10;
	_ =	sdelay $0x5  }
0x1c6: {  	v10, _, _ =	vpop (xrf0)  }
0x1c7: {  	(v2sf) =	vpush v10, $0xF  }
0x1c8: {  	s9 =	spop (v2sf)  }
0x1c9: {  	s9 =	sshll.u32 s9, $0x2  }
0x1ca: {  	s0 =	sshll.u32 s0, $0x7;
	s9 =	sand.u32 $0x7C, s9  }
0x1cb: {  	s0 =	sor.u32 s0, s9  }
0x1cc: {  	v10 =	vor.u32 s0, v9;
	_ =	sdelay $0x3  }
0x1cd: {  	s11 =	sadd.s32 $0x80, s3;
	s12 =	sadd.s32 $0x200, s8  }
0x1ce: {  	s3 =	sand.u32 $0x1000, s12;
	s0 =	sand.u32 $0x380, s11;
	v10 =	vld.idx.msk [tilespmem:v10+s20+$0x0], $0xffff  }
0x1cf: {  	s23 =	sor.u32 s0, s3  }
0x1d0: {  	v11 =	vld [tilespmem:s23+$0x1A580];
	_ =	sdelay $0x2  }
0x1d1: {  	s31 =	spop (v2sf);
	v12 =	vbroadcast v10, $0x0  }
0x1d2: {  	s0 =	sshll.u32 s31, $0x9;
	s3 =	sshll.u32 s31, $0x7  }
0x1d3: {  	s2 =	sand.u32 $0xFFFFF000, s0;
	s3 =	sand.u32 $0x380, s3;
	v11 =	vmul.f32 v12, v11  }
0x1d4: {  	s3 =	sor.u32 s3, s2  }
0x1d5: {  	s8 =	sadd.s32 $0x1A580, s23;
	[tilespmem:s3+$0x0] =	vst.add.f32.msk $0xffff, v11  }
0x1d6: {  	v11 =	vld [tilespmem:s8+$0x10];
	_ =	sdelay $0x4  }
0x1d7: {  	v11 =	vmul.f32 v11, v12  }
0x1d8: {  	s9 =	sor.u32 $0x10, s3  }
0x1d9: {  	[tilespmem:s9+$0x0] =	vst.add.f32.msk $0xffff, v11  }
0x1da: {  	v11 =	vld [tilespmem:s8+$0x20];
	_ =	sdelay $0x4  }
0x1db: {  	v11 =	vmul.f32 v11, v12  }
0x1dc: {  	s10 =	sor.u32 $0x20, s3  }
0x1dd: {  	[tilespmem:s10+$0x0] =	vst.add.f32.msk $0xffff, v11  }
0x1de: {  	v11 =	vld [tilespmem:s8+$0x30];
	_ =	sdelay $0x4  }
0x1df: {  	v11 =	vmul.f32 v11, v12  }
0x1e0: {  	s11 =	sor.u32 $0x30, s3  }
0x1e1: {  	[tilespmem:s11+$0x0] =	vst.add.f32.msk $0xffff, v11  }
0x1e2: {  	v11 =	vld [tilespmem:s8+$0x40];
	_ =	sdelay $0x4  }
0x1e3: {  	v11 =	vmul.f32 v11, v12  }
0x1e4: {  	s12 =	sor.u32 $0x40, s3  }
0x1e5: {  	[tilespmem:s12+$0x0] =	vst.add.f32.msk $0xffff, v11  }
0x1e6: {  	v11 =	vld [tilespmem:s8+$0x50];
	_ =	sdelay $0x4  }
0x1e7: {  	v11 =	vmul.f32 v11, v12  }
0x1e8: {  	s23 =	sor.u32 $0x50, s3  }
0x1e9: {  	[tilespmem:s23+$0x0] =	vst.add.f32.msk $0xffff, v11  }
0x1ea: {  	v11 =	vld [tilespmem:s8+$0x60];
	_ =	sdelay $0x4  }
0x1eb: {  	v11 =	vmul.f32 v11, v12  }
0x1ec: {  	s31 =	sor.u32 $0x60, s3  }
0x1ed: {  	[tilespmem:s31+$0x0] =	vst.add.f32.msk $0xffff, v11  }
0x1ee: {  	v11 =	vld [tilespmem:s8+$0x70];
	_ =	sdelay $0x4  }
0x1ef: {  	v11 =	vmul.f32 v11, v12  }
0x1f0: {  	s2 =	sor.u32 $0x70, s3  }
0x1f1: {  	[tilespmem:s2+$0x0] =	vst.add.f32.msk $0xffff, v11  }
0x1f2: {  	v11 =	vld [tilespmem:s8+$0x400];
	_ =	sdelay $0x2  }
0x1f3: {  	v61 =	vbroadcast v10, $0x1;
	_ =	sdelay $0x1  }
0x1f4: {  	v11 =	vmul.f32 v11, v61  }
0x1f5: {  	s10 =	sor.u32 $0x400, s3  }
0x1f6: {  	[tilespmem:s10+$0x0] =	vst.add.f32.msk $0xffff, v11  }
0x1f7: {  	v11 =	vld [tilespmem:s8+$0x410];
	_ =	sdelay $0x4  }
0x1f8: {  	v11 =	vmul.f32 v11, v61  }
0x1f9: {  	s11 =	sor.u32 $0x410, s3  }
0x1fa: {  	[tilespmem:s11+$0x0] =	vst.add.f32.msk $0xffff, v11  }
0x1fb: {  	v11 =	vld [tilespmem:s8+$0x420];
	_ =	sdelay $0x4  }
0x1fc: {  	v11 =	vmul.f32 v11, v61  }
0x1fd: {  	s12 =	sor.u32 $0x420, s3  }
0x1fe: {  	[tilespmem:s12+$0x0] =	vst.add.f32.msk $0xffff, v11  }
0x1ff: {  	v11 =	vld [tilespmem:s8+$0x430];
	_ =	sdelay $0x4  }
0x200: {  	v11 =	vmul.f32 v11, v61  }
0x201: {  	s23 =	sor.u32 $0x430, s3  }
0x202: {  	[tilespmem:s23+$0x0] =	vst.add.f32.msk $0xffff, v11  }
0x203: {  	v11 =	vld [tilespmem:s8+$0x440];
	_ =	sdelay $0x4  }
0x204: {  	v11 =	vmul.f32 v11, v61  }
0x205: {  	s31 =	sor.u32 $0x440, s3  }
0x206: {  	[tilespmem:s31+$0x0] =	vst.add.f32.msk $0xffff, v11  }
0x207: {  	v11 =	vld [tilespmem:s8+$0x450];
	_ =	sdelay $0x4  }
0x208: {  	v11 =	vmul.f32 v11, v61  }
0x209: {  	s2 =	sor.u32 $0x450, s3  }
0x20a: {  	[tilespmem:s2+$0x0] =	vst.add.f32.msk $0xffff, v11  }
0x20b: {  	v11 =	vld [tilespmem:s8+$0x460];
	_ =	sdelay $0x4  }
0x20c: {  	v11 =	vmul.f32 v11, v61  }
0x20d: {  	s10 =	sor.u32 $0x460, s3  }
0x20e: {  	[tilespmem:s10+$0x0] =	vst.add.f32.msk $0xffff, v11  }
0x20f: {  	v11 =	vld [tilespmem:s8+$0x470];
	_ =	sdelay $0x4  }
0x210: {  	v11 =	vmul.f32 v11, v61  }
0x211: {  	s11 =	sor.u32 $0x470, s3  }
0x212: {  	[tilespmem:s11+$0x0] =	vst.add.f32.msk $0xffff, v11  }
0x213: {  	v11 =	vld [tilespmem:s8+$0x800];
	_ =	sdelay $0x2  }
0x214: {  	v62 =	vbroadcast v10, $0x2;
	_ =	sdelay $0x1  }
0x215: {  	v11 =	vmul.f32 v11, v62  }
0x216: {  	s12 =	sor.u32 $0x800, s3  }
0x217: {  	[tilespmem:s12+$0x0] =	vst.add.f32.msk $0xffff, v11  }
0x218: {  	v11 =	vld [tilespmem:s8+$0x810];
	_ =	sdelay $0x4  }
0x219: {  	v11 =	vmul.f32 v11, v62  }
0x21a: {  	s23 =	sor.u32 $0x810, s3  }
0x21b: {  	[tilespmem:s23+$0x0] =	vst.add.f32.msk $0xffff, v11  }
0x21c: {  	v11 =	vld [tilespmem:s8+$0x820];
	_ =	sdelay $0x4  }
0x21d: {  	v11 =	vmul.f32 v11, v62  }
0x21e: {  	s31 =	sor.u32 $0x820, s3  }
0x21f: {  	[tilespmem:s31+$0x0] =	vst.add.f32.msk $0xffff, v11  }
0x220: {  	v11 =	vld [tilespmem:s8+$0x830];
	_ =	sdelay $0x4  }
0x221: {  	v11 =	vmul.f32 v11, v62  }
0x222: {  	s2 =	sor.u32 $0x830, s3  }
0x223: {  	[tilespmem:s2+$0x0] =	vst.add.f32.msk $0xffff, v11  }
0x224: {  	v11 =	vld [tilespmem:s8+$0x840];
	_ =	sdelay $0x4  }
0x225: {  	v11 =	vmul.f32 v11, v62  }
0x226: {  	s10 =	sor.u32 $0x840, s3  }
0x227: {  	[tilespmem:s10+$0x0] =	vst.add.f32.msk $0xffff, v11  }
0x228: {  	v11 =	vld [tilespmem:s8+$0x850];
	_ =	sdelay $0x4  }
0x229: {  	v11 =	vmul.f32 v11, v62  }
0x22a: {  	s11 =	sor.u32 $0x850, s3  }
0x22b: {  	[tilespmem:s11+$0x0] =	vst.add.f32.msk $0xffff, v11  }
0x22c: {  	v11 =	vld [tilespmem:s8+$0x860];
	_ =	sdelay $0x4  }
0x22d: {  	v11 =	vmul.f32 v11, v62  }
0x22e: {  	s12 =	sor.u32 $0x860, s3  }
0x22f: {  	[tilespmem:s12+$0x0] =	vst.add.f32.msk $0xffff, v11  }
0x230: {  	v11 =	vld [tilespmem:s8+$0x870];
	_ =	sdelay $0x4  }
0x231: {  	v11 =	vmul.f32 v11, v62  }
0x232: {  	s23 =	sor.u32 $0x870, s3  }
0x233: {  	[tilespmem:s23+$0x0] =	vst.add.f32.msk $0xffff, v11  }
0x234: {  	v11 =	vld [tilespmem:s8+$0xC00];
	_ =	sdelay $0x2  }
0x235: {  	v63 =	vbroadcast v10, $0x3;
	_ =	sdelay $0x1  }
0x236: {  	v11 =	vmul.f32 v11, v63  }
0x237: {  	s31 =	sor.u32 $0xC00, s3  }
0x238: {  	[tilespmem:s31+$0x0] =	vst.add.f32.msk $0xffff, v11  }
0x239: {  	v11 =	vld [tilespmem:s8+$0xC10];
	_ =	sdelay $0x4  }
0x23a: {  	v11 =	vmul.f32 v11, v63  }
0x23b: {  	s2 =	sor.u32 $0xC10, s3  }
0x23c: {  	[tilespmem:s2+$0x0] =	vst.add.f32.msk $0xffff, v11  }
0x23d: {  	v11 =	vld [tilespmem:s8+$0xC20];
	_ =	sdelay $0x4  }
0x23e: {  	v11 =	vmul.f32 v11, v63  }
0x23f: {  	s10 =	sor.u32 $0xC20, s3  }
0x240: {  	[tilespmem:s10+$0x0] =	vst.add.f32.msk $0xffff, v11  }
0x241: {  	v11 =	vld [tilespmem:s8+$0xC30];
	_ =	sdelay $0x4  }
0x242: {  	v11 =	vmul.f32 v11, v63  }
0x243: {  	s11 =	sor.u32 $0xC30, s3  }
0x244: {  	[tilespmem:s11+$0x0] =	vst.add.f32.msk $0xffff, v11  }
0x245: {  	v11 =	vld [tilespmem:s8+$0xC40];
	_ =	sdelay $0x4  }
0x246: {  	v11 =	vmul.f32 v11, v63  }
0x247: {  	s12 =	sor.u32 $0xC40, s3  }
0x248: {  	[tilespmem:s12+$0x0] =	vst.add.f32.msk $0xffff, v11  }
0x249: {  	v11 =	vld [tilespmem:s8+$0xC50];
	_ =	sdelay $0x4  }
0x24a: {  	v11 =	vmul.f32 v11, v63  }
0x24b: {  	s23 =	sor.u32 $0xC50, s3  }
0x24c: {  	[tilespmem:s23+$0x0] =	vst.add.f32.msk $0xffff, v11  }
0x24d: {  	v11 =	vld [tilespmem:s8+$0xC60];
	_ =	sdelay $0x4  }
0x24e: {  	v11 =	vmul.f32 v11, v63  }
0x24f: {  	s31 =	sor.u32 $0xC60, s3  }
0x250: {  	[tilespmem:s31+$0x0] =	vst.add.f32.msk $0xffff, v11  }
0x251: {  	v11 =	vld [tilespmem:s8+$0xC70];
	_ =	sdelay $0x1  }
0x252: {  	s30 =	sadd.s32 $0x1, s30  }
0x253: {  	p0 =	sne.s32 s30, s28  }
.Ltmp9:
0x254: {  	_ = 	snop;
	(pc) =	sbr.rel @p0 .LBB2_9-.Ltmp9, $4  }
.Ltmp10:
0x255: {  	v11 =	vmul.f32 v11, v63;
	(pc) =	sbr.rel @!p0 .LBB2_12-.Ltmp10, $4  }
0x256: {  	s3 =	sor.u32 $0xC70, s3  }
0x257: {  	v10 =	vnsel vm1, $0x0, v10;
	s0 =	sshra.s32 s0, $0x2;
	[tilespmem:s3+$0x0] =	vst.add.f32.msk $0xffff, v11  }
0x258: {  	[tilespmem:s0+$0x14000] =	vst.add.f32.msk $0xffff, v10  }
0x259: {  	_ = 	snop  }
.LBB2_13:
0x25a: {  	s0 =	simm.s32 $0x0;
	s2 =	rddreg [dreg:$0x3]  }
0x25b: {  	[hbm4b:s2+s0] =	stream.linear.scatter [tilespmem:s0], [sflag:$0x1], $0x14000, $0x38;
	[tilespmem:$0x1CD80] =	vst v63  }
0x25c: {  	_ =	swait.ge [sflag:s14], $0x14000  }
0x25d: {  	s3 =	simm.s32 $0x14000;
	[sflag:s14] =	ssyncset.done $0x0  }
0x25e: {  	s30 =	simm.s32 $0x0;
	s29 =	rddreg [dreg:$0x4];
	[sflag:s14] =	ssyncadd.s32 $0xFFFEC000  }
0x25f: {  	[hbm4b:s29+s0] =	stream.linear.scatter [tilespmem:s3], [sflag:$0x1], $0x5000, $0x38;
	[tilespmem:$0x1CD80] =	vst v63  }
0x260: {  	s9 =	simm.s32 $0x0;
	s8 =	sand.u32 $0xC00, s0;
	s3 =	sand.u32 $0x1F000, s30  }
0x261: {  	s9 =	sand.u32 $0x380, s9;
	_ =	swait.ge [sflag:s14], $0x5000;
	s3 =	sor.u32 s8, s3  }
0x262: {  	s31 =	sand.u32 $0x70, s0;
	[sflag:s14] =	ssyncset.done $0x0;
	s3 =	sor.u32 s9, s3  }
0x263: {  	[sflag:s14] =	ssyncadd.s32 $0xFFFFB000;
	s8 =	sor.u32 s31, s3  }
0x264: {  	s3 =	simm.s32 $0x1;
	[tilespmem:s8+$0x0] =	vst v2;
	s8 =	simm.s32 $0x80  }
.LBB2_14:
0x265: {  	s9 =	sshll.u32 s3, $0x4;
	p0 =	sne.s32 s3, $0x13FF  }
0x266: {  	s10 =	smov.u32 s3;
	s3 =	sadd.s32 $0x1, s3;
	s11 =	sand.u32 $0xC00, s8  }
.Ltmp11:
0x267: {  	s9 =	sand.u32 $0x1F000, s9;
	s10 =	sshll.u32 s10, $0x2;
	(pc) =	sbr.rel @p0 .LBB2_14-.Ltmp11, $4  }
0x268: {  	s0 =	sadd.s32 $0x10, s0;
	s10 =	sand.u32 $0x380, s10;
	s9 =	sor.u32 s11, s9  }
0x269: {  	s11 =	sand.u32 $0x70, s0;
	s9 =	sor.u32 s10, s9  }
0x26a: {  	s9 =	sor.u32 s11, s9  }
0x26b: {  	s8 =	sadd.s32 $0x80, s8;
	[tilespmem:s9+$0x0] =	vst v2  }
0x26c: {  	s0 =	simm.s32 $0x200;
	s3 =	simm.s32 $0x0  }
.LBB2_16:
0x26d: {  	p0 =	sne.s32 s0, $0x13E00;
	[tilespmem:s3+$0x14000] =	vst v2;
	s3 =	smov.u32 s0;
	s0 =	sadd.s32 $0x200, s0  }
.Ltmp12:
0x26e: {  	(pc) =	sbr.rel @p0 .LBB2_16-.Ltmp12, $2  }
0x26f: {  	_ =	sdelay $0x2  }
0x270: {  	s3 =	sshra.s32 s3, $0x2  }
.Ltmp13:
0x271: {  	(pc) =	sbr.rel .LBB2_18-.Ltmp13, $2  }
0x272: {  	_ =	sdelay $0x2  }
0x273: {  	[tilespmem:s3+$0x14000] =	vst v2;
	s25 =	simm.s32 $0x0;
	s26 =	simm.s32 $0x0;
	s28 =	simm.s32 $0x0  }
.LBB2_24:
0x274: {  	s28 =	sadd.s32 $0x1, s28  }
0x275: {  	p0 =	sne.s32 s28, $0x150  }
.Ltmp14:
0x276: {  	_ = 	snop;
	(pc) =	sbr.rel @!p0 .LBB2_25-.Ltmp14, $2  }
0x277: {  	_ =	sdelay $0x2  }
0x278: {  	s26 =	sadd.s32 $0x400, s26  }
.LBB2_18:
0x279: {  	s0 =	sshll.u32 s28, $0x7  }
0x27a: {  	s3 =	sadd.s32 s4, s0  }
0x27b: {  	[tilespmem:s13], [sflag:$0x1] =	stream.linear.gather [hbm4b:s3+s25], $0x400, $0x38;
	[tilespmem:$0x1CD80] =	vst v63  }
0x27c: {  	_ =	swait.ge [sflag:s14], $0x400  }
0x27d: {  	[sflag:s14] =	ssyncset.done $0x0  }
0x27e: {  	s0 =	sadd.s32 s5, s0;
	[sflag:s14] =	ssyncadd.s32 $0xFFFFFC00  }
0x27f: {  	[tilespmem:s15], [sflag:$0x1] =	stream.linear.gather [hbm4b:s0+s25], $0x400, $0x38;
	[tilespmem:$0x1CD80] =	vst v63  }
0x280: {  	_ =	swait.ge [sflag:s14], $0x400  }
0x281: {  	[sflag:s14] =	ssyncset.done $0x0  }
0x282: {  	s31 =	simm.s32 $0x0;
	[sflag:s14] =	ssyncadd.s32 $0xFFFFFC00  }
0x283: {  	v10 =	vld [tilespmem:s31+$0x19400];
	_ =	sdelay $0x4  }
0x284: {  	v10 =	vsub.s32 v10, v1  }
0x285: {  	vm2 =	vlt.u32 v10, $0xA0  }
0x286: {  	v11 =	vmpcnt.ones.xlane vm2;
	_ =	sdelay $0x1  }
0x287: {  	v11 =	vxor.u32 $0x80000000, v11  }
0x288: {  	(xrf0) =	vmax.scan.msk.u32 $0xffff, v11  }
0x289: {  	v12 =	vld [tilespmem:s31+$0x19000];
	_ =	sdelay $0x4  }
0x28a: {  	[tilespmem:s25+$0x19800] =	vst.msk vm2, v12;
	v11, _, _ =	vpop (xrf0)  }
0x28b: {  	s9 =	simm.s32 $0x10;
	[tilespmem:s25+$0x19C80] =	vst.msk vm2, v10;
	v10 =	vor.u32 s26, v3;
	(v2sf) =	vpush v11, $0xF  }
0x28c: {  	s8 =	simm.s32 $0x80;
	s3 =	simm.s32 $0x0;
	s0 =	smov.u32 s26;
	[tilespmem:s25+$0x1A100] =	vst.msk vm2, v10  }
.LBB2_19:
0x28d: {  	p0 =	sne.s32 s8, $0xFC0;
	v10 =	vld [tilespmem:s9+$0x19400]  }
0x28e: {  	v11 =	vld [tilespmem:s9+$0x19000];
	_ =	sdelay $0x3  }
0x28f: {  	v10 =	vsub.s32 v10, v1  }
0x290: {  	vm2 =	vlt.u32 v10, $0xA0  }
0x291: {  	v12 =	vmpcnt.ones.xlane vm2;
	_ =	sdelay $0x1  }
0x292: {  	v12 =	vxor.u32 $0x80000000, v12  }
0x293: {  	(xrf0) =	vmax.scan.msk.u32 $0xffff, v12;
	_ =	sdelay $0x2  }
0x294: {  	s9 =	spop (v2sf)  }
.Ltmp15:
0x295: {  	s3 =	sadd.s32 s9, s3;
	(pc) =	sbr.rel @p0 .LBB2_19-.Ltmp15, $4  }
0x296: {  	s3 =	sadd.s32 $0x80000000, s3  }
0x297: {  	s0 =	sadd.s32 $0x10, s0;
	[tilespmem:s3+$0x19800] =	vst.msk vm2, v11;
	v11, _, _ =	vpop (xrf0)  }
0x298: {  	[tilespmem:s3+$0x19C80] =	vst.msk vm2, v10;
	v10 =	vor.u32 s0, v3;
	(v2sf) =	vpush v11, $0xF  }
0x299: {  	s9 =	sshra.s32 s8, $0x2;
	s8 =	sadd.s32 $0x40, s8;
	[tilespmem:s3+$0x1A100] =	vst.msk vm2, v10  }
0x29a: {  	v10 =	vld [tilespmem:s9+$0x19400];
	_ =	sdelay $0x4  }
0x29b: {  	v10 =	vsub.s32 v10, v1  }
0x29c: {  	vm2 =	vlt.u32 v10, $0xA0  }
0x29d: {  	v11 =	vmpcnt.ones.xlane vm2;
	_ =	sdelay $0x1  }
0x29e: {  	v11 =	vxor.u32 $0x80000000, v11  }
0x29f: {  	(xrf0) =	vmax.scan.msk.u32 $0xffff, v11;
	_ =	sdelay $0x5  }
0x2a0: {  	v11, _, _ =	vpop (xrf0)  }
0x2a1: {  	(v2sf) =	vpush v11, $0xF;
	_ =	sdelay $0xc  }
0x2a2: {  	s8 =	spop (v2sf)  }
0x2a3: {  	s3 =	sadd.s32 s8, s3  }
0x2a4: {  	s3 =	sadd.s32 $0x80000000, s3;
	s10 =	spop (v2sf)  }
0x2a5: {  	s8 =	sadd.s32 s10, s3  }
0x2a6: {  	s8 =	sadd.s32 $0x80000000, s8  }
0x2a7: {  	v11 =	vld [tilespmem:s9+$0x19000];
	s11 =	sadd.s32 $0xF, s8  }
0x2a8: {  	s10 =	sand.u32 $0xF, s11  }
0x2a9: {  	s12 =	sshra.s32 s11, $0x1F;
	p1 =	slt.s32 s11, $0x1;
	p0 =	sne.s32 s10, $0x0  }
0x2aa: {  	s0 =	sadd.s32 $0x10, s0;
	s10 =	sshrl.u32 s12, $0x1C;
	p0 =	por !p1, !p0  }
0x2ab: {  	s9 =	simm.s32 $0x1;
	s23 =	sadd.s32 s10, s11;
	p0 =	por !p0, !p0  }
0x2ac: {  	[tilespmem:s3+$0x19800] =	vst.msk vm2, v11;
	v11 =	vor.u32 s0, v3;
	s0 =	sshra.s32 s23, $0x4;
	s9 =	simm.s32 @!p0 $0x0  }
0x2ad: {  	s29 =	ssub.s32 s0, s9  }
0x2ae: {  	p0 =	slt.s32 s29, $0x1  }
.Ltmp16:
0x2af: {  	[tilespmem:s3+$0x19C80] =	vst.msk vm2, v10;
	(pc) =	sbr.rel @p0 .LBB2_24-.Ltmp16, $4  }
0x2b0: {  	[tilespmem:s3+$0x1A100] =	vst.msk vm2, v11  }
0x2b1: {  	[tilespmem:s8+$0x19800] =	vst v4  }
0x2b2: {  	[tilespmem:s8+$0x19C80] =	vst v4  }
0x2b3: {  	s30 =	simm.s32 $0x0;
	s31 =	simm.s32 $0x0;
	[tilespmem:s8+$0x1A100] =	vst v5  }
.LBB2_21:
0x2b4: {  	s0 =	sshll.u32 s31, $0x4  }
0x2b5: {  	v10 =	vld [tilespmem:s0+$0x19800];
	_ =	sdelay $0x4  }
0x2b6: {  	v11 =	vshll.u32 v10, $0x2  }
0x2b7: {  	v10 =	vand.u32 $0x7, v10;
	v11 =	vand.u32 $0xFFFFFFE0, v11  }
0x2b8: {  	v10 =	vor.u32 v10, v11  }
0x2b9: {  	v11 =	vperm.xlane v10, v6;
	_ =	sdelay $0x1  }
0x2ba: {  	v11 =	vadd.s32 v7, v11;
	_ =	sdelay $0x1  }
0x2bb: {  	v10 =	vperm.xlane v10, v8;
	_ =	sdelay $0x1  }
0x2bc: {  	v10 =	vadd.s32 v7, v10  }
0x2bd: {  	v12 =	vld [tilespmem:s0+$0x1A100];
	[tilespmem:s16], [sflag:$0x1] =	stream.indirect_vreg.gather [hbm4b:s1+s30], $0x80, v11, vm0, $0xb8  }
0x2be: {  	_ = 	snop  }
0x2bf: {  	[tilespmem:s17], [sflag:$0x1] =	stream.indirect_vreg.gather [hbm4b:s7+s30], $0x80, v11, vm0, $0xb8;
	[tilespmem:$0x1CD80] =	vst v63  }
0x2c0: {  	_ = 	snop  }
0x2c1: {  	[tilespmem:s18], [sflag:$0x1] =	stream.indirect_vreg.gather [hbm4b:s1+s30], $0x80, v10, vm0, $0xb8;
	[tilespmem:$0x1CD80] =	vst v63  }
0x2c2: {  	v11 =	vshra.s32 v12, $0x5  }
0x2c3: {  	[tilespmem:s19], [sflag:$0x1] =	stream.indirect_vreg.gather [hbm4b:s7+s30], $0x80, v10, vm0, $0xb8;
	[tilespmem:$0x1CD80] =	vst v63  }
0x2c4: {  	_ =	swait.ge [sflag:s14], $0x2000  }
0x2c5: {  	s3 =	sadd.s32 $0x0, s0;
	[sflag:s14] =	ssyncset.done $0x0  }
0x2c6: {  	v10 =	vmov s3;
	[sflag:s14] =	ssyncadd.s32 $0xFFFFE000  }
0x2c7: {  	[tilespmem:s20], [sflag:$0x1] =	stream.indirect_vreg.gather [hbm4b:s6+s30], $0x80, v11, vm0, $0xb8;
	[tilespmem:$0x1CD80] =	vst v63  }
0x2c8: {  	_ =	swait.ge [sflag:s14], $0x800  }
0x2c9: {  	[sflag:s14] =	ssyncset.done $0x0  }
0x2ca: {  	[sflag:s14] =	ssyncadd.s32 $0xFFFFF800  }
0x2cb: {  	v11 =	vld.idx.msk [tilespmem:v10+s22+$0x0], $0xffff;
	_ =	sdelay $0x4  }
0x2cc: {  	v11 =	vxor.u32 $0x80000000, v11  }
0x2cd: {  	(xrf0) =	vmax.scan.msk.u32 $0xffff, v11;
	_ =	sdelay $0x5  }
0x2ce: {  	v11, _, _ =	vpop (xrf0)  }
0x2cf: {  	(v2sf) =	vpush v11, $0xF  }
0x2d0: {  	v10 =	vld.idx.msk [tilespmem:v10+s21+$0x0], $0xffff;
	_ =	sdelay $0x4  }
0x2d1: {  	v10 =	vxor.u32 $0x80000000, v10  }
0x2d2: {  	(xrf0) =	vmax.scan.msk.u32 $0xffff, v10;
	_ =	sdelay $0x5  }
0x2d3: {  	v10, _, _ =	vpop (xrf0)  }
0x2d4: {  	(v2sf) =	vpush v10, $0xF  }
0x2d5: {  	s10 =	spop (v2sf)  }
0x2d6: {  	s3 =	sshll.u32 s10, $0x2  }
0x2d7: {  	s8 =	simm.s32 $0x0;
	s3 =	sand.u32 $0x7C, s3  }
0x2d8: {  	s3 =	sor.u32 s8, s3  }
0x2d9: {  	v10 =	vor.u32 s3, v9;
	_ =	sdelay $0x4  }
0x2da: {  	s11 =	sand.u32 $0x1000, s30;
	s12 =	sand.u32 $0x380, s30;
	v10 =	vld.idx.msk [tilespmem:v10+s20+$0x0], $0xffff  }
0x2db: {  	s3 =	sor.u32 s12, s11  }
0x2dc: {  	v11 =	vld [tilespmem:s3+$0x1A580];
	_ =	sdelay $0x2  }
0x2dd: {  	s9 =	spop (v2sf);
	v60 =	vbroadcast v10, $0x0  }
0x2de: {  	s8 =	sshll.u32 s9, $0x9;
	s9 =	sshll.u32 s9, $0x7  }
0x2df: {  	s10 =	sand.u32 $0xFFFFF000, s8;
	s9 =	sand.u32 $0x380, s9;
	v11 =	vmul.f32 v60, v11  }
0x2e0: {  	s9 =	sor.u32 s9, s10  }
0x2e1: {  	s3 =	sadd.s32 $0x1A580, s3;
	[tilespmem:s9+$0x0] =	vst.add.f32.msk $0xffff, v11  }
0x2e2: {  	v11 =	vld [tilespmem:s3+$0x10];
	_ =	sdelay $0x4  }
0x2e3: {  	v11 =	vmul.f32 v11, v60  }
0x2e4: {  	s10 =	sor.u32 $0x10, s9  }
0x2e5: {  	[tilespmem:s10+$0x0] =	vst.add.f32.msk $0xffff, v11  }
0x2e6: {  	v11 =	vld [tilespmem:s3+$0x20];
	_ =	sdelay $0x4  }
0x2e7: {  	v11 =	vmul.f32 v11, v60  }
0x2e8: {  	s23 =	sor.u32 $0x20, s9  }
0x2e9: {  	[tilespmem:s23+$0x0] =	vst.add.f32.msk $0xffff, v11  }
0x2ea: {  	v11 =	vld [tilespmem:s3+$0x30];
	_ =	sdelay $0x4  }
0x2eb: {  	v11 =	vmul.f32 v11, v60  }
0x2ec: {  	s2 =	sor.u32 $0x30, s9  }
0x2ed: {  	[tilespmem:s2+$0x0] =	vst.add.f32.msk $0xffff, v11  }
0x2ee: {  	v11 =	vld [tilespmem:s3+$0x40];
	_ =	sdelay $0x4  }
0x2ef: {  	v11 =	vmul.f32 v11, v60  }
0x2f0: {  	s11 =	sor.u32 $0x40, s9  }
0x2f1: {  	[tilespmem:s11+$0x0] =	vst.add.f32.msk $0xffff, v11  }
0x2f2: {  	v11 =	vld [tilespmem:s3+$0x50];
	_ =	sdelay $0x4  }
0x2f3: {  	v11 =	vmul.f32 v11, v60  }
0x2f4: {  	s12 =	sor.u32 $0x50, s9  }
0x2f5: {  	[tilespmem:s12+$0x0] =	vst.add.f32.msk $0xffff, v11  }
0x2f6: {  	v11 =	vld [tilespmem:s3+$0x60];
	_ =	sdelay $0x4  }
0x2f7: {  	v11 =	vmul.f32 v11, v60  }
0x2f8: {  	s23 =	sor.u32 $0x60, s9  }
0x2f9: {  	[tilespmem:s23+$0x0] =	vst.add.f32.msk $0xffff, v11  }
0x2fa: {  	v11 =	vld [tilespmem:s3+$0x70];
	_ =	sdelay $0x4  }
0x2fb: {  	v11 =	vmul.f32 v11, v60  }
0x2fc: {  	s2 =	sor.u32 $0x70, s9  }
0x2fd: {  	[tilespmem:s2+$0x0] =	vst.add.f32.msk $0xffff, v11  }
0x2fe: {  	v11 =	vld [tilespmem:s3+$0x400];
	_ =	sdelay $0x2  }
0x2ff: {  	v61 =	vbroadcast v10, $0x1;
	_ =	sdelay $0x1  }
0x300: {  	v11 =	vmul.f32 v11, v61  }
0x301: {  	s11 =	sor.u32 $0x400, s9  }
0x302: {  	[tilespmem:s11+$0x0] =	vst.add.f32.msk $0xffff, v11  }
0x303: {  	v11 =	vld [tilespmem:s3+$0x410];
	_ =	sdelay $0x4  }
0x304: {  	v11 =	vmul.f32 v11, v61  }
0x305: {  	s12 =	sor.u32 $0x410, s9  }
0x306: {  	[tilespmem:s12+$0x0] =	vst.add.f32.msk $0xffff, v11  }
0x307: {  	v11 =	vld [tilespmem:s3+$0x420];
	_ =	sdelay $0x4  }
0x308: {  	v11 =	vmul.f32 v11, v61  }
0x309: {  	s23 =	sor.u32 $0x420, s9  }
0x30a: {  	[tilespmem:s23+$0x0] =	vst.add.f32.msk $0xffff, v11  }
0x30b: {  	v11 =	vld [tilespmem:s3+$0x430];
	_ =	sdelay $0x4  }
0x30c: {  	v11 =	vmul.f32 v11, v61  }
0x30d: {  	s2 =	sor.u32 $0x430, s9  }
0x30e: {  	[tilespmem:s2+$0x0] =	vst.add.f32.msk $0xffff, v11  }
0x30f: {  	v11 =	vld [tilespmem:s3+$0x440];
	_ =	sdelay $0x4  }
0x310: {  	v11 =	vmul.f32 v11, v61  }
0x311: {  	s11 =	sor.u32 $0x440, s9  }
0x312: {  	[tilespmem:s11+$0x0] =	vst.add.f32.msk $0xffff, v11  }
0x313: {  	v11 =	vld [tilespmem:s3+$0x450];
	_ =	sdelay $0x4  }
0x314: {  	v11 =	vmul.f32 v11, v61  }
0x315: {  	s12 =	sor.u32 $0x450, s9  }
0x316: {  	[tilespmem:s12+$0x0] =	vst.add.f32.msk $0xffff, v11  }
0x317: {  	v11 =	vld [tilespmem:s3+$0x460];
	_ =	sdelay $0x4  }
0x318: {  	v11 =	vmul.f32 v11, v61  }
0x319: {  	s23 =	sor.u32 $0x460, s9  }
0x31a: {  	[tilespmem:s23+$0x0] =	vst.add.f32.msk $0xffff, v11  }
0x31b: {  	v11 =	vld [tilespmem:s3+$0x470];
	_ =	sdelay $0x4  }
0x31c: {  	v11 =	vmul.f32 v11, v61  }
0x31d: {  	s2 =	sor.u32 $0x470, s9  }
0x31e: {  	[tilespmem:s2+$0x0] =	vst.add.f32.msk $0xffff, v11  }
0x31f: {  	v11 =	vld [tilespmem:s3+$0x800];
	_ =	sdelay $0x2  }
0x320: {  	v62 =	vbroadcast v10, $0x2;
	_ =	sdelay $0x1  }
0x321: {  	v11 =	vmul.f32 v11, v62  }
0x322: {  	s11 =	sor.u32 $0x800, s9  }
0x323: {  	[tilespmem:s11+$0x0] =	vst.add.f32.msk $0xffff, v11  }
0x324: {  	v11 =	vld [tilespmem:s3+$0x810];
	_ =	sdelay $0x4  }
0x325: {  	v11 =	vmul.f32 v11, v62  }
0x326: {  	s12 =	sor.u32 $0x810, s9  }
0x327: {  	[tilespmem:s12+$0x0] =	vst.add.f32.msk $0xffff, v11  }
0x328: {  	v11 =	vld [tilespmem:s3+$0x820];
	_ =	sdelay $0x4  }
0x329: {  	v11 =	vmul.f32 v11, v62  }
0x32a: {  	s23 =	sor.u32 $0x820, s9  }
0x32b: {  	[tilespmem:s23+$0x0] =	vst.add.f32.msk $0xffff, v11  }
0x32c: {  	v11 =	vld [tilespmem:s3+$0x830];
	_ =	sdelay $0x4  }
0x32d: {  	v11 =	vmul.f32 v11, v62  }
0x32e: {  	s2 =	sor.u32 $0x830, s9  }
0x32f: {  	[tilespmem:s2+$0x0] =	vst.add.f32.msk $0xffff, v11  }
0x330: {  	v11 =	vld [tilespmem:s3+$0x840];
	_ =	sdelay $0x4  }
0x331: {  	v11 =	vmul.f32 v11, v62  }
0x332: {  	s11 =	sor.u32 $0x840, s9  }
0x333: {  	[tilespmem:s11+$0x0] =	vst.add.f32.msk $0xffff, v11  }
0x334: {  	v11 =	vld [tilespmem:s3+$0x850];
	_ =	sdelay $0x4  }
0x335: {  	v11 =	vmul.f32 v11, v62  }
0x336: {  	s12 =	sor.u32 $0x850, s9  }
0x337: {  	[tilespmem:s12+$0x0] =	vst.add.f32.msk $0xffff, v11  }
0x338: {  	v11 =	vld [tilespmem:s3+$0x860];
	_ =	sdelay $0x4  }
0x339: {  	v11 =	vmul.f32 v11, v62  }
0x33a: {  	s23 =	sor.u32 $0x860, s9  }
0x33b: {  	[tilespmem:s23+$0x0] =	vst.add.f32.msk $0xffff, v11  }
0x33c: {  	v11 =	vld [tilespmem:s3+$0x870];
	_ =	sdelay $0x4  }
0x33d: {  	v11 =	vmul.f32 v11, v62  }
0x33e: {  	s2 =	sor.u32 $0x870, s9  }
0x33f: {  	[tilespmem:s2+$0x0] =	vst.add.f32.msk $0xffff, v11  }
0x340: {  	v11 =	vld [tilespmem:s3+$0xC00];
	_ =	sdelay $0x2  }
0x341: {  	v63 =	vbroadcast v10, $0x3;
	_ =	sdelay $0x1  }
0x342: {  	v11 =	vmul.f32 v11, v63  }
0x343: {  	s11 =	sor.u32 $0xC00, s9  }
0x344: {  	[tilespmem:s11+$0x0] =	vst.add.f32.msk $0xffff, v11  }
0x345: {  	v11 =	vld [tilespmem:s3+$0xC10];
	_ =	sdelay $0x4  }
0x346: {  	v11 =	vmul.f32 v11, v63  }
0x347: {  	s12 =	sor.u32 $0xC10, s9  }
0x348: {  	[tilespmem:s12+$0x0] =	vst.add.f32.msk $0xffff, v11  }
0x349: {  	v11 =	vld [tilespmem:s3+$0xC20];
	_ =	sdelay $0x4  }
0x34a: {  	v11 =	vmul.f32 v11, v63  }
0x34b: {  	s23 =	sor.u32 $0xC20, s9  }
0x34c: {  	[tilespmem:s23+$0x0] =	vst.add.f32.msk $0xffff, v11  }
0x34d: {  	v11 =	vld [tilespmem:s3+$0xC30];
	_ =	sdelay $0x4  }
0x34e: {  	v11 =	vmul.f32 v11, v63  }
0x34f: {  	s2 =	sor.u32 $0xC30, s9  }
0x350: {  	[tilespmem:s2+$0x0] =	vst.add.f32.msk $0xffff, v11  }
0x351: {  	v11 =	vld [tilespmem:s3+$0xC40];
	_ =	sdelay $0x4  }
0x352: {  	v11 =	vmul.f32 v11, v63  }
0x353: {  	s11 =	sor.u32 $0xC40, s9  }
0x354: {  	[tilespmem:s11+$0x0] =	vst.add.f32.msk $0xffff, v11  }
0x355: {  	v11 =	vld [tilespmem:s3+$0xC50];
	_ =	sdelay $0x4  }
0x356: {  	v11 =	vmul.f32 v11, v63  }
0x357: {  	s12 =	sor.u32 $0xC50, s9  }
0x358: {  	[tilespmem:s12+$0x0] =	vst.add.f32.msk $0xffff, v11  }
0x359: {  	v11 =	vld [tilespmem:s3+$0xC60];
	_ =	sdelay $0x4  }
0x35a: {  	v11 =	vmul.f32 v11, v63  }
0x35b: {  	s23 =	sor.u32 $0xC60, s9  }
0x35c: {  	[tilespmem:s23+$0x0] =	vst.add.f32.msk $0xffff, v11  }
0x35d: {  	v11 =	vld [tilespmem:s3+$0xC70];
	_ =	sdelay $0x3  }
0x35e: {  	s11 =	sadd.s32 $0x1, s0  }
0x35f: {  	v12 =	vmul.f32 v11, v63;
	v11 =	vmov s11  }
0x360: {  	s10 =	simm.s32 $0x2;
	s9 =	sor.u32 $0xC70, s9;
	s23 =	simm.s32 $0x0  }
0x361: {  	v10 =	vnsel vm1, $0x0, v10;
	s3 =	simm.s32 $0x1;
	s11 =	sshra.s32 s8, $0x2;
	s8 =	simm.s32 $0x0;
	[tilespmem:s9+$0x0] =	vst.add.f32.msk $0xffff, v12  }
.LBB2_22:
0x362: {  	s8 =	sadd.s32 $0x80, s8  }
0x363: {  	[tilespmem:s11+$0x14000] =	vst.add.f32.msk $0xffff, v10;
	s23 =	sadd.s32 $0x200, s23;
	s11 =	smov.u32 s10;
	s9 =	sadd.s32 $0x1, s10  }
0x364: {  	p0 =	sne.s32 s10, $0xF;
	v10 =	vld.idx.msk [tilespmem:v11+s22+$0x0], $0xffff;
	_ =	sdelay $0x5  }
0x365: {  	v10 =	vxor.u32 $0x80000000, v10  }
0x366: {  	(xrf0) =	vmax.scan.msk.u32 $0xffff, v10;
	_ =	sdelay $0x5  }
0x367: {  	v10, _, _ =	vpop (xrf0)  }
0x368: {  	(v2sf) =	vpush v10, $0xF  }
0x369: {  	v10 =	vld.idx.msk [tilespmem:v11+s21+$0x0], $0xffff;
	_ =	sdelay $0x5  }
0x36a: {  	v10 =	vxor.u32 $0x80000000, v10  }
0x36b: {  	(xrf0) =	vmax.scan.msk.u32 $0xffff, v10;
	_ =	sdelay $0x5  }
0x36c: {  	v10, _, _ =	vpop (xrf0)  }
0x36d: {  	(v2sf) =	vpush v10, $0xF;
	s10 =	spop (v2sf)  }
0x36e: {  	s10 =	sshll.u32 s10, $0x2  }
0x36f: {  	s12 =	sshll.u32 s3, $0x7;
	s3 =	smov.u32 s11;
	s10 =	sand.u32 $0x7C, s10  }
0x370: {  	s10 =	sor.u32 s12, s10  }
0x371: {  	v10 =	vor.u32 s10, v9;
	_ =	sdelay $0x4  }
0x372: {  	v10 =	vld.idx.msk [tilespmem:v10+s20+$0x0], $0xffff  }
0x373: {  	s11 =	sand.u32 $0x380, s8;
	s10 =	sand.u32 $0x1000, s23  }
0x374: {  	s12 =	sor.u32 s11, s10  }
0x375: {  	v11 =	vld [tilespmem:s12+$0x1A580];
	_ =	sdelay $0x2  }
0x376: {  	v12 =	vbroadcast v10, $0x0;
	s11 =	spop (v2sf)  }
0x377: {  	s10 =	sshll.u32 s11, $0x9;
	s11 =	sshll.u32 s11, $0x7  }
0x378: {  	v11 =	vmul.f32 v12, v11;
	s2 =	sand.u32 $0xFFFFF000, s10;
	s11 =	sand.u32 $0x380, s11  }
0x379: {  	s11 =	sor.u32 s11, s2  }
0x37a: {  	s12 =	sadd.s32 $0x1A580, s12;
	[tilespmem:s11+$0x0] =	vst.add.f32.msk $0xffff, v11  }
0x37b: {  	v11 =	vld [tilespmem:s12+$0x10];
	_ =	sdelay $0x4  }
0x37c: {  	v11 =	vmul.f32 v11, v12  }
0x37d: {  	s2 =	sor.u32 $0x10, s11  }
0x37e: {  	[tilespmem:s2+$0x0] =	vst.add.f32.msk $0xffff, v11  }
0x37f: {  	v11 =	vld [tilespmem:s12+$0x20];
	_ =	sdelay $0x4  }
0x380: {  	v11 =	vmul.f32 v11, v12  }
0x381: {  	s2 =	sor.u32 $0x20, s11  }
0x382: {  	[tilespmem:s2+$0x0] =	vst.add.f32.msk $0xffff, v11  }
0x383: {  	v11 =	vld [tilespmem:s12+$0x30];
	_ =	sdelay $0x4  }
0x384: {  	v11 =	vmul.f32 v11, v12  }
0x385: {  	s2 =	sor.u32 $0x30, s11  }
0x386: {  	[tilespmem:s2+$0x0] =	vst.add.f32.msk $0xffff, v11  }
0x387: {  	v11 =	vld [tilespmem:s12+$0x40];
	_ =	sdelay $0x4  }
0x388: {  	v11 =	vmul.f32 v11, v12  }
0x389: {  	s2 =	sor.u32 $0x40, s11  }
0x38a: {  	[tilespmem:s2+$0x0] =	vst.add.f32.msk $0xffff, v11  }
0x38b: {  	v11 =	vld [tilespmem:s12+$0x50];
	_ =	sdelay $0x4  }
0x38c: {  	v11 =	vmul.f32 v11, v12  }
0x38d: {  	s2 =	sor.u32 $0x50, s11  }
0x38e: {  	[tilespmem:s2+$0x0] =	vst.add.f32.msk $0xffff, v11  }
0x38f: {  	v11 =	vld [tilespmem:s12+$0x60];
	_ =	sdelay $0x4  }
0x390: {  	v11 =	vmul.f32 v11, v12  }
0x391: {  	s2 =	sor.u32 $0x60, s11  }
0x392: {  	[tilespmem:s2+$0x0] =	vst.add.f32.msk $0xffff, v11  }
0x393: {  	v11 =	vld [tilespmem:s12+$0x70];
	_ =	sdelay $0x4  }
0x394: {  	v11 =	vmul.f32 v11, v12  }
0x395: {  	s2 =	sor.u32 $0x70, s11  }
0x396: {  	[tilespmem:s2+$0x0] =	vst.add.f32.msk $0xffff, v11  }
0x397: {  	v11 =	vld [tilespmem:s12+$0x400];
	_ =	sdelay $0x2  }
0x398: {  	v12 =	vbroadcast v10, $0x1;
	_ =	sdelay $0x1  }
0x399: {  	v11 =	vmul.f32 v11, v12  }
0x39a: {  	s2 =	sor.u32 $0x400, s11  }
0x39b: {  	[tilespmem:s2+$0x0] =	vst.add.f32.msk $0xffff, v11  }
0x39c: {  	v11 =	vld [tilespmem:s12+$0x410];
	_ =	sdelay $0x4  }
0x39d: {  	v11 =	vmul.f32 v11, v12  }
0x39e: {  	s2 =	sor.u32 $0x410, s11  }
0x39f: {  	[tilespmem:s2+$0x0] =	vst.add.f32.msk $0xffff, v11  }
0x3a0: {  	v11 =	vld [tilespmem:s12+$0x420];
	_ =	sdelay $0x4  }
0x3a1: {  	v11 =	vmul.f32 v11, v12  }
0x3a2: {  	s2 =	sor.u32 $0x420, s11  }
0x3a3: {  	[tilespmem:s2+$0x0] =	vst.add.f32.msk $0xffff, v11  }
0x3a4: {  	v11 =	vld [tilespmem:s12+$0x430];
	_ =	sdelay $0x4  }
0x3a5: {  	v11 =	vmul.f32 v11, v12  }
0x3a6: {  	s2 =	sor.u32 $0x430, s11  }
0x3a7: {  	[tilespmem:s2+$0x0] =	vst.add.f32.msk $0xffff, v11  }
0x3a8: {  	v11 =	vld [tilespmem:s12+$0x440];
	_ =	sdelay $0x4  }
0x3a9: {  	v11 =	vmul.f32 v11, v12  }
0x3aa: {  	s2 =	sor.u32 $0x440, s11  }
0x3ab: {  	[tilespmem:s2+$0x0] =	vst.add.f32.msk $0xffff, v11  }
0x3ac: {  	v11 =	vld [tilespmem:s12+$0x450];
	_ =	sdelay $0x4  }
0x3ad: {  	v11 =	vmul.f32 v11, v12  }
0x3ae: {  	s2 =	sor.u32 $0x450, s11  }
0x3af: {  	[tilespmem:s2+$0x0] =	vst.add.f32.msk $0xffff, v11  }
0x3b0: {  	v11 =	vld [tilespmem:s12+$0x460];
	_ =	sdelay $0x4  }
0x3b1: {  	v11 =	vmul.f32 v11, v12  }
0x3b2: {  	s2 =	sor.u32 $0x460, s11  }
0x3b3: {  	[tilespmem:s2+$0x0] =	vst.add.f32.msk $0xffff, v11  }
0x3b4: {  	v11 =	vld [tilespmem:s12+$0x470];
	_ =	sdelay $0x4  }
0x3b5: {  	v11 =	vmul.f32 v11, v12  }
0x3b6: {  	s2 =	sor.u32 $0x470, s11  }
0x3b7: {  	[tilespmem:s2+$0x0] =	vst.add.f32.msk $0xffff, v11  }
0x3b8: {  	v11 =	vld [tilespmem:s12+$0x800];
	_ =	sdelay $0x2  }
0x3b9: {  	v12 =	vbroadcast v10, $0x2;
	_ =	sdelay $0x1  }
0x3ba: {  	v11 =	vmul.f32 v11, v12  }
0x3bb: {  	s2 =	sor.u32 $0x800, s11  }
0x3bc: {  	[tilespmem:s2+$0x0] =	vst.add.f32.msk $0xffff, v11  }
0x3bd: {  	v11 =	vld [tilespmem:s12+$0x810];
	_ =	sdelay $0x4  }
0x3be: {  	v11 =	vmul.f32 v11, v12  }
0x3bf: {  	s2 =	sor.u32 $0x810, s11  }
0x3c0: {  	[tilespmem:s2+$0x0] =	vst.add.f32.msk $0xffff, v11  }
0x3c1: {  	v11 =	vld [tilespmem:s12+$0x820];
	_ =	sdelay $0x4  }
0x3c2: {  	v11 =	vmul.f32 v11, v12  }
0x3c3: {  	s2 =	sor.u32 $0x820, s11  }
0x3c4: {  	[tilespmem:s2+$0x0] =	vst.add.f32.msk $0xffff, v11  }
0x3c5: {  	v11 =	vld [tilespmem:s12+$0x830];
	_ =	sdelay $0x4  }
0x3c6: {  	v11 =	vmul.f32 v11, v12  }
0x3c7: {  	s2 =	sor.u32 $0x830, s11  }
0x3c8: {  	[tilespmem:s2+$0x0] =	vst.add.f32.msk $0xffff, v11  }
0x3c9: {  	v11 =	vld [tilespmem:s12+$0x840];
	_ =	sdelay $0x4  }
0x3ca: {  	v11 =	vmul.f32 v11, v12  }
0x3cb: {  	s2 =	sor.u32 $0x840, s11  }
0x3cc: {  	[tilespmem:s2+$0x0] =	vst.add.f32.msk $0xffff, v11  }
0x3cd: {  	v11 =	vld [tilespmem:s12+$0x850];
	_ =	sdelay $0x4  }
0x3ce: {  	v11 =	vmul.f32 v11, v12  }
0x3cf: {  	s2 =	sor.u32 $0x850, s11  }
0x3d0: {  	[tilespmem:s2+$0x0] =	vst.add.f32.msk $0xffff, v11  }
0x3d1: {  	v11 =	vld [tilespmem:s12+$0x860];
	_ =	sdelay $0x4  }
0x3d2: {  	v11 =	vmul.f32 v11, v12  }
0x3d3: {  	s2 =	sor.u32 $0x860, s11  }
0x3d4: {  	[tilespmem:s2+$0x0] =	vst.add.f32.msk $0xffff, v11  }
0x3d5: {  	v11 =	vld [tilespmem:s12+$0x870];
	_ =	sdelay $0x4  }
0x3d6: {  	v11 =	vmul.f32 v11, v12  }
0x3d7: {  	s2 =	sor.u32 $0x870, s11  }
0x3d8: {  	[tilespmem:s2+$0x0] =	vst.add.f32.msk $0xffff, v11  }
0x3d9: {  	v11 =	vld [tilespmem:s12+$0xC00];
	_ =	sdelay $0x2  }
0x3da: {  	v12 =	vbroadcast v10, $0x3;
	_ =	sdelay $0x1  }
0x3db: {  	v11 =	vmul.f32 v11, v12  }
0x3dc: {  	s2 =	sor.u32 $0xC00, s11  }
0x3dd: {  	[tilespmem:s2+$0x0] =	vst.add.f32.msk $0xffff, v11  }
0x3de: {  	v11 =	vld [tilespmem:s12+$0xC10];
	_ =	sdelay $0x4  }
0x3df: {  	v11 =	vmul.f32 v11, v12  }
0x3e0: {  	s2 =	sor.u32 $0xC10, s11  }
0x3e1: {  	[tilespmem:s2+$0x0] =	vst.add.f32.msk $0xffff, v11  }
0x3e2: {  	v11 =	vld [tilespmem:s12+$0xC20];
	_ =	sdelay $0x4  }
0x3e3: {  	v11 =	vmul.f32 v11, v12  }
0x3e4: {  	s2 =	sor.u32 $0xC20, s11  }
0x3e5: {  	[tilespmem:s2+$0x0] =	vst.add.f32.msk $0xffff, v11  }
0x3e6: {  	v11 =	vld [tilespmem:s12+$0xC30];
	_ =	sdelay $0x4  }
0x3e7: {  	v11 =	vmul.f32 v11, v12  }
0x3e8: {  	s2 =	sor.u32 $0xC30, s11  }
0x3e9: {  	[tilespmem:s2+$0x0] =	vst.add.f32.msk $0xffff, v11  }
0x3ea: {  	v11 =	vld [tilespmem:s12+$0xC40];
	_ =	sdelay $0x4  }
0x3eb: {  	v11 =	vmul.f32 v11, v12  }
0x3ec: {  	s2 =	sor.u32 $0xC40, s11  }
0x3ed: {  	[tilespmem:s2+$0x0] =	vst.add.f32.msk $0xffff, v11  }
0x3ee: {  	v11 =	vld [tilespmem:s12+$0xC50];
	_ =	sdelay $0x4  }
0x3ef: {  	v11 =	vmul.f32 v11, v12  }
0x3f0: {  	s2 =	sor.u32 $0xC50, s11  }
0x3f1: {  	[tilespmem:s2+$0x0] =	vst.add.f32.msk $0xffff, v11  }
0x3f2: {  	v11 =	vld [tilespmem:s12+$0xC60];
	_ =	sdelay $0x4  }
0x3f3: {  	v11 =	vmul.f32 v11, v12  }
0x3f4: {  	s2 =	sor.u32 $0xC60, s11  }
0x3f5: {  	[tilespmem:s2+$0x0] =	vst.add.f32.msk $0xffff, v11  }
0x3f6: {  	v13 =	vld [tilespmem:s12+$0xC70];
	_ =	sdelay $0x2  }
.Ltmp17:
0x3f7: {  	s2 =	sadd.s32 s0, s3;
	(pc) =	sbr.rel @p0 .LBB2_22-.Ltmp17, $4  }
0x3f8: {  	v11 =	vmov s2  }
0x3f9: {  	v12 =	vmul.f32 v13, v12  }
0x3fa: {  	s2 =	sor.u32 $0xC70, s11  }
0x3fb: {  	v10 =	vnsel vm1, $0x0, v10;
	s11 =	sshra.s32 s10, $0x2;
	s10 =	smov.u32 s9;
	[tilespmem:s2+$0x0] =	vst.add.f32.msk $0xffff, v12  }
0x3fc: {  	_ =	sdelay $0x2  }
0x3fd: {  	[tilespmem:s11+$0x14000] =	vst.add.f32.msk $0xffff, v10  }
0x3fe: {  	v10 =	vld.idx.msk [tilespmem:v11+s22+$0x0], $0xffff;
	_ =	sdelay $0x4  }
0x3ff: {  	v10 =	vxor.u32 $0x80000000, v10  }
0x400: {  	(xrf0) =	vmax.scan.msk.u32 $0xffff, v10;
	_ =	sdelay $0x5  }
0x401: {  	v10, _, _ =	vpop (xrf0)  }
0x402: {  	(v2sf) =	vpush v10, $0xF  }
0x403: {  	v10 =	vld.idx.msk [tilespmem:v11+s21+$0x0], $0xffff;
	_ =	sdelay $0x4  }
0x404: {  	v10 =	vxor.u32 $0x80000000, v10  }
0x405: {  	(xrf0) =	vmax.scan.msk.u32 $0xffff, v10;
	_ =	sdelay $0x5  }
0x406: {  	v10, _, _ =	vpop (xrf0)  }
0x407: {  	(v2sf) =	vpush v10, $0xF  }
0x408: {  	s0 =	spop (v2sf)  }
0x409: {  	s0 =	sshll.u32 s0, $0x2  }
0x40a: {  	s2 =	sshll.u32 s3, $0x7;
	s0 =	sand.u32 $0x7C, s0  }
0x40b: {  	s0 =	sor.u32 s2, s0  }
0x40c: {  	v10 =	vor.u32 s0, v9;
	_ =	sdelay $0x3  }
0x40d: {  	s9 =	sadd.s32 $0x80, s8;
	s10 =	sadd.s32 $0x200, s23  }
0x40e: {  	s2 =	sand.u32 $0x1000, s10;
	s0 =	sand.u32 $0x380, s9;
	v10 =	vld.idx.msk [tilespmem:v10+s20+$0x0], $0xffff  }
0x40f: {  	s2 =	sor.u32 s0, s2  }
0x410: {  	v11 =	vld [tilespmem:s2+$0x1A580];
	_ =	sdelay $0x2  }
0x411: {  	s11 =	spop (v2sf);
	v12 =	vbroadcast v10, $0x0  }
0x412: {  	s0 =	sshll.u32 s11, $0x9;
	s3 =	sshll.u32 s11, $0x7  }
0x413: {  	s12 =	sand.u32 $0xFFFFF000, s0;
	s3 =	sand.u32 $0x380, s3;
	v11 =	vmul.f32 v12, v11  }
0x414: {  	s3 =	sor.u32 s3, s12  }
0x415: {  	s8 =	sadd.s32 $0x1A580, s2;
	[tilespmem:s3+$0x0] =	vst.add.f32.msk $0xffff, v11  }
0x416: {  	v11 =	vld [tilespmem:s8+$0x10];
	_ =	sdelay $0x4  }
0x417: {  	v11 =	vmul.f32 v11, v12  }
0x418: {  	s23 =	sor.u32 $0x10, s3  }
0x419: {  	[tilespmem:s23+$0x0] =	vst.add.f32.msk $0xffff, v11  }
0x41a: {  	v11 =	vld [tilespmem:s8+$0x20];
	_ =	sdelay $0x4  }
0x41b: {  	v11 =	vmul.f32 v11, v12  }
0x41c: {  	s9 =	sor.u32 $0x20, s3  }
0x41d: {  	[tilespmem:s9+$0x0] =	vst.add.f32.msk $0xffff, v11  }
0x41e: {  	v11 =	vld [tilespmem:s8+$0x30];
	_ =	sdelay $0x4  }
0x41f: {  	v11 =	vmul.f32 v11, v12  }
0x420: {  	s10 =	sor.u32 $0x30, s3  }
0x421: {  	[tilespmem:s10+$0x0] =	vst.add.f32.msk $0xffff, v11  }
0x422: {  	v11 =	vld [tilespmem:s8+$0x40];
	_ =	sdelay $0x4  }
0x423: {  	v11 =	vmul.f32 v11, v12  }
0x424: {  	s11 =	sor.u32 $0x40, s3  }
0x425: {  	[tilespmem:s11+$0x0] =	vst.add.f32.msk $0xffff, v11  }
0x426: {  	v11 =	vld [tilespmem:s8+$0x50];
	_ =	sdelay $0x4  }
0x427: {  	v11 =	vmul.f32 v11, v12  }
0x428: {  	s12 =	sor.u32 $0x50, s3  }
0x429: {  	[tilespmem:s12+$0x0] =	vst.add.f32.msk $0xffff, v11  }
0x42a: {  	v11 =	vld [tilespmem:s8+$0x60];
	_ =	sdelay $0x4  }
0x42b: {  	v11 =	vmul.f32 v11, v12  }
0x42c: {  	s23 =	sor.u32 $0x60, s3  }
0x42d: {  	[tilespmem:s23+$0x0] =	vst.add.f32.msk $0xffff, v11  }
0x42e: {  	v11 =	vld [tilespmem:s8+$0x70];
	_ =	sdelay $0x4  }
0x42f: {  	v11 =	vmul.f32 v11, v12  }
0x430: {  	s9 =	sor.u32 $0x70, s3  }
0x431: {  	[tilespmem:s9+$0x0] =	vst.add.f32.msk $0xffff, v11  }
0x432: {  	v11 =	vld [tilespmem:s8+$0x400];
	_ =	sdelay $0x2  }
0x433: {  	v61 =	vbroadcast v10, $0x1;
	_ =	sdelay $0x1  }
0x434: {  	v11 =	vmul.f32 v11, v61  }
0x435: {  	s10 =	sor.u32 $0x400, s3  }
0x436: {  	[tilespmem:s10+$0x0] =	vst.add.f32.msk $0xffff, v11  }
0x437: {  	v11 =	vld [tilespmem:s8+$0x410];
	_ =	sdelay $0x4  }
0x438: {  	v11 =	vmul.f32 v11, v61  }
0x439: {  	s11 =	sor.u32 $0x410, s3  }
0x43a: {  	[tilespmem:s11+$0x0] =	vst.add.f32.msk $0xffff, v11  }
0x43b: {  	v11 =	vld [tilespmem:s8+$0x420];
	_ =	sdelay $0x4  }
0x43c: {  	v11 =	vmul.f32 v11, v61  }
0x43d: {  	s12 =	sor.u32 $0x420, s3  }
0x43e: {  	[tilespmem:s12+$0x0] =	vst.add.f32.msk $0xffff, v11  }
0x43f: {  	v11 =	vld [tilespmem:s8+$0x430];
	_ =	sdelay $0x4  }
0x440: {  	v11 =	vmul.f32 v11, v61  }
0x441: {  	s23 =	sor.u32 $0x430, s3  }
0x442: {  	[tilespmem:s23+$0x0] =	vst.add.f32.msk $0xffff, v11  }
0x443: {  	v11 =	vld [tilespmem:s8+$0x440];
	_ =	sdelay $0x4  }
0x444: {  	v11 =	vmul.f32 v11, v61  }
0x445: {  	s9 =	sor.u32 $0x440, s3  }
0x446: {  	[tilespmem:s9+$0x0] =	vst.add.f32.msk $0xffff, v11  }
0x447: {  	v11 =	vld [tilespmem:s8+$0x450];
	_ =	sdelay $0x4  }
0x448: {  	v11 =	vmul.f32 v11, v61  }
0x449: {  	s10 =	sor.u32 $0x450, s3  }
0x44a: {  	[tilespmem:s10+$0x0] =	vst.add.f32.msk $0xffff, v11  }
0x44b: {  	v11 =	vld [tilespmem:s8+$0x460];
	_ =	sdelay $0x4  }
0x44c: {  	v11 =	vmul.f32 v11, v61  }
0x44d: {  	s11 =	sor.u32 $0x460, s3  }
0x44e: {  	[tilespmem:s11+$0x0] =	vst.add.f32.msk $0xffff, v11  }
0x44f: {  	v11 =	vld [tilespmem:s8+$0x470];
	_ =	sdelay $0x4  }
0x450: {  	v11 =	vmul.f32 v11, v61  }
0x451: {  	s12 =	sor.u32 $0x470, s3  }
0x452: {  	[tilespmem:s12+$0x0] =	vst.add.f32.msk $0xffff, v11  }
0x453: {  	v11 =	vld [tilespmem:s8+$0x800];
	_ =	sdelay $0x2  }
0x454: {  	v62 =	vbroadcast v10, $0x2;
	_ =	sdelay $0x1  }
0x455: {  	v11 =	vmul.f32 v11, v62  }
0x456: {  	s23 =	sor.u32 $0x800, s3  }
0x457: {  	[tilespmem:s23+$0x0] =	vst.add.f32.msk $0xffff, v11  }
0x458: {  	v11 =	vld [tilespmem:s8+$0x810];
	_ =	sdelay $0x4  }
0x459: {  	v11 =	vmul.f32 v11, v62  }
0x45a: {  	s9 =	sor.u32 $0x810, s3  }
0x45b: {  	[tilespmem:s9+$0x0] =	vst.add.f32.msk $0xffff, v11  }
0x45c: {  	v11 =	vld [tilespmem:s8+$0x820];
	_ =	sdelay $0x4  }
0x45d: {  	v11 =	vmul.f32 v11, v62  }
0x45e: {  	s10 =	sor.u32 $0x820, s3  }
0x45f: {  	[tilespmem:s10+$0x0] =	vst.add.f32.msk $0xffff, v11  }
0x460: {  	v11 =	vld [tilespmem:s8+$0x830];
	_ =	sdelay $0x4  }
0x461: {  	v11 =	vmul.f32 v11, v62  }
0x462: {  	s11 =	sor.u32 $0x830, s3  }
0x463: {  	[tilespmem:s11+$0x0] =	vst.add.f32.msk $0xffff, v11  }
0x464: {  	v11 =	vld [tilespmem:s8+$0x840];
	_ =	sdelay $0x4  }
0x465: {  	v11 =	vmul.f32 v11, v62  }
0x466: {  	s12 =	sor.u32 $0x840, s3  }
0x467: {  	[tilespmem:s12+$0x0] =	vst.add.f32.msk $0xffff, v11  }
0x468: {  	v11 =	vld [tilespmem:s8+$0x850];
	_ =	sdelay $0x4  }
0x469: {  	v11 =	vmul.f32 v11, v62  }
0x46a: {  	s23 =	sor.u32 $0x850, s3  }
0x46b: {  	[tilespmem:s23+$0x0] =	vst.add.f32.msk $0xffff, v11  }
0x46c: {  	v11 =	vld [tilespmem:s8+$0x860];
	_ =	sdelay $0x4  }
0x46d: {  	v11 =	vmul.f32 v11, v62  }
0x46e: {  	s9 =	sor.u32 $0x860, s3  }
0x46f: {  	[tilespmem:s9+$0x0] =	vst.add.f32.msk $0xffff, v11  }
0x470: {  	v11 =	vld [tilespmem:s8+$0x870];
	_ =	sdelay $0x4  }
0x471: {  	v11 =	vmul.f32 v11, v62  }
0x472: {  	s10 =	sor.u32 $0x870, s3  }
0x473: {  	[tilespmem:s10+$0x0] =	vst.add.f32.msk $0xffff, v11  }
0x474: {  	v11 =	vld [tilespmem:s8+$0xC00];
	_ =	sdelay $0x2  }
0x475: {  	v63 =	vbroadcast v10, $0x3;
	_ =	sdelay $0x1  }
0x476: {  	v11 =	vmul.f32 v11, v63  }
0x477: {  	s11 =	sor.u32 $0xC00, s3  }
0x478: {  	[tilespmem:s11+$0x0] =	vst.add.f32.msk $0xffff, v11  }
0x479: {  	v11 =	vld [tilespmem:s8+$0xC10];
	_ =	sdelay $0x4  }
0x47a: {  	v11 =	vmul.f32 v11, v63  }
0x47b: {  	s12 =	sor.u32 $0xC10, s3  }
0x47c: {  	[tilespmem:s12+$0x0] =	vst.add.f32.msk $0xffff, v11  }
0x47d: {  	v11 =	vld [tilespmem:s8+$0xC20];
	_ =	sdelay $0x4  }
0x47e: {  	v11 =	vmul.f32 v11, v63  }
0x47f: {  	s23 =	sor.u32 $0xC20, s3  }
0x480: {  	[tilespmem:s23+$0x0] =	vst.add.f32.msk $0xffff, v11  }
0x481: {  	v11 =	vld [tilespmem:s8+$0xC30];
	_ =	sdelay $0x4  }
0x482: {  	v11 =	vmul.f32 v11, v63  }
0x483: {  	s9 =	sor.u32 $0xC30, s3  }
0x484: {  	[tilespmem:s9+$0x0] =	vst.add.f32.msk $0xffff, v11  }
0x485: {  	v11 =	vld [tilespmem:s8+$0xC40];
	_ =	sdelay $0x4  }
0x486: {  	v11 =	vmul.f32 v11, v63  }
0x487: {  	s10 =	sor.u32 $0xC40, s3  }
0x488: {  	[tilespmem:s10+$0x0] =	vst.add.f32.msk $0xffff, v11  }
0x489: {  	v11 =	vld [tilespmem:s8+$0xC50];
	_ =	sdelay $0x4  }
0x48a: {  	v11 =	vmul.f32 v11, v63  }
0x48b: {  	s11 =	sor.u32 $0xC50, s3  }
0x48c: {  	[tilespmem:s11+$0x0] =	vst.add.f32.msk $0xffff, v11  }
0x48d: {  	v11 =	vld [tilespmem:s8+$0xC60];
	_ =	sdelay $0x4  }
0x48e: {  	v11 =	vmul.f32 v11, v63  }
0x48f: {  	s12 =	sor.u32 $0xC60, s3  }
0x490: {  	[tilespmem:s12+$0x0] =	vst.add.f32.msk $0xffff, v11  }
0x491: {  	v11 =	vld [tilespmem:s8+$0xC70];
	_ =	sdelay $0x1  }
0x492: {  	s31 =	sadd.s32 $0x1, s31  }
0x493: {  	p0 =	sne.s32 s31, s29  }
.Ltmp18:
0x494: {  	_ = 	snop;
	(pc) =	sbr.rel @p0 .LBB2_21-.Ltmp18, $4  }
.Ltmp19:
0x495: {  	v11 =	vmul.f32 v11, v63;
	(pc) =	sbr.rel @!p0 .LBB2_24-.Ltmp19, $4  }
0x496: {  	s23 =	sor.u32 $0xC70, s3  }
0x497: {  	v10 =	vnsel vm1, $0x0, v10;
	s0 =	sshra.s32 s0, $0x2;
	[tilespmem:s23+$0x0] =	vst.add.f32.msk $0xffff, v11  }
0x498: {  	[tilespmem:s0+$0x14000] =	vst.add.f32.msk $0xffff, v10  }
0x499: {  	_ = 	snop  }
.LBB2_26:
0x49a: {  	_ =	sfence.sel $0x180000  }
0x49b: {  	[bflag:$0x0] =	sbarrier.arrive $0xFFFF  }
0x49c: {  	_ =	strace $0x9000004A  }
0x49d: {  	s0 =	stileid.u32;
	[bflag:$0x2] =	sbarrier.arrive $0xFFFF  }
0x49e: {  	p0 =	sne.s32 s0, $0x0;
	s0 =	rddreg [dreg:$0x2]  }
0x49f: {  	s0 =	sadd.s32 @!p0 $0x100000, s0  }
0x4a0: {  	[sflag:s0] =	ssyncadd.tile.s32 @!p0 $0x1;
	_ =	shalt  }
.Lfunc_end2:
_tile_overlayer_lowered:
.L_overlay_start_2:
0x4a1: {  	(tag) =	ssettag $0x2  }
0x4a2: {  	s0 =	rddreg [dreg:$0x0];
	s2 =	stileid.u32  }
0x4a3: {  	s1 =	rddreg [dreg:$0x1];
	p0 =	sne.s32 s2, $0x0  }
0x4a4: {  	s3 =	rddreg [dreg:$0x2];
	[bflag:$0x3] =	sbarrier.arrive $0xFFFF;
	s2 =	simm.s32 @!p0 $0x1C01  }
0x4a5: {  	[timem:s3], [sflag:s2] =	dma.local @!p0 [hbm:s0], s1  }
0x4a6: {  	s0 =	simm.s32 @!p0 $0x1  }
0x4a7: {  	_ =	swait.ge @!p0 [sflag:s0], s1  }
0x4a8: {  	s1 =	ssub.s32 @!p0 $0x0, s1;
	[sflag:s0] =	ssyncset.done @!p0 $0x0  }
0x4a9: {  	[sflag:s0] =	ssyncadd.s32 @!p0 s1  }
0x4aa: {  	[bflag:$0x3] =	sbarrier.arrive $0xFFFF  }
0x4ab: {  	_ =	shalt  }

</sc_bundles>
